<compile_context>
chip_gen: v7x
topology: tpu7x:2x2x1
jax: 0.10.2.dev20260603
libtpu: 0.0.44.dev20260713+nightly
codegen_flags: <defaults>
</compile_context>

<pallas_src>
import functools

import jax
import jax.numpy as jnp
from jax import lax
from jax.experimental import pallas as pl
from jax.experimental.pallas import tpu as pltpu
from jax.experimental.pallas import tpu_sc as plsc

V = 6890
R = 5
A = 8
VPAD = 6912
J = V * R * A
JPAD = VPAD * R * A
NC, NS = 2, 16
NW = NC * NS
JW = JPAD // NW
BJ = 96
NBLK = JW // BJ
VB = 384


@functools.cache
def _interp_kernel(d, bf16):
    mesh = plsc.VectorSubcoreMesh(
        core_axis_name="c", subcore_axis_name="s", num_cores=NC, num_subcores=NS
    )
    dt = jnp.bfloat16 if bf16 else jnp.float32

    @functools.partial(
        pl.kernel,
        out_type=jax.ShapeDtypeStruct((JPAD, d), dt),
        mesh=mesh,
        compiler_params=pltpu.CompilerParams(
            use_tc_tiling_on_sc=False, needs_layout_passes=False
        ),
        scratch_types=[
            pltpu.VMEM((3 * JW,), jnp.int32),
            pltpu.VMEM((3 * JW + 16,), jnp.float32),
            pltpu.VMEM((3 * BJ, d), dt),
            pltpu.VMEM((3 * BJ, d), dt),
            pltpu.VMEM((BJ, d), dt),
            pltpu.VMEM((BJ, d), dt),
            pltpu.SemaphoreType.DMA,
            pltpu.SemaphoreType.DMA,
            pltpu.SemaphoreType.DMA,
        ],
    )
    def kern(sig_hbm, idx_hbm, w_hbm, out_hbm,
             idx_v, w_v, rows0, rows1, o0, o1, gsem0, gsem1, osem):
        wid = lax.axis_index("s") * NC + lax.axis_index("c")
        jb = wid * JW
        rows = (rows0, rows1)
        gsem = (gsem0, gsem1)
        outs = (o0, o1)
        pltpu.sync_copy(idx_hbm.at[pl.ds(3 * jb, 3 * JW)], idx_v)
        pltpu.sync_copy(w_hbm.at[pl.ds(3 * jb, 3 * JW)], w_v.at[pl.ds(0, 3 * JW)])
        dn = lax.GatherDimensionNumbers(
            offset_dims=(), collapsed_slice_dims=(0,), start_index_map=(0,)
        )
        splat = functools.partial(
            lax.gather,
            dimension_numbers=dn,
            slice_sizes=(1,),
            mode=lax.GatherScatterMode.PROMISE_IN_BOUNDS,
        )

        def gth_start(b, buf, sem):
            return pltpu.async_copy(
                sig_hbm.at[idx_v.at[pl.ds(b * (3 * BJ), 3 * BJ)]], buf, sem
            )

        gth_start(0, rows0, gsem0)

        def pair(b0, carry):
            for par in (0, 1):
                b = b0 + par
                nxt = 1 - par

                @pl.when(b + 1 < NBLK)
                def _():
                    gth_start(b + 1, rows[nxt], gsem[nxt])

                pltpu.make_async_copy(
                    sig_hbm.at[idx_v.at[pl.ds(b * (3 * BJ), 3 * BJ)]],
                    rows[par], gsem[par],
                ).wait()
                rv = rows[par]
                ov = outs[par]

                def jbody(jj, c2):
                    base = 3 * jj
                    wtri = w_v[pl.ds(b * (3 * BJ) + base, 16)]
                    w0 = splat(wtri, jnp.zeros((16, 1), jnp.int32))
                    w1 = splat(wtri, jnp.ones((16, 1), jnp.int32))
                    w2 = splat(wtri, jnp.full((16, 1), 2, jnp.int32))
                    if bf16:
                        for c in range(d // 32):
                            sl = pl.ds(c * 32, 32)
                            a0, b0_ = plsc.unpack(
                                rv[base, sl], format=plsc.PackFormat.INTERLEAVED
                            )
                            a1, b1_ = plsc.unpack(
                                rv[base + 1, sl], format=plsc.PackFormat.INTERLEAVED
                            )
                            a2, b2_ = plsc.unpack(
                                rv[base + 2, sl], format=plsc.PackFormat.INTERLEAVED
                            )
                            oa = w0 * a0 + w1 * a1 + w2 * a2
                            ob = w0 * b0_ + w1 * b1_ + w2 * b2_
                            ov[jj, sl] = plsc.pack(
                                oa, ob, format=plsc.PackFormat.INTERLEAVED
                            )
                    else:
                        for c in range(d // 16):
                            sl = pl.ds(c * 16, 16)
                            ov[jj, sl] = (
                                w0 * rv[base, sl]
                                + w1 * rv[base + 1, sl]
                                + w2 * rv[base + 2, sl]
                            )
                    return c2

                lax.fori_loop(0, BJ, jbody, 0)

                @pl.when(b >= 1)
                def _():
                    pltpu.make_async_copy(
                        outs[nxt], out_hbm.at[pl.ds(jb + (b - 1) * BJ, BJ)], osem
                    ).wait()

                pltpu.async_copy(ov, out_hbm.at[pl.ds(jb + b * BJ, BJ)], osem)
            return carry

        lax.fori_loop(0, NBLK // 2, lambda i, c: pair(2 * i, c), 0)
        pltpu.make_async_copy(
            outs[1], out_hbm.at[pl.ds(jb + (NBLK - 1) * BJ, BJ)], osem
        ).wait()

    return kern


def _conv_body(T, x_ref, w_ref, b_ref, g_ref, be_ref, o_ref):
    res = (
        jnp.dot(x_ref[...], w_ref[...], preferred_element_type=jnp.float32)
        + b_ref[...]
    )
    res = jnp.where(res > 0, res, jnp.exp(jnp.minimum(res, 0.0)) - 1.0)
    m = res[:, :T]
    for rot in range(1, A):
        m = jnp.maximum(m, res[:, rot * T : (rot + 1) * T])
    o_ref[...] = (g_ref[...] * m + be_ref[...]).astype(o_ref.dtype)


def _conv_tc(x, wall, brep, gs, be):
    K = x.shape[1]
    T = wall.shape[1] // A
    return pl.pallas_call(
        functools.partial(_conv_body, T),
        grid=(VPAD // VB,),
        in_specs=[
            pl.BlockSpec((VB, K), lambda i: (i, 0)),
            pl.BlockSpec((K, A * T), lambda i: (0, 0)),
            pl.BlockSpec((1, A * T), lambda i: (0, 0)),
            pl.BlockSpec((1, T), lambda i: (0, 0)),
            pl.BlockSpec((1, T), lambda i: (0, 0)),
        ],
        out_specs=pl.BlockSpec((VB, T), lambda i: (i, 0)),
        out_shape=jax.ShapeDtypeStruct((VPAD, T), jnp.bfloat16),
    )(x, wall, brep, gs, be)


def _dense_body(x_ref, w_ref, b_ref, o_ref):
    o_ref[...] = (
        jnp.dot(x_ref[...], w_ref[...], preferred_element_type=jnp.float32)
        + b_ref[...]
    )


def _dense_out(x, w, b):
    NB = 1024
    MB = 384
    ngrid = (V + NB - 1) // NB
    return pl.pallas_call(
        _dense_body,
        grid=(VPAD // MB, ngrid),
        in_specs=[
            pl.BlockSpec((MB, 256), lambda i, j: (i, 0)),
            pl.BlockSpec((256, NB), lambda i, j: (0, j)),
            pl.BlockSpec((1, NB), lambda i, j: (0, j)),
        ],
        out_specs=pl.BlockSpec((MB, NB), lambda i, j: (i, j)),
        out_shape=jax.ShapeDtypeStruct((V, V), jnp.float32),
    )(x, w, b.reshape(1, V))


def _make_wall(W, dtype=jnp.bfloat16):
    T = W.shape[0]
    Wt = W.astype(dtype).transpose(1, 2, 3, 0)
    W2 = jnp.concatenate([Wt, Wt], axis=1)
    cols = [W2[:, A - rot : 2 * A - rot].reshape(-1, T) for rot in range(A)]
    return jnp.concatenate(cols, axis=1)


def _bn_scale(g):
    return (g / jnp.sqrt(1.0 + 1e-3)).reshape(1, -1)


def kernel(signal, bc, norm_mean, norm_var, W_d0, b_d0, g_d0, be_d0,
           W_d1, b_d1, g_d1, be_d1, W_m, b_m, g_m, be_m,
           W_u0, b_u0, g_u0, be_u0, W_u1, b_u1, g_u1, be_u1, W_out, b_out):
    idx = bc[..., 0].astype(jnp.int32).reshape(-1)
    wts = bc[..., 1].reshape(-1).astype(jnp.float32)
    npad = 3 * (JPAD - J)
    idxp = jnp.concatenate([idx, jnp.zeros((npad,), jnp.int32)])
    wp = jnp.concatenate([wts, jnp.zeros((npad,), jnp.float32)])

    def layer(table, wall, bias, g, be):
        d = table.shape[1]
        bf16 = table.dtype == jnp.bfloat16
        interp = _interp_kernel(d, bf16)(table, idxp, wp)
        x = interp.reshape(VPAD, R * A * d)
        brep = jnp.tile(bias, (A,)).reshape(1, -1)
        return _conv_tc(x, wall, brep, _bn_scale(g), be.reshape(1, -1))

    inv_sigma = 1.0 / jnp.sqrt(norm_var)
    DP0 = 16
    W0n = W_d0 * inv_sigma[None, None, None, :]
    W0n = jnp.pad(W0n, ((0, 0), (0, 0), (0, 0), (0, DP0 - 3)))
    b0 = b_d0 - jnp.einsum("c,trac->t", norm_mean * inv_sigma, W_d0)
    sig0 = jnp.pad(signal, ((0, 0), (0, DP0 - 3)))

    s0 = layer(sig0, _make_wall(W0n, jnp.float32), b0, g_d0, be_d0)
    s1 = layer(s0, _make_wall(W_d1), b_d1, g_d1, be_d1)
    mid = layer(s1, _make_wall(W_m), b_m, g_m, be_m)
    u0 = layer(mid, _make_wall(W_u0), b_u0, g_u0, be_u0)
    u0c = jnp.concatenate([u0, s1], axis=1)
    u1 = layer(u0c, _make_wall(W_u1), b_u1, g_u1, be_u1)
    u1c = jnp.concatenate([u1, s0], axis=1)

    return _dense_out(u1c, W_out.astype(jnp.bfloat16), b_out)

# --- scband reference (transcript-rebuilt; emitter-appended) ---
"""Pipeline reference for scband-faust-vertex-classifier-30700426231948 (READ-ONLY COPY).

The authoritative reference and input builder live on the scoring server;
editing this copy changes nothing except your own understanding.
"""

import jax, jax.numpy as jnp
import numpy as np

V = 6890
R = 5
A = 8
D_IN = 3


def setup_inputs(seed: int = 0) -> dict:
    key = jax.random.key(seed)
    ks = jax.random.split(key, 24)
    signal = jax.random.normal(ks[0], (V, D_IN), dtype=jnp.float32)
    # bc encodes (vertex_index, barycentric_weight) pairs: [V, n_radial, n_angular, 3, 2]
    idx = jax.random.randint(ks[1], (V, R, A, 3), 0, V).astype(jnp.float32)
    w = jax.random.uniform(ks[2], (V, R, A, 3), dtype=jnp.float32) + 1e-3
    w = w / jnp.sum(w, axis=-1, keepdims=True)
    bc = jnp.stack([idx, w], axis=-1)

    def wi(k, t, d):
        return jax.random.normal(k, (t, R, A, d), dtype=jnp.float32) * 0.05

    inp = {
        'signal': signal,
        'bc': bc,
        'norm_mean': jnp.zeros((D_IN,), jnp.float32),
        'norm_var': jnp.ones((D_IN,), jnp.float32),
        'W_d0': wi(ks[3], 128, D_IN), 'b_d0': jnp.zeros((128,), jnp.float32),
        'g_d0': jnp.ones((128,), jnp.float32), 'be_d0': jnp.zeros((128,), jnp.float32),
        'W_d1': wi(ks[4], 64, 128), 'b_d1': jnp.zeros((64,), jnp.float32),
        'g_d1': jnp.ones((64,), jnp.float32), 'be_d1': jnp.zeros((64,), jnp.float32),
        'W_m': wi(ks[5], 32, 64), 'b_m': jnp.zeros((32,), jnp.float32),
        'g_m': jnp.ones((32,), jnp.float32), 'be_m': jnp.zeros((32,), jnp.float32),
        'W_u0': wi(ks[6], 64, 32), 'b_u0': jnp.zeros((64,), jnp.float32),
        'g_u0': jnp.ones((64,), jnp.float32), 'be_u0': jnp.zeros((64,), jnp.float32),
        'W_u1': wi(ks[7], 128, 128), 'b_u1': jnp.zeros((128,), jnp.float32),
        'g_u1': jnp.ones((128,), jnp.float32), 'be_u1': jnp.zeros((128,), jnp.float32),
        'W_out': jax.random.normal(ks[8], (256, V), dtype=jnp.float32) * 0.02,
        'b_out': jnp.zeros((V,), jnp.float32),
    }
    return inp


def _conv_dirac(sig, bc, W, b, rotation_delta=1):
    # barycentric interpolation of the mesh signal at template vertices (gather + weighted sum)
    idx = bc[..., 0].astype(jnp.int32)          # [V,R,A,3]
    wts = bc[..., 1]                            # [V,R,A,3]
    gathered = jnp.take(sig, idx, axis=0)       # [V,R,A,3,d]
    interp = jnp.sum(gathered * wts[..., None], axis=3)  # [V,R,A,d]
    n_a = interp.shape[2]
    outs = []
    for rot in range(0, n_a, rotation_delta):
        shifted = jnp.roll(interp, shift=-rot, axis=2)
        outs.append(jnp.einsum('vrac,trac->vt', shifted, W) + b)
    res = jnp.stack(outs, axis=1)               # [V, n_rot, T]
    return jax.nn.elu(res)


def _amp(x):
    # AngularMaxPooling: max over rotation axis
    return jnp.max(x, axis=1)


def _bn(x, g, be, eps=1e-3):
    # inference-mode BatchNormalization with fresh moving stats (mean=0, var=1)
    return g * (x / jnp.sqrt(1.0 + eps)) + be


def reference(signal, bc, norm_mean, norm_var, W_d0, b_d0, g_d0, be_d0, W_d1, b_d1, g_d1, be_d1, W_m, b_m, g_m, be_m, W_u0, b_u0, g_u0, be_u0, W_u1, b_u1, g_u1, be_u1, W_out, b_out):
    # keras Normalization layer: (x - mean) / sqrt(var)
    s = (signal - norm_mean) / jnp.sqrt(norm_var)
    # Dropout(0.2) is identity at inference
    s0 = _bn(_amp(_conv_dirac(s, bc, W_d0, b_d0)), g_d0, be_d0)    # down 0 -> 128
    s1 = _bn(_amp(_conv_dirac(s0, bc, W_d1, b_d1)), g_d1, be_d1)   # down 1 -> 64
    m = _bn(_amp(_conv_dirac(s1, bc, W_m, b_m)), g_m, be_m)        # middle -> 32
    u0 = _bn(_amp(_conv_dirac(m, bc, W_u0, b_u0)), g_u0, be_u0)    # up 0 -> 64
    u0 = jnp.concatenate([u0, s1], axis=-1)                        # -> 128
    u1 = _bn(_amp(_conv_dirac(u0, bc, W_u1, b_u1)), g_u1, be_u1)   # up 1 -> 128
    u1 = jnp.concatenate([u1, s0], axis=-1)                        # -> 256
    return u1 @ W_out + b_out                                      # [V, 6890]

if __name__ == "__main__":
    import jax
    _d = setup_inputs()
    print(jax.jit(kernel)(*tuple(_d.values())))

</pallas_src>

<mosaic_0001>
#map = affine_map<(d0, d1) -> (0, 0)>
#map1 = affine_map<(d0, d1) -> (0)>
module attributes {stable_mosaic.version = 14 : i64} {
  func.func @kern(%arg0: i32, %arg1: i32, %arg2: memref<6912x128xbf16, #tpu.memory_space<hbm>>, %arg3: memref<829440xi32, #tpu.memory_space<hbm>>, %arg4: memref<829440xf32, #tpu.memory_space<hbm>>, %arg5: memref<276480x128xbf16, #tpu.memory_space<hbm>>, %arg6: memref<25920xi32, #tpu.memory_space<vmem>>, %arg7: memref<25936xf32, #tpu.memory_space<vmem>>, %arg8: memref<288x128xbf16, #tpu.memory_space<vmem>>, %arg9: memref<288x128xbf16, #tpu.memory_space<vmem>>, %arg10: memref<96x128xbf16, #tpu.memory_space<vmem>>, %arg11: memref<96x128xbf16, #tpu.memory_space<vmem>>, %arg12: memref<!tpu.dma_semaphore, #tpu.memory_space<semaphore_mem>>, %arg13: memref<!tpu.dma_semaphore, #tpu.memory_space<semaphore_mem>>, %arg14: memref<!tpu.dma_semaphore, #tpu.memory_space<semaphore_mem>>) attributes {dimension_semantics = [#tpu.dimension_semantics<core_parallel>, #tpu.dimension_semantics<subcore_parallel>], iteration_bounds = array<i64: 2, 16>, scalar_prefetch = 0 : i64, scratch_operands = 9 : i64, tpu.core_type = #tpu.core_type<sc_vector_subcore>, window_params = [{transform_indices = #map}, {transform_indices = #map1}, {transform_indices = #map1}, {transform_indices = #map}]} {
    %mul3A = arith.constant 2 : i32
    %mul3A_0 = arith.muli %arg1, %mul3A : i32
    %add3A = arith.addi %mul3A_0, %arg0 : i32
    %mul3A_1 = arith.constant 8640 : i32
    %mul3A_2 = arith.muli %add3A, %mul3A_1 : i32
    %mul3A_3 = arith.constant 3 : i32
    %mul3A_4 = arith.muli %mul3A_3, %mul3A_2 : i32
    "tpu.region"() ({
      %run_scoped3A = tpu.sem_alloc : memref<!tpu.dma_semaphore, #tpu.memory_space<semaphore_mem>>
      %dma_start3A_21 = tpu.memref_slice %arg3[%mul3A_4] : memref<829440xi32, #tpu.memory_space<hbm>> -> memref<25920xi32, #tpu.memory_space<hbm>>
      %dma_start3A_22 = tpu.memref_slice %arg3[%mul3A_4] : memref<829440xi32, #tpu.memory_space<hbm>> -> memref<25920xi32, #tpu.memory_space<hbm>>
      tpu.enqueue_dma source(%dma_start3A_22 : memref<25920xi32, #tpu.memory_space<hbm>>) target(%arg6 : memref<25920xi32, #tpu.memory_space<vmem>>) target_semaphore(%run_scoped3A : memref<!tpu.dma_semaphore, #tpu.memory_space<semaphore_mem>>)
      %dma_wait3A_23 = tpu.memref_slice %arg3[%mul3A_4] : memref<829440xi32, #tpu.memory_space<hbm>> -> memref<25920xi32, #tpu.memory_space<hbm>>
      %dma_wait3A_24 = tpu.memref_slice %arg3[%mul3A_4] : memref<829440xi32, #tpu.memory_space<hbm>> -> memref<25920xi32, #tpu.memory_space<hbm>>
      tpu.wait_dma2 semaphore(%run_scoped3A : memref<!tpu.dma_semaphore, #tpu.memory_space<semaphore_mem>>) src(%dma_wait3A_24 : memref<25920xi32, #tpu.memory_space<hbm>>) dst(%arg6 : memref<25920xi32, #tpu.memory_space<vmem>>)
      tpu.yield
    }) : () -> ()
    %mul3A_5 = arith.constant 3 : i32
    %mul3A_6 = arith.muli %mul3A_5, %mul3A_2 : i32
    "tpu.region"() ({
      %run_scoped3A = tpu.sem_alloc : memref<!tpu.dma_semaphore, #tpu.memory_space<semaphore_mem>>
      %dma_start3A_21 = arith.constant 0 : i32
      %dma_start3A_22 = tpu.memref_slice %arg7[%dma_start3A_21] : memref<25936xf32, #tpu.memory_space<vmem>> -> memref<25920xf32, #tpu.memory_space<vmem>>
      %dma_start3A_23 = tpu.memref_slice %arg4[%mul3A_6] : memref<829440xf32, #tpu.memory_space<hbm>> -> memref<25920xf32, #tpu.memory_space<hbm>>
      %dma_start3A_24 = arith.constant 0 : i32
      %dma_start3A_25 = tpu.memref_slice %arg7[%dma_start3A_24] : memref<25936xf32, #tpu.memory_space<vmem>> -> memref<25920xf32, #tpu.memory_space<vmem>>
      %dma_start3A_26 = tpu.memref_slice %arg4[%mul3A_6] : memref<829440xf32, #tpu.memory_space<hbm>> -> memref<25920xf32, #tpu.memory_space<hbm>>
      tpu.enqueue_dma source(%dma_start3A_26 : memref<25920xf32, #tpu.memory_space<hbm>>) target(%dma_start3A_25 : memref<25920xf32, #tpu.memory_space<vmem>>) target_semaphore(%run_scoped3A : memref<!tpu.dma_semaphore, #tpu.memory_space<semaphore_mem>>)
      %dma_wait3A_27 = arith.constant 0 : i32
      %dma_wait3A_28 = tpu.memref_slice %arg7[%dma_wait3A_27] : memref<25936xf32, #tpu.memory_space<vmem>> -> memref<25920xf32, #tpu.memory_space<vmem>>
      %dma_wait3A_29 = tpu.memref_slice %arg4[%mul3A_6] : memref<829440xf32, #tpu.memory_space<hbm>> -> memref<25920xf32, #tpu.memory_space<hbm>>
      %dma_wait3A_30 = arith.constant 0 : i32
      %dma_wait3A_31 = tpu.memref_slice %arg7[%dma_wait3A_30] : memref<25936xf32, #tpu.memory_space<vmem>> -> memref<25920xf32, #tpu.memory_space<vmem>>
      %dma_wait3A_32 = tpu.memref_slice %arg4[%mul3A_6] : memref<829440xf32, #tpu.memory_space<hbm>> -> memref<25920xf32, #tpu.memory_space<hbm>>
      tpu.wait_dma2 semaphore(%run_scoped3A : memref<!tpu.dma_semaphore, #tpu.memory_space<semaphore_mem>>) src(%dma_wait3A_32 : memref<25920xf32, #tpu.memory_space<hbm>>) dst(%dma_wait3A_31 : memref<25920xf32, #tpu.memory_space<vmem>>)
      tpu.yield
    }) : () -> ()
    %dma_start3A = arith.constant 0 : i32
    %dma_start3A_7 = tpu.memref_slice %arg6[%dma_start3A] : memref<25920xi32, #tpu.memory_space<vmem>> -> memref<288xi32, #tpu.memory_space<vmem>>
    %dma_start3A_8 = arith.constant 0 : i32
    %dma_start3A_9 = arith.constant 0 : i32
    %dma_start3A_10 = tpu.memref_slice %arg2[%dma_start3A_8, %dma_start3A_9] : memref<6912x128xbf16, #tpu.memory_space<hbm>> -> memref<6912x128xbf16, #tpu.memory_space<hbm>>
    tpu.enqueue_indirect_dma source(%dma_start3A_10 : memref<6912x128xbf16, #tpu.memory_space<hbm>>) target(%arg8 : memref<288x128xbf16, #tpu.memory_space<vmem>>) offsets(%dma_start3A_7 : memref<288xi32, #tpu.memory_space<vmem>>) semaphore(%arg12 : memref<!tpu.dma_semaphore, #tpu.memory_space<semaphore_mem>>)
    %scan3A = arith.constant 0 : i32
    %scan3A_11 = arith.constant 0 : i32
    %scan3A_12 = arith.constant 45 : i32
    %scan3A_13 = arith.addi %scan3A_11, %scan3A_12 : i32
    %scan3A_14 = arith.constant 1 : i32
    scf.for %scan3A_21 = %scan3A_11 to %scan3A_13 step %scan3A_14  : i32 {
      %mul3A_22 = arith.constant 2 : i32
      %mul3A_23 = arith.muli %mul3A_22, %scan3A_21 : i32
      %add3A_24 = arith.constant 0 : i32
      %add3A_25 = arith.addi %mul3A_23, %add3A_24 : i32
      %add3A_26 = arith.constant 1 : i32
      %add3A_27 = arith.addi %add3A_25, %add3A_26 : i32
      %lt3A = arith.constant 90 : i32
      %lt3A_28 = arith.cmpi slt, %add3A_27, %lt3A : i32
      %convert_element_type3A = arith.extui %lt3A_28 : i1 to i32
      %cond3A = arith.constant 0 : i32
      %cond3A_29 = arith.cmpi ne, %convert_element_type3A, %cond3A : i32
      scf.if %cond3A_29 {
        %add3A_86 = arith.constant 1 : i32
        %add3A_87 = arith.addi %add3A_25, %add3A_86 : i32
        %mul3A_88 = arith.constant 288 : i32
        %mul3A_89 = arith.muli %add3A_87, %mul3A_88 : i32
        %dma_start3A_90 = tpu.memref_slice %arg6[%mul3A_89] : memref<25920xi32, #tpu.memory_space<vmem>> -> memref<288xi32, #tpu.memory_space<vmem>>
        %dma_start3A_91 = arith.constant 0 : i32
        %dma_start3A_92 = arith.constant 0 : i32
        %dma_start3A_93 = tpu.memref_slice %arg2[%dma_start3A_91, %dma_start3A_92] : memref<6912x128xbf16, #tpu.memory_space<hbm>> -> memref<6912x128xbf16, #tpu.memory_space<hbm>>
        tpu.enqueue_indirect_dma source(%dma_start3A_93 : memref<6912x128xbf16, #tpu.memory_space<hbm>>) target(%arg9 : memref<288x128xbf16, #tpu.memory_space<vmem>>) offsets(%dma_start3A_90 : memref<288xi32, #tpu.memory_space<vmem>>) semaphore(%arg13 : memref<!tpu.dma_semaphore, #tpu.memory_space<semaphore_mem>>)
      } else {
      }
      %mul3A_30 = arith.constant 288 : i32
      %mul3A_31 = arith.muli %add3A_25, %mul3A_30 : i32
      %dma_wait3A_32 = tpu.memref_slice %arg6[%mul3A_31] : memref<25920xi32, #tpu.memory_space<vmem>> -> memref<288xi32, #tpu.memory_space<vmem>>
      %dma_wait3A_33 = arith.constant 0 : i32
      %dma_wait3A_34 = arith.constant 0 : i32
      %dma_wait3A_35 = tpu.memref_slice %arg2[%dma_wait3A_33, %dma_wait3A_34] : memref<6912x128xbf16, #tpu.memory_space<hbm>> -> memref<6912x128xbf16, #tpu.memory_space<hbm>>
      tpu.wait_indirect_dma semaphore(%arg12 : memref<!tpu.dma_semaphore, #tpu.memory_space<semaphore_mem>>) src(%dma_wait3A_35 : memref<6912x128xbf16, #tpu.memory_space<hbm>>) dst(%arg8 : memref<288x128xbf16, #tpu.memory_space<vmem>>)
      %scan3A_36 = arith.constant 0 : i32
      %scan3A_37 = arith.constant 0 : i32
      %scan3A_38 = arith.constant 96 : i32
      %scan3A_39 = arith.addi %scan3A_37, %scan3A_38 : i32
      %scan3A_40 = arith.constant 1 : i32
      scf.for %scan3A_86 = %scan3A_37 to %scan3A_39 step %scan3A_40  : i32 {
        %mul3A_87 = arith.constant 3 : i32
        %mul3A_88 = arith.muli %mul3A_87, %scan3A_86 : i32
        %mul3A_89 = arith.constant 288 : i32
        %mul3A_90 = arith.muli %add3A_25, %mul3A_89 : i32
        %add3A_91 = arith.addi %mul3A_90, %mul3A_88 : i32
        %get3A = arith.index_cast %add3A_91 : i32 to index
        %get3A_92 = tpu.vector_load %arg7[%get3A] {strides = array<i32>} : memref<25936xf32, #tpu.memory_space<vmem>>, vector<16xf32>,
        %broadcast_in_dim3A = arith.constant 0 : i32
        %broadcast_in_dim3A_93 = vector.broadcast %broadcast_in_dim3A : i32 to vector<16x1xi32>
        %gather3A = vector.shape_cast %broadcast_in_dim3A_93 : vector<16x1xi32> to vector<16xi32>
        %gather3A_94 = tpu.dynamic_gather %get3A_92[%gather3A] in [0] : vector<16xf32>, vector<16xi32> -> vector<16xf32>
        %broadcast_in_dim3A_95 = arith.constant 1 : i32
        %broadcast_in_dim3A_96 = vector.broadcast %broadcast_in_dim3A_95 : i32 to vector<16x1xi32>
        %gather3A_97 = vector.shape_cast %broadcast_in_dim3A_96 : vector<16x1xi32> to vector<16xi32>
        %gather3A_98 = tpu.dynamic_gather %get3A_92[%gather3A_97] in [0] : vector<16xf32>, vector<16xi32> -> vector<16xf32>
        %broadcast_in_dim3A_99 = arith.constant 2 : i32
        %broadcast_in_dim3A_100 = vector.broadcast %broadcast_in_dim3A_99 : i32 to vector<16x1xi32>
        %gather3A_101 = vector.shape_cast %broadcast_in_dim3A_100 : vector<16x1xi32> to vector<16xi32>
        %gather3A_102 = tpu.dynamic_gather %get3A_92[%gather3A_101] in [0] : vector<16xf32>, vector<16xi32> -> vector<16xf32>
        %get3A_103 = arith.index_cast %mul3A_88 : i32 to index
        %get3A_104 = arith.constant 0 : index
        %get3A_105 = tpu.vector_load %arg8[%get3A_103, %get3A_104] {strides = array<i32>} : memref<288x128xbf16, #tpu.memory_space<vmem>>, vector<32xbf16>,
        %unpack3A = tpu.unpack_subelements %get3A_105, 0 {pack_format = #tpu.pack_format<interleaved>} : vector<32xbf16> -> vector<16xf32>
        %unpack3A_106 = tpu.unpack_subelements %get3A_105, 1 {pack_format = #tpu.pack_format<interleaved>} : vector<32xbf16> -> vector<16xf32>
        %add3A_107 = arith.constant 1 : i32
        %add3A_108 = arith.addi %mul3A_88, %add3A_107 : i32
        %get3A_109 = arith.index_cast %add3A_108 : i32 to index
        %get3A_110 = arith.constant 0 : index
        %get3A_111 = tpu.vector_load %arg8[%get3A_109, %get3A_110] {strides = array<i32>} : memref<288x128xbf16, #tpu.memory_space<vmem>>, vector<32xbf16>,
        %unpack3A_112 = tpu.unpack_subelements %get3A_111, 0 {pack_format = #tpu.pack_format<interleaved>} : vector<32xbf16> -> vector<16xf32>
        %unpack3A_113 = tpu.unpack_subelements %get3A_111, 1 {pack_format = #tpu.pack_format<interleaved>} : vector<32xbf16> -> vector<16xf32>
        %add3A_114 = arith.constant 2 : i32
        %add3A_115 = arith.addi %mul3A_88, %add3A_114 : i32
        %get3A_116 = arith.index_cast %add3A_115 : i32 to index
        %get3A_117 = arith.constant 0 : index
        %get3A_118 = tpu.vector_load %arg8[%get3A_116, %get3A_117] {strides = array<i32>} : memref<288x128xbf16, #tpu.memory_space<vmem>>, vector<32xbf16>,
        %unpack3A_119 = tpu.unpack_subelements %get3A_118, 0 {pack_format = #tpu.pack_format<interleaved>} : vector<32xbf16> -> vector<16xf32>
        %unpack3A_120 = tpu.unpack_subelements %get3A_118, 1 {pack_format = #tpu.pack_format<interleaved>} : vector<32xbf16> -> vector<16xf32>
        %mul3A_121 = arith.mulf %gather3A_94, %unpack3A : vector<16xf32>
        %mul3A_122 = arith.mulf %gather3A_98, %unpack3A_112 : vector<16xf32>
        %add3A_123 = arith.addf %mul3A_121, %mul3A_122 : vector<16xf32>
        %mul3A_124 = arith.mulf %gather3A_102, %unpack3A_119 : vector<16xf32>
        %add3A_125 = arith.addf %add3A_123, %mul3A_124 : vector<16xf32>
        %mul3A_126 = arith.mulf %gather3A_94, %unpack3A_106 : vector<16xf32>
        %mul3A_127 = arith.mulf %gather3A_98, %unpack3A_113 : vector<16xf32>
        %add3A_128 = arith.addf %mul3A_126, %mul3A_127 : vector<16xf32>
        %mul3A_129 = arith.mulf %gather3A_102, %unpack3A_120 : vector<16xf32>
        %add3A_130 = arith.addf %add3A_128, %mul3A_129 : vector<16xf32>
        %pack3A = tpu.pack_subelements %add3A_125, %add3A_130 {pack_format = #tpu.pack_format<interleaved>, positions = array<i32: 0, 1>} : vector<16xf32>, vector<16xf32> -> vector<32xbf16>
        %swap3A = arith.index_cast %scan3A_86 : i32 to index
        %swap3A_131 = arith.constant 0 : index
        %swap3A_132 = tpu.vector_load %arg10[%swap3A, %swap3A_131] {strides = array<i32>} : memref<96x128xbf16, #tpu.memory_space<vmem>>, vector<32xbf16>,
        tpu.vector_store %arg10[%swap3A, %swap3A_131], %pack3A {strides = array<i32>} : memref<96x128xbf16, #tpu.memory_space<vmem>>, vector<32xbf16>,
        %get3A_133 = arith.index_cast %mul3A_88 : i32 to index
        %get3A_134 = arith.constant 32 : index
        %get3A_135 = tpu.vector_load %arg8[%get3A_133, %get3A_134] {strides = array<i32>} : memref<288x128xbf16, #tpu.memory_space<vmem>>, vector<32xbf16>,
        %unpack3A_136 = tpu.unpack_subelements %get3A_135, 0 {pack_format = #tpu.pack_format<interleaved>} : vector<32xbf16> -> vector<16xf32>
        %unpack3A_137 = tpu.unpack_subelements %get3A_135, 1 {pack_format = #tpu.pack_format<interleaved>} : vector<32xbf16> -> vector<16xf32>
        %add3A_138 = arith.constant 1 : i32
        %add3A_139 = arith.addi %mul3A_88, %add3A_138 : i32
        %get3A_140 = arith.index_cast %add3A_139 : i32 to index
        %get3A_141 = arith.constant 32 : index
        %get3A_142 = tpu.vector_load %arg8[%get3A_140, %get3A_141] {strides = array<i32>} : memref<288x128xbf16, #tpu.memory_space<vmem>>, vector<32xbf16>,
        %unpack3A_143 = tpu.unpack_subelements %get3A_142, 0 {pack_format = #tpu.pack_format<interleaved>} : vector<32xbf16> -> vector<16xf32>
        %unpack3A_144 = tpu.unpack_subelements %get3A_142, 1 {pack_format = #tpu.pack_format<interleaved>} : vector<32xbf16> -> vector<16xf32>
        %add3A_145 = arith.constant 2 : i32
        %add3A_146 = arith.addi %mul3A_88, %add3A_145 : i32
        %get3A_147 = arith.index_cast %add3A_146 : i32 to index
        %get3A_148 = arith.constant 32 : index
        %get3A_149 = tpu.vector_load %arg8[%get3A_147, %get3A_148] {strides = array<i32>} : memref<288x128xbf16, #tpu.memory_space<vmem>>, vector<32xbf16>,
        %unpack3A_150 = tpu.unpack_subelements %get3A_149, 0 {pack_format = #tpu.pack_format<interleaved>} : vector<32xbf16> -> vector<16xf32>
        %unpack3A_151 = tpu.unpack_subelements %get3A_149, 1 {pack_format = #tpu.pack_format<interleaved>} : vector<32xbf16> -> vector<16xf32>
        %mul3A_152 = arith.mulf %gather3A_94, %unpack3A_136 : vector<16xf32>
        %mul3A_153 = arith.mulf %gather3A_98, %unpack3A_143 : vector<16xf32>
        %add3A_154 = arith.addf %mul3A_152, %mul3A_153 : vector<16xf32>
        %mul3A_155 = arith.mulf %gather3A_102, %unpack3A_150 : vector<16xf32>
        %add3A_156 = arith.addf %add3A_154, %mul3A_155 : vector<16xf32>
        %mul3A_157 = arith.mulf %gather3A_94, %unpack3A_137 : vector<16xf32>
        %mul3A_158 = arith.mulf %gather3A_98, %unpack3A_144 : vector<16xf32>
        %add3A_159 = arith.addf %mul3A_157, %mul3A_158 : vector<16xf32>
        %mul3A_160 = arith.mulf %gather3A_102, %unpack3A_151 : vector<16xf32>
        %add3A_161 = arith.addf %add3A_159, %mul3A_160 : vector<16xf32>
        %pack3A_162 = tpu.pack_subelements %add3A_156, %add3A_161 {pack_format = #tpu.pack_format<interleaved>, positions = array<i32: 0, 1>} : vector<16xf32>, vector<16xf32> -> vector<32xbf16>
        %swap3A_163 = arith.index_cast %scan3A_86 : i32 to index
        %swap3A_164 = arith.constant 32 : index
        %swap3A_165 = tpu.vector_load %arg10[%swap3A_163, %swap3A_164] {strides = array<i32>} : memref<96x128xbf16, #tpu.memory_space<vmem>>, vector<32xbf16>,
        tpu.vector_store %arg10[%swap3A_163, %swap3A_164], %pack3A_162 {strides = array<i32>} : memref<96x128xbf16, #tpu.memory_space<vmem>>, vector<32xbf16>,
        %get3A_166 = arith.index_cast %mul3A_88 : i32 to index
        %get3A_167 = arith.constant 64 : index
        %get3A_168 = tpu.vector_load %arg8[%get3A_166, %get3A_167] {strides = array<i32>} : memref<288x128xbf16, #tpu.memory_space<vmem>>, vector<32xbf16>,
        %unpack3A_169 = tpu.unpack_subelements %get3A_168, 0 {pack_format = #tpu.pack_format<interleaved>} : vector<32xbf16> -> vector<16xf32>
        %unpack3A_170 = tpu.unpack_subelements %get3A_168, 1 {pack_format = #tpu.pack_format<interleaved>} : vector<32xbf16> -> vector<16xf32>
        %add3A_171 = arith.constant 1 : i32
        %add3A_172 = arith.addi %mul3A_88, %add3A_171 : i32
        %get3A_173 = arith.index_cast %add3A_172 : i32 to index
        %get3A_174 = arith.constant 64 : index
        %get3A_175 = tpu.vector_load %arg8[%get3A_173, %get3A_174] {strides = array<i32>} : memref<288x128xbf16, #tpu.memory_space<vmem>>, vector<32xbf16>,
        %unpack3A_176 = tpu.unpack_subelements %get3A_175, 0 {pack_format = #tpu.pack_format<interleaved>} : vector<32xbf16> -> vector<16xf32>
        %unpack3A_177 = tpu.unpack_subelements %get3A_175, 1 {pack_format = #tpu.pack_format<interleaved>} : vector<32xbf16> -> vector<16xf32>
        %add3A_178 = arith.constant 2 : i32
        %add3A_179 = arith.addi %mul3A_88, %add3A_178 : i32
        %get3A_180 = arith.index_cast %add3A_179 : i32 to index
        %get3A_181 = arith.constant 64 : index
        %get3A_182 = tpu.vector_load %arg8[%get3A_180, %get3A_181] {strides = array<i32>} : memref<288x128xbf16, #tpu.memory_space<vmem>>, vector<32xbf16>,
        %unpack3A_183 = tpu.unpack_subelements %get3A_182, 0 {pack_format = #tpu.pack_format<interleaved>} : vector<32xbf16> -> vector<16xf32>
        %unpack3A_184 = tpu.unpack_subelements %get3A_182, 1 {pack_format = #tpu.pack_format<interleaved>} : vector<32xbf16> -> vector<16xf32>
        %mul3A_185 = arith.mulf %gather3A_94, %unpack3A_169 : vector<16xf32>
        %mul3A_186 = arith.mulf %gather3A_98, %unpack3A_176 : vector<16xf32>
        %add3A_187 = arith.addf %mul3A_185, %mul3A_186 : vector<16xf32>
        %mul3A_188 = arith.mulf %gather3A_102, %unpack3A_183 : vector<16xf32>
        %add3A_189 = arith.addf %add3A_187, %mul3A_188 : vector<16xf32>
        %mul3A_190 = arith.mulf %gather3A_94, %unpack3A_170 : vector<16xf32>
        %mul3A_191 = arith.mulf %gather3A_98, %unpack3A_177 : vector<16xf32>
        %add3A_192 = arith.addf %mul3A_190, %mul3A_191 : vector<16xf32>
        %mul3A_193 = arith.mulf %gather3A_102, %unpack3A_184 : vector<16xf32>
        %add3A_194 = arith.addf %add3A_192, %mul3A_193 : vector<16xf32>
        %pack3A_195 = tpu.pack_subelements %add3A_189, %add3A_194 {pack_format = #tpu.pack_format<interleaved>, positions = array<i32: 0, 1>} : vector<16xf32>, vector<16xf32> -> vector<32xbf16>
        %swap3A_196 = arith.index_cast %scan3A_86 : i32 to index
        %swap3A_197 = arith.constant 64 : index
        %swap3A_198 = tpu.vector_load %arg10[%swap3A_196, %swap3A_197] {strides = array<i32>} : memref<96x128xbf16, #tpu.memory_space<vmem>>, vector<32xbf16>,
        tpu.vector_store %arg10[%swap3A_196, %swap3A_197], %pack3A_195 {strides = array<i32>} : memref<96x128xbf16, #tpu.memory_space<vmem>>, vector<32xbf16>,
        %get3A_199 = arith.index_cast %mul3A_88 : i32 to index
        %get3A_200 = arith.constant 96 : index
        %get3A_201 = tpu.vector_load %arg8[%get3A_199, %get3A_200] {strides = array<i32>} : memref<288x128xbf16, #tpu.memory_space<vmem>>, vector<32xbf16>,
        %unpack3A_202 = tpu.unpack_subelements %get3A_201, 0 {pack_format = #tpu.pack_format<interleaved>} : vector<32xbf16> -> vector<16xf32>
        %unpack3A_203 = tpu.unpack_subelements %get3A_201, 1 {pack_format = #tpu.pack_format<interleaved>} : vector<32xbf16> -> vector<16xf32>
        %add3A_204 = arith.constant 1 : i32
        %add3A_205 = arith.addi %mul3A_88, %add3A_204 : i32
        %get3A_206 = arith.index_cast %add3A_205 : i32 to index
        %get3A_207 = arith.constant 96 : index
        %get3A_208 = tpu.vector_load %arg8[%get3A_206, %get3A_207] {strides = array<i32>} : memref<288x128xbf16, #tpu.memory_space<vmem>>, vector<32xbf16>,
        %unpack3A_209 = tpu.unpack_subelements %get3A_208, 0 {pack_format = #tpu.pack_format<interleaved>} : vector<32xbf16> -> vector<16xf32>
        %unpack3A_210 = tpu.unpack_subelements %get3A_208, 1 {pack_format = #tpu.pack_format<interleaved>} : vector<32xbf16> -> vector<16xf32>
        %add3A_211 = arith.constant 2 : i32
        %add3A_212 = arith.addi %mul3A_88, %add3A_211 : i32
        %get3A_213 = arith.index_cast %add3A_212 : i32 to index
        %get3A_214 = arith.constant 96 : index
        %get3A_215 = tpu.vector_load %arg8[%get3A_213, %get3A_214] {strides = array<i32>} : memref<288x128xbf16, #tpu.memory_space<vmem>>, vector<32xbf16>,
        %unpack3A_216 = tpu.unpack_subelements %get3A_215, 0 {pack_format = #tpu.pack_format<interleaved>} : vector<32xbf16> -> vector<16xf32>
        %unpack3A_217 = tpu.unpack_subelements %get3A_215, 1 {pack_format = #tpu.pack_format<interleaved>} : vector<32xbf16> -> vector<16xf32>
        %mul3A_218 = arith.mulf %gather3A_94, %unpack3A_202 : vector<16xf32>
        %mul3A_219 = arith.mulf %gather3A_98, %unpack3A_209 : vector<16xf32>
        %add3A_220 = arith.addf %mul3A_218, %mul3A_219 : vector<16xf32>
        %mul3A_221 = arith.mulf %gather3A_102, %unpack3A_216 : vector<16xf32>
        %add3A_222 = arith.addf %add3A_220, %mul3A_221 : vector<16xf32>
        %mul3A_223 = arith.mulf %gather3A_94, %unpack3A_203 : vector<16xf32>
        %mul3A_224 = arith.mulf %gather3A_98, %unpack3A_210 : vector<16xf32>
        %add3A_225 = arith.addf %mul3A_223, %mul3A_224 : vector<16xf32>
        %mul3A_226 = arith.mulf %gather3A_102, %unpack3A_217 : vector<16xf32>
        %add3A_227 = arith.addf %add3A_225, %mul3A_226 : vector<16xf32>
        %pack3A_228 = tpu.pack_subelements %add3A_222, %add3A_227 {pack_format = #tpu.pack_format<interleaved>, positions = array<i32: 0, 1>} : vector<16xf32>, vector<16xf32> -> vector<32xbf16>
        %swap3A_229 = arith.index_cast %scan3A_86 : i32 to index
        %swap3A_230 = arith.constant 96 : index
        %swap3A_231 = tpu.vector_load %arg10[%swap3A_229, %swap3A_230] {strides = array<i32>} : memref<96x128xbf16, #tpu.memory_space<vmem>>, vector<32xbf16>,
        tpu.vector_store %arg10[%swap3A_229, %swap3A_230], %pack3A_228 {strides = array<i32>} : memref<96x128xbf16, #tpu.memory_space<vmem>>, vector<32xbf16>,
      }
      %scan3A_41 = arith.constant 96 : i32
      %ge3A = arith.constant 1 : i32
      %ge3A_42 = arith.cmpi sge, %add3A_25, %ge3A : i32
      %convert_element_type3A_43 = arith.extui %ge3A_42 : i1 to i32
      %cond3A_44 = arith.constant 0 : i32
      %cond3A_45 = arith.cmpi ne, %convert_element_type3A_43, %cond3A_44 : i32
      scf.if %cond3A_45 {
        %sub3A = arith.constant 1 : i32
        %sub3A_86 = arith.subi %add3A_25, %sub3A : i32
        %mul3A_87 = arith.constant 96 : i32
        %mul3A_88 = arith.muli %sub3A_86, %mul3A_87 : i32
        %add3A_89 = arith.addi %mul3A_2, %mul3A_88 : i32
        %dma_wait3A_90 = arith.constant 0 : i32
        %dma_wait3A_91 = tpu.memref_slice %arg5[%add3A_89, %dma_wait3A_90] : memref<276480x128xbf16, #tpu.memory_space<hbm>> -> memref<96x128xbf16, #tpu.memory_space<hbm>>
        %dma_wait3A_92 = arith.constant 0 : i32
        %dma_wait3A_93 = tpu.memref_slice %arg5[%add3A_89, %dma_wait3A_92] : memref<276480x128xbf16, #tpu.memory_space<hbm>> -> memref<96x128xbf16, #tpu.memory_space<hbm>>
        tpu.wait_dma2 semaphore(%arg14 : memref<!tpu.dma_semaphore, #tpu.memory_space<semaphore_mem>>) src(%arg11 : memref<96x128xbf16, #tpu.memory_space<vmem>>) dst(%dma_wait3A_93 : memref<96x128xbf16, #tpu.memory_space<hbm>>)
      } else {
      }
      %mul3A_46 = arith.constant 96 : i32
      %mul3A_47 = arith.muli %add3A_25, %mul3A_46 : i32
      %add3A_48 = arith.addi %mul3A_2, %mul3A_47 : i32
      %dma_start3A_49 = arith.constant 0 : i32
      %dma_start3A_50 = tpu.memref_slice %arg5[%add3A_48, %dma_start3A_49] : memref<276480x128xbf16, #tpu.memory_space<hbm>> -> memref<96x128xbf16, #tpu.memory_space<hbm>>
      %dma_start3A_51 = arith.constant 0 : i32
      %dma_start3A_52 = tpu.memref_slice %arg5[%add3A_48, %dma_start3A_51] : memref<276480x128xbf16, #tpu.memory_space<hbm>> -> memref<96x128xbf16, #tpu.memory_space<hbm>>
      tpu.enqueue_dma source(%arg10 : memref<96x128xbf16, #tpu.memory_space<vmem>>) target(%dma_start3A_52 : memref<96x128xbf16, #tpu.memory_space<hbm>>) target_semaphore(%arg14 : memref<!tpu.dma_semaphore, #tpu.memory_space<semaphore_mem>>)
      %add3A_53 = arith.constant 1 : i32
      %add3A_54 = arith.addi %mul3A_23, %add3A_53 : i32
      %add3A_55 = arith.constant 1 : i32
      %add3A_56 = arith.addi %add3A_54, %add3A_55 : i32
      %lt3A_57 = arith.constant 90 : i32
      %lt3A_58 = arith.cmpi slt, %add3A_56, %lt3A_57 : i32
      %convert_element_type3A_59 = arith.extui %lt3A_58 : i1 to i32
      %cond3A_60 = arith.constant 0 : i32
      %cond3A_61 = arith.cmpi ne, %convert_element_type3A_59, %cond3A_60 : i32
      scf.if %cond3A_61 {
        %add3A_86 = arith.constant 1 : i32
        %add3A_87 = arith.addi %add3A_54, %add3A_86 : i32
        %mul3A_88 = arith.constant 288 : i32
        %mul3A_89 = arith.muli %add3A_87, %mul3A_88 : i32
        %dma_start3A_90 = tpu.memref_slice %arg6[%mul3A_89] : memref<25920xi32, #tpu.memory_space<vmem>> -> memref<288xi32, #tpu.memory_space<vmem>>
        %dma_start3A_91 = arith.constant 0 : i32
        %dma_start3A_92 = arith.constant 0 : i32
        %dma_start3A_93 = tpu.memref_slice %arg2[%dma_start3A_91, %dma_start3A_92] : memref<6912x128xbf16, #tpu.memory_space<hbm>> -> memref<6912x128xbf16, #tpu.memory_space<hbm>>
        tpu.enqueue_indirect_dma source(%dma_start3A_93 : memref<6912x128xbf16, #tpu.memory_space<hbm>>) target(%arg8 : memref<288x128xbf16, #tpu.memory_space<vmem>>) offsets(%dma_start3A_90 : memref<288xi32, #tpu.memory_space<vmem>>) semaphore(%arg12 : memref<!tpu.dma_semaphore, #tpu.memory_space<semaphore_mem>>)
      } else {
      }
      %mul3A_62 = arith.constant 288 : i32
      %mul3A_63 = arith.muli %add3A_54, %mul3A_62 : i32
      %dma_wait3A_64 = tpu.memref_slice %arg6[%mul3A_63] : memref<25920xi32, #tpu.memory_space<vmem>> -> memref<288xi32, #tpu.memory_space<vmem>>
      %dma_wait3A_65 = arith.constant 0 : i32
      %dma_wait3A_66 = arith.constant 0 : i32
      %dma_wait3A_67 = tpu.memref_slice %arg2[%dma_wait3A_65, %dma_wait3A_66] : memref<6912x128xbf16, #tpu.memory_space<hbm>> -> memref<6912x128xbf16, #tpu.memory_space<hbm>>
      tpu.wait_indirect_dma semaphore(%arg13 : memref<!tpu.dma_semaphore, #tpu.memory_space<semaphore_mem>>) src(%dma_wait3A_67 : memref<6912x128xbf16, #tpu.memory_space<hbm>>) dst(%arg9 : memref<288x128xbf16, #tpu.memory_space<vmem>>)
      %scan3A_68 = arith.constant 0 : i32
      %scan3A_69 = arith.constant 0 : i32
      %scan3A_70 = arith.constant 96 : i32
      %scan3A_71 = arith.addi %scan3A_69, %scan3A_70 : i32
      %scan3A_72 = arith.constant 1 : i32
      scf.for %scan3A_86 = %scan3A_69 to %scan3A_71 step %scan3A_72  : i32 {
        %mul3A_87 = arith.constant 3 : i32
        %mul3A_88 = arith.muli %mul3A_87, %scan3A_86 : i32
        %mul3A_89 = arith.constant 288 : i32
        %mul3A_90 = arith.muli %add3A_54, %mul3A_89 : i32
        %add3A_91 = arith.addi %mul3A_90, %mul3A_88 : i32
        %get3A = arith.index_cast %add3A_91 : i32 to index
        %get3A_92 = tpu.vector_load %arg7[%get3A] {strides = array<i32>} : memref<25936xf32, #tpu.memory_space<vmem>>, vector<16xf32>,
        %broadcast_in_dim3A = arith.constant 0 : i32
        %broadcast_in_dim3A_93 = vector.broadcast %broadcast_in_dim3A : i32 to vector<16x1xi32>
        %gather3A = vector.shape_cast %broadcast_in_dim3A_93 : vector<16x1xi32> to vector<16xi32>
        %gather3A_94 = tpu.dynamic_gather %get3A_92[%gather3A] in [0] : vector<16xf32>, vector<16xi32> -> vector<16xf32>
        %broadcast_in_dim3A_95 = arith.constant 1 : i32
        %broadcast_in_dim3A_96 = vector.broadcast %broadcast_in_dim3A_95 : i32 to vector<16x1xi32>
        %gather3A_97 = vector.shape_cast %broadcast_in_dim3A_96 : vector<16x1xi32> to vector<16xi32>
        %gather3A_98 = tpu.dynamic_gather %get3A_92[%gather3A_97] in [0] : vector<16xf32>, vector<16xi32> -> vector<16xf32>
        %broadcast_in_dim3A_99 = arith.constant 2 : i32
        %broadcast_in_dim3A_100 = vector.broadcast %broadcast_in_dim3A_99 : i32 to vector<16x1xi32>
        %gather3A_101 = vector.shape_cast %broadcast_in_dim3A_100 : vector<16x1xi32> to vector<16xi32>
        %gather3A_102 = tpu.dynamic_gather %get3A_92[%gather3A_101] in [0] : vector<16xf32>, vector<16xi32> -> vector<16xf32>
        %get3A_103 = arith.index_cast %mul3A_88 : i32 to index
        %get3A_104 = arith.constant 0 : index
        %get3A_105 = tpu.vector_load %arg9[%get3A_103, %get3A_104] {strides = array<i32>} : memref<288x128xbf16, #tpu.memory_space<vmem>>, vector<32xbf16>,
        %unpack3A = tpu.unpack_subelements %get3A_105, 0 {pack_format = #tpu.pack_format<interleaved>} : vector<32xbf16> -> vector<16xf32>
        %unpack3A_106 = tpu.unpack_subelements %get3A_105, 1 {pack_format = #tpu.pack_format<interleaved>} : vector<32xbf16> -> vector<16xf32>
        %add3A_107 = arith.constant 1 : i32
        %add3A_108 = arith.addi %mul3A_88, %add3A_107 : i32
        %get3A_109 = arith.index_cast %add3A_108 : i32 to index
        %get3A_110 = arith.constant 0 : index
        %get3A_111 = tpu.vector_load %arg9[%get3A_109, %get3A_110] {strides = array<i32>} : memref<288x128xbf16, #tpu.memory_space<vmem>>, vector<32xbf16>,
        %unpack3A_112 = tpu.unpack_subelements %get3A_111, 0 {pack_format = #tpu.pack_format<interleaved>} : vector<32xbf16> -> vector<16xf32>
        %unpack3A_113 = tpu.unpack_subelements %get3A_111, 1 {pack_format = #tpu.pack_format<interleaved>} : vector<32xbf16> -> vector<16xf32>
        %add3A_114 = arith.constant 2 : i32
        %add3A_115 = arith.addi %mul3A_88, %add3A_114 : i32
        %get3A_116 = arith.index_cast %add3A_115 : i32 to index
        %get3A_117 = arith.constant 0 : index
        %get3A_118 = tpu.vector_load %arg9[%get3A_116, %get3A_117] {strides = array<i32>} : memref<288x128xbf16, #tpu.memory_space<vmem>>, vector<32xbf16>,
        %unpack3A_119 = tpu.unpack_subelements %get3A_118, 0 {pack_format = #tpu.pack_format<interleaved>} : vector<32xbf16> -> vector<16xf32>
        %unpack3A_120 = tpu.unpack_subelements %get3A_118, 1 {pack_format = #tpu.pack_format<interleaved>} : vector<32xbf16> -> vector<16xf32>
        %mul3A_121 = arith.mulf %gather3A_94, %unpack3A : vector<16xf32>
        %mul3A_122 = arith.mulf %gather3A_98, %unpack3A_112 : vector<16xf32>
        %add3A_123 = arith.addf %mul3A_121, %mul3A_122 : vector<16xf32>
        %mul3A_124 = arith.mulf %gather3A_102, %unpack3A_119 : vector<16xf32>
        %add3A_125 = arith.addf %add3A_123, %mul3A_124 : vector<16xf32>
        %mul3A_126 = arith.mulf %gather3A_94, %unpack3A_106 : vector<16xf32>
        %mul3A_127 = arith.mulf %gather3A_98, %unpack3A_113 : vector<16xf32>
        %add3A_128 = arith.addf %mul3A_126, %mul3A_127 : vector<16xf32>
        %mul3A_129 = arith.mulf %gather3A_102, %unpack3A_120 : vector<16xf32>
        %add3A_130 = arith.addf %add3A_128, %mul3A_129 : vector<16xf32>
        %pack3A = tpu.pack_subelements %add3A_125, %add3A_130 {pack_format = #tpu.pack_format<interleaved>, positions = array<i32: 0, 1>} : vector<16xf32>, vector<16xf32> -> vector<32xbf16>
        %swap3A = arith.index_cast %scan3A_86 : i32 to index
        %swap3A_131 = arith.constant 0 : index
        %swap3A_132 = tpu.vector_load %arg11[%swap3A, %swap3A_131] {strides = array<i32>} : memref<96x128xbf16, #tpu.memory_space<vmem>>, vector<32xbf16>,
        tpu.vector_store %arg11[%swap3A, %swap3A_131], %pack3A {strides = array<i32>} : memref<96x128xbf16, #tpu.memory_space<vmem>>, vector<32xbf16>,
        %get3A_133 = arith.index_cast %mul3A_88 : i32 to index
        %get3A_134 = arith.constant 32 : index
        %get3A_135 = tpu.vector_load %arg9[%get3A_133, %get3A_134] {strides = array<i32>} : memref<288x128xbf16, #tpu.memory_space<vmem>>, vector<32xbf16>,
        %unpack3A_136 = tpu.unpack_subelements %get3A_135, 0 {pack_format = #tpu.pack_format<interleaved>} : vector<32xbf16> -> vector<16xf32>
        %unpack3A_137 = tpu.unpack_subelements %get3A_135, 1 {pack_format = #tpu.pack_format<interleaved>} : vector<32xbf16> -> vector<16xf32>
        %add3A_138 = arith.constant 1 : i32
        %add3A_139 = arith.addi %mul3A_88, %add3A_138 : i32
        %get3A_140 = arith.index_cast %add3A_139 : i32 to index
        %get3A_141 = arith.constant 32 : index
        %get3A_142 = tpu.vector_load %arg9[%get3A_140, %get3A_141] {strides = array<i32>} : memref<288x128xbf16, #tpu.memory_space<vmem>>, vector<32xbf16>,
        %unpack3A_143 = tpu.unpack_subelements %get3A_142, 0 {pack_format = #tpu.pack_format<interleaved>} : vector<32xbf16> -> vector<16xf32>
        %unpack3A_144 = tpu.unpack_subelements %get3A_142, 1 {pack_format = #tpu.pack_format<interleaved>} : vector<32xbf16> -> vector<16xf32>
        %add3A_145 = arith.constant 2 : i32
        %add3A_146 = arith.addi %mul3A_88, %add3A_145 : i32
        %get3A_147 = arith.index_cast %add3A_146 : i32 to index
        %get3A_148 = arith.constant 32 : index
        %get3A_149 = tpu.vector_load %arg9[%get3A_147, %get3A_148] {strides = array<i32>} : memref<288x128xbf16, #tpu.memory_space<vmem>>, vector<32xbf16>,
        %unpack3A_150 = tpu.unpack_subelements %get3A_149, 0 {pack_format = #tpu.pack_format<interleaved>} : vector<32xbf16> -> vector<16xf32>
        %unpack3A_151 = tpu.unpack_subelements %get3A_149, 1 {pack_format = #tpu.pack_format<interleaved>} : vector<32xbf16> -> vector<16xf32>
        %mul3A_152 = arith.mulf %gather3A_94, %unpack3A_136 : vector<16xf32>
        %mul3A_153 = arith.mulf %gather3A_98, %unpack3A_143 : vector<16xf32>
        %add3A_154 = arith.addf %mul3A_152, %mul3A_153 : vector<16xf32>
        %mul3A_155 = arith.mulf %gather3A_102, %unpack3A_150 : vector<16xf32>
        %add3A_156 = arith.addf %add3A_154, %mul3A_155 : vector<16xf32>
        %mul3A_157 = arith.mulf %gather3A_94, %unpack3A_137 : vector<16xf32>
        %mul3A_158 = arith.mulf %gather3A_98, %unpack3A_144 : vector<16xf32>
        %add3A_159 = arith.addf %mul3A_157, %mul3A_158 : vector<16xf32>
        %mul3A_160 = arith.mulf %gather3A_102, %unpack3A_151 : vector<16xf32>
        %add3A_161 = arith.addf %add3A_159, %mul3A_160 : vector<16xf32>
        %pack3A_162 = tpu.pack_subelements %add3A_156, %add3A_161 {pack_format = #tpu.pack_format<interleaved>, positions = array<i32: 0, 1>} : vector<16xf32>, vector<16xf32> -> vector<32xbf16>
        %swap3A_163 = arith.index_cast %scan3A_86 : i32 to index
        %swap3A_164 = arith.constant 32 : index
        %swap3A_165 = tpu.vector_load %arg11[%swap3A_163, %swap3A_164] {strides = array<i32>} : memref<96x128xbf16, #tpu.memory_space<vmem>>, vector<32xbf16>,
        tpu.vector_store %arg11[%swap3A_163, %swap3A_164], %pack3A_162 {strides = array<i32>} : memref<96x128xbf16, #tpu.memory_space<vmem>>, vector<32xbf16>,
        %get3A_166 = arith.index_cast %mul3A_88 : i32 to index
        %get3A_167 = arith.constant 64 : index
        %get3A_168 = tpu.vector_load %arg9[%get3A_166, %get3A_167] {strides = array<i32>} : memref<288x128xbf16, #tpu.memory_space<vmem>>, vector<32xbf16>,
        %unpack3A_169 = tpu.unpack_subelements %get3A_168, 0 {pack_format = #tpu.pack_format<interleaved>} : vector<32xbf16> -> vector<16xf32>
        %unpack3A_170 = tpu.unpack_subelements %get3A_168, 1 {pack_format = #tpu.pack_format<interleaved>} : vector<32xbf16> -> vector<16xf32>
        %add3A_171 = arith.constant 1 : i32
        %add3A_172 = arith.addi %mul3A_88, %add3A_171 : i32
        %get3A_173 = arith.index_cast %add3A_172 : i32 to index
        %get3A_174 = arith.constant 64 : index
        %get3A_175 = tpu.vector_load %arg9[%get3A_173, %get3A_174] {strides = array<i32>} : memref<288x128xbf16, #tpu.memory_space<vmem>>, vector<32xbf16>,
        %unpack3A_176 = tpu.unpack_subelements %get3A_175, 0 {pack_format = #tpu.pack_format<interleaved>} : vector<32xbf16> -> vector<16xf32>
        %unpack3A_177 = tpu.unpack_subelements %get3A_175, 1 {pack_format = #tpu.pack_format<interleaved>} : vector<32xbf16> -> vector<16xf32>
        %add3A_178 = arith.constant 2 : i32
        %add3A_179 = arith.addi %mul3A_88, %add3A_178 : i32
        %get3A_180 = arith.index_cast %add3A_179 : i32 to index
        %get3A_181 = arith.constant 64 : index
        %get3A_182 = tpu.vector_load %arg9[%get3A_180, %get3A_181] {strides = array<i32>} : memref<288x128xbf16, #tpu.memory_space<vmem>>, vector<32xbf16>,
        %unpack3A_183 = tpu.unpack_subelements %get3A_182, 0 {pack_format = #tpu.pack_format<interleaved>} : vector<32xbf16> -> vector<16xf32>
        %unpack3A_184 = tpu.unpack_subelements %get3A_182, 1 {pack_format = #tpu.pack_format<interleaved>} : vector<32xbf16> -> vector<16xf32>
        %mul3A_185 = arith.mulf %gather3A_94, %unpack3A_169 : vector<16xf32>
        %mul3A_186 = arith.mulf %gather3A_98, %unpack3A_176 : vector<16xf32>
        %add3A_187 = arith.addf %mul3A_185, %mul3A_186 : vector<16xf32>
        %mul3A_188 = arith.mulf %gather3A_102, %unpack3A_183 : vector<16xf32>
        %add3A_189 = arith.addf %add3A_187, %mul3A_188 : vector<16xf32>
        %mul3A_190 = arith.mulf %gather3A_94, %unpack3A_170 : vector<16xf32>
        %mul3A_191 = arith.mulf %gather3A_98, %unpack3A_177 : vector<16xf32>
        %add3A_192 = arith.addf %mul3A_190, %mul3A_191 : vector<16xf32>
        %mul3A_193 = arith.mulf %gather3A_102, %unpack3A_184 : vector<16xf32>
        %add3A_194 = arith.addf %add3A_192, %mul3A_193 : vector<16xf32>
        %pack3A_195 = tpu.pack_subelements %add3A_189, %add3A_194 {pack_format = #tpu.pack_format<interleaved>, positions = array<i32: 0, 1>} : vector<16xf32>, vector<16xf32> -> vector<32xbf16>
        %swap3A_196 = arith.index_cast %scan3A_86 : i32 to index
        %swap3A_197 = arith.constant 64 : index
        %swap3A_198 = tpu.vector_load %arg11[%swap3A_196, %swap3A_197] {strides = array<i32>} : memref<96x128xbf16, #tpu.memory_space<vmem>>, vector<32xbf16>,
        tpu.vector_store %arg11[%swap3A_196, %swap3A_197], %pack3A_195 {strides = array<i32>} : memref<96x128xbf16, #tpu.memory_space<vmem>>, vector<32xbf16>,
        %get3A_199 = arith.index_cast %mul3A_88 : i32 to index
        %get3A_200 = arith.constant 96 : index
        %get3A_201 = tpu.vector_load %arg9[%get3A_199, %get3A_200] {strides = array<i32>} : memref<288x128xbf16, #tpu.memory_space<vmem>>, vector<32xbf16>,
        %unpack3A_202 = tpu.unpack_subelements %get3A_201, 0 {pack_format = #tpu.pack_format<interleaved>} : vector<32xbf16> -> vector<16xf32>
        %unpack3A_203 = tpu.unpack_subelements %get3A_201, 1 {pack_format = #tpu.pack_format<interleaved>} : vector<32xbf16> -> vector<16xf32>
        %add3A_204 = arith.constant 1 : i32
        %add3A_205 = arith.addi %mul3A_88, %add3A_204 : i32
        %get3A_206 = arith.index_cast %add3A_205 : i32 to index
        %get3A_207 = arith.constant 96 : index
        %get3A_208 = tpu.vector_load %arg9[%get3A_206, %get3A_207] {strides = array<i32>} : memref<288x128xbf16, #tpu.memory_space<vmem>>, vector<32xbf16>,
        %unpack3A_209 = tpu.unpack_subelements %get3A_208, 0 {pack_format = #tpu.pack_format<interleaved>} : vector<32xbf16> -> vector<16xf32>
        %unpack3A_210 = tpu.unpack_subelements %get3A_208, 1 {pack_format = #tpu.pack_format<interleaved>} : vector<32xbf16> -> vector<16xf32>
        %add3A_211 = arith.constant 2 : i32
        %add3A_212 = arith.addi %mul3A_88, %add3A_211 : i32
        %get3A_213 = arith.index_cast %add3A_212 : i32 to index
        %get3A_214 = arith.constant 96 : index
        %get3A_215 = tpu.vector_load %arg9[%get3A_213, %get3A_214] {strides = array<i32>} : memref<288x128xbf16, #tpu.memory_space<vmem>>, vector<32xbf16>,
        %unpack3A_216 = tpu.unpack_subelements %get3A_215, 0 {pack_format = #tpu.pack_format<interleaved>} : vector<32xbf16> -> vector<16xf32>
        %unpack3A_217 = tpu.unpack_subelements %get3A_215, 1 {pack_format = #tpu.pack_format<interleaved>} : vector<32xbf16> -> vector<16xf32>
        %mul3A_218 = arith.mulf %gather3A_94, %unpack3A_202 : vector<16xf32>
        %mul3A_219 = arith.mulf %gather3A_98, %unpack3A_209 : vector<16xf32>
        %add3A_220 = arith.addf %mul3A_218, %mul3A_219 : vector<16xf32>
        %mul3A_221 = arith.mulf %gather3A_102, %unpack3A_216 : vector<16xf32>
        %add3A_222 = arith.addf %add3A_220, %mul3A_221 : vector<16xf32>
        %mul3A_223 = arith.mulf %gather3A_94, %unpack3A_203 : vector<16xf32>
        %mul3A_224 = arith.mulf %gather3A_98, %unpack3A_210 : vector<16xf32>
        %add3A_225 = arith.addf %mul3A_223, %mul3A_224 : vector<16xf32>
        %mul3A_226 = arith.mulf %gather3A_102, %unpack3A_217 : vector<16xf32>
        %add3A_227 = arith.addf %add3A_225, %mul3A_226 : vector<16xf32>
        %pack3A_228 = tpu.pack_subelements %add3A_222, %add3A_227 {pack_format = #tpu.pack_format<interleaved>, positions = array<i32: 0, 1>} : vector<16xf32>, vector<16xf32> -> vector<32xbf16>
        %swap3A_229 = arith.index_cast %scan3A_86 : i32 to index
        %swap3A_230 = arith.constant 96 : index
        %swap3A_231 = tpu.vector_load %arg11[%swap3A_229, %swap3A_230] {strides = array<i32>} : memref<96x128xbf16, #tpu.memory_space<vmem>>, vector<32xbf16>,
        tpu.vector_store %arg11[%swap3A_229, %swap3A_230], %pack3A_228 {strides = array<i32>} : memref<96x128xbf16, #tpu.memory_space<vmem>>, vector<32xbf16>,
      }
      %scan3A_73 = arith.constant 96 : i32
      %ge3A_74 = arith.constant 1 : i32
      %ge3A_75 = arith.cmpi sge, %add3A_54, %ge3A_74 : i32
      %convert_element_type3A_76 = arith.extui %ge3A_75 : i1 to i32
      %cond3A_77 = arith.constant 0 : i32
      %cond3A_78 = arith.cmpi ne, %convert_element_type3A_76, %cond3A_77 : i32
      scf.if %cond3A_78 {
        %sub3A = arith.constant 1 : i32
        %sub3A_86 = arith.subi %add3A_54, %sub3A : i32
        %mul3A_87 = arith.constant 96 : i32
        %mul3A_88 = arith.muli %sub3A_86, %mul3A_87 : i32
        %add3A_89 = arith.addi %mul3A_2, %mul3A_88 : i32
        %dma_wait3A_90 = arith.constant 0 : i32
        %dma_wait3A_91 = tpu.memref_slice %arg5[%add3A_89, %dma_wait3A_90] : memref<276480x128xbf16, #tpu.memory_space<hbm>> -> memref<96x128xbf16, #tpu.memory_space<hbm>>
        %dma_wait3A_92 = arith.constant 0 : i32
        %dma_wait3A_93 = tpu.memref_slice %arg5[%add3A_89, %dma_wait3A_92] : memref<276480x128xbf16, #tpu.memory_space<hbm>> -> memref<96x128xbf16, #tpu.memory_space<hbm>>
        tpu.wait_dma2 semaphore(%arg14 : memref<!tpu.dma_semaphore, #tpu.memory_space<semaphore_mem>>) src(%arg10 : memref<96x128xbf16, #tpu.memory_space<vmem>>) dst(%dma_wait3A_93 : memref<96x128xbf16, #tpu.memory_space<hbm>>)
      } else {
      }
      %mul3A_79 = arith.constant 96 : i32
      %mul3A_80 = arith.muli %add3A_54, %mul3A_79 : i32
      %add3A_81 = arith.addi %mul3A_2, %mul3A_80 : i32
      %dma_start3A_82 = arith.constant 0 : i32
      %dma_start3A_83 = tpu.memref_slice %arg5[%add3A_81, %dma_start3A_82] : memref<276480x128xbf16, #tpu.memory_space<hbm>> -> memref<96x128xbf16, #tpu.memory_space<hbm>>
      %dma_start3A_84 = arith.constant 0 : i32
      %dma_start3A_85 = tpu.memref_slice %arg5[%add3A_81, %dma_start3A_84] : memref<276480x128xbf16, #tpu.memory_space<hbm>> -> memref<96x128xbf16, #tpu.memory_space<hbm>>
      tpu.enqueue_dma source(%arg11 : memref<96x128xbf16, #tpu.memory_space<vmem>>) target(%dma_start3A_85 : memref<96x128xbf16, #tpu.memory_space<hbm>>) target_semaphore(%arg14 : memref<!tpu.dma_semaphore, #tpu.memory_space<semaphore_mem>>)
    }
    %scan3A_15 = arith.constant 45 : i32
    %add3A_16 = arith.constant 8544 : i32
    %add3A_17 = arith.addi %mul3A_2, %add3A_16 : i32
    %dma_wait3A = arith.constant 0 : i32
    %dma_wait3A_18 = tpu.memref_slice %arg5[%add3A_17, %dma_wait3A] : memref<276480x128xbf16, #tpu.memory_space<hbm>> -> memref<96x128xbf16, #tpu.memory_space<hbm>>
    %dma_wait3A_19 = arith.constant 0 : i32
    %dma_wait3A_20 = tpu.memref_slice %arg5[%add3A_17, %dma_wait3A_19] : memref<276480x128xbf16, #tpu.memory_space<hbm>> -> memref<96x128xbf16, #tpu.memory_space<hbm>>
    tpu.wait_dma2 semaphore(%arg14 : memref<!tpu.dma_semaphore, #tpu.memory_space<semaphore_mem>>) src(%arg11 : memref<96x128xbf16, #tpu.memory_space<vmem>>) dst(%dma_wait3A_20 : memref<96x128xbf16, #tpu.memory_space<hbm>>)
    return
  }
}

#map = affine_map<(d0, d1) -> (0, 0)>
#map1 = affine_map<(d0, d1) -> (0)>
module attributes {stable_mosaic.version = 14 : i64} {
  func.func @kern(%arg0: i32, %arg1: i32, %arg2: memref<6912x64xbf16, #tpu.memory_space<hbm>>, %arg3: memref<829440xi32, #tpu.memory_space<hbm>>, %arg4: memref<829440xf32, #tpu.memory_space<hbm>>, %arg5: memref<276480x64xbf16, #tpu.memory_space<hbm>>, %arg6: memref<25920xi32, #tpu.memory_space<vmem>>, %arg7: memref<25936xf32, #tpu.memory_space<vmem>>, %arg8: memref<288x64xbf16, #tpu.memory_space<vmem>>, %arg9: memref<288x64xbf16, #tpu.memory_space<vmem>>, %arg10: memref<96x64xbf16, #tpu.memory_space<vmem>>, %arg11: memref<96x64xbf16, #tpu.memory_space<vmem>>, %arg12: memref<!tpu.dma_semaphore, #tpu.memory_space<semaphore_mem>>, %arg13: memref<!tpu.dma_semaphore, #tpu.memory_space<semaphore_mem>>, %arg14: memref<!tpu.dma_semaphore, #tpu.memory_space<semaphore_mem>>) attributes {dimension_semantics = [#tpu.dimension_semantics<core_parallel>, #tpu.dimension_semantics<subcore_parallel>], iteration_bounds = array<i64: 2, 16>, scalar_prefetch = 0 : i64, scratch_operands = 9 : i64, tpu.core_type = #tpu.core_type<sc_vector_subcore>, window_params = [{transform_indices = #map}, {transform_indices = #map1}, {transform_indices = #map1}, {transform_indices = #map}]} {
    %mul3A = arith.constant 2 : i32
    %mul3A_0 = arith.muli %arg1, %mul3A : i32
    %add3A = arith.addi %mul3A_0, %arg0 : i32
    %mul3A_1 = arith.constant 8640 : i32
    %mul3A_2 = arith.muli %add3A, %mul3A_1 : i32
    %mul3A_3 = arith.constant 3 : i32
    %mul3A_4 = arith.muli %mul3A_3, %mul3A_2 : i32
    "tpu.region"() ({
      %run_scoped3A = tpu.sem_alloc : memref<!tpu.dma_semaphore, #tpu.memory_space<semaphore_mem>>
      %dma_start3A_21 = tpu.memref_slice %arg3[%mul3A_4] : memref<829440xi32, #tpu.memory_space<hbm>> -> memref<25920xi32, #tpu.memory_space<hbm>>
      %dma_start3A_22 = tpu.memref_slice %arg3[%mul3A_4] : memref<829440xi32, #tpu.memory_space<hbm>> -> memref<25920xi32, #tpu.memory_space<hbm>>
      tpu.enqueue_dma source(%dma_start3A_22 : memref<25920xi32, #tpu.memory_space<hbm>>) target(%arg6 : memref<25920xi32, #tpu.memory_space<vmem>>) target_semaphore(%run_scoped3A : memref<!tpu.dma_semaphore, #tpu.memory_space<semaphore_mem>>)
      %dma_wait3A_23 = tpu.memref_slice %arg3[%mul3A_4] : memref<829440xi32, #tpu.memory_space<hbm>> -> memref<25920xi32, #tpu.memory_space<hbm>>
      %dma_wait3A_24 = tpu.memref_slice %arg3[%mul3A_4] : memref<829440xi32, #tpu.memory_space<hbm>> -> memref<25920xi32, #tpu.memory_space<hbm>>
      tpu.wait_dma2 semaphore(%run_scoped3A : memref<!tpu.dma_semaphore, #tpu.memory_space<semaphore_mem>>) src(%dma_wait3A_24 : memref<25920xi32, #tpu.memory_space<hbm>>) dst(%arg6 : memref<25920xi32, #tpu.memory_space<vmem>>)
      tpu.yield
    }) : () -> ()
    %mul3A_5 = arith.constant 3 : i32
    %mul3A_6 = arith.muli %mul3A_5, %mul3A_2 : i32
    "tpu.region"() ({
      %run_scoped3A = tpu.sem_alloc : memref<!tpu.dma_semaphore, #tpu.memory_space<semaphore_mem>>
      %dma_start3A_21 = arith.constant 0 : i32
      %dma_start3A_22 = tpu.memref_slice %arg7[%dma_start3A_21] : memref<25936xf32, #tpu.memory_space<vmem>> -> memref<25920xf32, #tpu.memory_space<vmem>>
      %dma_start3A_23 = tpu.memref_slice %arg4[%mul3A_6] : memref<829440xf32, #tpu.memory_space<hbm>> -> memref<25920xf32, #tpu.memory_space<hbm>>
      %dma_start3A_24 = arith.constant 0 : i32
      %dma_start3A_25 = tpu.memref_slice %arg7[%dma_start3A_24] : memref<25936xf32, #tpu.memory_space<vmem>> -> memref<25920xf32, #tpu.memory_space<vmem>>
      %dma_start3A_26 = tpu.memref_slice %arg4[%mul3A_6] : memref<829440xf32, #tpu.memory_space<hbm>> -> memref<25920xf32, #tpu.memory_space<hbm>>
      tpu.enqueue_dma source(%dma_start3A_26 : memref<25920xf32, #tpu.memory_space<hbm>>) target(%dma_start3A_25 : memref<25920xf32, #tpu.memory_space<vmem>>) target_semaphore(%run_scoped3A : memref<!tpu.dma_semaphore, #tpu.memory_space<semaphore_mem>>)
      %dma_wait3A_27 = arith.constant 0 : i32
      %dma_wait3A_28 = tpu.memref_slice %arg7[%dma_wait3A_27] : memref<25936xf32, #tpu.memory_space<vmem>> -> memref<25920xf32, #tpu.memory_space<vmem>>
      %dma_wait3A_29 = tpu.memref_slice %arg4[%mul3A_6] : memref<829440xf32, #tpu.memory_space<hbm>> -> memref<25920xf32, #tpu.memory_space<hbm>>
      %dma_wait3A_30 = arith.constant 0 : i32
      %dma_wait3A_31 = tpu.memref_slice %arg7[%dma_wait3A_30] : memref<25936xf32, #tpu.memory_space<vmem>> -> memref<25920xf32, #tpu.memory_space<vmem>>
      %dma_wait3A_32 = tpu.memref_slice %arg4[%mul3A_6] : memref<829440xf32, #tpu.memory_space<hbm>> -> memref<25920xf32, #tpu.memory_space<hbm>>
      tpu.wait_dma2 semaphore(%run_scoped3A : memref<!tpu.dma_semaphore, #tpu.memory_space<semaphore_mem>>) src(%dma_wait3A_32 : memref<25920xf32, #tpu.memory_space<hbm>>) dst(%dma_wait3A_31 : memref<25920xf32, #tpu.memory_space<vmem>>)
      tpu.yield
    }) : () -> ()
    %dma_start3A = arith.constant 0 : i32
    %dma_start3A_7 = tpu.memref_slice %arg6[%dma_start3A] : memref<25920xi32, #tpu.memory_space<vmem>> -> memref<288xi32, #tpu.memory_space<vmem>>
    %dma_start3A_8 = arith.constant 0 : i32
    %dma_start3A_9 = arith.constant 0 : i32
    %dma_start3A_10 = tpu.memref_slice %arg2[%dma_start3A_8, %dma_start3A_9] : memref<6912x64xbf16, #tpu.memory_space<hbm>> -> memref<6912x64xbf16, #tpu.memory_space<hbm>>
    tpu.enqueue_indirect_dma source(%dma_start3A_10 : memref<6912x64xbf16, #tpu.memory_space<hbm>>) target(%arg8 : memref<288x64xbf16, #tpu.memory_space<vmem>>) offsets(%dma_start3A_7 : memref<288xi32, #tpu.memory_space<vmem>>) semaphore(%arg12 : memref<!tpu.dma_semaphore, #tpu.memory_space<semaphore_mem>>)
    %scan3A = arith.constant 0 : i32
    %scan3A_11 = arith.constant 0 : i32
    %scan3A_12 = arith.constant 45 : i32
    %scan3A_13 = arith.addi %scan3A_11, %scan3A_12 : i32
    %scan3A_14 = arith.constant 1 : i32
    scf.for %scan3A_21 = %scan3A_11 to %scan3A_13 step %scan3A_14  : i32 {
      %mul3A_22 = arith.constant 2 : i32
      %mul3A_23 = arith.muli %mul3A_22, %scan3A_21 : i32
      %add3A_24 = arith.constant 0 : i32
      %add3A_25 = arith.addi %mul3A_23, %add3A_24 : i32
      %add3A_26 = arith.constant 1 : i32
      %add3A_27 = arith.addi %add3A_25, %add3A_26 : i32
      %lt3A = arith.constant 90 : i32
      %lt3A_28 = arith.cmpi slt, %add3A_27, %lt3A : i32
      %convert_element_type3A = arith.extui %lt3A_28 : i1 to i32
      %cond3A = arith.constant 0 : i32
      %cond3A_29 = arith.cmpi ne, %convert_element_type3A, %cond3A : i32
      scf.if %cond3A_29 {
        %add3A_86 = arith.constant 1 : i32
        %add3A_87 = arith.addi %add3A_25, %add3A_86 : i32
        %mul3A_88 = arith.constant 288 : i32
        %mul3A_89 = arith.muli %add3A_87, %mul3A_88 : i32
        %dma_start3A_90 = tpu.memref_slice %arg6[%mul3A_89] : memref<25920xi32, #tpu.memory_space<vmem>> -> memref<288xi32, #tpu.memory_space<vmem>>
        %dma_start3A_91 = arith.constant 0 : i32
        %dma_start3A_92 = arith.constant 0 : i32
        %dma_start3A_93 = tpu.memref_slice %arg2[%dma_start3A_91, %dma_start3A_92] : memref<6912x64xbf16, #tpu.memory_space<hbm>> -> memref<6912x64xbf16, #tpu.memory_space<hbm>>
        tpu.enqueue_indirect_dma source(%dma_start3A_93 : memref<6912x64xbf16, #tpu.memory_space<hbm>>) target(%arg9 : memref<288x64xbf16, #tpu.memory_space<vmem>>) offsets(%dma_start3A_90 : memref<288xi32, #tpu.memory_space<vmem>>) semaphore(%arg13 : memref<!tpu.dma_semaphore, #tpu.memory_space<semaphore_mem>>)
      } else {
      }
      %mul3A_30 = arith.constant 288 : i32
      %mul3A_31 = arith.muli %add3A_25, %mul3A_30 : i32
      %dma_wait3A_32 = tpu.memref_slice %arg6[%mul3A_31] : memref<25920xi32, #tpu.memory_space<vmem>> -> memref<288xi32, #tpu.memory_space<vmem>>
      %dma_wait3A_33 = arith.constant 0 : i32
      %dma_wait3A_34 = arith.constant 0 : i32
      %dma_wait3A_35 = tpu.memref_slice %arg2[%dma_wait3A_33, %dma_wait3A_34] : memref<6912x64xbf16, #tpu.memory_space<hbm>> -> memref<6912x64xbf16, #tpu.memory_space<hbm>>
      tpu.wait_indirect_dma semaphore(%arg12 : memref<!tpu.dma_semaphore, #tpu.memory_space<semaphore_mem>>) src(%dma_wait3A_35 : memref<6912x64xbf16, #tpu.memory_space<hbm>>) dst(%arg8 : memref<288x64xbf16, #tpu.memory_space<vmem>>)
      %scan3A_36 = arith.constant 0 : i32
      %scan3A_37 = arith.constant 0 : i32
      %scan3A_38 = arith.constant 96 : i32
      %scan3A_39 = arith.addi %scan3A_37, %scan3A_38 : i32
      %scan3A_40 = arith.constant 1 : i32
      scf.for %scan3A_86 = %scan3A_37 to %scan3A_39 step %scan3A_40  : i32 {
        %mul3A_87 = arith.constant 3 : i32
        %mul3A_88 = arith.muli %mul3A_87, %scan3A_86 : i32
        %mul3A_89 = arith.constant 288 : i32
        %mul3A_90 = arith.muli %add3A_25, %mul3A_89 : i32
        %add3A_91 = arith.addi %mul3A_90, %mul3A_88 : i32
        %get3A = arith.index_cast %add3A_91 : i32 to index
        %get3A_92 = tpu.vector_load %arg7[%get3A] {strides = array<i32>} : memref<25936xf32, #tpu.memory_space<vmem>>, vector<16xf32>,
        %broadcast_in_dim3A = arith.constant 0 : i32
        %broadcast_in_dim3A_93 = vector.broadcast %broadcast_in_dim3A : i32 to vector<16x1xi32>
        %gather3A = vector.shape_cast %broadcast_in_dim3A_93 : vector<16x1xi32> to vector<16xi32>
        %gather3A_94 = tpu.dynamic_gather %get3A_92[%gather3A] in [0] : vector<16xf32>, vector<16xi32> -> vector<16xf32>
        %broadcast_in_dim3A_95 = arith.constant 1 : i32
        %broadcast_in_dim3A_96 = vector.broadcast %broadcast_in_dim3A_95 : i32 to vector<16x1xi32>
        %gather3A_97 = vector.shape_cast %broadcast_in_dim3A_96 : vector<16x1xi32> to vector<16xi32>
        %gather3A_98 = tpu.dynamic_gather %get3A_92[%gather3A_97] in [0] : vector<16xf32>, vector<16xi32> -> vector<16xf32>
        %broadcast_in_dim3A_99 = arith.constant 2 : i32
        %broadcast_in_dim3A_100 = vector.broadcast %broadcast_in_dim3A_99 : i32 to vector<16x1xi32>
        %gather3A_101 = vector.shape_cast %broadcast_in_dim3A_100 : vector<16x1xi32> to vector<16xi32>
        %gather3A_102 = tpu.dynamic_gather %get3A_92[%gather3A_101] in [0] : vector<16xf32>, vector<16xi32> -> vector<16xf32>
        %get3A_103 = arith.index_cast %mul3A_88 : i32 to index
        %get3A_104 = arith.constant 0 : index
        %get3A_105 = tpu.vector_load %arg8[%get3A_103, %get3A_104] {strides = array<i32>} : memref<288x64xbf16, #tpu.memory_space<vmem>>, vector<32xbf16>,
        %unpack3A = tpu.unpack_subelements %get3A_105, 0 {pack_format = #tpu.pack_format<interleaved>} : vector<32xbf16> -> vector<16xf32>
        %unpack3A_106 = tpu.unpack_subelements %get3A_105, 1 {pack_format = #tpu.pack_format<interleaved>} : vector<32xbf16> -> vector<16xf32>
        %add3A_107 = arith.constant 1 : i32
        %add3A_108 = arith.addi %mul3A_88, %add3A_107 : i32
        %get3A_109 = arith.index_cast %add3A_108 : i32 to index
        %get3A_110 = arith.constant 0 : index
        %get3A_111 = tpu.vector_load %arg8[%get3A_109, %get3A_110] {strides = array<i32>} : memref<288x64xbf16, #tpu.memory_space<vmem>>, vector<32xbf16>,
        %unpack3A_112 = tpu.unpack_subelements %get3A_111, 0 {pack_format = #tpu.pack_format<interleaved>} : vector<32xbf16> -> vector<16xf32>
        %unpack3A_113 = tpu.unpack_subelements %get3A_111, 1 {pack_format = #tpu.pack_format<interleaved>} : vector<32xbf16> -> vector<16xf32>
        %add3A_114 = arith.constant 2 : i32
        %add3A_115 = arith.addi %mul3A_88, %add3A_114 : i32
        %get3A_116 = arith.index_cast %add3A_115 : i32 to index
        %get3A_117 = arith.constant 0 : index
        %get3A_118 = tpu.vector_load %arg8[%get3A_116, %get3A_117] {strides = array<i32>} : memref<288x64xbf16, #tpu.memory_space<vmem>>, vector<32xbf16>,
        %unpack3A_119 = tpu.unpack_subelements %get3A_118, 0 {pack_format = #tpu.pack_format<interleaved>} : vector<32xbf16> -> vector<16xf32>
        %unpack3A_120 = tpu.unpack_subelements %get3A_118, 1 {pack_format = #tpu.pack_format<interleaved>} : vector<32xbf16> -> vector<16xf32>
        %mul3A_121 = arith.mulf %gather3A_94, %unpack3A : vector<16xf32>
        %mul3A_122 = arith.mulf %gather3A_98, %unpack3A_112 : vector<16xf32>
        %add3A_123 = arith.addf %mul3A_121, %mul3A_122 : vector<16xf32>
        %mul3A_124 = arith.mulf %gather3A_102, %unpack3A_119 : vector<16xf32>
        %add3A_125 = arith.addf %add3A_123, %mul3A_124 : vector<16xf32>
        %mul3A_126 = arith.mulf %gather3A_94, %unpack3A_106 : vector<16xf32>
        %mul3A_127 = arith.mulf %gather3A_98, %unpack3A_113 : vector<16xf32>
        %add3A_128 = arith.addf %mul3A_126, %mul3A_127 : vector<16xf32>
        %mul3A_129 = arith.mulf %gather3A_102, %unpack3A_120 : vector<16xf32>
        %add3A_130 = arith.addf %add3A_128, %mul3A_129 : vector<16xf32>
        %pack3A = tpu.pack_subelements %add3A_125, %add3A_130 {pack_format = #tpu.pack_format<interleaved>, positions = array<i32: 0, 1>} : vector<16xf32>, vector<16xf32> -> vector<32xbf16>
        %swap3A = arith.index_cast %scan3A_86 : i32 to index
        %swap3A_131 = arith.constant 0 : index
        %swap3A_132 = tpu.vector_load %arg10[%swap3A, %swap3A_131] {strides = array<i32>} : memref<96x64xbf16, #tpu.memory_space<vmem>>, vector<32xbf16>,
        tpu.vector_store %arg10[%swap3A, %swap3A_131], %pack3A {strides = array<i32>} : memref<96x64xbf16, #tpu.memory_space<vmem>>, vector<32xbf16>,
        %get3A_133 = arith.index_cast %mul3A_88 : i32 to index
        %get3A_134 = arith.constant 32 : index
        %get3A_135 = tpu.vector_load %arg8[%get3A_133, %get3A_134] {strides = array<i32>} : memref<288x64xbf16, #tpu.memory_space<vmem>>, vector<32xbf16>,
        %unpack3A_136 = tpu.unpack_subelements %get3A_135, 0 {pack_format = #tpu.pack_format<interleaved>} : vector<32xbf16> -> vector<16xf32>
        %unpack3A_137 = tpu.unpack_subelements %get3A_135, 1 {pack_format = #tpu.pack_format<interleaved>} : vector<32xbf16> -> vector<16xf32>
        %add3A_138 = arith.constant 1 : i32
        %add3A_139 = arith.addi %mul3A_88, %add3A_138 : i32
        %get3A_140 = arith.index_cast %add3A_139 : i32 to index
        %get3A_141 = arith.constant 32 : index
        %get3A_142 = tpu.vector_load %arg8[%get3A_140, %get3A_141] {strides = array<i32>} : memref<288x64xbf16, #tpu.memory_space<vmem>>, vector<32xbf16>,
        %unpack3A_143 = tpu.unpack_subelements %get3A_142, 0 {pack_format = #tpu.pack_format<interleaved>} : vector<32xbf16> -> vector<16xf32>
        %unpack3A_144 = tpu.unpack_subelements %get3A_142, 1 {pack_format = #tpu.pack_format<interleaved>} : vector<32xbf16> -> vector<16xf32>
        %add3A_145 = arith.constant 2 : i32
        %add3A_146 = arith.addi %mul3A_88, %add3A_145 : i32
        %get3A_147 = arith.index_cast %add3A_146 : i32 to index
        %get3A_148 = arith.constant 32 : index
        %get3A_149 = tpu.vector_load %arg8[%get3A_147, %get3A_148] {strides = array<i32>} : memref<288x64xbf16, #tpu.memory_space<vmem>>, vector<32xbf16>,
        %unpack3A_150 = tpu.unpack_subelements %get3A_149, 0 {pack_format = #tpu.pack_format<interleaved>} : vector<32xbf16> -> vector<16xf32>
        %unpack3A_151 = tpu.unpack_subelements %get3A_149, 1 {pack_format = #tpu.pack_format<interleaved>} : vector<32xbf16> -> vector<16xf32>
        %mul3A_152 = arith.mulf %gather3A_94, %unpack3A_136 : vector<16xf32>
        %mul3A_153 = arith.mulf %gather3A_98, %unpack3A_143 : vector<16xf32>
        %add3A_154 = arith.addf %mul3A_152, %mul3A_153 : vector<16xf32>
        %mul3A_155 = arith.mulf %gather3A_102, %unpack3A_150 : vector<16xf32>
        %add3A_156 = arith.addf %add3A_154, %mul3A_155 : vector<16xf32>
        %mul3A_157 = arith.mulf %gather3A_94, %unpack3A_137 : vector<16xf32>
        %mul3A_158 = arith.mulf %gather3A_98, %unpack3A_144 : vector<16xf32>
        %add3A_159 = arith.addf %mul3A_157, %mul3A_158 : vector<16xf32>
        %mul3A_160 = arith.mulf %gather3A_102, %unpack3A_151 : vector<16xf32>
        %add3A_161 = arith.addf %add3A_159, %mul3A_160 : vector<16xf32>
        %pack3A_162 = tpu.pack_subelements %add3A_156, %add3A_161 {pack_format = #tpu.pack_format<interleaved>, positions = array<i32: 0, 1>} : vector<16xf32>, vector<16xf32> -> vector<32xbf16>
        %swap3A_163 = arith.index_cast %scan3A_86 : i32 to index
        %swap3A_164 = arith.constant 32 : index
        %swap3A_165 = tpu.vector_load %arg10[%swap3A_163, %swap3A_164] {strides = array<i32>} : memref<96x64xbf16, #tpu.memory_space<vmem>>, vector<32xbf16>,
        tpu.vector_store %arg10[%swap3A_163, %swap3A_164], %pack3A_162 {strides = array<i32>} : memref<96x64xbf16, #tpu.memory_space<vmem>>, vector<32xbf16>,
      }
      %scan3A_41 = arith.constant 96 : i32
      %ge3A = arith.constant 1 : i32
      %ge3A_42 = arith.cmpi sge, %add3A_25, %ge3A : i32
      %convert_element_type3A_43 = arith.extui %ge3A_42 : i1 to i32
      %cond3A_44 = arith.constant 0 : i32
      %cond3A_45 = arith.cmpi ne, %convert_element_type3A_43, %cond3A_44 : i32
      scf.if %cond3A_45 {
        %sub3A = arith.constant 1 : i32
        %sub3A_86 = arith.subi %add3A_25, %sub3A : i32
        %mul3A_87 = arith.constant 96 : i32
        %mul3A_88 = arith.muli %sub3A_86, %mul3A_87 : i32
        %add3A_89 = arith.addi %mul3A_2, %mul3A_88 : i32
        %dma_wait3A_90 = arith.constant 0 : i32
        %dma_wait3A_91 = tpu.memref_slice %arg5[%add3A_89, %dma_wait3A_90] : memref<276480x64xbf16, #tpu.memory_space<hbm>> -> memref<96x64xbf16, #tpu.memory_space<hbm>>
        %dma_wait3A_92 = arith.constant 0 : i32
        %dma_wait3A_93 = tpu.memref_slice %arg5[%add3A_89, %dma_wait3A_92] : memref<276480x64xbf16, #tpu.memory_space<hbm>> -> memref<96x64xbf16, #tpu.memory_space<hbm>>
        tpu.wait_dma2 semaphore(%arg14 : memref<!tpu.dma_semaphore, #tpu.memory_space<semaphore_mem>>) src(%arg11 : memref<96x64xbf16, #tpu.memory_space<vmem>>) dst(%dma_wait3A_93 : memref<96x64xbf16, #tpu.memory_space<hbm>>)
      } else {
      }
      %mul3A_46 = arith.constant 96 : i32
      %mul3A_47 = arith.muli %add3A_25, %mul3A_46 : i32
      %add3A_48 = arith.addi %mul3A_2, %mul3A_47 : i32
      %dma_start3A_49 = arith.constant 0 : i32
      %dma_start3A_50 = tpu.memref_slice %arg5[%add3A_48, %dma_start3A_49] : memref<276480x64xbf16, #tpu.memory_space<hbm>> -> memref<96x64xbf16, #tpu.memory_space<hbm>>
      %dma_start3A_51 = arith.constant 0 : i32
      %dma_start3A_52 = tpu.memref_slice %arg5[%add3A_48, %dma_start3A_51] : memref<276480x64xbf16, #tpu.memory_space<hbm>> -> memref<96x64xbf16, #tpu.memory_space<hbm>>
      tpu.enqueue_dma source(%arg10 : memref<96x64xbf16, #tpu.memory_space<vmem>>) target(%dma_start3A_52 : memref<96x64xbf16, #tpu.memory_space<hbm>>) target_semaphore(%arg14 : memref<!tpu.dma_semaphore, #tpu.memory_space<semaphore_mem>>)
      %add3A_53 = arith.constant 1 : i32
      %add3A_54 = arith.addi %mul3A_23, %add3A_53 : i32
      %add3A_55 = arith.constant 1 : i32
      %add3A_56 = arith.addi %add3A_54, %add3A_55 : i32
      %lt3A_57 = arith.constant 90 : i32
      %lt3A_58 = arith.cmpi slt, %add3A_56, %lt3A_57 : i32
      %convert_element_type3A_59 = arith.extui %lt3A_58 : i1 to i32
      %cond3A_60 = arith.constant 0 : i32
      %cond3A_61 = arith.cmpi ne, %convert_element_type3A_59, %cond3A_60 : i32
      scf.if %cond3A_61 {
        %add3A_86 = arith.constant 1 : i32
        %add3A_87 = arith.addi %add3A_54, %add3A_86 : i32
        %mul3A_88 = arith.constant 288 : i32
        %mul3A_89 = arith.muli %add3A_87, %mul3A_88 : i32
        %dma_start3A_90 = tpu.memref_slice %arg6[%mul3A_89] : memref<25920xi32, #tpu.memory_space<vmem>> -> memref<288xi32, #tpu.memory_space<vmem>>
        %dma_start3A_91 = arith.constant 0 : i32
        %dma_start3A_92 = arith.constant 0 : i32
        %dma_start3A_93 = tpu.memref_slice %arg2[%dma_start3A_91, %dma_start3A_92] : memref<6912x64xbf16, #tpu.memory_space<hbm>> -> memref<6912x64xbf16, #tpu.memory_space<hbm>>
        tpu.enqueue_indirect_dma source(%dma_start3A_93 : memref<6912x64xbf16, #tpu.memory_space<hbm>>) target(%arg8 : memref<288x64xbf16, #tpu.memory_space<vmem>>) offsets(%dma_start3A_90 : memref<288xi32, #tpu.memory_space<vmem>>) semaphore(%arg12 : memref<!tpu.dma_semaphore, #tpu.memory_space<semaphore_mem>>)
      } else {
      }
      %mul3A_62 = arith.constant 288 : i32
      %mul3A_63 = arith.muli %add3A_54, %mul3A_62 : i32
      %dma_wait3A_64 = tpu.memref_slice %arg6[%mul3A_63] : memref<25920xi32, #tpu.memory_space<vmem>> -> memref<288xi32, #tpu.memory_space<vmem>>
      %dma_wait3A_65 = arith.constant 0 : i32
      %dma_wait3A_66 = arith.constant 0 : i32
      %dma_wait3A_67 = tpu.memref_slice %arg2[%dma_wait3A_65, %dma_wait3A_66] : memref<6912x64xbf16, #tpu.memory_space<hbm>> -> memref<6912x64xbf16, #tpu.memory_space<hbm>>
      tpu.wait_indirect_dma semaphore(%arg13 : memref<!tpu.dma_semaphore, #tpu.memory_space<semaphore_mem>>) src(%dma_wait3A_67 : memref<6912x64xbf16, #tpu.memory_space<hbm>>) dst(%arg9 : memref<288x64xbf16, #tpu.memory_space<vmem>>)
      %scan3A_68 = arith.constant 0 : i32
      %scan3A_69 = arith.constant 0 : i32
      %scan3A_70 = arith.constant 96 : i32
      %scan3A_71 = arith.addi %scan3A_69, %scan3A_70 : i32
      %scan3A_72 = arith.constant 1 : i32
      scf.for %scan3A_86 = %scan3A_69 to %scan3A_71 step %scan3A_72  : i32 {
        %mul3A_87 = arith.constant 3 : i32
        %mul3A_88 = arith.muli %mul3A_87, %scan3A_86 : i32
        %mul3A_89 = arith.constant 288 : i32
        %mul3A_90 = arith.muli %add3A_54, %mul3A_89 : i32
        %add3A_91 = arith.addi %mul3A_90, %mul3A_88 : i32
        %get3A = arith.index_cast %add3A_91 : i32 to index
        %get3A_92 = tpu.vector_load %arg7[%get3A] {strides = array<i32>} : memref<25936xf32, #tpu.memory_space<vmem>>, vector<16xf32>,
        %broadcast_in_dim3A = arith.constant 0 : i32
        %broadcast_in_dim3A_93 = vector.broadcast %broadcast_in_dim3A : i32 to vector<16x1xi32>
        %gather3A = vector.shape_cast %broadcast_in_dim3A_93 : vector<16x1xi32> to vector<16xi32>
        %gather3A_94 = tpu.dynamic_gather %get3A_92[%gather3A] in [0] : vector<16xf32>, vector<16xi32> -> vector<16xf32>
        %broadcast_in_dim3A_95 = arith.constant 1 : i32
        %broadcast_in_dim3A_96 = vector.broadcast %broadcast_in_dim3A_95 : i32 to vector<16x1xi32>
        %gather3A_97 = vector.shape_cast %broadcast_in_dim3A_96 : vector<16x1xi32> to vector<16xi32>
        %gather3A_98 = tpu.dynamic_gather %get3A_92[%gather3A_97] in [0] : vector<16xf32>, vector<16xi32> -> vector<16xf32>
        %broadcast_in_dim3A_99 = arith.constant 2 : i32
        %broadcast_in_dim3A_100 = vector.broadcast %broadcast_in_dim3A_99 : i32 to vector<16x1xi32>
        %gather3A_101 = vector.shape_cast %broadcast_in_dim3A_100 : vector<16x1xi32> to vector<16xi32>
        %gather3A_102 = tpu.dynamic_gather %get3A_92[%gather3A_101] in [0] : vector<16xf32>, vector<16xi32> -> vector<16xf32>
        %get3A_103 = arith.index_cast %mul3A_88 : i32 to index
        %get3A_104 = arith.constant 0 : index
        %get3A_105 = tpu.vector_load %arg9[%get3A_103, %get3A_104] {strides = array<i32>} : memref<288x64xbf16, #tpu.memory_space<vmem>>, vector<32xbf16>,
        %unpack3A = tpu.unpack_subelements %get3A_105, 0 {pack_format = #tpu.pack_format<interleaved>} : vector<32xbf16> -> vector<16xf32>
        %unpack3A_106 = tpu.unpack_subelements %get3A_105, 1 {pack_format = #tpu.pack_format<interleaved>} : vector<32xbf16> -> vector<16xf32>
        %add3A_107 = arith.constant 1 : i32
        %add3A_108 = arith.addi %mul3A_88, %add3A_107 : i32
        %get3A_109 = arith.index_cast %add3A_108 : i32 to index
        %get3A_110 = arith.constant 0 : index
        %get3A_111 = tpu.vector_load %arg9[%get3A_109, %get3A_110] {strides = array<i32>} : memref<288x64xbf16, #tpu.memory_space<vmem>>, vector<32xbf16>,
        %unpack3A_112 = tpu.unpack_subelements %get3A_111, 0 {pack_format = #tpu.pack_format<interleaved>} : vector<32xbf16> -> vector<16xf32>
        %unpack3A_113 = tpu.unpack_subelements %get3A_111, 1 {pack_format = #tpu.pack_format<interleaved>} : vector<32xbf16> -> vector<16xf32>
        %add3A_114 = arith.constant 2 : i32
        %add3A_115 = arith.addi %mul3A_88, %add3A_114 : i32
        %get3A_116 = arith.index_cast %add3A_115 : i32 to index
        %get3A_117 = arith.constant 0 : index
        %get3A_118 = tpu.vector_load %arg9[%get3A_116, %get3A_117] {strides = array<i32>} : memref<288x64xbf16, #tpu.memory_space<vmem>>, vector<32xbf16>,
        %unpack3A_119 = tpu.unpack_subelements %get3A_118, 0 {pack_format = #tpu.pack_format<interleaved>} : vector<32xbf16> -> vector<16xf32>
        %unpack3A_120 = tpu.unpack_subelements %get3A_118, 1 {pack_format = #tpu.pack_format<interleaved>} : vector<32xbf16> -> vector<16xf32>
        %mul3A_121 = arith.mulf %gather3A_94, %unpack3A : vector<16xf32>
        %mul3A_122 = arith.mulf %gather3A_98, %unpack3A_112 : vector<16xf32>
        %add3A_123 = arith.addf %mul3A_121, %mul3A_122 : vector<16xf32>
        %mul3A_124 = arith.mulf %gather3A_102, %unpack3A_119 : vector<16xf32>
        %add3A_125 = arith.addf %add3A_123, %mul3A_124 : vector<16xf32>
        %mul3A_126 = arith.mulf %gather3A_94, %unpack3A_106 : vector<16xf32>
        %mul3A_127 = arith.mulf %gather3A_98, %unpack3A_113 : vector<16xf32>
        %add3A_128 = arith.addf %mul3A_126, %mul3A_127 : vector<16xf32>
        %mul3A_129 = arith.mulf %gather3A_102, %unpack3A_120 : vector<16xf32>
        %add3A_130 = arith.addf %add3A_128, %mul3A_129 : vector<16xf32>
        %pack3A = tpu.pack_subelements %add3A_125, %add3A_130 {pack_format = #tpu.pack_format<interleaved>, positions = array<i32: 0, 1>} : vector<16xf32>, vector<16xf32> -> vector<32xbf16>
        %swap3A = arith.index_cast %scan3A_86 : i32 to index
        %swap3A_131 = arith.constant 0 : index
        %swap3A_132 = tpu.vector_load %arg11[%swap3A, %swap3A_131] {strides = array<i32>} : memref<96x64xbf16, #tpu.memory_space<vmem>>, vector<32xbf16>,
        tpu.vector_store %arg11[%swap3A, %swap3A_131], %pack3A {strides = array<i32>} : memref<96x64xbf16, #tpu.memory_space<vmem>>, vector<32xbf16>,
        %get3A_133 = arith.index_cast %mul3A_88 : i32 to index
        %get3A_134 = arith.constant 32 : index
        %get3A_135 = tpu.vector_load %arg9[%get3A_133, %get3A_134] {strides = array<i32>} : memref<288x64xbf16, #tpu.memory_space<vmem>>, vector<32xbf16>,
        %unpack3A_136 = tpu.unpack_subelements %get3A_135, 0 {pack_format = #tpu.pack_format<interleaved>} : vector<32xbf16> -> vector<16xf32>
        %unpack3A_137 = tpu.unpack_subelements %get3A_135, 1 {pack_format = #tpu.pack_format<interleaved>} : vector<32xbf16> -> vector<16xf32>
        %add3A_138 = arith.constant 1 : i32
        %add3A_139 = arith.addi %mul3A_88, %add3A_138 : i32
        %get3A_140 = arith.index_cast %add3A_139 : i32 to index
        %get3A_141 = arith.constant 32 : index
        %get3A_142 = tpu.vector_load %arg9[%get3A_140, %get3A_141] {strides = array<i32>} : memref<288x64xbf16, #tpu.memory_space<vmem>>, vector<32xbf16>,
        %unpack3A_143 = tpu.unpack_subelements %get3A_142, 0 {pack_format = #tpu.pack_format<interleaved>} : vector<32xbf16> -> vector<16xf32>
        %unpack3A_144 = tpu.unpack_subelements %get3A_142, 1 {pack_format = #tpu.pack_format<interleaved>} : vector<32xbf16> -> vector<16xf32>
        %add3A_145 = arith.constant 2 : i32
        %add3A_146 = arith.addi %mul3A_88, %add3A_145 : i32
        %get3A_147 = arith.index_cast %add3A_146 : i32 to index
        %get3A_148 = arith.constant 32 : index
        %get3A_149 = tpu.vector_load %arg9[%get3A_147, %get3A_148] {strides = array<i32>} : memref<288x64xbf16, #tpu.memory_space<vmem>>, vector<32xbf16>,
        %unpack3A_150 = tpu.unpack_subelements %get3A_149, 0 {pack_format = #tpu.pack_format<interleaved>} : vector<32xbf16> -> vector<16xf32>
        %unpack3A_151 = tpu.unpack_subelements %get3A_149, 1 {pack_format = #tpu.pack_format<interleaved>} : vector<32xbf16> -> vector<16xf32>
        %mul3A_152 = arith.mulf %gather3A_94, %unpack3A_136 : vector<16xf32>
        %mul3A_153 = arith.mulf %gather3A_98, %unpack3A_143 : vector<16xf32>
        %add3A_154 = arith.addf %mul3A_152, %mul3A_153 : vector<16xf32>
        %mul3A_155 = arith.mulf %gather3A_102, %unpack3A_150 : vector<16xf32>
        %add3A_156 = arith.addf %add3A_154, %mul3A_155 : vector<16xf32>
        %mul3A_157 = arith.mulf %gather3A_94, %unpack3A_137 : vector<16xf32>
        %mul3A_158 = arith.mulf %gather3A_98, %unpack3A_144 : vector<16xf32>
        %add3A_159 = arith.addf %mul3A_157, %mul3A_158 : vector<16xf32>
        %mul3A_160 = arith.mulf %gather3A_102, %unpack3A_151 : vector<16xf32>
        %add3A_161 = arith.addf %add3A_159, %mul3A_160 : vector<16xf32>
        %pack3A_162 = tpu.pack_subelements %add3A_156, %add3A_161 {pack_format = #tpu.pack_format<interleaved>, positions = array<i32: 0, 1>} : vector<16xf32>, vector<16xf32> -> vector<32xbf16>
        %swap3A_163 = arith.index_cast %scan3A_86 : i32 to index
        %swap3A_164 = arith.constant 32 : index
        %swap3A_165 = tpu.vector_load %arg11[%swap3A_163, %swap3A_164] {strides = array<i32>} : memref<96x64xbf16, #tpu.memory_space<vmem>>, vector<32xbf16>,
        tpu.vector_store %arg11[%swap3A_163, %swap3A_164], %pack3A_162 {strides = array<i32>} : memref<96x64xbf16, #tpu.memory_space<vmem>>, vector<32xbf16>,
      }
      %scan3A_73 = arith.constant 96 : i32
      %ge3A_74 = arith.constant 1 : i32
      %ge3A_75 = arith.cmpi sge, %add3A_54, %ge3A_74 : i32
      %convert_element_type3A_76 = arith.extui %ge3A_75 : i1 to i32
      %cond3A_77 = arith.constant 0 : i32
      %cond3A_78 = arith.cmpi ne, %convert_element_type3A_76, %cond3A_77 : i32
      scf.if %cond3A_78 {
        %sub3A = arith.constant 1 : i32
        %sub3A_86 = arith.subi %add3A_54, %sub3A : i32
        %mul3A_87 = arith.constant 96 : i32
        %mul3A_88 = arith.muli %sub3A_86, %mul3A_87 : i32
        %add3A_89 = arith.addi %mul3A_2, %mul3A_88 : i32
        %dma_wait3A_90 = arith.constant 0 : i32
        %dma_wait3A_91 = tpu.memref_slice %arg5[%add3A_89, %dma_wait3A_90] : memref<276480x64xbf16, #tpu.memory_space<hbm>> -> memref<96x64xbf16, #tpu.memory_space<hbm>>
        %dma_wait3A_92 = arith.constant 0 : i32
        %dma_wait3A_93 = tpu.memref_slice %arg5[%add3A_89, %dma_wait3A_92] : memref<276480x64xbf16, #tpu.memory_space<hbm>> -> memref<96x64xbf16, #tpu.memory_space<hbm>>
        tpu.wait_dma2 semaphore(%arg14 : memref<!tpu.dma_semaphore, #tpu.memory_space<semaphore_mem>>) src(%arg10 : memref<96x64xbf16, #tpu.memory_space<vmem>>) dst(%dma_wait3A_93 : memref<96x64xbf16, #tpu.memory_space<hbm>>)
      } else {
      }
      %mul3A_79 = arith.constant 96 : i32
      %mul3A_80 = arith.muli %add3A_54, %mul3A_79 : i32
      %add3A_81 = arith.addi %mul3A_2, %mul3A_80 : i32
      %dma_start3A_82 = arith.constant 0 : i32
      %dma_start3A_83 = tpu.memref_slice %arg5[%add3A_81, %dma_start3A_82] : memref<276480x64xbf16, #tpu.memory_space<hbm>> -> memref<96x64xbf16, #tpu.memory_space<hbm>>
      %dma_start3A_84 = arith.constant 0 : i32
      %dma_start3A_85 = tpu.memref_slice %arg5[%add3A_81, %dma_start3A_84] : memref<276480x64xbf16, #tpu.memory_space<hbm>> -> memref<96x64xbf16, #tpu.memory_space<hbm>>
      tpu.enqueue_dma source(%arg11 : memref<96x64xbf16, #tpu.memory_space<vmem>>) target(%dma_start3A_85 : memref<96x64xbf16, #tpu.memory_space<hbm>>) target_semaphore(%arg14 : memref<!tpu.dma_semaphore, #tpu.memory_space<semaphore_mem>>)
    }
    %scan3A_15 = arith.constant 45 : i32
    %add3A_16 = arith.constant 8544 : i32
    %add3A_17 = arith.addi %mul3A_2, %add3A_16 : i32
    %dma_wait3A = arith.constant 0 : i32
    %dma_wait3A_18 = tpu.memref_slice %arg5[%add3A_17, %dma_wait3A] : memref<276480x64xbf16, #tpu.memory_space<hbm>> -> memref<96x64xbf16, #tpu.memory_space<hbm>>
    %dma_wait3A_19 = arith.constant 0 : i32
    %dma_wait3A_20 = tpu.memref_slice %arg5[%add3A_17, %dma_wait3A_19] : memref<276480x64xbf16, #tpu.memory_space<hbm>> -> memref<96x64xbf16, #tpu.memory_space<hbm>>
    tpu.wait_dma2 semaphore(%arg14 : memref<!tpu.dma_semaphore, #tpu.memory_space<semaphore_mem>>) src(%arg11 : memref<96x64xbf16, #tpu.memory_space<vmem>>) dst(%dma_wait3A_20 : memref<96x64xbf16, #tpu.memory_space<hbm>>)
    return
  }
}

#map = affine_map<(d0, d1) -> (0, 0)>
#map1 = affine_map<(d0, d1) -> (0)>
module attributes {stable_mosaic.version = 14 : i64} {
  func.func @kern(%arg0: i32, %arg1: i32, %arg2: memref<6890x16xf32, #tpu.memory_space<hbm>>, %arg3: memref<829440xi32, #tpu.memory_space<hbm>>, %arg4: memref<829440xf32, #tpu.memory_space<hbm>>, %arg5: memref<276480x16xf32, #tpu.memory_space<hbm>>, %arg6: memref<25920xi32, #tpu.memory_space<vmem>>, %arg7: memref<25936xf32, #tpu.memory_space<vmem>>, %arg8: memref<288x16xf32, #tpu.memory_space<vmem>>, %arg9: memref<288x16xf32, #tpu.memory_space<vmem>>, %arg10: memref<96x16xf32, #tpu.memory_space<vmem>>, %arg11: memref<96x16xf32, #tpu.memory_space<vmem>>, %arg12: memref<!tpu.dma_semaphore, #tpu.memory_space<semaphore_mem>>, %arg13: memref<!tpu.dma_semaphore, #tpu.memory_space<semaphore_mem>>, %arg14: memref<!tpu.dma_semaphore, #tpu.memory_space<semaphore_mem>>) attributes {dimension_semantics = [#tpu.dimension_semantics<core_parallel>, #tpu.dimension_semantics<subcore_parallel>], iteration_bounds = array<i64: 2, 16>, scalar_prefetch = 0 : i64, scratch_operands = 9 : i64, tpu.core_type = #tpu.core_type<sc_vector_subcore>, window_params = [{transform_indices = #map}, {transform_indices = #map1}, {transform_indices = #map1}, {transform_indices = #map}]} {
    %mul3A = arith.constant 2 : i32
    %mul3A_0 = arith.muli %arg1, %mul3A : i32
    %add3A = arith.addi %mul3A_0, %arg0 : i32
    %mul3A_1 = arith.constant 8640 : i32
    %mul3A_2 = arith.muli %add3A, %mul3A_1 : i32
    %mul3A_3 = arith.constant 3 : i32
    %mul3A_4 = arith.muli %mul3A_3, %mul3A_2 : i32
    "tpu.region"() ({
      %run_scoped3A = tpu.sem_alloc : memref<!tpu.dma_semaphore, #tpu.memory_space<semaphore_mem>>
      %dma_start3A_21 = tpu.memref_slice %arg3[%mul3A_4] : memref<829440xi32, #tpu.memory_space<hbm>> -> memref<25920xi32, #tpu.memory_space<hbm>>
      %dma_start3A_22 = tpu.memref_slice %arg3[%mul3A_4] : memref<829440xi32, #tpu.memory_space<hbm>> -> memref<25920xi32, #tpu.memory_space<hbm>>
      tpu.enqueue_dma source(%dma_start3A_22 : memref<25920xi32, #tpu.memory_space<hbm>>) target(%arg6 : memref<25920xi32, #tpu.memory_space<vmem>>) target_semaphore(%run_scoped3A : memref<!tpu.dma_semaphore, #tpu.memory_space<semaphore_mem>>)
      %dma_wait3A_23 = tpu.memref_slice %arg3[%mul3A_4] : memref<829440xi32, #tpu.memory_space<hbm>> -> memref<25920xi32, #tpu.memory_space<hbm>>
      %dma_wait3A_24 = tpu.memref_slice %arg3[%mul3A_4] : memref<829440xi32, #tpu.memory_space<hbm>> -> memref<25920xi32, #tpu.memory_space<hbm>>
      tpu.wait_dma2 semaphore(%run_scoped3A : memref<!tpu.dma_semaphore, #tpu.memory_space<semaphore_mem>>) src(%dma_wait3A_24 : memref<25920xi32, #tpu.memory_space<hbm>>) dst(%arg6 : memref<25920xi32, #tpu.memory_space<vmem>>)
      tpu.yield
    }) : () -> ()
    %mul3A_5 = arith.constant 3 : i32
    %mul3A_6 = arith.muli %mul3A_5, %mul3A_2 : i32
    "tpu.region"() ({
      %run_scoped3A = tpu.sem_alloc : memref<!tpu.dma_semaphore, #tpu.memory_space<semaphore_mem>>
      %dma_start3A_21 = arith.constant 0 : i32
      %dma_start3A_22 = tpu.memref_slice %arg7[%dma_start3A_21] : memref<25936xf32, #tpu.memory_space<vmem>> -> memref<25920xf32, #tpu.memory_space<vmem>>
      %dma_start3A_23 = tpu.memref_slice %arg4[%mul3A_6] : memref<829440xf32, #tpu.memory_space<hbm>> -> memref<25920xf32, #tpu.memory_space<hbm>>
      %dma_start3A_24 = arith.constant 0 : i32
      %dma_start3A_25 = tpu.memref_slice %arg7[%dma_start3A_24] : memref<25936xf32, #tpu.memory_space<vmem>> -> memref<25920xf32, #tpu.memory_space<vmem>>
      %dma_start3A_26 = tpu.memref_slice %arg4[%mul3A_6] : memref<829440xf32, #tpu.memory_space<hbm>> -> memref<25920xf32, #tpu.memory_space<hbm>>
      tpu.enqueue_dma source(%dma_start3A_26 : memref<25920xf32, #tpu.memory_space<hbm>>) target(%dma_start3A_25 : memref<25920xf32, #tpu.memory_space<vmem>>) target_semaphore(%run_scoped3A : memref<!tpu.dma_semaphore, #tpu.memory_space<semaphore_mem>>)
      %dma_wait3A_27 = arith.constant 0 : i32
      %dma_wait3A_28 = tpu.memref_slice %arg7[%dma_wait3A_27] : memref<25936xf32, #tpu.memory_space<vmem>> -> memref<25920xf32, #tpu.memory_space<vmem>>
      %dma_wait3A_29 = tpu.memref_slice %arg4[%mul3A_6] : memref<829440xf32, #tpu.memory_space<hbm>> -> memref<25920xf32, #tpu.memory_space<hbm>>
      %dma_wait3A_30 = arith.constant 0 : i32
      %dma_wait3A_31 = tpu.memref_slice %arg7[%dma_wait3A_30] : memref<25936xf32, #tpu.memory_space<vmem>> -> memref<25920xf32, #tpu.memory_space<vmem>>
      %dma_wait3A_32 = tpu.memref_slice %arg4[%mul3A_6] : memref<829440xf32, #tpu.memory_space<hbm>> -> memref<25920xf32, #tpu.memory_space<hbm>>
      tpu.wait_dma2 semaphore(%run_scoped3A : memref<!tpu.dma_semaphore, #tpu.memory_space<semaphore_mem>>) src(%dma_wait3A_32 : memref<25920xf32, #tpu.memory_space<hbm>>) dst(%dma_wait3A_31 : memref<25920xf32, #tpu.memory_space<vmem>>)
      tpu.yield
    }) : () -> ()
    %dma_start3A = arith.constant 0 : i32
    %dma_start3A_7 = tpu.memref_slice %arg6[%dma_start3A] : memref<25920xi32, #tpu.memory_space<vmem>> -> memref<288xi32, #tpu.memory_space<vmem>>
    %dma_start3A_8 = arith.constant 0 : i32
    %dma_start3A_9 = arith.constant 0 : i32
    %dma_start3A_10 = tpu.memref_slice %arg2[%dma_start3A_8, %dma_start3A_9] : memref<6890x16xf32, #tpu.memory_space<hbm>> -> memref<6890x16xf32, #tpu.memory_space<hbm>>
    tpu.enqueue_indirect_dma source(%dma_start3A_10 : memref<6890x16xf32, #tpu.memory_space<hbm>>) target(%arg8 : memref<288x16xf32, #tpu.memory_space<vmem>>) offsets(%dma_start3A_7 : memref<288xi32, #tpu.memory_space<vmem>>) semaphore(%arg12 : memref<!tpu.dma_semaphore, #tpu.memory_space<semaphore_mem>>)
    %scan3A = arith.constant 0 : i32
    %scan3A_11 = arith.constant 0 : i32
    %scan3A_12 = arith.constant 45 : i32
    %scan3A_13 = arith.addi %scan3A_11, %scan3A_12 : i32
    %scan3A_14 = arith.constant 1 : i32
    scf.for %scan3A_21 = %scan3A_11 to %scan3A_13 step %scan3A_14  : i32 {
      %mul3A_22 = arith.constant 2 : i32
      %mul3A_23 = arith.muli %mul3A_22, %scan3A_21 : i32
      %add3A_24 = arith.constant 0 : i32
      %add3A_25 = arith.addi %mul3A_23, %add3A_24 : i32
      %add3A_26 = arith.constant 1 : i32
      %add3A_27 = arith.addi %add3A_25, %add3A_26 : i32
      %lt3A = arith.constant 90 : i32
      %lt3A_28 = arith.cmpi slt, %add3A_27, %lt3A : i32
      %convert_element_type3A = arith.extui %lt3A_28 : i1 to i32
      %cond3A = arith.constant 0 : i32
      %cond3A_29 = arith.cmpi ne, %convert_element_type3A, %cond3A : i32
      scf.if %cond3A_29 {
        %add3A_86 = arith.constant 1 : i32
        %add3A_87 = arith.addi %add3A_25, %add3A_86 : i32
        %mul3A_88 = arith.constant 288 : i32
        %mul3A_89 = arith.muli %add3A_87, %mul3A_88 : i32
        %dma_start3A_90 = tpu.memref_slice %arg6[%mul3A_89] : memref<25920xi32, #tpu.memory_space<vmem>> -> memref<288xi32, #tpu.memory_space<vmem>>
        %dma_start3A_91 = arith.constant 0 : i32
        %dma_start3A_92 = arith.constant 0 : i32
        %dma_start3A_93 = tpu.memref_slice %arg2[%dma_start3A_91, %dma_start3A_92] : memref<6890x16xf32, #tpu.memory_space<hbm>> -> memref<6890x16xf32, #tpu.memory_space<hbm>>
        tpu.enqueue_indirect_dma source(%dma_start3A_93 : memref<6890x16xf32, #tpu.memory_space<hbm>>) target(%arg9 : memref<288x16xf32, #tpu.memory_space<vmem>>) offsets(%dma_start3A_90 : memref<288xi32, #tpu.memory_space<vmem>>) semaphore(%arg13 : memref<!tpu.dma_semaphore, #tpu.memory_space<semaphore_mem>>)
      } else {
      }
      %mul3A_30 = arith.constant 288 : i32
      %mul3A_31 = arith.muli %add3A_25, %mul3A_30 : i32
      %dma_wait3A_32 = tpu.memref_slice %arg6[%mul3A_31] : memref<25920xi32, #tpu.memory_space<vmem>> -> memref<288xi32, #tpu.memory_space<vmem>>
      %dma_wait3A_33 = arith.constant 0 : i32
      %dma_wait3A_34 = arith.constant 0 : i32
      %dma_wait3A_35 = tpu.memref_slice %arg2[%dma_wait3A_33, %dma_wait3A_34] : memref<6890x16xf32, #tpu.memory_space<hbm>> -> memref<6890x16xf32, #tpu.memory_space<hbm>>
      tpu.wait_indirect_dma semaphore(%arg12 : memref<!tpu.dma_semaphore, #tpu.memory_space<semaphore_mem>>) src(%dma_wait3A_35 : memref<6890x16xf32, #tpu.memory_space<hbm>>) dst(%arg8 : memref<288x16xf32, #tpu.memory_space<vmem>>)
      %scan3A_36 = arith.constant 0 : i32
      %scan3A_37 = arith.constant 0 : i32
      %scan3A_38 = arith.constant 96 : i32
      %scan3A_39 = arith.addi %scan3A_37, %scan3A_38 : i32
      %scan3A_40 = arith.constant 1 : i32
      scf.for %scan3A_86 = %scan3A_37 to %scan3A_39 step %scan3A_40  : i32 {
        %mul3A_87 = arith.constant 3 : i32
        %mul3A_88 = arith.muli %mul3A_87, %scan3A_86 : i32
        %mul3A_89 = arith.constant 288 : i32
        %mul3A_90 = arith.muli %add3A_25, %mul3A_89 : i32
        %add3A_91 = arith.addi %mul3A_90, %mul3A_88 : i32
        %get3A = arith.index_cast %add3A_91 : i32 to index
        %get3A_92 = tpu.vector_load %arg7[%get3A] {strides = array<i32>} : memref<25936xf32, #tpu.memory_space<vmem>>, vector<16xf32>,
        %broadcast_in_dim3A = arith.constant 0 : i32
        %broadcast_in_dim3A_93 = vector.broadcast %broadcast_in_dim3A : i32 to vector<16x1xi32>
        %gather3A = vector.shape_cast %broadcast_in_dim3A_93 : vector<16x1xi32> to vector<16xi32>
        %gather3A_94 = tpu.dynamic_gather %get3A_92[%gather3A] in [0] : vector<16xf32>, vector<16xi32> -> vector<16xf32>
        %broadcast_in_dim3A_95 = arith.constant 1 : i32
        %broadcast_in_dim3A_96 = vector.broadcast %broadcast_in_dim3A_95 : i32 to vector<16x1xi32>
        %gather3A_97 = vector.shape_cast %broadcast_in_dim3A_96 : vector<16x1xi32> to vector<16xi32>
        %gather3A_98 = tpu.dynamic_gather %get3A_92[%gather3A_97] in [0] : vector<16xf32>, vector<16xi32> -> vector<16xf32>
        %broadcast_in_dim3A_99 = arith.constant 2 : i32
        %broadcast_in_dim3A_100 = vector.broadcast %broadcast_in_dim3A_99 : i32 to vector<16x1xi32>
        %gather3A_101 = vector.shape_cast %broadcast_in_dim3A_100 : vector<16x1xi32> to vector<16xi32>
        %gather3A_102 = tpu.dynamic_gather %get3A_92[%gather3A_101] in [0] : vector<16xf32>, vector<16xi32> -> vector<16xf32>
        %get3A_103 = arith.index_cast %mul3A_88 : i32 to index
        %get3A_104 = arith.constant 0 : index
        %get3A_105 = tpu.vector_load %arg8[%get3A_103, %get3A_104] {strides = array<i32>} : memref<288x16xf32, #tpu.memory_space<vmem>>, vector<16xf32>,
        %mul3A_106 = arith.mulf %gather3A_94, %get3A_105 : vector<16xf32>
        %add3A_107 = arith.constant 1 : i32
        %add3A_108 = arith.addi %mul3A_88, %add3A_107 : i32
        %get3A_109 = arith.index_cast %add3A_108 : i32 to index
        %get3A_110 = arith.constant 0 : index
        %get3A_111 = tpu.vector_load %arg8[%get3A_109, %get3A_110] {strides = array<i32>} : memref<288x16xf32, #tpu.memory_space<vmem>>, vector<16xf32>,
        %mul3A_112 = arith.mulf %gather3A_98, %get3A_111 : vector<16xf32>
        %add3A_113 = arith.addf %mul3A_106, %mul3A_112 : vector<16xf32>
        %add3A_114 = arith.constant 2 : i32
        %add3A_115 = arith.addi %mul3A_88, %add3A_114 : i32
        %get3A_116 = arith.index_cast %add3A_115 : i32 to index
        %get3A_117 = arith.constant 0 : index
        %get3A_118 = tpu.vector_load %arg8[%get3A_116, %get3A_117] {strides = array<i32>} : memref<288x16xf32, #tpu.memory_space<vmem>>, vector<16xf32>,
        %mul3A_119 = arith.mulf %gather3A_102, %get3A_118 : vector<16xf32>
        %add3A_120 = arith.addf %add3A_113, %mul3A_119 : vector<16xf32>
        %swap3A = arith.index_cast %scan3A_86 : i32 to index
        %swap3A_121 = arith.constant 0 : index
        %swap3A_122 = tpu.vector_load %arg10[%swap3A, %swap3A_121] {strides = array<i32>} : memref<96x16xf32, #tpu.memory_space<vmem>>, vector<16xf32>,
        tpu.vector_store %arg10[%swap3A, %swap3A_121], %add3A_120 {strides = array<i32>} : memref<96x16xf32, #tpu.memory_space<vmem>>, vector<16xf32>,
      }
      %scan3A_41 = arith.constant 96 : i32
      %ge3A = arith.constant 1 : i32
      %ge3A_42 = arith.cmpi sge, %add3A_25, %ge3A : i32
      %convert_element_type3A_43 = arith.extui %ge3A_42 : i1 to i32
      %cond3A_44 = arith.constant 0 : i32
      %cond3A_45 = arith.cmpi ne, %convert_element_type3A_43, %cond3A_44 : i32
      scf.if %cond3A_45 {
        %sub3A = arith.constant 1 : i32
        %sub3A_86 = arith.subi %add3A_25, %sub3A : i32
        %mul3A_87 = arith.constant 96 : i32
        %mul3A_88 = arith.muli %sub3A_86, %mul3A_87 : i32
        %add3A_89 = arith.addi %mul3A_2, %mul3A_88 : i32
        %dma_wait3A_90 = arith.constant 0 : i32
        %dma_wait3A_91 = tpu.memref_slice %arg5[%add3A_89, %dma_wait3A_90] : memref<276480x16xf32, #tpu.memory_space<hbm>> -> memref<96x16xf32, #tpu.memory_space<hbm>>
        %dma_wait3A_92 = arith.constant 0 : i32
        %dma_wait3A_93 = tpu.memref_slice %arg5[%add3A_89, %dma_wait3A_92] : memref<276480x16xf32, #tpu.memory_space<hbm>> -> memref<96x16xf32, #tpu.memory_space<hbm>>
        tpu.wait_dma2 semaphore(%arg14 : memref<!tpu.dma_semaphore, #tpu.memory_space<semaphore_mem>>) src(%arg11 : memref<96x16xf32, #tpu.memory_space<vmem>>) dst(%dma_wait3A_93 : memref<96x16xf32, #tpu.memory_space<hbm>>)
      } else {
      }
      %mul3A_46 = arith.constant 96 : i32
      %mul3A_47 = arith.muli %add3A_25, %mul3A_46 : i32
      %add3A_48 = arith.addi %mul3A_2, %mul3A_47 : i32
      %dma_start3A_49 = arith.constant 0 : i32
      %dma_start3A_50 = tpu.memref_slice %arg5[%add3A_48, %dma_start3A_49] : memref<276480x16xf32, #tpu.memory_space<hbm>> -> memref<96x16xf32, #tpu.memory_space<hbm>>
      %dma_start3A_51 = arith.constant 0 : i32
      %dma_start3A_52 = tpu.memref_slice %arg5[%add3A_48, %dma_start3A_51] : memref<276480x16xf32, #tpu.memory_space<hbm>> -> memref<96x16xf32, #tpu.memory_space<hbm>>
      tpu.enqueue_dma source(%arg10 : memref<96x16xf32, #tpu.memory_space<vmem>>) target(%dma_start3A_52 : memref<96x16xf32, #tpu.memory_space<hbm>>) target_semaphore(%arg14 : memref<!tpu.dma_semaphore, #tpu.memory_space<semaphore_mem>>)
      %add3A_53 = arith.constant 1 : i32
      %add3A_54 = arith.addi %mul3A_23, %add3A_53 : i32
      %add3A_55 = arith.constant 1 : i32
      %add3A_56 = arith.addi %add3A_54, %add3A_55 : i32
      %lt3A_57 = arith.constant 90 : i32
      %lt3A_58 = arith.cmpi slt, %add3A_56, %lt3A_57 : i32
      %convert_element_type3A_59 = arith.extui %lt3A_58 : i1 to i32
      %cond3A_60 = arith.constant 0 : i32
      %cond3A_61 = arith.cmpi ne, %convert_element_type3A_59, %cond3A_60 : i32
      scf.if %cond3A_61 {
        %add3A_86 = arith.constant 1 : i32
        %add3A_87 = arith.addi %add3A_54, %add3A_86 : i32
        %mul3A_88 = arith.constant 288 : i32
        %mul3A_89 = arith.muli %add3A_87, %mul3A_88 : i32
        %dma_start3A_90 = tpu.memref_slice %arg6[%mul3A_89] : memref<25920xi32, #tpu.memory_space<vmem>> -> memref<288xi32, #tpu.memory_space<vmem>>
        %dma_start3A_91 = arith.constant 0 : i32
        %dma_start3A_92 = arith.constant 0 : i32
        %dma_start3A_93 = tpu.memref_slice %arg2[%dma_start3A_91, %dma_start3A_92] : memref<6890x16xf32, #tpu.memory_space<hbm>> -> memref<6890x16xf32, #tpu.memory_space<hbm>>
        tpu.enqueue_indirect_dma source(%dma_start3A_93 : memref<6890x16xf32, #tpu.memory_space<hbm>>) target(%arg8 : memref<288x16xf32, #tpu.memory_space<vmem>>) offsets(%dma_start3A_90 : memref<288xi32, #tpu.memory_space<vmem>>) semaphore(%arg12 : memref<!tpu.dma_semaphore, #tpu.memory_space<semaphore_mem>>)
      } else {
      }
      %mul3A_62 = arith.constant 288 : i32
      %mul3A_63 = arith.muli %add3A_54, %mul3A_62 : i32
      %dma_wait3A_64 = tpu.memref_slice %arg6[%mul3A_63] : memref<25920xi32, #tpu.memory_space<vmem>> -> memref<288xi32, #tpu.memory_space<vmem>>
      %dma_wait3A_65 = arith.constant 0 : i32
      %dma_wait3A_66 = arith.constant 0 : i32
      %dma_wait3A_67 = tpu.memref_slice %arg2[%dma_wait3A_65, %dma_wait3A_66] : memref<6890x16xf32, #tpu.memory_space<hbm>> -> memref<6890x16xf32, #tpu.memory_space<hbm>>
      tpu.wait_indirect_dma semaphore(%arg13 : memref<!tpu.dma_semaphore, #tpu.memory_space<semaphore_mem>>) src(%dma_wait3A_67 : memref<6890x16xf32, #tpu.memory_space<hbm>>) dst(%arg9 : memref<288x16xf32, #tpu.memory_space<vmem>>)
      %scan3A_68 = arith.constant 0 : i32
      %scan3A_69 = arith.constant 0 : i32
      %scan3A_70 = arith.constant 96 : i32
      %scan3A_71 = arith.addi %scan3A_69, %scan3A_70 : i32
      %scan3A_72 = arith.constant 1 : i32
      scf.for %scan3A_86 = %scan3A_69 to %scan3A_71 step %scan3A_72  : i32 {
        %mul3A_87 = arith.constant 3 : i32
        %mul3A_88 = arith.muli %mul3A_87, %scan3A_86 : i32
        %mul3A_89 = arith.constant 288 : i32
        %mul3A_90 = arith.muli %add3A_54, %mul3A_89 : i32
        %add3A_91 = arith.addi %mul3A_90, %mul3A_88 : i32
        %get3A = arith.index_cast %add3A_91 : i32 to index
        %get3A_92 = tpu.vector_load %arg7[%get3A] {strides = array<i32>} : memref<25936xf32, #tpu.memory_space<vmem>>, vector<16xf32>,
        %broadcast_in_dim3A = arith.constant 0 : i32
        %broadcast_in_dim3A_93 = vector.broadcast %broadcast_in_dim3A : i32 to vector<16x1xi32>
        %gather3A = vector.shape_cast %broadcast_in_dim3A_93 : vector<16x1xi32> to vector<16xi32>
        %gather3A_94 = tpu.dynamic_gather %get3A_92[%gather3A] in [0] : vector<16xf32>, vector<16xi32> -> vector<16xf32>
        %broadcast_in_dim3A_95 = arith.constant 1 : i32
        %broadcast_in_dim3A_96 = vector.broadcast %broadcast_in_dim3A_95 : i32 to vector<16x1xi32>
        %gather3A_97 = vector.shape_cast %broadcast_in_dim3A_96 : vector<16x1xi32> to vector<16xi32>
        %gather3A_98 = tpu.dynamic_gather %get3A_92[%gather3A_97] in [0] : vector<16xf32>, vector<16xi32> -> vector<16xf32>
        %broadcast_in_dim3A_99 = arith.constant 2 : i32
        %broadcast_in_dim3A_100 = vector.broadcast %broadcast_in_dim3A_99 : i32 to vector<16x1xi32>
        %gather3A_101 = vector.shape_cast %broadcast_in_dim3A_100 : vector<16x1xi32> to vector<16xi32>
        %gather3A_102 = tpu.dynamic_gather %get3A_92[%gather3A_101] in [0] : vector<16xf32>, vector<16xi32> -> vector<16xf32>
        %get3A_103 = arith.index_cast %mul3A_88 : i32 to index
        %get3A_104 = arith.constant 0 : index
        %get3A_105 = tpu.vector_load %arg9[%get3A_103, %get3A_104] {strides = array<i32>} : memref<288x16xf32, #tpu.memory_space<vmem>>, vector<16xf32>,
        %mul3A_106 = arith.mulf %gather3A_94, %get3A_105 : vector<16xf32>
        %add3A_107 = arith.constant 1 : i32
        %add3A_108 = arith.addi %mul3A_88, %add3A_107 : i32
        %get3A_109 = arith.index_cast %add3A_108 : i32 to index
        %get3A_110 = arith.constant 0 : index
        %get3A_111 = tpu.vector_load %arg9[%get3A_109, %get3A_110] {strides = array<i32>} : memref<288x16xf32, #tpu.memory_space<vmem>>, vector<16xf32>,
        %mul3A_112 = arith.mulf %gather3A_98, %get3A_111 : vector<16xf32>
        %add3A_113 = arith.addf %mul3A_106, %mul3A_112 : vector<16xf32>
        %add3A_114 = arith.constant 2 : i32
        %add3A_115 = arith.addi %mul3A_88, %add3A_114 : i32
        %get3A_116 = arith.index_cast %add3A_115 : i32 to index
        %get3A_117 = arith.constant 0 : index
        %get3A_118 = tpu.vector_load %arg9[%get3A_116, %get3A_117] {strides = array<i32>} : memref<288x16xf32, #tpu.memory_space<vmem>>, vector<16xf32>,
        %mul3A_119 = arith.mulf %gather3A_102, %get3A_118 : vector<16xf32>
        %add3A_120 = arith.addf %add3A_113, %mul3A_119 : vector<16xf32>
        %swap3A = arith.index_cast %scan3A_86 : i32 to index
        %swap3A_121 = arith.constant 0 : index
        %swap3A_122 = tpu.vector_load %arg11[%swap3A, %swap3A_121] {strides = array<i32>} : memref<96x16xf32, #tpu.memory_space<vmem>>, vector<16xf32>,
        tpu.vector_store %arg11[%swap3A, %swap3A_121], %add3A_120 {strides = array<i32>} : memref<96x16xf32, #tpu.memory_space<vmem>>, vector<16xf32>,
      }
      %scan3A_73 = arith.constant 96 : i32
      %ge3A_74 = arith.constant 1 : i32
      %ge3A_75 = arith.cmpi sge, %add3A_54, %ge3A_74 : i32
      %convert_element_type3A_76 = arith.extui %ge3A_75 : i1 to i32
      %cond3A_77 = arith.constant 0 : i32
      %cond3A_78 = arith.cmpi ne, %convert_element_type3A_76, %cond3A_77 : i32
      scf.if %cond3A_78 {
        %sub3A = arith.constant 1 : i32
        %sub3A_86 = arith.subi %add3A_54, %sub3A : i32
        %mul3A_87 = arith.constant 96 : i32
        %mul3A_88 = arith.muli %sub3A_86, %mul3A_87 : i32
        %add3A_89 = arith.addi %mul3A_2, %mul3A_88 : i32
        %dma_wait3A_90 = arith.constant 0 : i32
        %dma_wait3A_91 = tpu.memref_slice %arg5[%add3A_89, %dma_wait3A_90] : memref<276480x16xf32, #tpu.memory_space<hbm>> -> memref<96x16xf32, #tpu.memory_space<hbm>>
        %dma_wait3A_92 = arith.constant 0 : i32
        %dma_wait3A_93 = tpu.memref_slice %arg5[%add3A_89, %dma_wait3A_92] : memref<276480x16xf32, #tpu.memory_space<hbm>> -> memref<96x16xf32, #tpu.memory_space<hbm>>
        tpu.wait_dma2 semaphore(%arg14 : memref<!tpu.dma_semaphore, #tpu.memory_space<semaphore_mem>>) src(%arg10 : memref<96x16xf32, #tpu.memory_space<vmem>>) dst(%dma_wait3A_93 : memref<96x16xf32, #tpu.memory_space<hbm>>)
      } else {
      }
      %mul3A_79 = arith.constant 96 : i32
      %mul3A_80 = arith.muli %add3A_54, %mul3A_79 : i32
      %add3A_81 = arith.addi %mul3A_2, %mul3A_80 : i32
      %dma_start3A_82 = arith.constant 0 : i32
      %dma_start3A_83 = tpu.memref_slice %arg5[%add3A_81, %dma_start3A_82] : memref<276480x16xf32, #tpu.memory_space<hbm>> -> memref<96x16xf32, #tpu.memory_space<hbm>>
      %dma_start3A_84 = arith.constant 0 : i32
      %dma_start3A_85 = tpu.memref_slice %arg5[%add3A_81, %dma_start3A_84] : memref<276480x16xf32, #tpu.memory_space<hbm>> -> memref<96x16xf32, #tpu.memory_space<hbm>>
      tpu.enqueue_dma source(%arg11 : memref<96x16xf32, #tpu.memory_space<vmem>>) target(%dma_start3A_85 : memref<96x16xf32, #tpu.memory_space<hbm>>) target_semaphore(%arg14 : memref<!tpu.dma_semaphore, #tpu.memory_space<semaphore_mem>>)
    }
    %scan3A_15 = arith.constant 45 : i32
    %add3A_16 = arith.constant 8544 : i32
    %add3A_17 = arith.addi %mul3A_2, %add3A_16 : i32
    %dma_wait3A = arith.constant 0 : i32
    %dma_wait3A_18 = tpu.memref_slice %arg5[%add3A_17, %dma_wait3A] : memref<276480x16xf32, #tpu.memory_space<hbm>> -> memref<96x16xf32, #tpu.memory_space<hbm>>
    %dma_wait3A_19 = arith.constant 0 : i32
    %dma_wait3A_20 = tpu.memref_slice %arg5[%add3A_17, %dma_wait3A_19] : memref<276480x16xf32, #tpu.memory_space<hbm>> -> memref<96x16xf32, #tpu.memory_space<hbm>>
    tpu.wait_dma2 semaphore(%arg14 : memref<!tpu.dma_semaphore, #tpu.memory_space<semaphore_mem>>) src(%arg11 : memref<96x16xf32, #tpu.memory_space<vmem>>) dst(%dma_wait3A_20 : memref<96x16xf32, #tpu.memory_space<hbm>>)
    return
  }
}

#map = affine_map<(d0, d1) -> (0, 0)>
#map1 = affine_map<(d0, d1) -> (0)>
module attributes {stable_mosaic.version = 14 : i64} {
  func.func @kern(%arg0: i32, %arg1: i32, %arg2: memref<6912x32xbf16, #tpu.memory_space<hbm>>, %arg3: memref<829440xi32, #tpu.memory_space<hbm>>, %arg4: memref<829440xf32, #tpu.memory_space<hbm>>, %arg5: memref<276480x32xbf16, #tpu.memory_space<hbm>>, %arg6: memref<25920xi32, #tpu.memory_space<vmem>>, %arg7: memref<25936xf32, #tpu.memory_space<vmem>>, %arg8: memref<288x32xbf16, #tpu.memory_space<vmem>>, %arg9: memref<288x32xbf16, #tpu.memory_space<vmem>>, %arg10: memref<96x32xbf16, #tpu.memory_space<vmem>>, %arg11: memref<96x32xbf16, #tpu.memory_space<vmem>>, %arg12: memref<!tpu.dma_semaphore, #tpu.memory_space<semaphore_mem>>, %arg13: memref<!tpu.dma_semaphore, #tpu.memory_space<semaphore_mem>>, %arg14: memref<!tpu.dma_semaphore, #tpu.memory_space<semaphore_mem>>) attributes {dimension_semantics = [#tpu.dimension_semantics<core_parallel>, #tpu.dimension_semantics<subcore_parallel>], iteration_bounds = array<i64: 2, 16>, scalar_prefetch = 0 : i64, scratch_operands = 9 : i64, tpu.core_type = #tpu.core_type<sc_vector_subcore>, window_params = [{transform_indices = #map}, {transform_indices = #map1}, {transform_indices = #map1}, {transform_indices = #map}]} {
    %mul3A = arith.constant 2 : i32
    %mul3A_0 = arith.muli %arg1, %mul3A : i32
    %add3A = arith.addi %mul3A_0, %arg0 : i32
    %mul3A_1 = arith.constant 8640 : i32
    %mul3A_2 = arith.muli %add3A, %mul3A_1 : i32
    %mul3A_3 = arith.constant 3 : i32
    %mul3A_4 = arith.muli %mul3A_3, %mul3A_2 : i32
    "tpu.region"() ({
      %run_scoped3A = tpu.sem_alloc : memref<!tpu.dma_semaphore, #tpu.memory_space<semaphore_mem>>
      %dma_start3A_21 = tpu.memref_slice %arg3[%mul3A_4] : memref<829440xi32, #tpu.memory_space<hbm>> -> memref<25920xi32, #tpu.memory_space<hbm>>
      %dma_start3A_22 = tpu.memref_slice %arg3[%mul3A_4] : memref<829440xi32, #tpu.memory_space<hbm>> -> memref<25920xi32, #tpu.memory_space<hbm>>
      tpu.enqueue_dma source(%dma_start3A_22 : memref<25920xi32, #tpu.memory_space<hbm>>) target(%arg6 : memref<25920xi32, #tpu.memory_space<vmem>>) target_semaphore(%run_scoped3A : memref<!tpu.dma_semaphore, #tpu.memory_space<semaphore_mem>>)
      %dma_wait3A_23 = tpu.memref_slice %arg3[%mul3A_4] : memref<829440xi32, #tpu.memory_space<hbm>> -> memref<25920xi32, #tpu.memory_space<hbm>>
      %dma_wait3A_24 = tpu.memref_slice %arg3[%mul3A_4] : memref<829440xi32, #tpu.memory_space<hbm>> -> memref<25920xi32, #tpu.memory_space<hbm>>
      tpu.wait_dma2 semaphore(%run_scoped3A : memref<!tpu.dma_semaphore, #tpu.memory_space<semaphore_mem>>) src(%dma_wait3A_24 : memref<25920xi32, #tpu.memory_space<hbm>>) dst(%arg6 : memref<25920xi32, #tpu.memory_space<vmem>>)
      tpu.yield
    }) : () -> ()
    %mul3A_5 = arith.constant 3 : i32
    %mul3A_6 = arith.muli %mul3A_5, %mul3A_2 : i32
    "tpu.region"() ({
      %run_scoped3A = tpu.sem_alloc : memref<!tpu.dma_semaphore, #tpu.memory_space<semaphore_mem>>
      %dma_start3A_21 = arith.constant 0 : i32
      %dma_start3A_22 = tpu.memref_slice %arg7[%dma_start3A_21] : memref<25936xf32, #tpu.memory_space<vmem>> -> memref<25920xf32, #tpu.memory_space<vmem>>
      %dma_start3A_23 = tpu.memref_slice %arg4[%mul3A_6] : memref<829440xf32, #tpu.memory_space<hbm>> -> memref<25920xf32, #tpu.memory_space<hbm>>
      %dma_start3A_24 = arith.constant 0 : i32
      %dma_start3A_25 = tpu.memref_slice %arg7[%dma_start3A_24] : memref<25936xf32, #tpu.memory_space<vmem>> -> memref<25920xf32, #tpu.memory_space<vmem>>
      %dma_start3A_26 = tpu.memref_slice %arg4[%mul3A_6] : memref<829440xf32, #tpu.memory_space<hbm>> -> memref<25920xf32, #tpu.memory_space<hbm>>
      tpu.enqueue_dma source(%dma_start3A_26 : memref<25920xf32, #tpu.memory_space<hbm>>) target(%dma_start3A_25 : memref<25920xf32, #tpu.memory_space<vmem>>) target_semaphore(%run_scoped3A : memref<!tpu.dma_semaphore, #tpu.memory_space<semaphore_mem>>)
      %dma_wait3A_27 = arith.constant 0 : i32
      %dma_wait3A_28 = tpu.memref_slice %arg7[%dma_wait3A_27] : memref<25936xf32, #tpu.memory_space<vmem>> -> memref<25920xf32, #tpu.memory_space<vmem>>
      %dma_wait3A_29 = tpu.memref_slice %arg4[%mul3A_6] : memref<829440xf32, #tpu.memory_space<hbm>> -> memref<25920xf32, #tpu.memory_space<hbm>>
      %dma_wait3A_30 = arith.constant 0 : i32
      %dma_wait3A_31 = tpu.memref_slice %arg7[%dma_wait3A_30] : memref<25936xf32, #tpu.memory_space<vmem>> -> memref<25920xf32, #tpu.memory_space<vmem>>
      %dma_wait3A_32 = tpu.memref_slice %arg4[%mul3A_6] : memref<829440xf32, #tpu.memory_space<hbm>> -> memref<25920xf32, #tpu.memory_space<hbm>>
      tpu.wait_dma2 semaphore(%run_scoped3A : memref<!tpu.dma_semaphore, #tpu.memory_space<semaphore_mem>>) src(%dma_wait3A_32 : memref<25920xf32, #tpu.memory_space<hbm>>) dst(%dma_wait3A_31 : memref<25920xf32, #tpu.memory_space<vmem>>)
      tpu.yield
    }) : () -> ()
    %dma_start3A = arith.constant 0 : i32
    %dma_start3A_7 = tpu.memref_slice %arg6[%dma_start3A] : memref<25920xi32, #tpu.memory_space<vmem>> -> memref<288xi32, #tpu.memory_space<vmem>>
    %dma_start3A_8 = arith.constant 0 : i32
    %dma_start3A_9 = arith.constant 0 : i32
    %dma_start3A_10 = tpu.memref_slice %arg2[%dma_start3A_8, %dma_start3A_9] : memref<6912x32xbf16, #tpu.memory_space<hbm>> -> memref<6912x32xbf16, #tpu.memory_space<hbm>>
    tpu.enqueue_indirect_dma source(%dma_start3A_10 : memref<6912x32xbf16, #tpu.memory_space<hbm>>) target(%arg8 : memref<288x32xbf16, #tpu.memory_space<vmem>>) offsets(%dma_start3A_7 : memref<288xi32, #tpu.memory_space<vmem>>) semaphore(%arg12 : memref<!tpu.dma_semaphore, #tpu.memory_space<semaphore_mem>>)
    %scan3A = arith.constant 0 : i32
    %scan3A_11 = arith.constant 0 : i32
    %scan3A_12 = arith.constant 45 : i32
    %scan3A_13 = arith.addi %scan3A_11, %scan3A_12 : i32
    %scan3A_14 = arith.constant 1 : i32
    scf.for %scan3A_21 = %scan3A_11 to %scan3A_13 step %scan3A_14  : i32 {
      %mul3A_22 = arith.constant 2 : i32
      %mul3A_23 = arith.muli %mul3A_22, %scan3A_21 : i32
      %add3A_24 = arith.constant 0 : i32
      %add3A_25 = arith.addi %mul3A_23, %add3A_24 : i32
      %add3A_26 = arith.constant 1 : i32
      %add3A_27 = arith.addi %add3A_25, %add3A_26 : i32
      %lt3A = arith.constant 90 : i32
      %lt3A_28 = arith.cmpi slt, %add3A_27, %lt3A : i32
      %convert_element_type3A = arith.extui %lt3A_28 : i1 to i32
      %cond3A = arith.constant 0 : i32
      %cond3A_29 = arith.cmpi ne, %convert_element_type3A, %cond3A : i32
      scf.if %cond3A_29 {
        %add3A_86 = arith.constant 1 : i32
        %add3A_87 = arith.addi %add3A_25, %add3A_86 : i32
        %mul3A_88 = arith.constant 288 : i32
        %mul3A_89 = arith.muli %add3A_87, %mul3A_88 : i32
        %dma_start3A_90 = tpu.memref_slice %arg6[%mul3A_89] : memref<25920xi32, #tpu.memory_space<vmem>> -> memref<288xi32, #tpu.memory_space<vmem>>
        %dma_start3A_91 = arith.constant 0 : i32
        %dma_start3A_92 = arith.constant 0 : i32
        %dma_start3A_93 = tpu.memref_slice %arg2[%dma_start3A_91, %dma_start3A_92] : memref<6912x32xbf16, #tpu.memory_space<hbm>> -> memref<6912x32xbf16, #tpu.memory_space<hbm>>
        tpu.enqueue_indirect_dma source(%dma_start3A_93 : memref<6912x32xbf16, #tpu.memory_space<hbm>>) target(%arg9 : memref<288x32xbf16, #tpu.memory_space<vmem>>) offsets(%dma_start3A_90 : memref<288xi32, #tpu.memory_space<vmem>>) semaphore(%arg13 : memref<!tpu.dma_semaphore, #tpu.memory_space<semaphore_mem>>)
      } else {
      }
      %mul3A_30 = arith.constant 288 : i32
      %mul3A_31 = arith.muli %add3A_25, %mul3A_30 : i32
      %dma_wait3A_32 = tpu.memref_slice %arg6[%mul3A_31] : memref<25920xi32, #tpu.memory_space<vmem>> -> memref<288xi32, #tpu.memory_space<vmem>>
      %dma_wait3A_33 = arith.constant 0 : i32
      %dma_wait3A_34 = arith.constant 0 : i32
      %dma_wait3A_35 = tpu.memref_slice %arg2[%dma_wait3A_33, %dma_wait3A_34] : memref<6912x32xbf16, #tpu.memory_space<hbm>> -> memref<6912x32xbf16, #tpu.memory_space<hbm>>
      tpu.wait_indirect_dma semaphore(%arg12 : memref<!tpu.dma_semaphore, #tpu.memory_space<semaphore_mem>>) src(%dma_wait3A_35 : memref<6912x32xbf16, #tpu.memory_space<hbm>>) dst(%arg8 : memref<288x32xbf16, #tpu.memory_space<vmem>>)
      %scan3A_36 = arith.constant 0 : i32
      %scan3A_37 = arith.constant 0 : i32
      %scan3A_38 = arith.constant 96 : i32
      %scan3A_39 = arith.addi %scan3A_37, %scan3A_38 : i32
      %scan3A_40 = arith.constant 1 : i32
      scf.for %scan3A_86 = %scan3A_37 to %scan3A_39 step %scan3A_40  : i32 {
        %mul3A_87 = arith.constant 3 : i32
        %mul3A_88 = arith.muli %mul3A_87, %scan3A_86 : i32
        %mul3A_89 = arith.constant 288 : i32
        %mul3A_90 = arith.muli %add3A_25, %mul3A_89 : i32
        %add3A_91 = arith.addi %mul3A_90, %mul3A_88 : i32
        %get3A = arith.index_cast %add3A_91 : i32 to index
        %get3A_92 = tpu.vector_load %arg7[%get3A] {strides = array<i32>} : memref<25936xf32, #tpu.memory_space<vmem>>, vector<16xf32>,
        %broadcast_in_dim3A = arith.constant 0 : i32
        %broadcast_in_dim3A_93 = vector.broadcast %broadcast_in_dim3A : i32 to vector<16x1xi32>
        %gather3A = vector.shape_cast %broadcast_in_dim3A_93 : vector<16x1xi32> to vector<16xi32>
        %gather3A_94 = tpu.dynamic_gather %get3A_92[%gather3A] in [0] : vector<16xf32>, vector<16xi32> -> vector<16xf32>
        %broadcast_in_dim3A_95 = arith.constant 1 : i32
        %broadcast_in_dim3A_96 = vector.broadcast %broadcast_in_dim3A_95 : i32 to vector<16x1xi32>
        %gather3A_97 = vector.shape_cast %broadcast_in_dim3A_96 : vector<16x1xi32> to vector<16xi32>
        %gather3A_98 = tpu.dynamic_gather %get3A_92[%gather3A_97] in [0] : vector<16xf32>, vector<16xi32> -> vector<16xf32>
        %broadcast_in_dim3A_99 = arith.constant 2 : i32
        %broadcast_in_dim3A_100 = vector.broadcast %broadcast_in_dim3A_99 : i32 to vector<16x1xi32>
        %gather3A_101 = vector.shape_cast %broadcast_in_dim3A_100 : vector<16x1xi32> to vector<16xi32>
        %gather3A_102 = tpu.dynamic_gather %get3A_92[%gather3A_101] in [0] : vector<16xf32>, vector<16xi32> -> vector<16xf32>
        %get3A_103 = arith.index_cast %mul3A_88 : i32 to index
        %get3A_104 = arith.constant 0 : index
        %get3A_105 = tpu.vector_load %arg8[%get3A_103, %get3A_104] {strides = array<i32>} : memref<288x32xbf16, #tpu.memory_space<vmem>>, vector<32xbf16>,
        %unpack3A = tpu.unpack_subelements %get3A_105, 0 {pack_format = #tpu.pack_format<interleaved>} : vector<32xbf16> -> vector<16xf32>
        %unpack3A_106 = tpu.unpack_subelements %get3A_105, 1 {pack_format = #tpu.pack_format<interleaved>} : vector<32xbf16> -> vector<16xf32>
        %add3A_107 = arith.constant 1 : i32
        %add3A_108 = arith.addi %mul3A_88, %add3A_107 : i32
        %get3A_109 = arith.index_cast %add3A_108 : i32 to index
        %get3A_110 = arith.constant 0 : index
        %get3A_111 = tpu.vector_load %arg8[%get3A_109, %get3A_110] {strides = array<i32>} : memref<288x32xbf16, #tpu.memory_space<vmem>>, vector<32xbf16>,
        %unpack3A_112 = tpu.unpack_subelements %get3A_111, 0 {pack_format = #tpu.pack_format<interleaved>} : vector<32xbf16> -> vector<16xf32>
        %unpack3A_113 = tpu.unpack_subelements %get3A_111, 1 {pack_format = #tpu.pack_format<interleaved>} : vector<32xbf16> -> vector<16xf32>
        %add3A_114 = arith.constant 2 : i32
        %add3A_115 = arith.addi %mul3A_88, %add3A_114 : i32
        %get3A_116 = arith.index_cast %add3A_115 : i32 to index
        %get3A_117 = arith.constant 0 : index
        %get3A_118 = tpu.vector_load %arg8[%get3A_116, %get3A_117] {strides = array<i32>} : memref<288x32xbf16, #tpu.memory_space<vmem>>, vector<32xbf16>,
        %unpack3A_119 = tpu.unpack_subelements %get3A_118, 0 {pack_format = #tpu.pack_format<interleaved>} : vector<32xbf16> -> vector<16xf32>
        %unpack3A_120 = tpu.unpack_subelements %get3A_118, 1 {pack_format = #tpu.pack_format<interleaved>} : vector<32xbf16> -> vector<16xf32>
        %mul3A_121 = arith.mulf %gather3A_94, %unpack3A : vector<16xf32>
        %mul3A_122 = arith.mulf %gather3A_98, %unpack3A_112 : vector<16xf32>
        %add3A_123 = arith.addf %mul3A_121, %mul3A_122 : vector<16xf32>
        %mul3A_124 = arith.mulf %gather3A_102, %unpack3A_119 : vector<16xf32>
        %add3A_125 = arith.addf %add3A_123, %mul3A_124 : vector<16xf32>
        %mul3A_126 = arith.mulf %gather3A_94, %unpack3A_106 : vector<16xf32>
        %mul3A_127 = arith.mulf %gather3A_98, %unpack3A_113 : vector<16xf32>
        %add3A_128 = arith.addf %mul3A_126, %mul3A_127 : vector<16xf32>
        %mul3A_129 = arith.mulf %gather3A_102, %unpack3A_120 : vector<16xf32>
        %add3A_130 = arith.addf %add3A_128, %mul3A_129 : vector<16xf32>
        %pack3A = tpu.pack_subelements %add3A_125, %add3A_130 {pack_format = #tpu.pack_format<interleaved>, positions = array<i32: 0, 1>} : vector<16xf32>, vector<16xf32> -> vector<32xbf16>
        %swap3A = arith.index_cast %scan3A_86 : i32 to index
        %swap3A_131 = arith.constant 0 : index
        %swap3A_132 = tpu.vector_load %arg10[%swap3A, %swap3A_131] {strides = array<i32>} : memref<96x32xbf16, #tpu.memory_space<vmem>>, vector<32xbf16>,
        tpu.vector_store %arg10[%swap3A, %swap3A_131], %pack3A {strides = array<i32>} : memref<96x32xbf16, #tpu.memory_space<vmem>>, vector<32xbf16>,
      }
      %scan3A_41 = arith.constant 96 : i32
      %ge3A = arith.constant 1 : i32
      %ge3A_42 = arith.cmpi sge, %add3A_25, %ge3A : i32
      %convert_element_type3A_43 = arith.extui %ge3A_42 : i1 to i32
      %cond3A_44 = arith.constant 0 : i32
      %cond3A_45 = arith.cmpi ne, %convert_element_type3A_43, %cond3A_44 : i32
      scf.if %cond3A_45 {
        %sub3A = arith.constant 1 : i32
        %sub3A_86 = arith.subi %add3A_25, %sub3A : i32
        %mul3A_87 = arith.constant 96 : i32
        %mul3A_88 = arith.muli %sub3A_86, %mul3A_87 : i32
        %add3A_89 = arith.addi %mul3A_2, %mul3A_88 : i32
        %dma_wait3A_90 = arith.constant 0 : i32
        %dma_wait3A_91 = tpu.memref_slice %arg5[%add3A_89, %dma_wait3A_90] : memref<276480x32xbf16, #tpu.memory_space<hbm>> -> memref<96x32xbf16, #tpu.memory_space<hbm>>
        %dma_wait3A_92 = arith.constant 0 : i32
        %dma_wait3A_93 = tpu.memref_slice %arg5[%add3A_89, %dma_wait3A_92] : memref<276480x32xbf16, #tpu.memory_space<hbm>> -> memref<96x32xbf16, #tpu.memory_space<hbm>>
        tpu.wait_dma2 semaphore(%arg14 : memref<!tpu.dma_semaphore, #tpu.memory_space<semaphore_mem>>) src(%arg11 : memref<96x32xbf16, #tpu.memory_space<vmem>>) dst(%dma_wait3A_93 : memref<96x32xbf16, #tpu.memory_space<hbm>>)
      } else {
      }
      %mul3A_46 = arith.constant 96 : i32
      %mul3A_47 = arith.muli %add3A_25, %mul3A_46 : i32
      %add3A_48 = arith.addi %mul3A_2, %mul3A_47 : i32
      %dma_start3A_49 = arith.constant 0 : i32
      %dma_start3A_50 = tpu.memref_slice %arg5[%add3A_48, %dma_start3A_49] : memref<276480x32xbf16, #tpu.memory_space<hbm>> -> memref<96x32xbf16, #tpu.memory_space<hbm>>
      %dma_start3A_51 = arith.constant 0 : i32
      %dma_start3A_52 = tpu.memref_slice %arg5[%add3A_48, %dma_start3A_51] : memref<276480x32xbf16, #tpu.memory_space<hbm>> -> memref<96x32xbf16, #tpu.memory_space<hbm>>
      tpu.enqueue_dma source(%arg10 : memref<96x32xbf16, #tpu.memory_space<vmem>>) target(%dma_start3A_52 : memref<96x32xbf16, #tpu.memory_space<hbm>>) target_semaphore(%arg14 : memref<!tpu.dma_semaphore, #tpu.memory_space<semaphore_mem>>)
      %add3A_53 = arith.constant 1 : i32
      %add3A_54 = arith.addi %mul3A_23, %add3A_53 : i32
      %add3A_55 = arith.constant 1 : i32
      %add3A_56 = arith.addi %add3A_54, %add3A_55 : i32
      %lt3A_57 = arith.constant 90 : i32
      %lt3A_58 = arith.cmpi slt, %add3A_56, %lt3A_57 : i32
      %convert_element_type3A_59 = arith.extui %lt3A_58 : i1 to i32
      %cond3A_60 = arith.constant 0 : i32
      %cond3A_61 = arith.cmpi ne, %convert_element_type3A_59, %cond3A_60 : i32
      scf.if %cond3A_61 {
        %add3A_86 = arith.constant 1 : i32
        %add3A_87 = arith.addi %add3A_54, %add3A_86 : i32
        %mul3A_88 = arith.constant 288 : i32
        %mul3A_89 = arith.muli %add3A_87, %mul3A_88 : i32
        %dma_start3A_90 = tpu.memref_slice %arg6[%mul3A_89] : memref<25920xi32, #tpu.memory_space<vmem>> -> memref<288xi32, #tpu.memory_space<vmem>>
        %dma_start3A_91 = arith.constant 0 : i32
        %dma_start3A_92 = arith.constant 0 : i32
        %dma_start3A_93 = tpu.memref_slice %arg2[%dma_start3A_91, %dma_start3A_92] : memref<6912x32xbf16, #tpu.memory_space<hbm>> -> memref<6912x32xbf16, #tpu.memory_space<hbm>>
        tpu.enqueue_indirect_dma source(%dma_start3A_93 : memref<6912x32xbf16, #tpu.memory_space<hbm>>) target(%arg8 : memref<288x32xbf16, #tpu.memory_space<vmem>>) offsets(%dma_start3A_90 : memref<288xi32, #tpu.memory_space<vmem>>) semaphore(%arg12 : memref<!tpu.dma_semaphore, #tpu.memory_space<semaphore_mem>>)
      } else {
      }
      %mul3A_62 = arith.constant 288 : i32
      %mul3A_63 = arith.muli %add3A_54, %mul3A_62 : i32
      %dma_wait3A_64 = tpu.memref_slice %arg6[%mul3A_63] : memref<25920xi32, #tpu.memory_space<vmem>> -> memref<288xi32, #tpu.memory_space<vmem>>
      %dma_wait3A_65 = arith.constant 0 : i32
      %dma_wait3A_66 = arith.constant 0 : i32
      %dma_wait3A_67 = tpu.memref_slice %arg2[%dma_wait3A_65, %dma_wait3A_66] : memref<6912x32xbf16, #tpu.memory_space<hbm>> -> memref<6912x32xbf16, #tpu.memory_space<hbm>>
      tpu.wait_indirect_dma semaphore(%arg13 : memref<!tpu.dma_semaphore, #tpu.memory_space<semaphore_mem>>) src(%dma_wait3A_67 : memref<6912x32xbf16, #tpu.memory_space<hbm>>) dst(%arg9 : memref<288x32xbf16, #tpu.memory_space<vmem>>)
      %scan3A_68 = arith.constant 0 : i32
      %scan3A_69 = arith.constant 0 : i32
      %scan3A_70 = arith.constant 96 : i32
      %scan3A_71 = arith.addi %scan3A_69, %scan3A_70 : i32
      %scan3A_72 = arith.constant 1 : i32
      scf.for %scan3A_86 = %scan3A_69 to %scan3A_71 step %scan3A_72  : i32 {
        %mul3A_87 = arith.constant 3 : i32
        %mul3A_88 = arith.muli %mul3A_87, %scan3A_86 : i32
        %mul3A_89 = arith.constant 288 : i32
        %mul3A_90 = arith.muli %add3A_54, %mul3A_89 : i32
        %add3A_91 = arith.addi %mul3A_90, %mul3A_88 : i32
        %get3A = arith.index_cast %add3A_91 : i32 to index
        %get3A_92 = tpu.vector_load %arg7[%get3A] {strides = array<i32>} : memref<25936xf32, #tpu.memory_space<vmem>>, vector<16xf32>,
        %broadcast_in_dim3A = arith.constant 0 : i32
        %broadcast_in_dim3A_93 = vector.broadcast %broadcast_in_dim3A : i32 to vector<16x1xi32>
        %gather3A = vector.shape_cast %broadcast_in_dim3A_93 : vector<16x1xi32> to vector<16xi32>
        %gather3A_94 = tpu.dynamic_gather %get3A_92[%gather3A] in [0] : vector<16xf32>, vector<16xi32> -> vector<16xf32>
        %broadcast_in_dim3A_95 = arith.constant 1 : i32
        %broadcast_in_dim3A_96 = vector.broadcast %broadcast_in_dim3A_95 : i32 to vector<16x1xi32>
        %gather3A_97 = vector.shape_cast %broadcast_in_dim3A_96 : vector<16x1xi32> to vector<16xi32>
        %gather3A_98 = tpu.dynamic_gather %get3A_92[%gather3A_97] in [0] : vector<16xf32>, vector<16xi32> -> vector<16xf32>
        %broadcast_in_dim3A_99 = arith.constant 2 : i32
        %broadcast_in_dim3A_100 = vector.broadcast %broadcast_in_dim3A_99 : i32 to vector<16x1xi32>
        %gather3A_101 = vector.shape_cast %broadcast_in_dim3A_100 : vector<16x1xi32> to vector<16xi32>
        %gather3A_102 = tpu.dynamic_gather %get3A_92[%gather3A_101] in [0] : vector<16xf32>, vector<16xi32> -> vector<16xf32>
        %get3A_103 = arith.index_cast %mul3A_88 : i32 to index
        %get3A_104 = arith.constant 0 : index
        %get3A_105 = tpu.vector_load %arg9[%get3A_103, %get3A_104] {strides = array<i32>} : memref<288x32xbf16, #tpu.memory_space<vmem>>, vector<32xbf16>,
        %unpack3A = tpu.unpack_subelements %get3A_105, 0 {pack_format = #tpu.pack_format<interleaved>} : vector<32xbf16> -> vector<16xf32>
        %unpack3A_106 = tpu.unpack_subelements %get3A_105, 1 {pack_format = #tpu.pack_format<interleaved>} : vector<32xbf16> -> vector<16xf32>
        %add3A_107 = arith.constant 1 : i32
        %add3A_108 = arith.addi %mul3A_88, %add3A_107 : i32
        %get3A_109 = arith.index_cast %add3A_108 : i32 to index
        %get3A_110 = arith.constant 0 : index
        %get3A_111 = tpu.vector_load %arg9[%get3A_109, %get3A_110] {strides = array<i32>} : memref<288x32xbf16, #tpu.memory_space<vmem>>, vector<32xbf16>,
        %unpack3A_112 = tpu.unpack_subelements %get3A_111, 0 {pack_format = #tpu.pack_format<interleaved>} : vector<32xbf16> -> vector<16xf32>
        %unpack3A_113 = tpu.unpack_subelements %get3A_111, 1 {pack_format = #tpu.pack_format<interleaved>} : vector<32xbf16> -> vector<16xf32>
        %add3A_114 = arith.constant 2 : i32
        %add3A_115 = arith.addi %mul3A_88, %add3A_114 : i32
        %get3A_116 = arith.index_cast %add3A_115 : i32 to index
        %get3A_117 = arith.constant 0 : index
        %get3A_118 = tpu.vector_load %arg9[%get3A_116, %get3A_117] {strides = array<i32>} : memref<288x32xbf16, #tpu.memory_space<vmem>>, vector<32xbf16>,
        %unpack3A_119 = tpu.unpack_subelements %get3A_118, 0 {pack_format = #tpu.pack_format<interleaved>} : vector<32xbf16> -> vector<16xf32>
        %unpack3A_120 = tpu.unpack_subelements %get3A_118, 1 {pack_format = #tpu.pack_format<interleaved>} : vector<32xbf16> -> vector<16xf32>
        %mul3A_121 = arith.mulf %gather3A_94, %unpack3A : vector<16xf32>
        %mul3A_122 = arith.mulf %gather3A_98, %unpack3A_112 : vector<16xf32>
        %add3A_123 = arith.addf %mul3A_121, %mul3A_122 : vector<16xf32>
        %mul3A_124 = arith.mulf %gather3A_102, %unpack3A_119 : vector<16xf32>
        %add3A_125 = arith.addf %add3A_123, %mul3A_124 : vector<16xf32>
        %mul3A_126 = arith.mulf %gather3A_94, %unpack3A_106 : vector<16xf32>
        %mul3A_127 = arith.mulf %gather3A_98, %unpack3A_113 : vector<16xf32>
        %add3A_128 = arith.addf %mul3A_126, %mul3A_127 : vector<16xf32>
        %mul3A_129 = arith.mulf %gather3A_102, %unpack3A_120 : vector<16xf32>
        %add3A_130 = arith.addf %add3A_128, %mul3A_129 : vector<16xf32>
        %pack3A = tpu.pack_subelements %add3A_125, %add3A_130 {pack_format = #tpu.pack_format<interleaved>, positions = array<i32: 0, 1>} : vector<16xf32>, vector<16xf32> -> vector<32xbf16>
        %swap3A = arith.index_cast %scan3A_86 : i32 to index
        %swap3A_131 = arith.constant 0 : index
        %swap3A_132 = tpu.vector_load %arg11[%swap3A, %swap3A_131] {strides = array<i32>} : memref<96x32xbf16, #tpu.memory_space<vmem>>, vector<32xbf16>,
        tpu.vector_store %arg11[%swap3A, %swap3A_131], %pack3A {strides = array<i32>} : memref<96x32xbf16, #tpu.memory_space<vmem>>, vector<32xbf16>,
      }
      %scan3A_73 = arith.constant 96 : i32
      %ge3A_74 = arith.constant 1 : i32
      %ge3A_75 = arith.cmpi sge, %add3A_54, %ge3A_74 : i32
      %convert_element_type3A_76 = arith.extui %ge3A_75 : i1 to i32
      %cond3A_77 = arith.constant 0 : i32
      %cond3A_78 = arith.cmpi ne, %convert_element_type3A_76, %cond3A_77 : i32
      scf.if %cond3A_78 {
        %sub3A = arith.constant 1 : i32
        %sub3A_86 = arith.subi %add3A_54, %sub3A : i32
        %mul3A_87 = arith.constant 96 : i32
        %mul3A_88 = arith.muli %sub3A_86, %mul3A_87 : i32
        %add3A_89 = arith.addi %mul3A_2, %mul3A_88 : i32
        %dma_wait3A_90 = arith.constant 0 : i32
        %dma_wait3A_91 = tpu.memref_slice %arg5[%add3A_89, %dma_wait3A_90] : memref<276480x32xbf16, #tpu.memory_space<hbm>> -> memref<96x32xbf16, #tpu.memory_space<hbm>>
        %dma_wait3A_92 = arith.constant 0 : i32
        %dma_wait3A_93 = tpu.memref_slice %arg5[%add3A_89, %dma_wait3A_92] : memref<276480x32xbf16, #tpu.memory_space<hbm>> -> memref<96x32xbf16, #tpu.memory_space<hbm>>
        tpu.wait_dma2 semaphore(%arg14 : memref<!tpu.dma_semaphore, #tpu.memory_space<semaphore_mem>>) src(%arg10 : memref<96x32xbf16, #tpu.memory_space<vmem>>) dst(%dma_wait3A_93 : memref<96x32xbf16, #tpu.memory_space<hbm>>)
      } else {
      }
      %mul3A_79 = arith.constant 96 : i32
      %mul3A_80 = arith.muli %add3A_54, %mul3A_79 : i32
      %add3A_81 = arith.addi %mul3A_2, %mul3A_80 : i32
      %dma_start3A_82 = arith.constant 0 : i32
      %dma_start3A_83 = tpu.memref_slice %arg5[%add3A_81, %dma_start3A_82] : memref<276480x32xbf16, #tpu.memory_space<hbm>> -> memref<96x32xbf16, #tpu.memory_space<hbm>>
      %dma_start3A_84 = arith.constant 0 : i32
      %dma_start3A_85 = tpu.memref_slice %arg5[%add3A_81, %dma_start3A_84] : memref<276480x32xbf16, #tpu.memory_space<hbm>> -> memref<96x32xbf16, #tpu.memory_space<hbm>>
      tpu.enqueue_dma source(%arg11 : memref<96x32xbf16, #tpu.memory_space<vmem>>) target(%dma_start3A_85 : memref<96x32xbf16, #tpu.memory_space<hbm>>) target_semaphore(%arg14 : memref<!tpu.dma_semaphore, #tpu.memory_space<semaphore_mem>>)
    }
    %scan3A_15 = arith.constant 45 : i32
    %add3A_16 = arith.constant 8544 : i32
    %add3A_17 = arith.addi %mul3A_2, %add3A_16 : i32
    %dma_wait3A = arith.constant 0 : i32
    %dma_wait3A_18 = tpu.memref_slice %arg5[%add3A_17, %dma_wait3A] : memref<276480x32xbf16, #tpu.memory_space<hbm>> -> memref<96x32xbf16, #tpu.memory_space<hbm>>
    %dma_wait3A_19 = arith.constant 0 : i32
    %dma_wait3A_20 = tpu.memref_slice %arg5[%add3A_17, %dma_wait3A_19] : memref<276480x32xbf16, #tpu.memory_space<hbm>> -> memref<96x32xbf16, #tpu.memory_space<hbm>>
    tpu.wait_dma2 semaphore(%arg14 : memref<!tpu.dma_semaphore, #tpu.memory_space<semaphore_mem>>) src(%arg11 : memref<96x32xbf16, #tpu.memory_space<vmem>>) dst(%dma_wait3A_20 : memref<96x32xbf16, #tpu.memory_space<hbm>>)
    return
  }
}

#map = affine_map<(d0, d1) -> (0, 0)>
#map1 = affine_map<(d0, d1) -> (0)>
module attributes {stable_mosaic.version = 14 : i64} {
  func.func @kern(%arg0: i32, %arg1: i32, %arg2: memref<6912x128xbf16, #tpu.memory_space<hbm>>, %arg3: memref<829440xi32, #tpu.memory_space<hbm>>, %arg4: memref<829440xf32, #tpu.memory_space<hbm>>, %arg5: memref<276480x128xbf16, #tpu.memory_space<hbm>>, %arg6: memref<25920xi32, #tpu.memory_space<vmem>>, %arg7: memref<25936xf32, #tpu.memory_space<vmem>>, %arg8: memref<288x128xbf16, #tpu.memory_space<vmem>>, %arg9: memref<288x128xbf16, #tpu.memory_space<vmem>>, %arg10: memref<96x128xbf16, #tpu.memory_space<vmem>>, %arg11: memref<96x128xbf16, #tpu.memory_space<vmem>>, %arg12: memref<!tpu.dma_semaphore, #tpu.memory_space<semaphore_mem>>, %arg13: memref<!tpu.dma_semaphore, #tpu.memory_space<semaphore_mem>>, %arg14: memref<!tpu.dma_semaphore, #tpu.memory_space<semaphore_mem>>) attributes {dimension_semantics = [#tpu.dimension_semantics<core_parallel>, #tpu.dimension_semantics<subcore_parallel>], iteration_bounds = array<i64: 2, 16>, scalar_prefetch = 0 : i64, scratch_operands = 9 : i64, tpu.core_type = #tpu.core_type<sc_vector_subcore>, window_params = [{transform_indices = #map}, {transform_indices = #map1}, {transform_indices = #map1}, {transform_indices = #map}]} {
    %mul3A = arith.constant 2 : i32
    %mul3A_0 = arith.muli %arg1, %mul3A : i32
    %add3A = arith.addi %mul3A_0, %arg0 : i32
    %mul3A_1 = arith.constant 8640 : i32
    %mul3A_2 = arith.muli %add3A, %mul3A_1 : i32
    %mul3A_3 = arith.constant 3 : i32
    %mul3A_4 = arith.muli %mul3A_3, %mul3A_2 : i32
    "tpu.region"() ({
      %run_scoped3A = tpu.sem_alloc : memref<!tpu.dma_semaphore, #tpu.memory_space<semaphore_mem>>
      %dma_start3A_21 = tpu.memref_slice %arg3[%mul3A_4] : memref<829440xi32, #tpu.memory_space<hbm>> -> memref<25920xi32, #tpu.memory_space<hbm>>
      %dma_start3A_22 = tpu.memref_slice %arg3[%mul3A_4] : memref<829440xi32, #tpu.memory_space<hbm>> -> memref<25920xi32, #tpu.memory_space<hbm>>
      tpu.enqueue_dma source(%dma_start3A_22 : memref<25920xi32, #tpu.memory_space<hbm>>) target(%arg6 : memref<25920xi32, #tpu.memory_space<vmem>>) target_semaphore(%run_scoped3A : memref<!tpu.dma_semaphore, #tpu.memory_space<semaphore_mem>>)
      %dma_wait3A_23 = tpu.memref_slice %arg3[%mul3A_4] : memref<829440xi32, #tpu.memory_space<hbm>> -> memref<25920xi32, #tpu.memory_space<hbm>>
      %dma_wait3A_24 = tpu.memref_slice %arg3[%mul3A_4] : memref<829440xi32, #tpu.memory_space<hbm>> -> memref<25920xi32, #tpu.memory_space<hbm>>
      tpu.wait_dma2 semaphore(%run_scoped3A : memref<!tpu.dma_semaphore, #tpu.memory_space<semaphore_mem>>) src(%dma_wait3A_24 : memref<25920xi32, #tpu.memory_space<hbm>>) dst(%arg6 : memref<25920xi32, #tpu.memory_space<vmem>>)
      tpu.yield
    }) : () -> ()
    %mul3A_5 = arith.constant 3 : i32
    %mul3A_6 = arith.muli %mul3A_5, %mul3A_2 : i32
    "tpu.region"() ({
      %run_scoped3A = tpu.sem_alloc : memref<!tpu.dma_semaphore, #tpu.memory_space<semaphore_mem>>
      %dma_start3A_21 = arith.constant 0 : i32
      %dma_start3A_22 = tpu.memref_slice %arg7[%dma_start3A_21] : memref<25936xf32, #tpu.memory_space<vmem>> -> memref<25920xf32, #tpu.memory_space<vmem>>
      %dma_start3A_23 = tpu.memref_slice %arg4[%mul3A_6] : memref<829440xf32, #tpu.memory_space<hbm>> -> memref<25920xf32, #tpu.memory_space<hbm>>
      %dma_start3A_24 = arith.constant 0 : i32
      %dma_start3A_25 = tpu.memref_slice %arg7[%dma_start3A_24] : memref<25936xf32, #tpu.memory_space<vmem>> -> memref<25920xf32, #tpu.memory_space<vmem>>
      %dma_start3A_26 = tpu.memref_slice %arg4[%mul3A_6] : memref<829440xf32, #tpu.memory_space<hbm>> -> memref<25920xf32, #tpu.memory_space<hbm>>
      tpu.enqueue_dma source(%dma_start3A_26 : memref<25920xf32, #tpu.memory_space<hbm>>) target(%dma_start3A_25 : memref<25920xf32, #tpu.memory_space<vmem>>) target_semaphore(%run_scoped3A : memref<!tpu.dma_semaphore, #tpu.memory_space<semaphore_mem>>)
      %dma_wait3A_27 = arith.constant 0 : i32
      %dma_wait3A_28 = tpu.memref_slice %arg7[%dma_wait3A_27] : memref<25936xf32, #tpu.memory_space<vmem>> -> memref<25920xf32, #tpu.memory_space<vmem>>
      %dma_wait3A_29 = tpu.memref_slice %arg4[%mul3A_6] : memref<829440xf32, #tpu.memory_space<hbm>> -> memref<25920xf32, #tpu.memory_space<hbm>>
      %dma_wait3A_30 = arith.constant 0 : i32
      %dma_wait3A_31 = tpu.memref_slice %arg7[%dma_wait3A_30] : memref<25936xf32, #tpu.memory_space<vmem>> -> memref<25920xf32, #tpu.memory_space<vmem>>
      %dma_wait3A_32 = tpu.memref_slice %arg4[%mul3A_6] : memref<829440xf32, #tpu.memory_space<hbm>> -> memref<25920xf32, #tpu.memory_space<hbm>>
      tpu.wait_dma2 semaphore(%run_scoped3A : memref<!tpu.dma_semaphore, #tpu.memory_space<semaphore_mem>>) src(%dma_wait3A_32 : memref<25920xf32, #tpu.memory_space<hbm>>) dst(%dma_wait3A_31 : memref<25920xf32, #tpu.memory_space<vmem>>)
      tpu.yield
    }) : () -> ()
    %dma_start3A = arith.constant 0 : i32
    %dma_start3A_7 = tpu.memref_slice %arg6[%dma_start3A] : memref<25920xi32, #tpu.memory_space<vmem>> -> memref<288xi32, #tpu.memory_space<vmem>>
    %dma_start3A_8 = arith.constant 0 : i32
    %dma_start3A_9 = arith.constant 0 : i32
    %dma_start3A_10 = tpu.memref_slice %arg2[%dma_start3A_8, %dma_start3A_9] : memref<6912x128xbf16, #tpu.memory_space<hbm>> -> memref<6912x128xbf16, #tpu.memory_space<hbm>>
    tpu.enqueue_indirect_dma source(%dma_start3A_10 : memref<6912x128xbf16, #tpu.memory_space<hbm>>) target(%arg8 : memref<288x128xbf16, #tpu.memory_space<vmem>>) offsets(%dma_start3A_7 : memref<288xi32, #tpu.memory_space<vmem>>) semaphore(%arg12 : memref<!tpu.dma_semaphore, #tpu.memory_space<semaphore_mem>>)
    %scan3A = arith.constant 0 : i32
    %scan3A_11 = arith.constant 0 : i32
    %scan3A_12 = arith.constant 45 : i32
    %scan3A_13 = arith.addi %scan3A_11, %scan3A_12 : i32
    %scan3A_14 = arith.constant 1 : i32
    scf.for %scan3A_21 = %scan3A_11 to %scan3A_13 step %scan3A_14  : i32 {
      %mul3A_22 = arith.constant 2 : i32
      %mul3A_23 = arith.muli %mul3A_22, %scan3A_21 : i32
      %add3A_24 = arith.constant 0 : i32
      %add3A_25 = arith.addi %mul3A_23, %add3A_24 : i32
      %add3A_26 = arith.constant 1 : i32
      %add3A_27 = arith.addi %add3A_25, %add3A_26 : i32
      %lt3A = arith.constant 90 : i32
      %lt3A_28 = arith.cmpi slt, %add3A_27, %lt3A : i32
      %convert_element_type3A = arith.extui %lt3A_28 : i1 to i32
      %cond3A = arith.constant 0 : i32
      %cond3A_29 = arith.cmpi ne, %convert_element_type3A, %cond3A : i32
      scf.if %cond3A_29 {
        %add3A_86 = arith.constant 1 : i32
        %add3A_87 = arith.addi %add3A_25, %add3A_86 : i32
        %mul3A_88 = arith.constant 288 : i32
        %mul3A_89 = arith.muli %add3A_87, %mul3A_88 : i32
        %dma_start3A_90 = tpu.memref_slice %arg6[%mul3A_89] : memref<25920xi32, #tpu.memory_space<vmem>> -> memref<288xi32, #tpu.memory_space<vmem>>
        %dma_start3A_91 = arith.constant 0 : i32
        %dma_start3A_92 = arith.constant 0 : i32
        %dma_start3A_93 = tpu.memref_slice %arg2[%dma_start3A_91, %dma_start3A_92] : memref<6912x128xbf16, #tpu.memory_space<hbm>> -> memref<6912x128xbf16, #tpu.memory_space<hbm>>
        tpu.enqueue_indirect_dma source(%dma_start3A_93 : memref<6912x128xbf16, #tpu.memory_space<hbm>>) target(%arg9 : memref<288x128xbf16, #tpu.memory_space<vmem>>) offsets(%dma_start3A_90 : memref<288xi32, #tpu.memory_space<vmem>>) semaphore(%arg13 : memref<!tpu.dma_semaphore, #tpu.memory_space<semaphore_mem>>)
      } else {
      }
      %mul3A_30 = arith.constant 288 : i32
      %mul3A_31 = arith.muli %add3A_25, %mul3A_30 : i32
      %dma_wait3A_32 = tpu.memref_slice %arg6[%mul3A_31] : memref<25920xi32, #tpu.memory_space<vmem>> -> memref<288xi32, #tpu.memory_space<vmem>>
      %dma_wait3A_33 = arith.constant 0 : i32
      %dma_wait3A_34 = arith.constant 0 : i32
      %dma_wait3A_35 = tpu.memref_slice %arg2[%dma_wait3A_33, %dma_wait3A_34] : memref<6912x128xbf16, #tpu.memory_space<hbm>> -> memref<6912x128xbf16, #tpu.memory_space<hbm>>
      tpu.wait_indirect_dma semaphore(%arg12 : memref<!tpu.dma_semaphore, #tpu.memory_space<semaphore_mem>>) src(%dma_wait3A_35 : memref<6912x128xbf16, #tpu.memory_space<hbm>>) dst(%arg8 : memref<288x128xbf16, #tpu.memory_space<vmem>>)
      %scan3A_36 = arith.constant 0 : i32
      %scan3A_37 = arith.constant 0 : i32
      %scan3A_38 = arith.constant 96 : i32
      %scan3A_39 = arith.addi %scan3A_37, %scan3A_38 : i32
      %scan3A_40 = arith.constant 1 : i32
      scf.for %scan3A_86 = %scan3A_37 to %scan3A_39 step %scan3A_40  : i32 {
        %mul3A_87 = arith.constant 3 : i32
        %mul3A_88 = arith.muli %mul3A_87, %scan3A_86 : i32
        %mul3A_89 = arith.constant 288 : i32
        %mul3A_90 = arith.muli %add3A_25, %mul3A_89 : i32
        %add3A_91 = arith.addi %mul3A_90, %mul3A_88 : i32
        %get3A = arith.index_cast %add3A_91 : i32 to index
        %get3A_92 = tpu.vector_load %arg7[%get3A] {strides = array<i32>} : memref<25936xf32, #tpu.memory_space<vmem>>, vector<16xf32>,
        %broadcast_in_dim3A = arith.constant 0 : i32
        %broadcast_in_dim3A_93 = vector.broadcast %broadcast_in_dim3A : i32 to vector<16x1xi32>
        %gather3A = vector.shape_cast %broadcast_in_dim3A_93 : vector<16x1xi32> to vector<16xi32>
        %gather3A_94 = tpu.dynamic_gather %get3A_92[%gather3A] in [0] : vector<16xf32>, vector<16xi32> -> vector<16xf32>
        %broadcast_in_dim3A_95 = arith.constant 1 : i32
        %broadcast_in_dim3A_96 = vector.broadcast %broadcast_in_dim3A_95 : i32 to vector<16x1xi32>
        %gather3A_97 = vector.shape_cast %broadcast_in_dim3A_96 : vector<16x1xi32> to vector<16xi32>
        %gather3A_98 = tpu.dynamic_gather %get3A_92[%gather3A_97] in [0] : vector<16xf32>, vector<16xi32> -> vector<16xf32>
        %broadcast_in_dim3A_99 = arith.constant 2 : i32
        %broadcast_in_dim3A_100 = vector.broadcast %broadcast_in_dim3A_99 : i32 to vector<16x1xi32>
        %gather3A_101 = vector.shape_cast %broadcast_in_dim3A_100 : vector<16x1xi32> to vector<16xi32>
        %gather3A_102 = tpu.dynamic_gather %get3A_92[%gather3A_101] in [0] : vector<16xf32>, vector<16xi32> -> vector<16xf32>
        %get3A_103 = arith.index_cast %mul3A_88 : i32 to index
        %get3A_104 = arith.constant 0 : index
        %get3A_105 = tpu.vector_load %arg8[%get3A_103, %get3A_104] {strides = array<i32>} : memref<288x128xbf16, #tpu.memory_space<vmem>>, vector<32xbf16>,
        %unpack3A = tpu.unpack_subelements %get3A_105, 0 {pack_format = #tpu.pack_format<interleaved>} : vector<32xbf16> -> vector<16xf32>
        %unpack3A_106 = tpu.unpack_subelements %get3A_105, 1 {pack_format = #tpu.pack_format<interleaved>} : vector<32xbf16> -> vector<16xf32>
        %add3A_107 = arith.constant 1 : i32
        %add3A_108 = arith.addi %mul3A_88, %add3A_107 : i32
        %get3A_109 = arith.index_cast %add3A_108 : i32 to index
        %get3A_110 = arith.constant 0 : index
        %get3A_111 = tpu.vector_load %arg8[%get3A_109, %get3A_110] {strides = array<i32>} : memref<288x128xbf16, #tpu.memory_space<vmem>>, vector<32xbf16>,
        %unpack3A_112 = tpu.unpack_subelements %get3A_111, 0 {pack_format = #tpu.pack_format<interleaved>} : vector<32xbf16> -> vector<16xf32>
        %unpack3A_113 = tpu.unpack_subelements %get3A_111, 1 {pack_format = #tpu.pack_format<interleaved>} : vector<32xbf16> -> vector<16xf32>
        %add3A_114 = arith.constant 2 : i32
        %add3A_115 = arith.addi %mul3A_88, %add3A_114 : i32
        %get3A_116 = arith.index_cast %add3A_115 : i32 to index
        %get3A_117 = arith.constant 0 : index
        %get3A_118 = tpu.vector_load %arg8[%get3A_116, %get3A_117] {strides = array<i32>} : memref<288x128xbf16, #tpu.memory_space<vmem>>, vector<32xbf16>,
        %unpack3A_119 = tpu.unpack_subelements %get3A_118, 0 {pack_format = #tpu.pack_format<interleaved>} : vector<32xbf16> -> vector<16xf32>
        %unpack3A_120 = tpu.unpack_subelements %get3A_118, 1 {pack_format = #tpu.pack_format<interleaved>} : vector<32xbf16> -> vector<16xf32>
        %mul3A_121 = arith.mulf %gather3A_94, %unpack3A : vector<16xf32>
        %mul3A_122 = arith.mulf %gather3A_98, %unpack3A_112 : vector<16xf32>
        %add3A_123 = arith.addf %mul3A_121, %mul3A_122 : vector<16xf32>
        %mul3A_124 = arith.mulf %gather3A_102, %unpack3A_119 : vector<16xf32>
        %add3A_125 = arith.addf %add3A_123, %mul3A_124 : vector<16xf32>
        %mul3A_126 = arith.mulf %gather3A_94, %unpack3A_106 : vector<16xf32>
        %mul3A_127 = arith.mulf %gather3A_98, %unpack3A_113 : vector<16xf32>
        %add3A_128 = arith.addf %mul3A_126, %mul3A_127 : vector<16xf32>
        %mul3A_129 = arith.mulf %gather3A_102, %unpack3A_120 : vector<16xf32>
        %add3A_130 = arith.addf %add3A_128, %mul3A_129 : vector<16xf32>
        %pack3A = tpu.pack_subelements %add3A_125, %add3A_130 {pack_format = #tpu.pack_format<interleaved>, positions = array<i32: 0, 1>} : vector<16xf32>, vector<16xf32> -> vector<32xbf16>
        %swap3A = arith.index_cast %scan3A_86 : i32 to index
        %swap3A_131 = arith.constant 0 : index
        %swap3A_132 = tpu.vector_load %arg10[%swap3A, %swap3A_131] {strides = array<i32>} : memref<96x128xbf16, #tpu.memory_space<vmem>>, vector<32xbf16>,
        tpu.vector_store %arg10[%swap3A, %swap3A_131], %pack3A {strides = array<i32>} : memref<96x128xbf16, #tpu.memory_space<vmem>>, vector<32xbf16>,
        %get3A_133 = arith.index_cast %mul3A_88 : i32 to index
        %get3A_134 = arith.constant 32 : index
        %get3A_135 = tpu.vector_load %arg8[%get3A_133, %get3A_134] {strides = array<i32>} : memref<288x128xbf16, #tpu.memory_space<vmem>>, vector<32xbf16>,
        %unpack3A_136 = tpu.unpack_subelements %get3A_135, 0 {pack_format = #tpu.pack_format<interleaved>} : vector<32xbf16> -> vector<16xf32>
        %unpack3A_137 = tpu.unpack_subelements %get3A_135, 1 {pack_format = #tpu.pack_format<interleaved>} : vector<32xbf16> -> vector<16xf32>
        %add3A_138 = arith.constant 1 : i32
        %add3A_139 = arith.addi %mul3A_88, %add3A_138 : i32
        %get3A_140 = arith.index_cast %add3A_139 : i32 to index
        %get3A_141 = arith.constant 32 : index
        %get3A_142 = tpu.vector_load %arg8[%get3A_140, %get3A_141] {strides = array<i32>} : memref<288x128xbf16, #tpu.memory_space<vmem>>, vector<32xbf16>,
        %unpack3A_143 = tpu.unpack_subelements %get3A_142, 0 {pack_format = #tpu.pack_format<interleaved>} : vector<32xbf16> -> vector<16xf32>
        %unpack3A_144 = tpu.unpack_subelements %get3A_142, 1 {pack_format = #tpu.pack_format<interleaved>} : vector<32xbf16> -> vector<16xf32>
        %add3A_145 = arith.constant 2 : i32
        %add3A_146 = arith.addi %mul3A_88, %add3A_145 : i32
        %get3A_147 = arith.index_cast %add3A_146 : i32 to index
        %get3A_148 = arith.constant 32 : index
        %get3A_149 = tpu.vector_load %arg8[%get3A_147, %get3A_148] {strides = array<i32>} : memref<288x128xbf16, #tpu.memory_space<vmem>>, vector<32xbf16>,
        %unpack3A_150 = tpu.unpack_subelements %get3A_149, 0 {pack_format = #tpu.pack_format<interleaved>} : vector<32xbf16> -> vector<16xf32>
        %unpack3A_151 = tpu.unpack_subelements %get3A_149, 1 {pack_format = #tpu.pack_format<interleaved>} : vector<32xbf16> -> vector<16xf32>
        %mul3A_152 = arith.mulf %gather3A_94, %unpack3A_136 : vector<16xf32>
        %mul3A_153 = arith.mulf %gather3A_98, %unpack3A_143 : vector<16xf32>
        %add3A_154 = arith.addf %mul3A_152, %mul3A_153 : vector<16xf32>
        %mul3A_155 = arith.mulf %gather3A_102, %unpack3A_150 : vector<16xf32>
        %add3A_156 = arith.addf %add3A_154, %mul3A_155 : vector<16xf32>
        %mul3A_157 = arith.mulf %gather3A_94, %unpack3A_137 : vector<16xf32>
        %mul3A_158 = arith.mulf %gather3A_98, %unpack3A_144 : vector<16xf32>
        %add3A_159 = arith.addf %mul3A_157, %mul3A_158 : vector<16xf32>
        %mul3A_160 = arith.mulf %gather3A_102, %unpack3A_151 : vector<16xf32>
        %add3A_161 = arith.addf %add3A_159, %mul3A_160 : vector<16xf32>
        %pack3A_162 = tpu.pack_subelements %add3A_156, %add3A_161 {pack_format = #tpu.pack_format<interleaved>, positions = array<i32: 0, 1>} : vector<16xf32>, vector<16xf32> -> vector<32xbf16>
        %swap3A_163 = arith.index_cast %scan3A_86 : i32 to index
        %swap3A_164 = arith.constant 32 : index
        %swap3A_165 = tpu.vector_load %arg10[%swap3A_163, %swap3A_164] {strides = array<i32>} : memref<96x128xbf16, #tpu.memory_space<vmem>>, vector<32xbf16>,
        tpu.vector_store %arg10[%swap3A_163, %swap3A_164], %pack3A_162 {strides = array<i32>} : memref<96x128xbf16, #tpu.memory_space<vmem>>, vector<32xbf16>,
        %get3A_166 = arith.index_cast %mul3A_88 : i32 to index
        %get3A_167 = arith.constant 64 : index
        %get3A_168 = tpu.vector_load %arg8[%get3A_166, %get3A_167] {strides = array<i32>} : memref<288x128xbf16, #tpu.memory_space<vmem>>, vector<32xbf16>,
        %unpack3A_169 = tpu.unpack_subelements %get3A_168, 0 {pack_format = #tpu.pack_format<interleaved>} : vector<32xbf16> -> vector<16xf32>
        %unpack3A_170 = tpu.unpack_subelements %get3A_168, 1 {pack_format = #tpu.pack_format<interleaved>} : vector<32xbf16> -> vector<16xf32>
        %add3A_171 = arith.constant 1 : i32
        %add3A_172 = arith.addi %mul3A_88, %add3A_171 : i32
        %get3A_173 = arith.index_cast %add3A_172 : i32 to index
        %get3A_174 = arith.constant 64 : index
        %get3A_175 = tpu.vector_load %arg8[%get3A_173, %get3A_174] {strides = array<i32>} : memref<288x128xbf16, #tpu.memory_space<vmem>>, vector<32xbf16>,
        %unpack3A_176 = tpu.unpack_subelements %get3A_175, 0 {pack_format = #tpu.pack_format<interleaved>} : vector<32xbf16> -> vector<16xf32>
        %unpack3A_177 = tpu.unpack_subelements %get3A_175, 1 {pack_format = #tpu.pack_format<interleaved>} : vector<32xbf16> -> vector<16xf32>
        %add3A_178 = arith.constant 2 : i32
        %add3A_179 = arith.addi %mul3A_88, %add3A_178 : i32
        %get3A_180 = arith.index_cast %add3A_179 : i32 to index
        %get3A_181 = arith.constant 64 : index
        %get3A_182 = tpu.vector_load %arg8[%get3A_180, %get3A_181] {strides = array<i32>} : memref<288x128xbf16, #tpu.memory_space<vmem>>, vector<32xbf16>,
        %unpack3A_183 = tpu.unpack_subelements %get3A_182, 0 {pack_format = #tpu.pack_format<interleaved>} : vector<32xbf16> -> vector<16xf32>
        %unpack3A_184 = tpu.unpack_subelements %get3A_182, 1 {pack_format = #tpu.pack_format<interleaved>} : vector<32xbf16> -> vector<16xf32>
        %mul3A_185 = arith.mulf %gather3A_94, %unpack3A_169 : vector<16xf32>
        %mul3A_186 = arith.mulf %gather3A_98, %unpack3A_176 : vector<16xf32>
        %add3A_187 = arith.addf %mul3A_185, %mul3A_186 : vector<16xf32>
        %mul3A_188 = arith.mulf %gather3A_102, %unpack3A_183 : vector<16xf32>
        %add3A_189 = arith.addf %add3A_187, %mul3A_188 : vector<16xf32>
        %mul3A_190 = arith.mulf %gather3A_94, %unpack3A_170 : vector<16xf32>
        %mul3A_191 = arith.mulf %gather3A_98, %unpack3A_177 : vector<16xf32>
        %add3A_192 = arith.addf %mul3A_190, %mul3A_191 : vector<16xf32>
        %mul3A_193 = arith.mulf %gather3A_102, %unpack3A_184 : vector<16xf32>
        %add3A_194 = arith.addf %add3A_192, %mul3A_193 : vector<16xf32>
        %pack3A_195 = tpu.pack_subelements %add3A_189, %add3A_194 {pack_format = #tpu.pack_format<interleaved>, positions = array<i32: 0, 1>} : vector<16xf32>, vector<16xf32> -> vector<32xbf16>
        %swap3A_196 = arith.index_cast %scan3A_86 : i32 to index
        %swap3A_197 = arith.constant 64 : index
        %swap3A_198 = tpu.vector_load %arg10[%swap3A_196, %swap3A_197] {strides = array<i32>} : memref<96x128xbf16, #tpu.memory_space<vmem>>, vector<32xbf16>,
        tpu.vector_store %arg10[%swap3A_196, %swap3A_197], %pack3A_195 {strides = array<i32>} : memref<96x128xbf16, #tpu.memory_space<vmem>>, vector<32xbf16>,
        %get3A_199 = arith.index_cast %mul3A_88 : i32 to index
        %get3A_200 = arith.constant 96 : index
        %get3A_201 = tpu.vector_load %arg8[%get3A_199, %get3A_200] {strides = array<i32>} : memref<288x128xbf16, #tpu.memory_space<vmem>>, vector<32xbf16>,
        %unpack3A_202 = tpu.unpack_subelements %get3A_201, 0 {pack_format = #tpu.pack_format<interleaved>} : vector<32xbf16> -> vector<16xf32>
        %unpack3A_203 = tpu.unpack_subelements %get3A_201, 1 {pack_format = #tpu.pack_format<interleaved>} : vector<32xbf16> -> vector<16xf32>
        %add3A_204 = arith.constant 1 : i32
        %add3A_205 = arith.addi %mul3A_88, %add3A_204 : i32
        %get3A_206 = arith.index_cast %add3A_205 : i32 to index
        %get3A_207 = arith.constant 96 : index
        %get3A_208 = tpu.vector_load %arg8[%get3A_206, %get3A_207] {strides = array<i32>} : memref<288x128xbf16, #tpu.memory_space<vmem>>, vector<32xbf16>,
        %unpack3A_209 = tpu.unpack_subelements %get3A_208, 0 {pack_format = #tpu.pack_format<interleaved>} : vector<32xbf16> -> vector<16xf32>
        %unpack3A_210 = tpu.unpack_subelements %get3A_208, 1 {pack_format = #tpu.pack_format<interleaved>} : vector<32xbf16> -> vector<16xf32>
        %add3A_211 = arith.constant 2 : i32
        %add3A_212 = arith.addi %mul3A_88, %add3A_211 : i32
        %get3A_213 = arith.index_cast %add3A_212 : i32 to index
        %get3A_214 = arith.constant 96 : index
        %get3A_215 = tpu.vector_load %arg8[%get3A_213, %get3A_214] {strides = array<i32>} : memref<288x128xbf16, #tpu.memory_space<vmem>>, vector<32xbf16>,
        %unpack3A_216 = tpu.unpack_subelements %get3A_215, 0 {pack_format = #tpu.pack_format<interleaved>} : vector<32xbf16> -> vector<16xf32>
        %unpack3A_217 = tpu.unpack_subelements %get3A_215, 1 {pack_format = #tpu.pack_format<interleaved>} : vector<32xbf16> -> vector<16xf32>
        %mul3A_218 = arith.mulf %gather3A_94, %unpack3A_202 : vector<16xf32>
        %mul3A_219 = arith.mulf %gather3A_98, %unpack3A_209 : vector<16xf32>
        %add3A_220 = arith.addf %mul3A_218, %mul3A_219 : vector<16xf32>
        %mul3A_221 = arith.mulf %gather3A_102, %unpack3A_216 : vector<16xf32>
        %add3A_222 = arith.addf %add3A_220, %mul3A_221 : vector<16xf32>
        %mul3A_223 = arith.mulf %gather3A_94, %unpack3A_203 : vector<16xf32>
        %mul3A_224 = arith.mulf %gather3A_98, %unpack3A_210 : vector<16xf32>
        %add3A_225 = arith.addf %mul3A_223, %mul3A_224 : vector<16xf32>
        %mul3A_226 = arith.mulf %gather3A_102, %unpack3A_217 : vector<16xf32>
        %add3A_227 = arith.addf %add3A_225, %mul3A_226 : vector<16xf32>
        %pack3A_228 = tpu.pack_subelements %add3A_222, %add3A_227 {pack_format = #tpu.pack_format<interleaved>, positions = array<i32: 0, 1>} : vector<16xf32>, vector<16xf32> -> vector<32xbf16>
        %swap3A_229 = arith.index_cast %scan3A_86 : i32 to index
        %swap3A_230 = arith.constant 96 : index
        %swap3A_231 = tpu.vector_load %arg10[%swap3A_229, %swap3A_230] {strides = array<i32>} : memref<96x128xbf16, #tpu.memory_space<vmem>>, vector<32xbf16>,
        tpu.vector_store %arg10[%swap3A_229, %swap3A_230], %pack3A_228 {strides = array<i32>} : memref<96x128xbf16, #tpu.memory_space<vmem>>, vector<32xbf16>,
      }
      %scan3A_41 = arith.constant 96 : i32
      %ge3A = arith.constant 1 : i32
      %ge3A_42 = arith.cmpi sge, %add3A_25, %ge3A : i32
      %convert_element_type3A_43 = arith.extui %ge3A_42 : i1 to i32
      %cond3A_44 = arith.constant 0 : i32
      %cond3A_45 = arith.cmpi ne, %convert_element_type3A_43, %cond3A_44 : i32
      scf.if %cond3A_45 {
        %sub3A = arith.constant 1 : i32
        %sub3A_86 = arith.subi %add3A_25, %sub3A : i32
        %mul3A_87 = arith.constant 96 : i32
        %mul3A_88 = arith.muli %sub3A_86, %mul3A_87 : i32
        %add3A_89 = arith.addi %mul3A_2, %mul3A_88 : i32
        %dma_wait3A_90 = arith.constant 0 : i32
        %dma_wait3A_91 = tpu.memref_slice %arg5[%add3A_89, %dma_wait3A_90] : memref<276480x128xbf16, #tpu.memory_space<hbm>> -> memref<96x128xbf16, #tpu.memory_space<hbm>>
        %dma_wait3A_92 = arith.constant 0 : i32
        %dma_wait3A_93 = tpu.memref_slice %arg5[%add3A_89, %dma_wait3A_92] : memref<276480x128xbf16, #tpu.memory_space<hbm>> -> memref<96x128xbf16, #tpu.memory_space<hbm>>
        tpu.wait_dma2 semaphore(%arg14 : memref<!tpu.dma_semaphore, #tpu.memory_space<semaphore_mem>>) src(%arg11 : memref<96x128xbf16, #tpu.memory_space<vmem>>) dst(%dma_wait3A_93 : memref<96x128xbf16, #tpu.memory_space<hbm>>)
      } else {
      }
      %mul3A_46 = arith.constant 96 : i32
      %mul3A_47 = arith.muli %add3A_25, %mul3A_46 : i32
      %add3A_48 = arith.addi %mul3A_2, %mul3A_47 : i32
      %dma_start3A_49 = arith.constant 0 : i32
      %dma_start3A_50 = tpu.memref_slice %arg5[%add3A_48, %dma_start3A_49] : memref<276480x128xbf16, #tpu.memory_space<hbm>> -> memref<96x128xbf16, #tpu.memory_space<hbm>>
      %dma_start3A_51 = arith.constant 0 : i32
      %dma_start3A_52 = tpu.memref_slice %arg5[%add3A_48, %dma_start3A_51] : memref<276480x128xbf16, #tpu.memory_space<hbm>> -> memref<96x128xbf16, #tpu.memory_space<hbm>>
      tpu.enqueue_dma source(%arg10 : memref<96x128xbf16, #tpu.memory_space<vmem>>) target(%dma_start3A_52 : memref<96x128xbf16, #tpu.memory_space<hbm>>) target_semaphore(%arg14 : memref<!tpu.dma_semaphore, #tpu.memory_space<semaphore_mem>>)
      %add3A_53 = arith.constant 1 : i32
      %add3A_54 = arith.addi %mul3A_23, %add3A_53 : i32
      %add3A_55 = arith.constant 1 : i32
      %add3A_56 = arith.addi %add3A_54, %add3A_55 : i32
      %lt3A_57 = arith.constant 90 : i32
      %lt3A_58 = arith.cmpi slt, %add3A_56, %lt3A_57 : i32
      %convert_element_type3A_59 = arith.extui %lt3A_58 : i1 to i32
      %cond3A_60 = arith.constant 0 : i32
      %cond3A_61 = arith.cmpi ne, %convert_element_type3A_59, %cond3A_60 : i32
      scf.if %cond3A_61 {
        %add3A_86 = arith.constant 1 : i32
        %add3A_87 = arith.addi %add3A_54, %add3A_86 : i32
        %mul3A_88 = arith.constant 288 : i32
        %mul3A_89 = arith.muli %add3A_87, %mul3A_88 : i32
        %dma_start3A_90 = tpu.memref_slice %arg6[%mul3A_89] : memref<25920xi32, #tpu.memory_space<vmem>> -> memref<288xi32, #tpu.memory_space<vmem>>
        %dma_start3A_91 = arith.constant 0 : i32
        %dma_start3A_92 = arith.constant 0 : i32
        %dma_start3A_93 = tpu.memref_slice %arg2[%dma_start3A_91, %dma_start3A_92] : memref<6912x128xbf16, #tpu.memory_space<hbm>> -> memref<6912x128xbf16, #tpu.memory_space<hbm>>
        tpu.enqueue_indirect_dma source(%dma_start3A_93 : memref<6912x128xbf16, #tpu.memory_space<hbm>>) target(%arg8 : memref<288x128xbf16, #tpu.memory_space<vmem>>) offsets(%dma_start3A_90 : memref<288xi32, #tpu.memory_space<vmem>>) semaphore(%arg12 : memref<!tpu.dma_semaphore, #tpu.memory_space<semaphore_mem>>)
      } else {
      }
      %mul3A_62 = arith.constant 288 : i32
      %mul3A_63 = arith.muli %add3A_54, %mul3A_62 : i32
      %dma_wait3A_64 = tpu.memref_slice %arg6[%mul3A_63] : memref<25920xi32, #tpu.memory_space<vmem>> -> memref<288xi32, #tpu.memory_space<vmem>>
      %dma_wait3A_65 = arith.constant 0 : i32
      %dma_wait3A_66 = arith.constant 0 : i32
      %dma_wait3A_67 = tpu.memref_slice %arg2[%dma_wait3A_65, %dma_wait3A_66] : memref<6912x128xbf16, #tpu.memory_space<hbm>> -> memref<6912x128xbf16, #tpu.memory_space<hbm>>
      tpu.wait_indirect_dma semaphore(%arg13 : memref<!tpu.dma_semaphore, #tpu.memory_space<semaphore_mem>>) src(%dma_wait3A_67 : memref<6912x128xbf16, #tpu.memory_space<hbm>>) dst(%arg9 : memref<288x128xbf16, #tpu.memory_space<vmem>>)
      %scan3A_68 = arith.constant 0 : i32
      %scan3A_69 = arith.constant 0 : i32
      %scan3A_70 = arith.constant 96 : i32
      %scan3A_71 = arith.addi %scan3A_69, %scan3A_70 : i32
      %scan3A_72 = arith.constant 1 : i32
      scf.for %scan3A_86 = %scan3A_69 to %scan3A_71 step %scan3A_72  : i32 {
        %mul3A_87 = arith.constant 3 : i32
        %mul3A_88 = arith.muli %mul3A_87, %scan3A_86 : i32
        %mul3A_89 = arith.constant 288 : i32
        %mul3A_90 = arith.muli %add3A_54, %mul3A_89 : i32
        %add3A_91 = arith.addi %mul3A_90, %mul3A_88 : i32
        %get3A = arith.index_cast %add3A_91 : i32 to index
        %get3A_92 = tpu.vector_load %arg7[%get3A] {strides = array<i32>} : memref<25936xf32, #tpu.memory_space<vmem>>, vector<16xf32>,
        %broadcast_in_dim3A = arith.constant 0 : i32
        %broadcast_in_dim3A_93 = vector.broadcast %broadcast_in_dim3A : i32 to vector<16x1xi32>
        %gather3A = vector.shape_cast %broadcast_in_dim3A_93 : vector<16x1xi32> to vector<16xi32>
        %gather3A_94 = tpu.dynamic_gather %get3A_92[%gather3A] in [0] : vector<16xf32>, vector<16xi32> -> vector<16xf32>
        %broadcast_in_dim3A_95 = arith.constant 1 : i32
        %broadcast_in_dim3A_96 = vector.broadcast %broadcast_in_dim3A_95 : i32 to vector<16x1xi32>
        %gather3A_97 = vector.shape_cast %broadcast_in_dim3A_96 : vector<16x1xi32> to vector<16xi32>
        %gather3A_98 = tpu.dynamic_gather %get3A_92[%gather3A_97] in [0] : vector<16xf32>, vector<16xi32> -> vector<16xf32>
        %broadcast_in_dim3A_99 = arith.constant 2 : i32
        %broadcast_in_dim3A_100 = vector.broadcast %broadcast_in_dim3A_99 : i32 to vector<16x1xi32>
        %gather3A_101 = vector.shape_cast %broadcast_in_dim3A_100 : vector<16x1xi32> to vector<16xi32>
        %gather3A_102 = tpu.dynamic_gather %get3A_92[%gather3A_101] in [0] : vector<16xf32>, vector<16xi32> -> vector<16xf32>
        %get3A_103 = arith.index_cast %mul3A_88 : i32 to index
        %get3A_104 = arith.constant 0 : index
        %get3A_105 = tpu.vector_load %arg9[%get3A_103, %get3A_104] {strides = array<i32>} : memref<288x128xbf16, #tpu.memory_space<vmem>>, vector<32xbf16>,
        %unpack3A = tpu.unpack_subelements %get3A_105, 0 {pack_format = #tpu.pack_format<interleaved>} : vector<32xbf16> -> vector<16xf32>
        %unpack3A_106 = tpu.unpack_subelements %get3A_105, 1 {pack_format = #tpu.pack_format<interleaved>} : vector<32xbf16> -> vector<16xf32>
        %add3A_107 = arith.constant 1 : i32
        %add3A_108 = arith.addi %mul3A_88, %add3A_107 : i32
        %get3A_109 = arith.index_cast %add3A_108 : i32 to index
        %get3A_110 = arith.constant 0 : index
        %get3A_111 = tpu.vector_load %arg9[%get3A_109, %get3A_110] {strides = array<i32>} : memref<288x128xbf16, #tpu.memory_space<vmem>>, vector<32xbf16>,
        %unpack3A_112 = tpu.unpack_subelements %get3A_111, 0 {pack_format = #tpu.pack_format<interleaved>} : vector<32xbf16> -> vector<16xf32>
        %unpack3A_113 = tpu.unpack_subelements %get3A_111, 1 {pack_format = #tpu.pack_format<interleaved>} : vector<32xbf16> -> vector<16xf32>
        %add3A_114 = arith.constant 2 : i32
        %add3A_115 = arith.addi %mul3A_88, %add3A_114 : i32
        %get3A_116 = arith.index_cast %add3A_115 : i32 to index
        %get3A_117 = arith.constant 0 : index
        %get3A_118 = tpu.vector_load %arg9[%get3A_116, %get3A_117] {strides = array<i32>} : memref<288x128xbf16, #tpu.memory_space<vmem>>, vector<32xbf16>,
        %unpack3A_119 = tpu.unpack_subelements %get3A_118, 0 {pack_format = #tpu.pack_format<interleaved>} : vector<32xbf16> -> vector<16xf32>
        %unpack3A_120 = tpu.unpack_subelements %get3A_118, 1 {pack_format = #tpu.pack_format<interleaved>} : vector<32xbf16> -> vector<16xf32>
        %mul3A_121 = arith.mulf %gather3A_94, %unpack3A : vector<16xf32>
        %mul3A_122 = arith.mulf %gather3A_98, %unpack3A_112 : vector<16xf32>
        %add3A_123 = arith.addf %mul3A_121, %mul3A_122 : vector<16xf32>
        %mul3A_124 = arith.mulf %gather3A_102, %unpack3A_119 : vector<16xf32>
        %add3A_125 = arith.addf %add3A_123, %mul3A_124 : vector<16xf32>
        %mul3A_126 = arith.mulf %gather3A_94, %unpack3A_106 : vector<16xf32>
        %mul3A_127 = arith.mulf %gather3A_98, %unpack3A_113 : vector<16xf32>
        %add3A_128 = arith.addf %mul3A_126, %mul3A_127 : vector<16xf32>
        %mul3A_129 = arith.mulf %gather3A_102, %unpack3A_120 : vector<16xf32>
        %add3A_130 = arith.addf %add3A_128, %mul3A_129 : vector<16xf32>
        %pack3A = tpu.pack_subelements %add3A_125, %add3A_130 {pack_format = #tpu.pack_format<interleaved>, positions = array<i32: 0, 1>} : vector<16xf32>, vector<16xf32> -> vector<32xbf16>
        %swap3A = arith.index_cast %scan3A_86 : i32 to index
        %swap3A_131 = arith.constant 0 : index
        %swap3A_132 = tpu.vector_load %arg11[%swap3A, %swap3A_131] {strides = array<i32>} : memref<96x128xbf16, #tpu.memory_space<vmem>>, vector<32xbf16>,
        tpu.vector_store %arg11[%swap3A, %swap3A_131], %pack3A {strides = array<i32>} : memref<96x128xbf16, #tpu.memory_space<vmem>>, vector<32xbf16>,
        %get3A_133 = arith.index_cast %mul3A_88 : i32 to index
        %get3A_134 = arith.constant 32 : index
        %get3A_135 = tpu.vector_load %arg9[%get3A_133, %get3A_134] {strides = array<i32>} : memref<288x128xbf16, #tpu.memory_space<vmem>>, vector<32xbf16>,
        %unpack3A_136 = tpu.unpack_subelements %get3A_135, 0 {pack_format = #tpu.pack_format<interleaved>} : vector<32xbf16> -> vector<16xf32>
        %unpack3A_137 = tpu.unpack_subelements %get3A_135, 1 {pack_format = #tpu.pack_format<interleaved>} : vector<32xbf16> -> vector<16xf32>
        %add3A_138 = arith.constant 1 : i32
        %add3A_139 = arith.addi %mul3A_88, %add3A_138 : i32
        %get3A_140 = arith.index_cast %add3A_139 : i32 to index
        %get3A_141 = arith.constant 32 : index
        %get3A_142 = tpu.vector_load %arg9[%get3A_140, %get3A_141] {strides = array<i32>} : memref<288x128xbf16, #tpu.memory_space<vmem>>, vector<32xbf16>,
        %unpack3A_143 = tpu.unpack_subelements %get3A_142, 0 {pack_format = #tpu.pack_format<interleaved>} : vector<32xbf16> -> vector<16xf32>
        %unpack3A_144 = tpu.unpack_subelements %get3A_142, 1 {pack_format = #tpu.pack_format<interleaved>} : vector<32xbf16> -> vector<16xf32>
        %add3A_145 = arith.constant 2 : i32
        %add3A_146 = arith.addi %mul3A_88, %add3A_145 : i32
        %get3A_147 = arith.index_cast %add3A_146 : i32 to index
        %get3A_148 = arith.constant 32 : index
        %get3A_149 = tpu.vector_load %arg9[%get3A_147, %get3A_148] {strides = array<i32>} : memref<288x128xbf16, #tpu.memory_space<vmem>>, vector<32xbf16>,
        %unpack3A_150 = tpu.unpack_subelements %get3A_149, 0 {pack_format = #tpu.pack_format<interleaved>} : vector<32xbf16> -> vector<16xf32>
        %unpack3A_151 = tpu.unpack_subelements %get3A_149, 1 {pack_format = #tpu.pack_format<interleaved>} : vector<32xbf16> -> vector<16xf32>
        %mul3A_152 = arith.mulf %gather3A_94, %unpack3A_136 : vector<16xf32>
        %mul3A_153 = arith.mulf %gather3A_98, %unpack3A_143 : vector<16xf32>
        %add3A_154 = arith.addf %mul3A_152, %mul3A_153 : vector<16xf32>
        %mul3A_155 = arith.mulf %gather3A_102, %unpack3A_150 : vector<16xf32>
        %add3A_156 = arith.addf %add3A_154, %mul3A_155 : vector<16xf32>
        %mul3A_157 = arith.mulf %gather3A_94, %unpack3A_137 : vector<16xf32>
        %mul3A_158 = arith.mulf %gather3A_98, %unpack3A_144 : vector<16xf32>
        %add3A_159 = arith.addf %mul3A_157, %mul3A_158 : vector<16xf32>
        %mul3A_160 = arith.mulf %gather3A_102, %unpack3A_151 : vector<16xf32>
        %add3A_161 = arith.addf %add3A_159, %mul3A_160 : vector<16xf32>
        %pack3A_162 = tpu.pack_subelements %add3A_156, %add3A_161 {pack_format = #tpu.pack_format<interleaved>, positions = array<i32: 0, 1>} : vector<16xf32>, vector<16xf32> -> vector<32xbf16>
        %swap3A_163 = arith.index_cast %scan3A_86 : i32 to index
        %swap3A_164 = arith.constant 32 : index
        %swap3A_165 = tpu.vector_load %arg11[%swap3A_163, %swap3A_164] {strides = array<i32>} : memref<96x128xbf16, #tpu.memory_space<vmem>>, vector<32xbf16>,
        tpu.vector_store %arg11[%swap3A_163, %swap3A_164], %pack3A_162 {strides = array<i32>} : memref<96x128xbf16, #tpu.memory_space<vmem>>, vector<32xbf16>,
        %get3A_166 = arith.index_cast %mul3A_88 : i32 to index
        %get3A_167 = arith.constant 64 : index
        %get3A_168 = tpu.vector_load %arg9[%get3A_166, %get3A_167] {strides = array<i32>} : memref<288x128xbf16, #tpu.memory_space<vmem>>, vector<32xbf16>,
        %unpack3A_169 = tpu.unpack_subelements %get3A_168, 0 {pack_format = #tpu.pack_format<interleaved>} : vector<32xbf16> -> vector<16xf32>
        %unpack3A_170 = tpu.unpack_subelements %get3A_168, 1 {pack_format = #tpu.pack_format<interleaved>} : vector<32xbf16> -> vector<16xf32>
        %add3A_171 = arith.constant 1 : i32
        %add3A_172 = arith.addi %mul3A_88, %add3A_171 : i32
        %get3A_173 = arith.index_cast %add3A_172 : i32 to index
        %get3A_174 = arith.constant 64 : index
        %get3A_175 = tpu.vector_load %arg9[%get3A_173, %get3A_174] {strides = array<i32>} : memref<288x128xbf16, #tpu.memory_space<vmem>>, vector<32xbf16>,
        %unpack3A_176 = tpu.unpack_subelements %get3A_175, 0 {pack_format = #tpu.pack_format<interleaved>} : vector<32xbf16> -> vector<16xf32>
        %unpack3A_177 = tpu.unpack_subelements %get3A_175, 1 {pack_format = #tpu.pack_format<interleaved>} : vector<32xbf16> -> vector<16xf32>
        %add3A_178 = arith.constant 2 : i32
        %add3A_179 = arith.addi %mul3A_88, %add3A_178 : i32
        %get3A_180 = arith.index_cast %add3A_179 : i32 to index
        %get3A_181 = arith.constant 64 : index
        %get3A_182 = tpu.vector_load %arg9[%get3A_180, %get3A_181] {strides = array<i32>} : memref<288x128xbf16, #tpu.memory_space<vmem>>, vector<32xbf16>,
        %unpack3A_183 = tpu.unpack_subelements %get3A_182, 0 {pack_format = #tpu.pack_format<interleaved>} : vector<32xbf16> -> vector<16xf32>
        %unpack3A_184 = tpu.unpack_subelements %get3A_182, 1 {pack_format = #tpu.pack_format<interleaved>} : vector<32xbf16> -> vector<16xf32>
        %mul3A_185 = arith.mulf %gather3A_94, %unpack3A_169 : vector<16xf32>
        %mul3A_186 = arith.mulf %gather3A_98, %unpack3A_176 : vector<16xf32>
        %add3A_187 = arith.addf %mul3A_185, %mul3A_186 : vector<16xf32>
        %mul3A_188 = arith.mulf %gather3A_102, %unpack3A_183 : vector<16xf32>
        %add3A_189 = arith.addf %add3A_187, %mul3A_188 : vector<16xf32>
        %mul3A_190 = arith.mulf %gather3A_94, %unpack3A_170 : vector<16xf32>
        %mul3A_191 = arith.mulf %gather3A_98, %unpack3A_177 : vector<16xf32>
        %add3A_192 = arith.addf %mul3A_190, %mul3A_191 : vector<16xf32>
        %mul3A_193 = arith.mulf %gather3A_102, %unpack3A_184 : vector<16xf32>
        %add3A_194 = arith.addf %add3A_192, %mul3A_193 : vector<16xf32>
        %pack3A_195 = tpu.pack_subelements %add3A_189, %add3A_194 {pack_format = #tpu.pack_format<interleaved>, positions = array<i32: 0, 1>} : vector<16xf32>, vector<16xf32> -> vector<32xbf16>
        %swap3A_196 = arith.index_cast %scan3A_86 : i32 to index
        %swap3A_197 = arith.constant 64 : index
        %swap3A_198 = tpu.vector_load %arg11[%swap3A_196, %swap3A_197] {strides = array<i32>} : memref<96x128xbf16, #tpu.memory_space<vmem>>, vector<32xbf16>,
        tpu.vector_store %arg11[%swap3A_196, %swap3A_197], %pack3A_195 {strides = array<i32>} : memref<96x128xbf16, #tpu.memory_space<vmem>>, vector<32xbf16>,
        %get3A_199 = arith.index_cast %mul3A_88 : i32 to index
        %get3A_200 = arith.constant 96 : index
        %get3A_201 = tpu.vector_load %arg9[%get3A_199, %get3A_200] {strides = array<i32>} : memref<288x128xbf16, #tpu.memory_space<vmem>>, vector<32xbf16>,
        %unpack3A_202 = tpu.unpack_subelements %get3A_201, 0 {pack_format = #tpu.pack_format<interleaved>} : vector<32xbf16> -> vector<16xf32>
        %unpack3A_203 = tpu.unpack_subelements %get3A_201, 1 {pack_format = #tpu.pack_format<interleaved>} : vector<32xbf16> -> vector<16xf32>
        %add3A_204 = arith.constant 1 : i32
        %add3A_205 = arith.addi %mul3A_88, %add3A_204 : i32
        %get3A_206 = arith.index_cast %add3A_205 : i32 to index
        %get3A_207 = arith.constant 96 : index
        %get3A_208 = tpu.vector_load %arg9[%get3A_206, %get3A_207] {strides = array<i32>} : memref<288x128xbf16, #tpu.memory_space<vmem>>, vector<32xbf16>,
        %unpack3A_209 = tpu.unpack_subelements %get3A_208, 0 {pack_format = #tpu.pack_format<interleaved>} : vector<32xbf16> -> vector<16xf32>
        %unpack3A_210 = tpu.unpack_subelements %get3A_208, 1 {pack_format = #tpu.pack_format<interleaved>} : vector<32xbf16> -> vector<16xf32>
        %add3A_211 = arith.constant 2 : i32
        %add3A_212 = arith.addi %mul3A_88, %add3A_211 : i32
        %get3A_213 = arith.index_cast %add3A_212 : i32 to index
        %get3A_214 = arith.constant 96 : index
        %get3A_215 = tpu.vector_load %arg9[%get3A_213, %get3A_214] {strides = array<i32>} : memref<288x128xbf16, #tpu.memory_space<vmem>>, vector<32xbf16>,
        %unpack3A_216 = tpu.unpack_subelements %get3A_215, 0 {pack_format = #tpu.pack_format<interleaved>} : vector<32xbf16> -> vector<16xf32>
        %unpack3A_217 = tpu.unpack_subelements %get3A_215, 1 {pack_format = #tpu.pack_format<interleaved>} : vector<32xbf16> -> vector<16xf32>
        %mul3A_218 = arith.mulf %gather3A_94, %unpack3A_202 : vector<16xf32>
        %mul3A_219 = arith.mulf %gather3A_98, %unpack3A_209 : vector<16xf32>
        %add3A_220 = arith.addf %mul3A_218, %mul3A_219 : vector<16xf32>
        %mul3A_221 = arith.mulf %gather3A_102, %unpack3A_216 : vector<16xf32>
        %add3A_222 = arith.addf %add3A_220, %mul3A_221 : vector<16xf32>
        %mul3A_223 = arith.mulf %gather3A_94, %unpack3A_203 : vector<16xf32>
        %mul3A_224 = arith.mulf %gather3A_98, %unpack3A_210 : vector<16xf32>
        %add3A_225 = arith.addf %mul3A_223, %mul3A_224 : vector<16xf32>
        %mul3A_226 = arith.mulf %gather3A_102, %unpack3A_217 : vector<16xf32>
        %add3A_227 = arith.addf %add3A_225, %mul3A_226 : vector<16xf32>
        %pack3A_228 = tpu.pack_subelements %add3A_222, %add3A_227 {pack_format = #tpu.pack_format<interleaved>, positions = array<i32: 0, 1>} : vector<16xf32>, vector<16xf32> -> vector<32xbf16>
        %swap3A_229 = arith.index_cast %scan3A_86 : i32 to index
        %swap3A_230 = arith.constant 96 : index
        %swap3A_231 = tpu.vector_load %arg11[%swap3A_229, %swap3A_230] {strides = array<i32>} : memref<96x128xbf16, #tpu.memory_space<vmem>>, vector<32xbf16>,
        tpu.vector_store %arg11[%swap3A_229, %swap3A_230], %pack3A_228 {strides = array<i32>} : memref<96x128xbf16, #tpu.memory_space<vmem>>, vector<32xbf16>,
      }
      %scan3A_73 = arith.constant 96 : i32
      %ge3A_74 = arith.constant 1 : i32
      %ge3A_75 = arith.cmpi sge, %add3A_54, %ge3A_74 : i32
      %convert_element_type3A_76 = arith.extui %ge3A_75 : i1 to i32
      %cond3A_77 = arith.constant 0 : i32
      %cond3A_78 = arith.cmpi ne, %convert_element_type3A_76, %cond3A_77 : i32
      scf.if %cond3A_78 {
        %sub3A = arith.constant 1 : i32
        %sub3A_86 = arith.subi %add3A_54, %sub3A : i32
        %mul3A_87 = arith.constant 96 : i32
        %mul3A_88 = arith.muli %sub3A_86, %mul3A_87 : i32
        %add3A_89 = arith.addi %mul3A_2, %mul3A_88 : i32
        %dma_wait3A_90 = arith.constant 0 : i32
        %dma_wait3A_91 = tpu.memref_slice %arg5[%add3A_89, %dma_wait3A_90] : memref<276480x128xbf16, #tpu.memory_space<hbm>> -> memref<96x128xbf16, #tpu.memory_space<hbm>>
        %dma_wait3A_92 = arith.constant 0 : i32
        %dma_wait3A_93 = tpu.memref_slice %arg5[%add3A_89, %dma_wait3A_92] : memref<276480x128xbf16, #tpu.memory_space<hbm>> -> memref<96x128xbf16, #tpu.memory_space<hbm>>
        tpu.wait_dma2 semaphore(%arg14 : memref<!tpu.dma_semaphore, #tpu.memory_space<semaphore_mem>>) src(%arg10 : memref<96x128xbf16, #tpu.memory_space<vmem>>) dst(%dma_wait3A_93 : memref<96x128xbf16, #tpu.memory_space<hbm>>)
      } else {
      }
      %mul3A_79 = arith.constant 96 : i32
      %mul3A_80 = arith.muli %add3A_54, %mul3A_79 : i32
      %add3A_81 = arith.addi %mul3A_2, %mul3A_80 : i32
      %dma_start3A_82 = arith.constant 0 : i32
      %dma_start3A_83 = tpu.memref_slice %arg5[%add3A_81, %dma_start3A_82] : memref<276480x128xbf16, #tpu.memory_space<hbm>> -> memref<96x128xbf16, #tpu.memory_space<hbm>>
      %dma_start3A_84 = arith.constant 0 : i32
      %dma_start3A_85 = tpu.memref_slice %arg5[%add3A_81, %dma_start3A_84] : memref<276480x128xbf16, #tpu.memory_space<hbm>> -> memref<96x128xbf16, #tpu.memory_space<hbm>>
      tpu.enqueue_dma source(%arg11 : memref<96x128xbf16, #tpu.memory_space<vmem>>) target(%dma_start3A_85 : memref<96x128xbf16, #tpu.memory_space<hbm>>) target_semaphore(%arg14 : memref<!tpu.dma_semaphore, #tpu.memory_space<semaphore_mem>>)
    }
    %scan3A_15 = arith.constant 45 : i32
    %add3A_16 = arith.constant 8544 : i32
    %add3A_17 = arith.addi %mul3A_2, %add3A_16 : i32
    %dma_wait3A = arith.constant 0 : i32
    %dma_wait3A_18 = tpu.memref_slice %arg5[%add3A_17, %dma_wait3A] : memref<276480x128xbf16, #tpu.memory_space<hbm>> -> memref<96x128xbf16, #tpu.memory_space<hbm>>
    %dma_wait3A_19 = arith.constant 0 : i32
    %dma_wait3A_20 = tpu.memref_slice %arg5[%add3A_17, %dma_wait3A_19] : memref<276480x128xbf16, #tpu.memory_space<hbm>> -> memref<96x128xbf16, #tpu.memory_space<hbm>>
    tpu.wait_dma2 semaphore(%arg14 : memref<!tpu.dma_semaphore, #tpu.memory_space<semaphore_mem>>) src(%arg11 : memref<96x128xbf16, #tpu.memory_space<vmem>>) dst(%dma_wait3A_20 : memref<96x128xbf16, #tpu.memory_space<hbm>>)
    return
  }
}

module attributes {stable_mosaic.version = 14 : i64} {
  func.func @_conv_body(%arg0: i32, %arg1: memref<384x640xf32, #tpu.memory_space<vmem>>, %arg2: memref<640x1024xf32, #tpu.memory_space<vmem>>, %arg3: memref<1x1024xf32, #tpu.memory_space<vmem>>, %arg4: memref<1x128xf32, #tpu.memory_space<vmem>>, %arg5: memref<1x128xf32, #tpu.memory_space<vmem>>, %arg6: memref<384x128xbf16, #tpu.memory_space<vmem>>) attributes {dimension_semantics = [#tpu.dimension_semantics<arbitrary>], iteration_bounds = array<i64: 18>, scalar_prefetch = 0 : i64, scratch_operands = 0 : i64, tpu.core_type = #tpu.core_type<tc>, window_params = [{transform_indices = @transform_0, window_bounds = array<i64: 384, 640>}, {pipeline_mode = #tpu.pipeline_mode<synchronous>, transform_indices = @transform_1, window_bounds = array<i64: 640, 1024>}, {pipeline_mode = #tpu.pipeline_mode<synchronous>, transform_indices = @transform_2, window_bounds = array<i64: 1, 1024>}, {pipeline_mode = #tpu.pipeline_mode<synchronous>, transform_indices = @transform_3, window_bounds = array<i64: 1, 128>}, {pipeline_mode = #tpu.pipeline_mode<synchronous>, transform_indices = @transform_4, window_bounds = array<i64: 1, 128>}, {transform_indices = @transform_5, window_bounds = array<i64: 384, 128>}]} {
    %get3A = arith.constant 0 : index
    %get3A_0 = arith.constant 0 : index
    %get3A_1 = vector.load %arg1[%get3A, %get3A_0] : memref<384x640xf32, #tpu.memory_space<vmem>>, vector<384x640xf32>
    %get3A_2 = arith.constant 0 : index
    %get3A_3 = arith.constant 0 : index
    %get3A_4 = vector.load %arg2[%get3A_2, %get3A_3] : memref<640x1024xf32, #tpu.memory_space<vmem>>, vector<640x1024xf32>
    %dot_general3A = arith.constant dense<0.000000e+00> : vector<384x1024xf32>
    %dot_general3A_5 = tpu.matmul %get3A_1, %get3A_4, %dot_general3A {dimension_numbers = #tpu.dot_dimension_numbers<[1], [0], [0], [1], [0, 0, 1, 1], [], []>, transpose_lhs_hint = false} : vector<384x640xf32>, vector<640x1024xf32>, vector<384x1024xf32> -> vector<384x1024xf32>
    %get3A_6 = arith.constant 0 : index
    %get3A_7 = arith.constant 0 : index
    %get3A_8 = vector.load %arg3[%get3A_6, %get3A_7] : memref<1x1024xf32, #tpu.memory_space<vmem>>, vector<1x1024xf32>
    %add3A = vector.broadcast %get3A_8 : vector<1x1024xf32> to vector<384x1024xf32>
    %add3A_9 = arith.addf %dot_general3A_5, %add3A : vector<384x1024xf32>
    %gt3A = arith.constant 0.000000e+00 : f32
    %gt3A_10 = vector.broadcast %gt3A : f32 to vector<384x1024xf32>
    %gt3A_11 = arith.cmpf ogt, %add3A_9, %gt3A_10 : vector<384x1024xf32>
    %min3A = arith.constant 0.000000e+00 : f32
    %min3A_12 = vector.broadcast %min3A : f32 to vector<384x1024xf32>
    %min3A_13 = arith.minimumf %add3A_9, %min3A_12 : vector<384x1024xf32>
    %exp3A = math.exp %min3A_13 : vector<384x1024xf32>
    %sub3A = arith.constant 1.000000e+00 : f32
    %sub3A_14 = vector.broadcast %sub3A : f32 to vector<384x1024xf32>
    %sub3A_15 = arith.subf %exp3A, %sub3A_14 : vector<384x1024xf32>
    %select_n3A = arith.select %gt3A_11, %add3A_9, %sub3A_15 : vector<384x1024xi1>, vector<384x1024xf32>
    %slice3A = vector.extract_strided_slice %select_n3A {offsets = [0, 0], sizes = [384, 128], strides = [1, 1]} : vector<384x1024xf32> to vector<384x128xf32>
    %slice3A_16 = vector.extract_strided_slice %select_n3A {offsets = [0, 128], sizes = [384, 128], strides = [1, 1]} : vector<384x1024xf32> to vector<384x128xf32>
    %max3A = arith.maximumf %slice3A, %slice3A_16 : vector<384x128xf32>
    %slice3A_17 = vector.extract_strided_slice %select_n3A {offsets = [0, 256], sizes = [384, 128], strides = [1, 1]} : vector<384x1024xf32> to vector<384x128xf32>
    %max3A_18 = arith.maximumf %max3A, %slice3A_17 : vector<384x128xf32>
    %slice3A_19 = vector.extract_strided_slice %select_n3A {offsets = [0, 384], sizes = [384, 128], strides = [1, 1]} : vector<384x1024xf32> to vector<384x128xf32>
    %max3A_20 = arith.maximumf %max3A_18, %slice3A_19 : vector<384x128xf32>
    %slice3A_21 = vector.extract_strided_slice %select_n3A {offsets = [0, 512], sizes = [384, 128], strides = [1, 1]} : vector<384x1024xf32> to vector<384x128xf32>
    %max3A_22 = arith.maximumf %max3A_20, %slice3A_21 : vector<384x128xf32>
    %slice3A_23 = vector.extract_strided_slice %select_n3A {offsets = [0, 640], sizes = [384, 128], strides = [1, 1]} : vector<384x1024xf32> to vector<384x128xf32>
    %max3A_24 = arith.maximumf %max3A_22, %slice3A_23 : vector<384x128xf32>
    %slice3A_25 = vector.extract_strided_slice %select_n3A {offsets = [0, 768], sizes = [384, 128], strides = [1, 1]} : vector<384x1024xf32> to vector<384x128xf32>
    %max3A_26 = arith.maximumf %max3A_24, %slice3A_25 : vector<384x128xf32>
    %slice3A_27 = vector.extract_strided_slice %select_n3A {offsets = [0, 896], sizes = [384, 128], strides = [1, 1]} : vector<384x1024xf32> to vector<384x128xf32>
    %max3A_28 = arith.maximumf %max3A_26, %slice3A_27 : vector<384x128xf32>
    %get3A_29 = arith.constant 0 : index
    %get3A_30 = arith.constant 0 : index
    %get3A_31 = vector.load %arg4[%get3A_29, %get3A_30] : memref<1x128xf32, #tpu.memory_space<vmem>>, vector<1x128xf32>
    %mul3A = vector.broadcast %get3A_31 : vector<1x128xf32> to vector<384x128xf32>
    %mul3A_32 = arith.mulf %mul3A, %max3A_28 : vector<384x128xf32>
    %get3A_33 = arith.constant 0 : index
    %get3A_34 = arith.constant 0 : index
    %get3A_35 = vector.load %arg5[%get3A_33, %get3A_34] : memref<1x128xf32, #tpu.memory_space<vmem>>, vector<1x128xf32>
    %add3A_36 = vector.broadcast %get3A_35 : vector<1x128xf32> to vector<384x128xf32>
    %add3A_37 = arith.addf %mul3A_32, %add3A_36 : vector<384x128xf32>
    %convert_element_type3A = arith.truncf %add3A_37 : vector<384x128xf32> to vector<384x128xbf16>
    %swap3A = arith.constant 0 : index
    %swap3A_38 = arith.constant 0 : index
    %swap3A_39 = vector.load %arg6[%swap3A, %swap3A_38] : memref<384x128xbf16, #tpu.memory_space<vmem>>, vector<384x128xbf16>
    tpu.vector_store %arg6[%swap3A, %swap3A_38], %convert_element_type3A {strides = array<i32>} : memref<384x128xbf16, #tpu.memory_space<vmem>>, vector<384x128xbf16>,
    return
  }
  func.func @transform_0(%arg0: i32) -> (i32, i32) {
    %c0_i32 = arith.constant 0 : i32
    %c0_i32_0 = arith.constant 0 : i32
    return %arg0, %c0_i32 : i32, i32
  }
  func.func @transform_1(%arg0: i32) -> (i32, i32) {
    %c0_i32 = arith.constant 0 : i32
    %c0_i32_0 = arith.constant 0 : i32
    %c0_i32_1 = arith.constant 0 : i32
    return %c0_i32, %c0_i32_0 : i32, i32
  }
  func.func @transform_2(%arg0: i32) -> (i32, i32) {
    %c0_i32 = arith.constant 0 : i32
    %c0_i32_0 = arith.constant 0 : i32
    %c0_i32_1 = arith.constant 0 : i32
    return %c0_i32, %c0_i32_0 : i32, i32
  }
  func.func @transform_3(%arg0: i32) -> (i32, i32) {
    %c0_i32 = arith.constant 0 : i32
    %c0_i32_0 = arith.constant 0 : i32
    %c0_i32_1 = arith.constant 0 : i32
    return %c0_i32, %c0_i32_0 : i32, i32
  }
  func.func @transform_4(%arg0: i32) -> (i32, i32) {
    %c0_i32 = arith.constant 0 : i32
    %c0_i32_0 = arith.constant 0 : i32
    %c0_i32_1 = arith.constant 0 : i32
    return %c0_i32, %c0_i32_0 : i32, i32
  }
  func.func @transform_5(%arg0: i32) -> (i32, i32) {
    %c0_i32 = arith.constant 0 : i32
    %c0_i32_0 = arith.constant 0 : i32
    return %arg0, %c0_i32 : i32, i32
  }
}

module attributes {stable_mosaic.version = 14 : i64} {
  func.func @_conv_body(%arg0: i32, %arg1: memref<384x5120xbf16, #tpu.memory_space<vmem>>, %arg2: memref<5120x512xbf16, #tpu.memory_space<vmem>>, %arg3: memref<1x512xf32, #tpu.memory_space<vmem>>, %arg4: memref<1x64xf32, #tpu.memory_space<vmem>>, %arg5: memref<1x64xf32, #tpu.memory_space<vmem>>, %arg6: memref<384x64xbf16, #tpu.memory_space<vmem>>) attributes {dimension_semantics = [#tpu.dimension_semantics<arbitrary>], iteration_bounds = array<i64: 18>, scalar_prefetch = 0 : i64, scratch_operands = 0 : i64, tpu.core_type = #tpu.core_type<tc>, window_params = [{transform_indices = @transform_0, window_bounds = array<i64: 384, 5120>}, {pipeline_mode = #tpu.pipeline_mode<synchronous>, transform_indices = @transform_1, window_bounds = array<i64: 5120, 512>}, {pipeline_mode = #tpu.pipeline_mode<synchronous>, transform_indices = @transform_2, window_bounds = array<i64: 1, 512>}, {pipeline_mode = #tpu.pipeline_mode<synchronous>, transform_indices = @transform_3, window_bounds = array<i64: 1, 64>}, {pipeline_mode = #tpu.pipeline_mode<synchronous>, transform_indices = @transform_4, window_bounds = array<i64: 1, 64>}, {transform_indices = @transform_5, window_bounds = array<i64: 384, 64>}]} {
    %get3A = arith.constant 0 : index
    %get3A_0 = arith.constant 0 : index
    %get3A_1 = vector.load %arg1[%get3A, %get3A_0] : memref<384x5120xbf16, #tpu.memory_space<vmem>>, vector<384x5120xbf16>
    %get3A_2 = arith.constant 0 : index
    %get3A_3 = arith.constant 0 : index
    %get3A_4 = vector.load %arg2[%get3A_2, %get3A_3] : memref<5120x512xbf16, #tpu.memory_space<vmem>>, vector<5120x512xbf16>
    %dot_general3A = arith.constant dense<0.000000e+00> : vector<384x512xf32>
    %dot_general3A_5 = tpu.matmul %get3A_1, %get3A_4, %dot_general3A {dimension_numbers = #tpu.dot_dimension_numbers<[1], [0], [0], [1], [0, 0, 1, 1], [], []>, transpose_lhs_hint = false} : vector<384x5120xbf16>, vector<5120x512xbf16>, vector<384x512xf32> -> vector<384x512xf32>
    %get3A_6 = arith.constant 0 : index
    %get3A_7 = arith.constant 0 : index
    %get3A_8 = vector.load %arg3[%get3A_6, %get3A_7] : memref<1x512xf32, #tpu.memory_space<vmem>>, vector<1x512xf32>
    %add3A = vector.broadcast %get3A_8 : vector<1x512xf32> to vector<384x512xf32>
    %add3A_9 = arith.addf %dot_general3A_5, %add3A : vector<384x512xf32>
    %gt3A = arith.constant 0.000000e+00 : f32
    %gt3A_10 = vector.broadcast %gt3A : f32 to vector<384x512xf32>
    %gt3A_11 = arith.cmpf ogt, %add3A_9, %gt3A_10 : vector<384x512xf32>
    %min3A = arith.constant 0.000000e+00 : f32
    %min3A_12 = vector.broadcast %min3A : f32 to vector<384x512xf32>
    %min3A_13 = arith.minimumf %add3A_9, %min3A_12 : vector<384x512xf32>
    %exp3A = math.exp %min3A_13 : vector<384x512xf32>
    %sub3A = arith.constant 1.000000e+00 : f32
    %sub3A_14 = vector.broadcast %sub3A : f32 to vector<384x512xf32>
    %sub3A_15 = arith.subf %exp3A, %sub3A_14 : vector<384x512xf32>
    %select_n3A = arith.select %gt3A_11, %add3A_9, %sub3A_15 : vector<384x512xi1>, vector<384x512xf32>
    %slice3A = vector.extract_strided_slice %select_n3A {offsets = [0, 0], sizes = [384, 64], strides = [1, 1]} : vector<384x512xf32> to vector<384x64xf32>
    %slice3A_16 = vector.extract_strided_slice %select_n3A {offsets = [0, 64], sizes = [384, 64], strides = [1, 1]} : vector<384x512xf32> to vector<384x64xf32>
    %max3A = arith.maximumf %slice3A, %slice3A_16 : vector<384x64xf32>
    %slice3A_17 = vector.extract_strided_slice %select_n3A {offsets = [0, 128], sizes = [384, 64], strides = [1, 1]} : vector<384x512xf32> to vector<384x64xf32>
    %max3A_18 = arith.maximumf %max3A, %slice3A_17 : vector<384x64xf32>
    %slice3A_19 = vector.extract_strided_slice %select_n3A {offsets = [0, 192], sizes = [384, 64], strides = [1, 1]} : vector<384x512xf32> to vector<384x64xf32>
    %max3A_20 = arith.maximumf %max3A_18, %slice3A_19 : vector<384x64xf32>
    %slice3A_21 = vector.extract_strided_slice %select_n3A {offsets = [0, 256], sizes = [384, 64], strides = [1, 1]} : vector<384x512xf32> to vector<384x64xf32>
    %max3A_22 = arith.maximumf %max3A_20, %slice3A_21 : vector<384x64xf32>
    %slice3A_23 = vector.extract_strided_slice %select_n3A {offsets = [0, 320], sizes = [384, 64], strides = [1, 1]} : vector<384x512xf32> to vector<384x64xf32>
    %max3A_24 = arith.maximumf %max3A_22, %slice3A_23 : vector<384x64xf32>
    %slice3A_25 = vector.extract_strided_slice %select_n3A {offsets = [0, 384], sizes = [384, 64], strides = [1, 1]} : vector<384x512xf32> to vector<384x64xf32>
    %max3A_26 = arith.maximumf %max3A_24, %slice3A_25 : vector<384x64xf32>
    %slice3A_27 = vector.extract_strided_slice %select_n3A {offsets = [0, 448], sizes = [384, 64], strides = [1, 1]} : vector<384x512xf32> to vector<384x64xf32>
    %max3A_28 = arith.maximumf %max3A_26, %slice3A_27 : vector<384x64xf32>
    %get3A_29 = arith.constant 0 : index
    %get3A_30 = arith.constant 0 : index
    %get3A_31 = vector.load %arg4[%get3A_29, %get3A_30] : memref<1x64xf32, #tpu.memory_space<vmem>>, vector<1x64xf32>
    %mul3A = vector.broadcast %get3A_31 : vector<1x64xf32> to vector<384x64xf32>
    %mul3A_32 = arith.mulf %mul3A, %max3A_28 : vector<384x64xf32>
    %get3A_33 = arith.constant 0 : index
    %get3A_34 = arith.constant 0 : index
    %get3A_35 = vector.load %arg5[%get3A_33, %get3A_34] : memref<1x64xf32, #tpu.memory_space<vmem>>, vector<1x64xf32>
    %add3A_36 = vector.broadcast %get3A_35 : vector<1x64xf32> to vector<384x64xf32>
    %add3A_37 = arith.addf %mul3A_32, %add3A_36 : vector<384x64xf32>
    %convert_element_type3A = arith.truncf %add3A_37 : vector<384x64xf32> to vector<384x64xbf16>
    %swap3A = arith.constant 0 : index
    %swap3A_38 = arith.constant 0 : index
    %swap3A_39 = vector.load %arg6[%swap3A, %swap3A_38] : memref<384x64xbf16, #tpu.memory_space<vmem>>, vector<384x64xbf16>
    tpu.vector_store %arg6[%swap3A, %swap3A_38], %convert_element_type3A {strides = array<i32>} : memref<384x64xbf16, #tpu.memory_space<vmem>>, vector<384x64xbf16>,
    return
  }
  func.func @transform_0(%arg0: i32) -> (i32, i32) {
    %c0_i32 = arith.constant 0 : i32
    %c0_i32_0 = arith.constant 0 : i32
    return %arg0, %c0_i32 : i32, i32
  }
  func.func @transform_1(%arg0: i32) -> (i32, i32) {
    %c0_i32 = arith.constant 0 : i32
    %c0_i32_0 = arith.constant 0 : i32
    %c0_i32_1 = arith.constant 0 : i32
    return %c0_i32, %c0_i32_0 : i32, i32
  }
  func.func @transform_2(%arg0: i32) -> (i32, i32) {
    %c0_i32 = arith.constant 0 : i32
    %c0_i32_0 = arith.constant 0 : i32
    %c0_i32_1 = arith.constant 0 : i32
    return %c0_i32, %c0_i32_0 : i32, i32
  }
  func.func @transform_3(%arg0: i32) -> (i32, i32) {
    %c0_i32 = arith.constant 0 : i32
    %c0_i32_0 = arith.constant 0 : i32
    %c0_i32_1 = arith.constant 0 : i32
    return %c0_i32, %c0_i32_0 : i32, i32
  }
  func.func @transform_4(%arg0: i32) -> (i32, i32) {
    %c0_i32 = arith.constant 0 : i32
    %c0_i32_0 = arith.constant 0 : i32
    %c0_i32_1 = arith.constant 0 : i32
    return %c0_i32, %c0_i32_0 : i32, i32
  }
  func.func @transform_5(%arg0: i32) -> (i32, i32) {
    %c0_i32 = arith.constant 0 : i32
    %c0_i32_0 = arith.constant 0 : i32
    return %arg0, %c0_i32 : i32, i32
  }
}

module attributes {stable_mosaic.version = 14 : i64} {
  func.func @_conv_body(%arg0: i32, %arg1: memref<384x2560xbf16, #tpu.memory_space<vmem>>, %arg2: memref<2560x256xbf16, #tpu.memory_space<vmem>>, %arg3: memref<1x256xf32, #tpu.memory_space<vmem>>, %arg4: memref<1x32xf32, #tpu.memory_space<vmem>>, %arg5: memref<1x32xf32, #tpu.memory_space<vmem>>, %arg6: memref<384x32xbf16, #tpu.memory_space<vmem>>) attributes {dimension_semantics = [#tpu.dimension_semantics<arbitrary>], iteration_bounds = array<i64: 18>, scalar_prefetch = 0 : i64, scratch_operands = 0 : i64, tpu.core_type = #tpu.core_type<tc>, window_params = [{transform_indices = @transform_0, window_bounds = array<i64: 384, 2560>}, {pipeline_mode = #tpu.pipeline_mode<synchronous>, transform_indices = @transform_1, window_bounds = array<i64: 2560, 256>}, {pipeline_mode = #tpu.pipeline_mode<synchronous>, transform_indices = @transform_2, window_bounds = array<i64: 1, 256>}, {pipeline_mode = #tpu.pipeline_mode<synchronous>, transform_indices = @transform_3, window_bounds = array<i64: 1, 32>}, {pipeline_mode = #tpu.pipeline_mode<synchronous>, transform_indices = @transform_4, window_bounds = array<i64: 1, 32>}, {transform_indices = @transform_5, window_bounds = array<i64: 384, 32>}]} {
    %get3A = arith.constant 0 : index
    %get3A_0 = arith.constant 0 : index
    %get3A_1 = vector.load %arg1[%get3A, %get3A_0] : memref<384x2560xbf16, #tpu.memory_space<vmem>>, vector<384x2560xbf16>
    %get3A_2 = arith.constant 0 : index
    %get3A_3 = arith.constant 0 : index
    %get3A_4 = vector.load %arg2[%get3A_2, %get3A_3] : memref<2560x256xbf16, #tpu.memory_space<vmem>>, vector<2560x256xbf16>
    %dot_general3A = arith.constant dense<0.000000e+00> : vector<384x256xf32>
    %dot_general3A_5 = tpu.matmul %get3A_1, %get3A_4, %dot_general3A {dimension_numbers = #tpu.dot_dimension_numbers<[1], [0], [0], [1], [0, 0, 1, 1], [], []>, transpose_lhs_hint = false} : vector<384x2560xbf16>, vector<2560x256xbf16>, vector<384x256xf32> -> vector<384x256xf32>
    %get3A_6 = arith.constant 0 : index
    %get3A_7 = arith.constant 0 : index
    %get3A_8 = vector.load %arg3[%get3A_6, %get3A_7] : memref<1x256xf32, #tpu.memory_space<vmem>>, vector<1x256xf32>
    %add3A = vector.broadcast %get3A_8 : vector<1x256xf32> to vector<384x256xf32>
    %add3A_9 = arith.addf %dot_general3A_5, %add3A : vector<384x256xf32>
    %gt3A = arith.constant 0.000000e+00 : f32
    %gt3A_10 = vector.broadcast %gt3A : f32 to vector<384x256xf32>
    %gt3A_11 = arith.cmpf ogt, %add3A_9, %gt3A_10 : vector<384x256xf32>
    %min3A = arith.constant 0.000000e+00 : f32
    %min3A_12 = vector.broadcast %min3A : f32 to vector<384x256xf32>
    %min3A_13 = arith.minimumf %add3A_9, %min3A_12 : vector<384x256xf32>
    %exp3A = math.exp %min3A_13 : vector<384x256xf32>
    %sub3A = arith.constant 1.000000e+00 : f32
    %sub3A_14 = vector.broadcast %sub3A : f32 to vector<384x256xf32>
    %sub3A_15 = arith.subf %exp3A, %sub3A_14 : vector<384x256xf32>
    %select_n3A = arith.select %gt3A_11, %add3A_9, %sub3A_15 : vector<384x256xi1>, vector<384x256xf32>
    %slice3A = vector.extract_strided_slice %select_n3A {offsets = [0, 0], sizes = [384, 32], strides = [1, 1]} : vector<384x256xf32> to vector<384x32xf32>
    %slice3A_16 = vector.extract_strided_slice %select_n3A {offsets = [0, 32], sizes = [384, 32], strides = [1, 1]} : vector<384x256xf32> to vector<384x32xf32>
    %max3A = arith.maximumf %slice3A, %slice3A_16 : vector<384x32xf32>
    %slice3A_17 = vector.extract_strided_slice %select_n3A {offsets = [0, 64], sizes = [384, 32], strides = [1, 1]} : vector<384x256xf32> to vector<384x32xf32>
    %max3A_18 = arith.maximumf %max3A, %slice3A_17 : vector<384x32xf32>
    %slice3A_19 = vector.extract_strided_slice %select_n3A {offsets = [0, 96], sizes = [384, 32], strides = [1, 1]} : vector<384x256xf32> to vector<384x32xf32>
    %max3A_20 = arith.maximumf %max3A_18, %slice3A_19 : vector<384x32xf32>
    %slice3A_21 = vector.extract_strided_slice %select_n3A {offsets = [0, 128], sizes = [384, 32], strides = [1, 1]} : vector<384x256xf32> to vector<384x32xf32>
    %max3A_22 = arith.maximumf %max3A_20, %slice3A_21 : vector<384x32xf32>
    %slice3A_23 = vector.extract_strided_slice %select_n3A {offsets = [0, 160], sizes = [384, 32], strides = [1, 1]} : vector<384x256xf32> to vector<384x32xf32>
    %max3A_24 = arith.maximumf %max3A_22, %slice3A_23 : vector<384x32xf32>
    %slice3A_25 = vector.extract_strided_slice %select_n3A {offsets = [0, 192], sizes = [384, 32], strides = [1, 1]} : vector<384x256xf32> to vector<384x32xf32>
    %max3A_26 = arith.maximumf %max3A_24, %slice3A_25 : vector<384x32xf32>
    %slice3A_27 = vector.extract_strided_slice %select_n3A {offsets = [0, 224], sizes = [384, 32], strides = [1, 1]} : vector<384x256xf32> to vector<384x32xf32>
    %max3A_28 = arith.maximumf %max3A_26, %slice3A_27 : vector<384x32xf32>
    %get3A_29 = arith.constant 0 : index
    %get3A_30 = arith.constant 0 : index
    %get3A_31 = vector.load %arg4[%get3A_29, %get3A_30] : memref<1x32xf32, #tpu.memory_space<vmem>>, vector<1x32xf32>
    %mul3A = vector.broadcast %get3A_31 : vector<1x32xf32> to vector<384x32xf32>
    %mul3A_32 = arith.mulf %mul3A, %max3A_28 : vector<384x32xf32>
    %get3A_33 = arith.constant 0 : index
    %get3A_34 = arith.constant 0 : index
    %get3A_35 = vector.load %arg5[%get3A_33, %get3A_34] : memref<1x32xf32, #tpu.memory_space<vmem>>, vector<1x32xf32>
    %add3A_36 = vector.broadcast %get3A_35 : vector<1x32xf32> to vector<384x32xf32>
    %add3A_37 = arith.addf %mul3A_32, %add3A_36 : vector<384x32xf32>
    %convert_element_type3A = arith.truncf %add3A_37 : vector<384x32xf32> to vector<384x32xbf16>
    %swap3A = arith.constant 0 : index
    %swap3A_38 = arith.constant 0 : index
    %swap3A_39 = vector.load %arg6[%swap3A, %swap3A_38] : memref<384x32xbf16, #tpu.memory_space<vmem>>, vector<384x32xbf16>
    tpu.vector_store %arg6[%swap3A, %swap3A_38], %convert_element_type3A {strides = array<i32>} : memref<384x32xbf16, #tpu.memory_space<vmem>>, vector<384x32xbf16>,
    return
  }
  func.func @transform_0(%arg0: i32) -> (i32, i32) {
    %c0_i32 = arith.constant 0 : i32
    %c0_i32_0 = arith.constant 0 : i32
    return %arg0, %c0_i32 : i32, i32
  }
  func.func @transform_1(%arg0: i32) -> (i32, i32) {
    %c0_i32 = arith.constant 0 : i32
    %c0_i32_0 = arith.constant 0 : i32
    %c0_i32_1 = arith.constant 0 : i32
    return %c0_i32, %c0_i32_0 : i32, i32
  }
  func.func @transform_2(%arg0: i32) -> (i32, i32) {
    %c0_i32 = arith.constant 0 : i32
    %c0_i32_0 = arith.constant 0 : i32
    %c0_i32_1 = arith.constant 0 : i32
    return %c0_i32, %c0_i32_0 : i32, i32
  }
  func.func @transform_3(%arg0: i32) -> (i32, i32) {
    %c0_i32 = arith.constant 0 : i32
    %c0_i32_0 = arith.constant 0 : i32
    %c0_i32_1 = arith.constant 0 : i32
    return %c0_i32, %c0_i32_0 : i32, i32
  }
  func.func @transform_4(%arg0: i32) -> (i32, i32) {
    %c0_i32 = arith.constant 0 : i32
    %c0_i32_0 = arith.constant 0 : i32
    %c0_i32_1 = arith.constant 0 : i32
    return %c0_i32, %c0_i32_0 : i32, i32
  }
  func.func @transform_5(%arg0: i32) -> (i32, i32) {
    %c0_i32 = arith.constant 0 : i32
    %c0_i32_0 = arith.constant 0 : i32
    return %arg0, %c0_i32 : i32, i32
  }
}

module attributes {stable_mosaic.version = 14 : i64} {
  func.func @_conv_body(%arg0: i32, %arg1: memref<384x1280xbf16, #tpu.memory_space<vmem>>, %arg2: memref<1280x512xbf16, #tpu.memory_space<vmem>>, %arg3: memref<1x512xf32, #tpu.memory_space<vmem>>, %arg4: memref<1x64xf32, #tpu.memory_space<vmem>>, %arg5: memref<1x64xf32, #tpu.memory_space<vmem>>, %arg6: memref<384x64xbf16, #tpu.memory_space<vmem>>) attributes {dimension_semantics = [#tpu.dimension_semantics<arbitrary>], iteration_bounds = array<i64: 18>, scalar_prefetch = 0 : i64, scratch_operands = 0 : i64, tpu.core_type = #tpu.core_type<tc>, window_params = [{transform_indices = @transform_0, window_bounds = array<i64: 384, 1280>}, {pipeline_mode = #tpu.pipeline_mode<synchronous>, transform_indices = @transform_1, window_bounds = array<i64: 1280, 512>}, {pipeline_mode = #tpu.pipeline_mode<synchronous>, transform_indices = @transform_2, window_bounds = array<i64: 1, 512>}, {pipeline_mode = #tpu.pipeline_mode<synchronous>, transform_indices = @transform_3, window_bounds = array<i64: 1, 64>}, {pipeline_mode = #tpu.pipeline_mode<synchronous>, transform_indices = @transform_4, window_bounds = array<i64: 1, 64>}, {transform_indices = @transform_5, window_bounds = array<i64: 384, 64>}]} {
    %get3A = arith.constant 0 : index
    %get3A_0 = arith.constant 0 : index
    %get3A_1 = vector.load %arg1[%get3A, %get3A_0] : memref<384x1280xbf16, #tpu.memory_space<vmem>>, vector<384x1280xbf16>
    %get3A_2 = arith.constant 0 : index
    %get3A_3 = arith.constant 0 : index
    %get3A_4 = vector.load %arg2[%get3A_2, %get3A_3] : memref<1280x512xbf16, #tpu.memory_space<vmem>>, vector<1280x512xbf16>
    %dot_general3A = arith.constant dense<0.000000e+00> : vector<384x512xf32>
    %dot_general3A_5 = tpu.matmul %get3A_1, %get3A_4, %dot_general3A {dimension_numbers = #tpu.dot_dimension_numbers<[1], [0], [0], [1], [0, 0, 1, 1], [], []>, transpose_lhs_hint = false} : vector<384x1280xbf16>, vector<1280x512xbf16>, vector<384x512xf32> -> vector<384x512xf32>
    %get3A_6 = arith.constant 0 : index
    %get3A_7 = arith.constant 0 : index
    %get3A_8 = vector.load %arg3[%get3A_6, %get3A_7] : memref<1x512xf32, #tpu.memory_space<vmem>>, vector<1x512xf32>
    %add3A = vector.broadcast %get3A_8 : vector<1x512xf32> to vector<384x512xf32>
    %add3A_9 = arith.addf %dot_general3A_5, %add3A : vector<384x512xf32>
    %gt3A = arith.constant 0.000000e+00 : f32
    %gt3A_10 = vector.broadcast %gt3A : f32 to vector<384x512xf32>
    %gt3A_11 = arith.cmpf ogt, %add3A_9, %gt3A_10 : vector<384x512xf32>
    %min3A = arith.constant 0.000000e+00 : f32
    %min3A_12 = vector.broadcast %min3A : f32 to vector<384x512xf32>
    %min3A_13 = arith.minimumf %add3A_9, %min3A_12 : vector<384x512xf32>
    %exp3A = math.exp %min3A_13 : vector<384x512xf32>
    %sub3A = arith.constant 1.000000e+00 : f32
    %sub3A_14 = vector.broadcast %sub3A : f32 to vector<384x512xf32>
    %sub3A_15 = arith.subf %exp3A, %sub3A_14 : vector<384x512xf32>
    %select_n3A = arith.select %gt3A_11, %add3A_9, %sub3A_15 : vector<384x512xi1>, vector<384x512xf32>
    %slice3A = vector.extract_strided_slice %select_n3A {offsets = [0, 0], sizes = [384, 64], strides = [1, 1]} : vector<384x512xf32> to vector<384x64xf32>
    %slice3A_16 = vector.extract_strided_slice %select_n3A {offsets = [0, 64], sizes = [384, 64], strides = [1, 1]} : vector<384x512xf32> to vector<384x64xf32>
    %max3A = arith.maximumf %slice3A, %slice3A_16 : vector<384x64xf32>
    %slice3A_17 = vector.extract_strided_slice %select_n3A {offsets = [0, 128], sizes = [384, 64], strides = [1, 1]} : vector<384x512xf32> to vector<384x64xf32>
    %max3A_18 = arith.maximumf %max3A, %slice3A_17 : vector<384x64xf32>
    %slice3A_19 = vector.extract_strided_slice %select_n3A {offsets = [0, 192], sizes = [384, 64], strides = [1, 1]} : vector<384x512xf32> to vector<384x64xf32>
    %max3A_20 = arith.maximumf %max3A_18, %slice3A_19 : vector<384x64xf32>
    %slice3A_21 = vector.extract_strided_slice %select_n3A {offsets = [0, 256], sizes = [384, 64], strides = [1, 1]} : vector<384x512xf32> to vector<384x64xf32>
    %max3A_22 = arith.maximumf %max3A_20, %slice3A_21 : vector<384x64xf32>
    %slice3A_23 = vector.extract_strided_slice %select_n3A {offsets = [0, 320], sizes = [384, 64], strides = [1, 1]} : vector<384x512xf32> to vector<384x64xf32>
    %max3A_24 = arith.maximumf %max3A_22, %slice3A_23 : vector<384x64xf32>
    %slice3A_25 = vector.extract_strided_slice %select_n3A {offsets = [0, 384], sizes = [384, 64], strides = [1, 1]} : vector<384x512xf32> to vector<384x64xf32>
    %max3A_26 = arith.maximumf %max3A_24, %slice3A_25 : vector<384x64xf32>
    %slice3A_27 = vector.extract_strided_slice %select_n3A {offsets = [0, 448], sizes = [384, 64], strides = [1, 1]} : vector<384x512xf32> to vector<384x64xf32>
    %max3A_28 = arith.maximumf %max3A_26, %slice3A_27 : vector<384x64xf32>
    %get3A_29 = arith.constant 0 : index
    %get3A_30 = arith.constant 0 : index
    %get3A_31 = vector.load %arg4[%get3A_29, %get3A_30] : memref<1x64xf32, #tpu.memory_space<vmem>>, vector<1x64xf32>
    %mul3A = vector.broadcast %get3A_31 : vector<1x64xf32> to vector<384x64xf32>
    %mul3A_32 = arith.mulf %mul3A, %max3A_28 : vector<384x64xf32>
    %get3A_33 = arith.constant 0 : index
    %get3A_34 = arith.constant 0 : index
    %get3A_35 = vector.load %arg5[%get3A_33, %get3A_34] : memref<1x64xf32, #tpu.memory_space<vmem>>, vector<1x64xf32>
    %add3A_36 = vector.broadcast %get3A_35 : vector<1x64xf32> to vector<384x64xf32>
    %add3A_37 = arith.addf %mul3A_32, %add3A_36 : vector<384x64xf32>
    %convert_element_type3A = arith.truncf %add3A_37 : vector<384x64xf32> to vector<384x64xbf16>
    %swap3A = arith.constant 0 : index
    %swap3A_38 = arith.constant 0 : index
    %swap3A_39 = vector.load %arg6[%swap3A, %swap3A_38] : memref<384x64xbf16, #tpu.memory_space<vmem>>, vector<384x64xbf16>
    tpu.vector_store %arg6[%swap3A, %swap3A_38], %convert_element_type3A {strides = array<i32>} : memref<384x64xbf16, #tpu.memory_space<vmem>>, vector<384x64xbf16>,
    return
  }
  func.func @transform_0(%arg0: i32) -> (i32, i32) {
    %c0_i32 = arith.constant 0 : i32
    %c0_i32_0 = arith.constant 0 : i32
    return %arg0, %c0_i32 : i32, i32
  }
  func.func @transform_1(%arg0: i32) -> (i32, i32) {
    %c0_i32 = arith.constant 0 : i32
    %c0_i32_0 = arith.constant 0 : i32
    %c0_i32_1 = arith.constant 0 : i32
    return %c0_i32, %c0_i32_0 : i32, i32
  }
  func.func @transform_2(%arg0: i32) -> (i32, i32) {
    %c0_i32 = arith.constant 0 : i32
    %c0_i32_0 = arith.constant 0 : i32
    %c0_i32_1 = arith.constant 0 : i32
    return %c0_i32, %c0_i32_0 : i32, i32
  }
  func.func @transform_3(%arg0: i32) -> (i32, i32) {
    %c0_i32 = arith.constant 0 : i32
    %c0_i32_0 = arith.constant 0 : i32
    %c0_i32_1 = arith.constant 0 : i32
    return %c0_i32, %c0_i32_0 : i32, i32
  }
  func.func @transform_4(%arg0: i32) -> (i32, i32) {
    %c0_i32 = arith.constant 0 : i32
    %c0_i32_0 = arith.constant 0 : i32
    %c0_i32_1 = arith.constant 0 : i32
    return %c0_i32, %c0_i32_0 : i32, i32
  }
  func.func @transform_5(%arg0: i32) -> (i32, i32) {
    %c0_i32 = arith.constant 0 : i32
    %c0_i32_0 = arith.constant 0 : i32
    return %arg0, %c0_i32 : i32, i32
  }
}

module attributes {stable_mosaic.version = 14 : i64} {
  func.func @_conv_body(%arg0: i32, %arg1: memref<384x5120xbf16, #tpu.memory_space<vmem>>, %arg2: memref<5120x1024xbf16, #tpu.memory_space<vmem>>, %arg3: memref<1x1024xf32, #tpu.memory_space<vmem>>, %arg4: memref<1x128xf32, #tpu.memory_space<vmem>>, %arg5: memref<1x128xf32, #tpu.memory_space<vmem>>, %arg6: memref<384x128xbf16, #tpu.memory_space<vmem>>) attributes {dimension_semantics = [#tpu.dimension_semantics<arbitrary>], iteration_bounds = array<i64: 18>, scalar_prefetch = 0 : i64, scratch_operands = 0 : i64, tpu.core_type = #tpu.core_type<tc>, window_params = [{transform_indices = @transform_0, window_bounds = array<i64: 384, 5120>}, {pipeline_mode = #tpu.pipeline_mode<synchronous>, transform_indices = @transform_1, window_bounds = array<i64: 5120, 1024>}, {pipeline_mode = #tpu.pipeline_mode<synchronous>, transform_indices = @transform_2, window_bounds = array<i64: 1, 1024>}, {pipeline_mode = #tpu.pipeline_mode<synchronous>, transform_indices = @transform_3, window_bounds = array<i64: 1, 128>}, {pipeline_mode = #tpu.pipeline_mode<synchronous>, transform_indices = @transform_4, window_bounds = array<i64: 1, 128>}, {transform_indices = @transform_5, window_bounds = array<i64: 384, 128>}]} {
    %get3A = arith.constant 0 : index
    %get3A_0 = arith.constant 0 : index
    %get3A_1 = vector.load %arg1[%get3A, %get3A_0] : memref<384x5120xbf16, #tpu.memory_space<vmem>>, vector<384x5120xbf16>
    %get3A_2 = arith.constant 0 : index
    %get3A_3 = arith.constant 0 : index
    %get3A_4 = vector.load %arg2[%get3A_2, %get3A_3] : memref<5120x1024xbf16, #tpu.memory_space<vmem>>, vector<5120x1024xbf16>
    %dot_general3A = arith.constant dense<0.000000e+00> : vector<384x1024xf32>
    %dot_general3A_5 = tpu.matmul %get3A_1, %get3A_4, %dot_general3A {dimension_numbers = #tpu.dot_dimension_numbers<[1], [0], [0], [1], [0, 0, 1, 1], [], []>, transpose_lhs_hint = false} : vector<384x5120xbf16>, vector<5120x1024xbf16>, vector<384x1024xf32> -> vector<384x1024xf32>
    %get3A_6 = arith.constant 0 : index
    %get3A_7 = arith.constant 0 : index
    %get3A_8 = vector.load %arg3[%get3A_6, %get3A_7] : memref<1x1024xf32, #tpu.memory_space<vmem>>, vector<1x1024xf32>
    %add3A = vector.broadcast %get3A_8 : vector<1x1024xf32> to vector<384x1024xf32>
    %add3A_9 = arith.addf %dot_general3A_5, %add3A : vector<384x1024xf32>
    %gt3A = arith.constant 0.000000e+00 : f32
    %gt3A_10 = vector.broadcast %gt3A : f32 to vector<384x1024xf32>
    %gt3A_11 = arith.cmpf ogt, %add3A_9, %gt3A_10 : vector<384x1024xf32>
    %min3A = arith.constant 0.000000e+00 : f32
    %min3A_12 = vector.broadcast %min3A : f32 to vector<384x1024xf32>
    %min3A_13 = arith.minimumf %add3A_9, %min3A_12 : vector<384x1024xf32>
    %exp3A = math.exp %min3A_13 : vector<384x1024xf32>
    %sub3A = arith.constant 1.000000e+00 : f32
    %sub3A_14 = vector.broadcast %sub3A : f32 to vector<384x1024xf32>
    %sub3A_15 = arith.subf %exp3A, %sub3A_14 : vector<384x1024xf32>
    %select_n3A = arith.select %gt3A_11, %add3A_9, %sub3A_15 : vector<384x1024xi1>, vector<384x1024xf32>
    %slice3A = vector.extract_strided_slice %select_n3A {offsets = [0, 0], sizes = [384, 128], strides = [1, 1]} : vector<384x1024xf32> to vector<384x128xf32>
    %slice3A_16 = vector.extract_strided_slice %select_n3A {offsets = [0, 128], sizes = [384, 128], strides = [1, 1]} : vector<384x1024xf32> to vector<384x128xf32>
    %max3A = arith.maximumf %slice3A, %slice3A_16 : vector<384x128xf32>
    %slice3A_17 = vector.extract_strided_slice %select_n3A {offsets = [0, 256], sizes = [384, 128], strides = [1, 1]} : vector<384x1024xf32> to vector<384x128xf32>
    %max3A_18 = arith.maximumf %max3A, %slice3A_17 : vector<384x128xf32>
    %slice3A_19 = vector.extract_strided_slice %select_n3A {offsets = [0, 384], sizes = [384, 128], strides = [1, 1]} : vector<384x1024xf32> to vector<384x128xf32>
    %max3A_20 = arith.maximumf %max3A_18, %slice3A_19 : vector<384x128xf32>
    %slice3A_21 = vector.extract_strided_slice %select_n3A {offsets = [0, 512], sizes = [384, 128], strides = [1, 1]} : vector<384x1024xf32> to vector<384x128xf32>
    %max3A_22 = arith.maximumf %max3A_20, %slice3A_21 : vector<384x128xf32>
    %slice3A_23 = vector.extract_strided_slice %select_n3A {offsets = [0, 640], sizes = [384, 128], strides = [1, 1]} : vector<384x1024xf32> to vector<384x128xf32>
    %max3A_24 = arith.maximumf %max3A_22, %slice3A_23 : vector<384x128xf32>
    %slice3A_25 = vector.extract_strided_slice %select_n3A {offsets = [0, 768], sizes = [384, 128], strides = [1, 1]} : vector<384x1024xf32> to vector<384x128xf32>
    %max3A_26 = arith.maximumf %max3A_24, %slice3A_25 : vector<384x128xf32>
    %slice3A_27 = vector.extract_strided_slice %select_n3A {offsets = [0, 896], sizes = [384, 128], strides = [1, 1]} : vector<384x1024xf32> to vector<384x128xf32>
    %max3A_28 = arith.maximumf %max3A_26, %slice3A_27 : vector<384x128xf32>
    %get3A_29 = arith.constant 0 : index
    %get3A_30 = arith.constant 0 : index
    %get3A_31 = vector.load %arg4[%get3A_29, %get3A_30] : memref<1x128xf32, #tpu.memory_space<vmem>>, vector<1x128xf32>
    %mul3A = vector.broadcast %get3A_31 : vector<1x128xf32> to vector<384x128xf32>
    %mul3A_32 = arith.mulf %mul3A, %max3A_28 : vector<384x128xf32>
    %get3A_33 = arith.constant 0 : index
    %get3A_34 = arith.constant 0 : index
    %get3A_35 = vector.load %arg5[%get3A_33, %get3A_34] : memref<1x128xf32, #tpu.memory_space<vmem>>, vector<1x128xf32>
    %add3A_36 = vector.broadcast %get3A_35 : vector<1x128xf32> to vector<384x128xf32>
    %add3A_37 = arith.addf %mul3A_32, %add3A_36 : vector<384x128xf32>
    %convert_element_type3A = arith.truncf %add3A_37 : vector<384x128xf32> to vector<384x128xbf16>
    %swap3A = arith.constant 0 : index
    %swap3A_38 = arith.constant 0 : index
    %swap3A_39 = vector.load %arg6[%swap3A, %swap3A_38] : memref<384x128xbf16, #tpu.memory_space<vmem>>, vector<384x128xbf16>
    tpu.vector_store %arg6[%swap3A, %swap3A_38], %convert_element_type3A {strides = array<i32>} : memref<384x128xbf16, #tpu.memory_space<vmem>>, vector<384x128xbf16>,
    return
  }
  func.func @transform_0(%arg0: i32) -> (i32, i32) {
    %c0_i32 = arith.constant 0 : i32
    %c0_i32_0 = arith.constant 0 : i32
    return %arg0, %c0_i32 : i32, i32
  }
  func.func @transform_1(%arg0: i32) -> (i32, i32) {
    %c0_i32 = arith.constant 0 : i32
    %c0_i32_0 = arith.constant 0 : i32
    %c0_i32_1 = arith.constant 0 : i32
    return %c0_i32, %c0_i32_0 : i32, i32
  }
  func.func @transform_2(%arg0: i32) -> (i32, i32) {
    %c0_i32 = arith.constant 0 : i32
    %c0_i32_0 = arith.constant 0 : i32
    %c0_i32_1 = arith.constant 0 : i32
    return %c0_i32, %c0_i32_0 : i32, i32
  }
  func.func @transform_3(%arg0: i32) -> (i32, i32) {
    %c0_i32 = arith.constant 0 : i32
    %c0_i32_0 = arith.constant 0 : i32
    %c0_i32_1 = arith.constant 0 : i32
    return %c0_i32, %c0_i32_0 : i32, i32
  }
  func.func @transform_4(%arg0: i32) -> (i32, i32) {
    %c0_i32 = arith.constant 0 : i32
    %c0_i32_0 = arith.constant 0 : i32
    %c0_i32_1 = arith.constant 0 : i32
    return %c0_i32, %c0_i32_0 : i32, i32
  }
  func.func @transform_5(%arg0: i32) -> (i32, i32) {
    %c0_i32 = arith.constant 0 : i32
    %c0_i32_0 = arith.constant 0 : i32
    return %arg0, %c0_i32 : i32, i32
  }
}

module attributes {stable_mosaic.version = 14 : i64} {
  func.func @_dense_body(%arg0: i32, %arg1: i32, %arg2: memref<384x256xbf16, #tpu.memory_space<vmem>>, %arg3: memref<256x1024xbf16, #tpu.memory_space<vmem>>, %arg4: memref<1x1024xf32, #tpu.memory_space<vmem>>, %arg5: memref<384x1024xf32, #tpu.memory_space<vmem>>) attributes {dimension_semantics = [#tpu.dimension_semantics<arbitrary>, #tpu.dimension_semantics<arbitrary>], iteration_bounds = array<i64: 18, 7>, scalar_prefetch = 0 : i64, scratch_operands = 0 : i64, tpu.core_type = #tpu.core_type<tc>, window_params = [{transform_indices = @transform_0, window_bounds = array<i64: 384, 256>}, {transform_indices = @transform_1, window_bounds = array<i64: 256, 1024>}, {transform_indices = @transform_2, window_bounds = array<i64: 1, 1024>}, {transform_indices = @transform_3, window_bounds = array<i64: 384, 1024>}]} {
    %get3A = arith.constant 0 : index
    %get3A_0 = arith.constant 0 : index
    %get3A_1 = vector.load %arg2[%get3A, %get3A_0] : memref<384x256xbf16, #tpu.memory_space<vmem>>, vector<384x256xbf16>
    %get3A_2 = arith.constant 0 : index
    %get3A_3 = arith.constant 0 : index
    %get3A_4 = vector.load %arg3[%get3A_2, %get3A_3] : memref<256x1024xbf16, #tpu.memory_space<vmem>>, vector<256x1024xbf16>
    %dot_general3A = arith.constant dense<0.000000e+00> : vector<384x1024xf32>
    %dot_general3A_5 = tpu.matmul %get3A_1, %get3A_4, %dot_general3A {dimension_numbers = #tpu.dot_dimension_numbers<[1], [0], [0], [1], [0, 0, 1, 1], [], []>, transpose_lhs_hint = false} : vector<384x256xbf16>, vector<256x1024xbf16>, vector<384x1024xf32> -> vector<384x1024xf32>
    %get3A_6 = arith.constant 0 : index
    %get3A_7 = arith.constant 0 : index
    %get3A_8 = vector.load %arg4[%get3A_6, %get3A_7] : memref<1x1024xf32, #tpu.memory_space<vmem>>, vector<1x1024xf32>
    %add3A = vector.broadcast %get3A_8 : vector<1x1024xf32> to vector<384x1024xf32>
    %add3A_9 = arith.addf %dot_general3A_5, %add3A : vector<384x1024xf32>
    %swap3A = arith.constant 0 : index
    %swap3A_10 = arith.constant 0 : index
    %swap3A_11 = vector.load %arg5[%swap3A, %swap3A_10] : memref<384x1024xf32, #tpu.memory_space<vmem>>, vector<384x1024xf32>
    tpu.vector_store %arg5[%swap3A, %swap3A_10], %add3A_9 {strides = array<i32>} : memref<384x1024xf32, #tpu.memory_space<vmem>>, vector<384x1024xf32>,
    return
  }
  func.func @transform_0(%arg0: i32, %arg1: i32) -> (i32, i32) {
    %c0_i32 = arith.constant 0 : i32
    %c0_i32_0 = arith.constant 0 : i32
    return %arg0, %c0_i32 : i32, i32
  }
  func.func @transform_1(%arg0: i32, %arg1: i32) -> (i32, i32) {
    %c0_i32 = arith.constant 0 : i32
    %c0_i32_0 = arith.constant 0 : i32
    return %c0_i32, %arg1 : i32, i32
  }
  func.func @transform_2(%arg0: i32, %arg1: i32) -> (i32, i32) {
    %c0_i32 = arith.constant 0 : i32
    %c0_i32_0 = arith.constant 0 : i32
    return %c0_i32, %arg1 : i32, i32
  }
  func.func @transform_3(%arg0: i32, %arg1: i32) -> (i32, i32) {
    %c0_i32 = arith.constant 0 : i32
    return %arg0, %arg1 : i32, i32
  }
}

</mosaic_0001>

<sc_bundles>
// kernel: kernel.13.cloned.1.call-start
scs
__scs_entry_jumppad:
0x0: {  	(pc) =	sbr.rel $0x88, $3  }
0x1: {  	(tag) =	ssettag $0x0;
	lr =	simm.s32 $0x1  }
0x2: {  	[smem:$0x3F87] =	sst lr;
	_ =	strace $0xD0000000  }
0x3: {  	_ = 	snop  }
0x4: {  	_ = 	snop  }
0x5: {  	_ = 	snop  }
0x6: {  	_ = 	snop  }
0x7: {  	_ = 	snop  }
__scs_overlays_trampoline_lowered:
0x8: {  	[smem:$0x3F96] =	sst s0  }
0x9: {  	[smem:$0x3F97] =	sst s1  }
0xa: {  	[smem:$0x3F98] =	sst s2  }
0xb: {  	[smem:$0x3F99] =	sst s3  }
0xc: {  	[smem:$0x3F9A] =	sst s4  }
0xd: {  	[smem:$0x3F9B] =	sst s5  }
0xe: {  	[smem:$0x3F9C] =	sst s6  }
0xf: {  	[smem:$0x3F9D] =	sst s7  }
0x10: {  	[smem:$0x3F9E] =	sst s8  }
0x11: {  	[smem:$0x3F9F] =	sst s9;
	s0 =	simm.s32 @!p0 $0x0  }
0x12: {  	s1 =	sld [smem:$0x3F85];
	s0 =	simm.s32 @p0 $0x1  }
0x13: {  	[smem:$0x3FA0] =	sst s0;
	s0 =	simm.s32 @!p1 $0x0  }
0x14: {  	s2 =	sld [smem:$0x3F84];
	s0 =	simm.s32 @p1 $0x1  }
0x15: {  	[smem:$0x3FA1] =	sst s0;
	s0 =	simm.s32 @!p2 $0x0  }
0x16: {  	s3 =	sld [smem:$0x3FDB];
	s0 =	simm.s32 @p2 $0x1  }
0x17: {  	s4 =	simm.s32 $0x1BF5;
	[smem:$0x3FA3] =	sst s0  }
0x18: {  	s0 =	sld [smem:$0x3F86];
	_ =	swait.ge [sflag:s4], $0x0  }
0x19: {  	s7 =	sld [smem:$0x3F87]  }
0x1a: {  	s8 =	sadd.s32 $0xFFFFE003, lr  }
0x1b: {  	s9 =	sadd.s32 $0xFFFFFEF7, lr;
	s5 =	simm.s32 $0xFFFFFFFF;
	p2 =	slt.u32 s8, $0xFFFFF086  }
0x1c: {  	p1 =	slt.u32 s9, $0xF7A;
	s5 =	simm.s32 @!p2 $0x0  }
0x1d: {  	s5 =	simm.s32 @p1 $0x1;
	p0 =	seq.s32 s7, s2  }
0x1e: {  	s7 =	smul.u32 @!p0 $0xF7A, s2;
	p2 =	seq.s32 @!p0 s5, $0x0  }
0x1f: {  	s9 =	smul.u32 $0xF7A, s1;
	s8 =	simm.s32 @!p0 $0x1BF5;
	p2 =	por !p2, p0  }
0x20: {  	[sflag:s8] =	ssyncset.s32 @!p0 $0xFFFFF086;
	s6 =	sadd.s32 @!p0 s3, s7;
	s7 =	simm.s32 @!p0 $0x108  }
0x21: {  	s3 =	sadd.s32 s3, s9;
	s6 =	sadd.s32 @!p0 $0x88, s6;
	s7 =	simm.s32 @p2 $0x1082  }
0x22: {  	[simem:s7], [sflag:s8] =	dma.local @!p0 [hbm:s6], $0xF7A  }
0x23: {  	s9 =	sor.u32 $0xD0000000, s2;
	s6 =	simm.s32 $0x108;
	_ =	swait.ge @!p0 [sflag:s8], $0x0  }
0x24: {  	s3 =	sadd.s32 $0x88, s3;
	s6 =	simm.s32 @!p1 $0x1082;
	[sflag:s4] =	ssyncset.s32 $0xFFFFF086  }
0x25: {  	[simem:s6], [sflag:s4] =	dma.local [hbm:s3], $0xF7A  }
0x26: {  	[smem:$0x3F87] =	sst s1;
	(tag) =	ssettag s2;
	_ =	strace s9  }
0x27: {  	s1 =	sld [smem:$0x3F97]  }
0x28: {  	s2 =	sld [smem:$0x3F98]  }
0x29: {  	s4 =	sld [smem:$0x3F9A]  }
0x2a: {  	p0 =	seq.s32 s5, $0x0;
	s5 =	sld [smem:$0x3F9B]  }
0x2b: {  	s6 =	sld [smem:$0x3F9C]  }
0x2c: {  	s7 =	sld [smem:$0x3F9D]  }
0x2d: {  	s3 =	simm.s32 $0x108;
	s8 =	sld [smem:$0x3F9E]  }
0x2e: {  	s3 =	simm.s32 @!p0 $0x1082;
	s9 =	sld [smem:$0x3F9F]  }
0x2f: {  	lr =	sadd.s32 s0, s3;
	s0 =	sld [smem:$0x3F96]  }
0x30: {  	s3 =	sld [smem:$0x3F99]  }
0x31: {  	[smem:$0x3FA2] =	sst s10  }
0x32: {  	s10 =	sld [smem:$0x3FA0];
	_ =	sdelay $0x3  }
0x33: {  	p0 =	seq.s32 s10, $0x1;
	s10 =	sld [smem:$0x3FA2];
	_ =	sdelay $0x3  }
0x34: {  	[smem:$0x3FA2] =	sst s10  }
0x35: {  	s10 =	sld [smem:$0x3FA1];
	_ =	sdelay $0x3  }
0x36: {  	p1 =	seq.s32 s10, $0x1;
	s10 =	sld [smem:$0x3FA2];
	_ =	sdelay $0x3  }
0x37: {  	[smem:$0x3FA2] =	sst s10  }
0x38: {  	s10 =	sld [smem:$0x3FA3]  }
0x39: {  	_ = 	snop;
	(pc) =	sbr.ind lr, $3  }
0x3a: {  	_ = 	snop  }
0x3b: {  	_ = 	snop  }
0x3c: {  	p2 =	seq.s32 s10, $0x1;
	s10 =	sld [smem:$0x3FA2]  }
0x3d: {  	_ =	shalt  }
0x3e: {  	_ =	shalt  }
0x3f: {  	_ =	shalt  }
0x40: {  	_ =	shalt  }
0x41: {  	_ =	shalt  }
0x42: {  	_ =	shalt  }
0x43: {  	_ =	shalt  }
0x44: {  	_ =	shalt  }
0x45: {  	_ =	shalt  }
0x46: {  	_ =	shalt  }
0x47: {  	_ =	shalt  }
0x48: {  	_ =	shalt  }
0x49: {  	_ =	shalt  }
0x4a: {  	_ =	shalt  }
0x4b: {  	_ =	shalt  }
0x4c: {  	_ =	shalt  }
0x4d: {  	_ =	shalt  }
0x4e: {  	_ =	shalt  }
0x4f: {  	_ =	shalt  }
0x50: {  	_ =	shalt  }
0x51: {  	_ =	shalt  }
0x52: {  	_ =	shalt  }
0x53: {  	_ =	shalt  }
0x54: {  	_ =	shalt  }
0x55: {  	_ =	shalt  }
0x56: {  	_ =	shalt  }
0x57: {  	_ =	shalt  }
0x58: {  	_ =	shalt  }
0x59: {  	_ =	shalt  }
0x5a: {  	_ =	shalt  }
0x5b: {  	_ =	shalt  }
0x5c: {  	_ =	shalt  }
0x5d: {  	_ =	shalt  }
0x5e: {  	_ =	shalt  }
0x5f: {  	_ =	shalt  }
0x60: {  	_ =	shalt  }
0x61: {  	_ =	shalt  }
0x62: {  	_ =	shalt  }
0x63: {  	_ =	shalt  }
0x64: {  	_ =	shalt  }
0x65: {  	_ =	shalt  }
0x66: {  	_ =	shalt  }
0x67: {  	_ =	shalt  }
0x68: {  	_ =	shalt  }
0x69: {  	_ =	shalt  }
0x6a: {  	_ =	shalt  }
0x6b: {  	_ =	shalt  }
0x6c: {  	_ =	shalt  }
0x6d: {  	_ =	shalt  }
0x6e: {  	_ =	shalt  }
0x6f: {  	_ =	shalt  }
0x70: {  	_ =	shalt  }
0x71: {  	_ =	shalt  }
0x72: {  	_ =	shalt  }
0x73: {  	_ =	shalt  }
0x74: {  	_ =	shalt  }
0x75: {  	_ =	shalt  }
0x76: {  	_ =	shalt  }
0x77: {  	_ =	shalt  }
0x78: {  	_ =	shalt  }
0x79: {  	_ =	shalt  }
0x7a: {  	_ =	shalt  }
0x7b: {  	_ =	shalt  }
0x7c: {  	_ =	shalt  }
0x7d: {  	_ =	shalt  }
0x7e: {  	_ =	shalt  }
0x7f: {  	_ =	shalt  }
0x80: {  	_ =	shalt  }
0x81: {  	_ =	shalt  }
0x82: {  	_ =	shalt  }
0x83: {  	_ =	shalt  }
0x84: {  	_ =	shalt  }
0x85: {  	_ =	shalt  }
0x86: {  	_ =	shalt  }
0x87: {  	_ =	shalt  }
.Lfunc_end0:
.L_simem_size_0:
called_computation_lowered:
.L_overlay_start_0:
0x88: {  	s2 =	sld [smem:$0x3FD9]  }
0x89: {  	s3 =	sld [smem:$0x3FFE];
	_ =	sdelay $0x1  }
0x8a: {  	s1 =	srdreg.scid  }
0x8b: {  	s0 =	sand.u32 $0x1, s1  }
0x8c: {  	s17 =	sshll.u32 s0, $0xA;
	s2 =	sadd.s32 s3, s2  }
0x8d: {  	s2 =	sadd.s32 s2, s17  }
0x8e: {  	[smem:$0x3FAE] =	sst s2  }
0x8f: {  	_ = 	snop  }
0x90: {  	s2 =	sld [smem:$0x3FD0];
	(tm) =	ssettm $0x1  }
0x91: {  	s18 =	sld [smem:$0x3FFB];
	_ =	sdelay $0x3  }
0x92: {  	_ =	strace s18  }
0x93: {  	s3 =	sld [smem:$0x3FFC];
	_ =	sdelay $0x3  }
0x94: {  	_ =	strace s3  }
0x95: {  	s3 =	sld [smem:$0x3FFD];
	_ =	sdelay $0x3  }
0x96: {  	_ =	strace s3  }
0x97: {  	_ =	strace $0x8FFFFFFF  }
0x98: {  	s19 =	sld [smem:$0x3FDB];
	_ =	sdelay $0x1  }
0x99: {  	s4 =	simm.s32 $_scs_section_size  }
0x9a: {  	s5 =	simm.s32 $_size__tile_overlayer_lowered;
	s6 =	simm.s32 $_tile_overlayer_lowered  }
0x9b: {  	s22 =	simm.s32 $0x1BFF;
	s21 =	sshll.u32 s6, $0x1;
	s3 =	sadd.s32 s4, s19  }
0x9c: {  	s7 =	simm.s32 $0x0;
	s20 =	sshll.u32 s5, $0x1;
	s5 =	sadd.s32 s21, s3  }
0x9d: {  	[timem:s7], [sflag:s22] =	dma.local [hbm:s5], s20  }
0x9e: {  	_ =	swait.ge [sflag:s22], s20  }
0x9f: {  	s4 =	ssub.s32 $0x0, s20;
	[sflag:s22] =	ssyncset.done $0x0  }
0xa0: {  	[sflag:s22] =	ssyncadd.s32 s4;
	_ =	sdelay $0x1  }
0xa1: {  	s23 =	simm.s32 $0x1B8B  }
0xa2: {  	_ =	swait.ge [sflag:s23], $0x1  }
0xa3: {  	[sflag:s23] =	ssyncset.done $0x0  }
0xa4: {  	s25 =	simm.s32 $0x1B8E;
	s24 =	sld [smem:$0x3FFE];
	[sflag:s23] =	ssyncadd.s32 $0xFFFFFFFF  }
0xa5: {  	s26 =	simm.s32 $execute0_lowered;
	[smem:$0x3FD2] =	sst s25  }
0xa6: {  	s5 =	sshll.u32 s26, $0x1;
	_ =	strace $0x80000046;
	[dreg:$0x1] =	wrdreg $0xFFFFFFFF  }
0xa7: {  	s28 =	simm.s32 $_size_execute0_lowered;
	s3 =	sadd.s32 s3, s5;
	[dreg:$0x0] =	wrdreg $0x0  }
0xa8: {  	s5 =	sshll.u32 s28, $0x1;
	[dreg:$0x2] =	wrdreg s3  }
0xa9: {  	[dreg:$0x3] =	wrdreg s5  }
0xaa: {  	[dreg:$0x4] =	wrdreg $0xC0  }
0xab: {  	_ =	task [dreg:s7], $0x5FFFF  }
0xac: {  	[dreg:$0x1] =	wrdreg $0xFFFFFFFF  }
0xad: {  	[dreg:$0x0] =	wrdreg $0x60  }
0xae: {  	[dreg:$0x2] =	wrdreg s24  }
0xaf: {  	[dreg:$0x3] =	wrdreg s2  }
0xb0: {  	[dreg:$0x4] =	wrdreg $0x9  }
0xb1: {  	_ =	task.clear_ibuf [dreg:s7], $0x5FFFF;
	_ =	strace $0x90000046  }
0xb2: {  	s29 =	simm.s32 $0x9;
	_ =	strace $0x80000048  }
0xb3: {  	_ =	swait.ge [sflag:s29], $0x1  }
0xb4: {  	[sflag:s29] =	ssyncadd.s32 $0xFFFFFFFF  }
0xb5: {  	_ =	strace $0x90000048  }
0xb6: {  	_ =	sfence  }
0xb7: {  	s30 =	sld [smem:$0x0];
	_ =	sdelay $0x2  }
0xb8: {  	s31 =	sshll.u32 s1, $0xD;
	s1 =	sshrl.u32 s1, $0x2  }
0xb9: {  	s3 =	sand.u32 $0x4000, s31;
	s1 =	sadd.s32 s1, s30  }
0xba: {  	s0 =	sor.u32 s3, s0;
	s1 =	sshll.u32 s1, $0x11  }
0xbb: {  	s0 =	sor.u32 s1, s0  }
0xbc: {  	s0 =	sadd.s32 $0x8F2B, s0  }
0xbd: {  	[sflag:s0] =	ssyncadd.remote.s32 $0x1  }
0xbe: {  	_ =	sfence.sel $0xFFFF  }
0xbf: {  	[dreg:$0x0] =	wrdreg $0xFFFFFFFF;
	(pc) =	sbr.abs _section_cstart, $3  }
0xc0: {  	[dreg:$0x1] =	wrdreg $0xFFFFFFFF  }
0xc1: {  	_ =	task.clear_ibuf [dreg:s7], $0x2FFFF;
	_ =	strace $0x9FFFFFFF  }
0xc2: {  	(tm) =	ssettm $0x7FFFFFFF  }
0xc3: {  	_ =	shalt  }
tec
execute0_lowered:
.L_overlay_start_1:
0x0: {  	(tag) =	ssettag $0x1  }
0x1: {  	s5 =	rddreg [dreg:$0x0];
	s1 =	srdreg.scid  }
0x2: {  	s0 =	stileid.u32;
	s2 =	rddreg [dreg:$0x1]  }
0x3: {  	s3 =	simm.s32 $0x0;
	s9 =	simm.s32 $0x4;
	s10 =	simm.s32 $0x120  }
0x4: {  	s11 =	simm.s32 $0xCA90;
	s12 =	simm.s32 $0xDC90;
	s13 =	simm.s32 $0x1  }
0x5: {  	s14 =	simm.s32 $0xEE90;
	s15 =	simm.s32 $0x2;
	s16 =	simm.s32 $0x3  }
0x6: {  	s17 =	simm.s32 $0xF490;
	s4 =	sand.u32 $0x1, s1;
	s6 =	sshll.u32 s0, $0x1  }
0x7: {  	s18 =	simm.s32 $0x0;
	s1 =	rddreg [dreg:$0x2];
	s6 =	sor.u32 s4, s6  }
0x8: {  	[smem:$0x7FF] =	sst s3;
	s8 =	ssub.s32 $0x2, s4;
	s7 =	smul.u32 $0xCA8, s6  }
0x9: {  	_ =	strace $0x80000047;
	s4 =	sadd.s32 $0x6800, s5;
	s31 =	sshrl.u32 s8, $0x1  }
0xa: {  	s8 =	ssub.s32 s8, s31;
	s7 =	sadd.s32 s7, s5;
	s5 =	smul.u32 $0x21C0, s6  }
0xb: {  	v0 =	vimm.s32 $0x0;
	v1 =	vimm.s32 $0x1;
	v2 =	vimm.s32 $0x2;
	s8 =	smax.u32 s8, $0x1;
	s6 =	sadd.s32 $0x23400, s7;
	s7 =	sadd.s32 $0x9E00, s7  }
.LBB2_1:
0xc: {  	[tilespmem:s3], [sflag:$0x4] =	stream.linear.gather [hbm4b:s6+s3], $0x6540, $0x38;
	[tilespmem:$0xFA90] =	vst v63  }
0xd: {  	_ =	swait.ge [sflag:s9], $0x6540  }
0xe: {  	[sflag:s9] =	ssyncset.done $0x0  }
0xf: {  	s19 =	simm.s32 $0x6540;
	[sflag:s9] =	ssyncadd.s32 $0xFFFF9AC0  }
0x10: {  	[tilespmem:s19], [sflag:$0x4] =	stream.linear.gather [hbm4b:s7+s3], $0x6540, $0x38;
	[tilespmem:$0xFA90] =	vst v63  }
0x11: {  	_ =	swait.ge [sflag:s9], $0x6540  }
0x12: {  	[sflag:s9] =	ssyncset.done $0x0  }
0x13: {  	s20 =	simm.s32 $0x6660;
	s21 =	simm.s32 $0x0;
	[sflag:s9] =	ssyncadd.s32 $0xFFFF9AC0  }
0x14: {  	[tilespmem:s11], [sflag:$0x1] =	stream.indirect.gather [hbm4b:s4+s10], $0x10, s3, s10, $0xb8;
	[tilespmem:$0xFA90] =	vst v63  }
.LBB2_2:
0x15: {  	s22 =	sshllo.u32 s21, $0x1  }
0x16: {  	s23 =	smul.u32 $0x480, s22;
	_ =	sdelay $0x1  }
0x17: {  	v3 =	vmov s19;
	s23 =	sshra.s32 s23, $0x2  }
0x18: {  	[tilespmem:s12], [sflag:$0x2] =	stream.indirect.gather [hbm4b:s4+s10], $0x10, s23, s10, $0xb8;
	[tilespmem:$0xFA90] =	vst v63  }
0x19: {  	_ =	swait.ge [sflag:s13], $0x1200  }
0x1a: {  	[sflag:s13] =	ssyncset.done $0x0  }
0x1b: {  	s31 =	simm.s32 $0x0;
	[sflag:s13] =	ssyncadd.s32 $0xFFFFEE00  }
0x1c: {  	s24 =	simm.s32 $0xCAB0;
	v4 =	vld.idx.msk [tilespmem:v3+s31+$0x0 ss:$0x1], $0xffff  }
0x1d: {  	v5 =	vld [tilespmem:s24+$0xFFFFFFE0]  }
0x1e: {  	v6 =	vld [tilespmem:s24+$0xFFFFFFF0];
	_ =	sdelay $0x1  }
0x1f: {  	v7 =	vld [tilespmem:s24+$0x0]  }
0x20: {  	v8 =	vperm.xlane v4, v0;
	v9 =	vperm.xlane v4, v1  }
0x21: {  	v4 =	vperm.xlane v4, v2  }
0x22: {  	v5 =	vmul.f32 v5, v8;
	v6 =	vmul.f32 v6, v9;
	_ =	sdelay $0x1  }
0x23: {  	v4 =	vmul.f32 v7, v4;
	v5 =	vadd.f32 v6, v5;
	_ =	sdelay $0x1  }
0x24: {  	v4 =	vadd.f32 v4, v5  }
0x25: {  	s25 =	simm.s32 $0xEE90  }
0x26: {  	s28 =	simm.s32 $0x3;
	s26 =	simm.s32 $0x18;
	s23 =	smul.u32 $0x900, s21;
	[tilespmem:s25+$0x0] =	vst v4  }
.LBB2_3:
0x27: {  	p0 =	sne.s32 s26, $0x474;
	v4 =	vld.idx.msk [tilespmem:v3+s28+$0x0 ss:$0x1], $0xffff  }
0x28: {  	s24 =	sadd.s32 $0x30, s24  }
0x29: {  	v5 =	vld [tilespmem:s24+$0xFFFFFFE0]  }
0x2a: {  	v6 =	vld [tilespmem:s24+$0xFFFFFFF0];
	_ =	sdelay $0x1  }
0x2b: {  	v7 =	vld [tilespmem:s24+$0x0]  }
0x2c: {  	v8 =	vperm.xlane v4, v0;
	v9 =	vperm.xlane v4, v1  }
0x2d: {  	v4 =	vperm.xlane v4, v2  }
0x2e: {  	v5 =	vmul.f32 v5, v8;
	v6 =	vmul.f32 v6, v9;
	_ =	sdelay $0x1  }
.Ltmp0:
0x2f: {  	v5 =	vadd.f32 v6, v5;
	v4 =	vmul.f32 v7, v4;
	(pc) =	sbr.rel @p0 .LBB2_3-.Ltmp0, $4  }
0x30: {  	_ = 	snop  }
0x31: {  	v4 =	vadd.f32 v4, v5  }
0x32: {  	s25 =	sadd.s32 $0x10, s25  }
0x33: {  	s28 =	sshra.s32 s26, $0x2;
	s26 =	sadd.s32 $0xC, s26;
	[tilespmem:s25+$0x0] =	vst v4  }
0x34: {  	_ =	sdelay $0x3  }
0x35: {  	v3 =	vld.idx.msk [tilespmem:v3+s28+$0x0 ss:$0x1], $0xffff;
	s24 =	sadd.s32 $0x30, s24  }
0x36: {  	v4 =	vld [tilespmem:s24+$0xFFFFFFE0]  }
0x37: {  	v5 =	vld [tilespmem:s24+$0xFFFFFFF0];
	_ =	sdelay $0x1  }
0x38: {  	v6 =	vld [tilespmem:s24+$0x0]  }
0x39: {  	v7 =	vperm.xlane v3, v0;
	v8 =	vperm.xlane v3, v1  }
0x3a: {  	v3 =	vperm.xlane v3, v2  }
0x3b: {  	v4 =	vmul.f32 v4, v7;
	v5 =	vmul.f32 v5, v8;
	_ =	sdelay $0x1  }
0x3c: {  	v3 =	vmul.f32 v6, v3;
	v4 =	vadd.f32 v5, v4;
	_ =	sdelay $0x1  }
0x3d: {  	v3 =	vadd.f32 v3, v4  }
0x3e: {  	s28 =	sadd.s32 $0x10, s25;
	p0 =	seq.s32 s21, $0x0;
	s29 =	smul.u32 $0xC0, s21  }
0x3f: {  	s24 =	simm.s32 @!p0 $0x3;
	[tilespmem:s28+$0x0] =	vst v3  }
0x40: {  	s25 =	sadd.s32 s5, s29;
	_ =	swait.ge @!p0 [sflag:s24], $0x600  }
0x41: {  	s25 =	sshll.u32 s25, $0x1;
	[sflag:s24] =	ssyncset.done @!p0 $0x0  }
0x42: {  	s30 =	sadd.s32 s2, s25;
	[sflag:s24] =	ssyncadd.s32 @!p0 $0xFFFFFA00;
	p0 =	seq.s32 s21, $0x2C  }
0x43: {  	[hbm4b:s30+s3] =	stream.linear.scatter [tilespmem:s14], [sflag:$0x3], $0x600, $0x38;
	[tilespmem:$0xFA90] =	vst v63  }
0x44: {  	s23 =	sshra.s32 @!p0 s23, $0x2  }
0x45: {  	v3 =	vmov s20;
	s24 =	simm.s32 @!p0 $0x120;
	s25 =	simm.s32 @!p0 $0xCA90;
	s23 =	sadd.s32 @!p0 $0x240, s23  }
0x46: {  	[tilespmem:s25], [sflag:$0x1] =	stream.indirect.gather @!p0 [hbm4b:s4+s24], $0x10, s23, s24, $0xb8;
	[tilespmem:$0xFA90] =	vst v63  }
0x47: {  	_ =	swait.ge [sflag:s15], $0x1200  }
0x48: {  	[sflag:s15] =	ssyncset.done $0x0  }
0x49: {  	s31 =	simm.s32 $0x0;
	[sflag:s15] =	ssyncadd.s32 $0xFFFFEE00  }
0x4a: {  	s23 =	simm.s32 $0xDCB0;
	v4 =	vld.idx.msk [tilespmem:v3+s31+$0x0 ss:$0x1], $0xffff  }
0x4b: {  	v5 =	vld [tilespmem:s23+$0xFFFFFFE0]  }
0x4c: {  	v61 =	vld [tilespmem:s23+$0xFFFFFFF0];
	_ =	sdelay $0x1  }
0x4d: {  	v62 =	vld [tilespmem:s23+$0x0]  }
0x4e: {  	v63 =	vperm.xlane v4, v0;
	v9 =	vperm.xlane v4, v1  }
0x4f: {  	v4 =	vperm.xlane v4, v2  }
0x50: {  	v5 =	vmul.f32 v5, v63;
	v6 =	vmul.f32 v61, v9;
	_ =	sdelay $0x1  }
0x51: {  	v4 =	vmul.f32 v62, v4;
	v5 =	vadd.f32 v6, v5;
	_ =	sdelay $0x1  }
0x52: {  	v4 =	vadd.f32 v4, v5  }
0x53: {  	s24 =	simm.s32 $0xF490  }
0x54: {  	s26 =	simm.s32 $0x3;
	s25 =	simm.s32 $0x18;
	[tilespmem:s24+$0x0] =	vst v4  }
.LBB2_5:
0x55: {  	p0 =	sne.s32 s25, $0x474;
	v4 =	vld.idx.msk [tilespmem:v3+s26+$0x0 ss:$0x1], $0xffff  }
0x56: {  	s23 =	sadd.s32 $0x30, s23  }
0x57: {  	v5 =	vld [tilespmem:s23+$0xFFFFFFE0]  }
0x58: {  	v6 =	vld [tilespmem:s23+$0xFFFFFFF0];
	_ =	sdelay $0x1  }
0x59: {  	v7 =	vld [tilespmem:s23+$0x0]  }
0x5a: {  	v8 =	vperm.xlane v4, v0;
	v9 =	vperm.xlane v4, v1  }
0x5b: {  	v4 =	vperm.xlane v4, v2  }
0x5c: {  	v5 =	vmul.f32 v5, v8;
	v6 =	vmul.f32 v6, v9;
	_ =	sdelay $0x1  }
.Ltmp1:
0x5d: {  	v5 =	vadd.f32 v6, v5;
	v4 =	vmul.f32 v7, v4;
	(pc) =	sbr.rel @p0 .LBB2_5-.Ltmp1, $4  }
0x5e: {  	_ = 	snop  }
0x5f: {  	v4 =	vadd.f32 v4, v5  }
0x60: {  	s24 =	sadd.s32 $0x10, s24  }
0x61: {  	s26 =	sshra.s32 s25, $0x2;
	s25 =	sadd.s32 $0xC, s25;
	[tilespmem:s24+$0x0] =	vst v4  }
0x62: {  	_ =	sdelay $0x3  }
0x63: {  	v3 =	vld.idx.msk [tilespmem:v3+s26+$0x0 ss:$0x1], $0xffff;
	s23 =	sadd.s32 $0x30, s23  }
0x64: {  	v4 =	vld [tilespmem:s23+$0xFFFFFFE0]  }
0x65: {  	v5 =	vld [tilespmem:s23+$0xFFFFFFF0];
	_ =	sdelay $0x1  }
0x66: {  	v6 =	vld [tilespmem:s23+$0x0]  }
0x67: {  	v7 =	vperm.xlane v3, v0;
	v8 =	vperm.xlane v3, v1  }
0x68: {  	v3 =	vperm.xlane v3, v2  }
0x69: {  	v4 =	vmul.f32 v4, v7;
	v5 =	vmul.f32 v5, v8;
	_ =	sdelay $0x1  }
0x6a: {  	v3 =	vmul.f32 v6, v3;
	v4 =	vadd.f32 v5, v4;
	_ =	sdelay $0x1  }
0x6b: {  	s22 =	smul.u32 $0x60, s22;
	s21 =	sadd.s32 $0x1, s21;
	v3 =	vadd.f32 v3, v4  }
0x6c: {  	s31 =	sadd.s32 $0x10, s24;
	p0 =	sne.s32 s21, $0x2D  }
.Ltmp2:
0x6d: {  	s22 =	sadd.s32 s5, s22;
	[tilespmem:s31+$0x0] =	vst v3;
	(pc) =	sbr.rel @p0 .LBB2_2-.Ltmp2, $4  }
0x6e: {  	s22 =	sshll.u32 s22, $0x1;
	_ =	swait.ge [sflag:s16], $0x600  }
0x6f: {  	s19 =	sadd.s32 $0x240, s19;
	s22 =	sand.u32 $0x1FFFFFC0, s22;
	[sflag:s16] =	ssyncset.done $0x0  }
0x70: {  	s20 =	sadd.s32 $0x240, s20;
	s22 =	sadd.s32 s2, s22;
	[sflag:s16] =	ssyncadd.s32 $0xFFFFFA00  }
0x71: {  	[hbm4b:s22+s3] =	stream.linear.scatter [tilespmem:s17], [sflag:$0x3], $0x600, $0x38;
	[tilespmem:$0xFA90] =	vst v63  }
0x72: {  	s18 =	sadd.s32 $0x1, s18  }
0x73: {  	p0 =	sne.s32 s18, s8  }
.Ltmp3:
0x74: {  	_ = 	snop;
	(pc) =	sbr.rel @p0 .LBB2_1-.Ltmp3, $4  }
0x75: {  	_ = 	snop  }
0x76: {  	_ =	swait.ge [sflag:s16], $0x600  }
0x77: {  	[sflag:s16] =	ssyncset.done $0x0  }
0x78: {  	[sflag:s16] =	ssyncadd.s32 $0xFFFFFA00  }
0x79: {  	_ =	sfence.sel $0x180000  }
0x7a: {  	[bflag:$0x0] =	sbarrier.arrive $0xFFFF  }
0x7b: {  	p0 =	sne.s32 s0, $0x0;
	_ =	strace $0x90000047  }
0x7c: {  	s0 =	sadd.s32 @!p0 $0x100000, s1;
	[bflag:$0x2] =	sbarrier.arrive $0xFFFF  }
0x7d: {  	[sflag:s0] =	ssyncadd.tile.s32 @!p0 $0x1;
	_ =	shalt  }
.Lfunc_end2:
_tile_overlayer_lowered:
.L_overlay_start_2:
0x7e: {  	(tag) =	ssettag $0x2  }
0x7f: {  	s0 =	rddreg [dreg:$0x0];
	s2 =	stileid.u32  }
0x80: {  	s1 =	rddreg [dreg:$0x1];
	p0 =	sne.s32 s2, $0x0  }
0x81: {  	s3 =	rddreg [dreg:$0x2];
	[bflag:$0x3] =	sbarrier.arrive $0xFFFF;
	s2 =	simm.s32 @!p0 $0x1C04  }
0x82: {  	[timem:s3], [sflag:s2] =	dma.local @!p0 [hbm:s0], s1  }
0x83: {  	s0 =	simm.s32 @!p0 $0x4  }
0x84: {  	_ =	swait.ge @!p0 [sflag:s0], s1  }
0x85: {  	s1 =	ssub.s32 @!p0 $0x0, s1;
	[sflag:s0] =	ssyncset.done @!p0 $0x0  }
0x86: {  	[sflag:s0] =	ssyncadd.s32 @!p0 s1  }
0x87: {  	[bflag:$0x3] =	sbarrier.arrive $0xFFFF  }
0x88: {  	_ =	shalt  }

// kernel: kernel.16.cloned.1.call-start
scs
__scs_entry_jumppad:
0x0: {  	(pc) =	sbr.rel $0x88, $3  }
0x1: {  	(tag) =	ssettag $0x0;
	lr =	simm.s32 $0x1  }
0x2: {  	[smem:$0x3F87] =	sst lr;
	_ =	strace $0xD0000000  }
0x3: {  	_ = 	snop  }
0x4: {  	_ = 	snop  }
0x5: {  	_ = 	snop  }
0x6: {  	_ = 	snop  }
0x7: {  	_ = 	snop  }
__scs_overlays_trampoline_lowered:
0x8: {  	[smem:$0x3F96] =	sst s0  }
0x9: {  	[smem:$0x3F97] =	sst s1  }
0xa: {  	[smem:$0x3F98] =	sst s2  }
0xb: {  	[smem:$0x3F99] =	sst s3  }
0xc: {  	[smem:$0x3F9A] =	sst s4  }
0xd: {  	[smem:$0x3F9B] =	sst s5  }
0xe: {  	[smem:$0x3F9C] =	sst s6  }
0xf: {  	[smem:$0x3F9D] =	sst s7  }
0x10: {  	[smem:$0x3F9E] =	sst s8  }
0x11: {  	[smem:$0x3F9F] =	sst s9;
	s0 =	simm.s32 @!p0 $0x0  }
0x12: {  	s1 =	sld [smem:$0x3F85];
	s0 =	simm.s32 @p0 $0x1  }
0x13: {  	[smem:$0x3FA0] =	sst s0;
	s0 =	simm.s32 @!p1 $0x0  }
0x14: {  	s2 =	sld [smem:$0x3F84];
	s0 =	simm.s32 @p1 $0x1  }
0x15: {  	[smem:$0x3FA1] =	sst s0;
	s0 =	simm.s32 @!p2 $0x0  }
0x16: {  	s3 =	sld [smem:$0x3FDB];
	s0 =	simm.s32 @p2 $0x1  }
0x17: {  	s4 =	simm.s32 $0x1BF5;
	[smem:$0x3FA3] =	sst s0  }
0x18: {  	s0 =	sld [smem:$0x3F86];
	_ =	swait.ge [sflag:s4], $0x0  }
0x19: {  	s7 =	sld [smem:$0x3F87]  }
0x1a: {  	s8 =	sadd.s32 $0xFFFFE003, lr  }
0x1b: {  	s9 =	sadd.s32 $0xFFFFFEF7, lr;
	s5 =	simm.s32 $0xFFFFFFFF;
	p2 =	slt.u32 s8, $0xFFFFF086  }
0x1c: {  	p1 =	slt.u32 s9, $0xF7A;
	s5 =	simm.s32 @!p2 $0x0  }
0x1d: {  	s5 =	simm.s32 @p1 $0x1;
	p0 =	seq.s32 s7, s2  }
0x1e: {  	s7 =	smul.u32 @!p0 $0xF7A, s2;
	p2 =	seq.s32 @!p0 s5, $0x0  }
0x1f: {  	s9 =	smul.u32 $0xF7A, s1;
	s8 =	simm.s32 @!p0 $0x1BF5;
	p2 =	por !p2, p0  }
0x20: {  	[sflag:s8] =	ssyncset.s32 @!p0 $0xFFFFF086;
	s6 =	sadd.s32 @!p0 s3, s7;
	s7 =	simm.s32 @!p0 $0x108  }
0x21: {  	s3 =	sadd.s32 s3, s9;
	s6 =	sadd.s32 @!p0 $0x88, s6;
	s7 =	simm.s32 @p2 $0x1082  }
0x22: {  	[simem:s7], [sflag:s8] =	dma.local @!p0 [hbm:s6], $0xF7A  }
0x23: {  	s9 =	sor.u32 $0xD0000000, s2;
	s6 =	simm.s32 $0x108;
	_ =	swait.ge @!p0 [sflag:s8], $0x0  }
0x24: {  	s3 =	sadd.s32 $0x88, s3;
	s6 =	simm.s32 @!p1 $0x1082;
	[sflag:s4] =	ssyncset.s32 $0xFFFFF086  }
0x25: {  	[simem:s6], [sflag:s4] =	dma.local [hbm:s3], $0xF7A  }
0x26: {  	[smem:$0x3F87] =	sst s1;
	(tag) =	ssettag s2;
	_ =	strace s9  }
0x27: {  	s1 =	sld [smem:$0x3F97]  }
0x28: {  	s2 =	sld [smem:$0x3F98]  }
0x29: {  	s4 =	sld [smem:$0x3F9A]  }
0x2a: {  	p0 =	seq.s32 s5, $0x0;
	s5 =	sld [smem:$0x3F9B]  }
0x2b: {  	s6 =	sld [smem:$0x3F9C]  }
0x2c: {  	s7 =	sld [smem:$0x3F9D]  }
0x2d: {  	s3 =	simm.s32 $0x108;
	s8 =	sld [smem:$0x3F9E]  }
0x2e: {  	s3 =	simm.s32 @!p0 $0x1082;
	s9 =	sld [smem:$0x3F9F]  }
0x2f: {  	lr =	sadd.s32 s0, s3;
	s0 =	sld [smem:$0x3F96]  }
0x30: {  	s3 =	sld [smem:$0x3F99]  }
0x31: {  	[smem:$0x3FA2] =	sst s10  }
0x32: {  	s10 =	sld [smem:$0x3FA0];
	_ =	sdelay $0x3  }
0x33: {  	p0 =	seq.s32 s10, $0x1;
	s10 =	sld [smem:$0x3FA2];
	_ =	sdelay $0x3  }
0x34: {  	[smem:$0x3FA2] =	sst s10  }
0x35: {  	s10 =	sld [smem:$0x3FA1];
	_ =	sdelay $0x3  }
0x36: {  	p1 =	seq.s32 s10, $0x1;
	s10 =	sld [smem:$0x3FA2];
	_ =	sdelay $0x3  }
0x37: {  	[smem:$0x3FA2] =	sst s10  }
0x38: {  	s10 =	sld [smem:$0x3FA3]  }
0x39: {  	_ = 	snop;
	(pc) =	sbr.ind lr, $3  }
0x3a: {  	_ = 	snop  }
0x3b: {  	_ = 	snop  }
0x3c: {  	p2 =	seq.s32 s10, $0x1;
	s10 =	sld [smem:$0x3FA2]  }
0x3d: {  	_ =	shalt  }
0x3e: {  	_ =	shalt  }
0x3f: {  	_ =	shalt  }
0x40: {  	_ =	shalt  }
0x41: {  	_ =	shalt  }
0x42: {  	_ =	shalt  }
0x43: {  	_ =	shalt  }
0x44: {  	_ =	shalt  }
0x45: {  	_ =	shalt  }
0x46: {  	_ =	shalt  }
0x47: {  	_ =	shalt  }
0x48: {  	_ =	shalt  }
0x49: {  	_ =	shalt  }
0x4a: {  	_ =	shalt  }
0x4b: {  	_ =	shalt  }
0x4c: {  	_ =	shalt  }
0x4d: {  	_ =	shalt  }
0x4e: {  	_ =	shalt  }
0x4f: {  	_ =	shalt  }
0x50: {  	_ =	shalt  }
0x51: {  	_ =	shalt  }
0x52: {  	_ =	shalt  }
0x53: {  	_ =	shalt  }
0x54: {  	_ =	shalt  }
0x55: {  	_ =	shalt  }
0x56: {  	_ =	shalt  }
0x57: {  	_ =	shalt  }
0x58: {  	_ =	shalt  }
0x59: {  	_ =	shalt  }
0x5a: {  	_ =	shalt  }
0x5b: {  	_ =	shalt  }
0x5c: {  	_ =	shalt  }
0x5d: {  	_ =	shalt  }
0x5e: {  	_ =	shalt  }
0x5f: {  	_ =	shalt  }
0x60: {  	_ =	shalt  }
0x61: {  	_ =	shalt  }
0x62: {  	_ =	shalt  }
0x63: {  	_ =	shalt  }
0x64: {  	_ =	shalt  }
0x65: {  	_ =	shalt  }
0x66: {  	_ =	shalt  }
0x67: {  	_ =	shalt  }
0x68: {  	_ =	shalt  }
0x69: {  	_ =	shalt  }
0x6a: {  	_ =	shalt  }
0x6b: {  	_ =	shalt  }
0x6c: {  	_ =	shalt  }
0x6d: {  	_ =	shalt  }
0x6e: {  	_ =	shalt  }
0x6f: {  	_ =	shalt  }
0x70: {  	_ =	shalt  }
0x71: {  	_ =	shalt  }
0x72: {  	_ =	shalt  }
0x73: {  	_ =	shalt  }
0x74: {  	_ =	shalt  }
0x75: {  	_ =	shalt  }
0x76: {  	_ =	shalt  }
0x77: {  	_ =	shalt  }
0x78: {  	_ =	shalt  }
0x79: {  	_ =	shalt  }
0x7a: {  	_ =	shalt  }
0x7b: {  	_ =	shalt  }
0x7c: {  	_ =	shalt  }
0x7d: {  	_ =	shalt  }
0x7e: {  	_ =	shalt  }
0x7f: {  	_ =	shalt  }
0x80: {  	_ =	shalt  }
0x81: {  	_ =	shalt  }
0x82: {  	_ =	shalt  }
0x83: {  	_ =	shalt  }
0x84: {  	_ =	shalt  }
0x85: {  	_ =	shalt  }
0x86: {  	_ =	shalt  }
0x87: {  	_ =	shalt  }
.Lfunc_end0:
.L_simem_size_0:
called_computation.1_lowered:
.L_overlay_start_0:
0x88: {  	s2 =	sld [smem:$0x3FD9]  }
0x89: {  	s3 =	sld [smem:$0x3FFE];
	_ =	sdelay $0x1  }
0x8a: {  	s1 =	srdreg.scid  }
0x8b: {  	s0 =	sand.u32 $0x1, s1  }
0x8c: {  	s17 =	sshll.u32 s0, $0xA;
	s2 =	sadd.s32 s3, s2  }
0x8d: {  	s2 =	sadd.s32 s2, s17  }
0x8e: {  	[smem:$0x3FAE] =	sst s2  }
0x8f: {  	_ = 	snop  }
0x90: {  	s2 =	sld [smem:$0x3FD0];
	(tm) =	ssettm $0x1  }
0x91: {  	s18 =	sld [smem:$0x3FFB];
	_ =	sdelay $0x3  }
0x92: {  	_ =	strace s18  }
0x93: {  	s3 =	sld [smem:$0x3FFC];
	_ =	sdelay $0x3  }
0x94: {  	_ =	strace s3  }
0x95: {  	s3 =	sld [smem:$0x3FFD];
	_ =	sdelay $0x3  }
0x96: {  	_ =	strace s3  }
0x97: {  	_ =	strace $0x8FFFFFFF  }
0x98: {  	s19 =	sld [smem:$0x3FDB];
	_ =	sdelay $0x1  }
0x99: {  	s4 =	simm.s32 $_scs_section_size  }
0x9a: {  	s5 =	simm.s32 $_size__tile_overlayer_lowered;
	s6 =	simm.s32 $_tile_overlayer_lowered  }
0x9b: {  	s22 =	simm.s32 $0x1BFF;
	s21 =	sshll.u32 s6, $0x1;
	s3 =	sadd.s32 s4, s19  }
0x9c: {  	s7 =	simm.s32 $0x0;
	s20 =	sshll.u32 s5, $0x1;
	s5 =	sadd.s32 s21, s3  }
0x9d: {  	[timem:s7], [sflag:s22] =	dma.local [hbm:s5], s20  }
0x9e: {  	_ =	swait.ge [sflag:s22], s20  }
0x9f: {  	s4 =	ssub.s32 $0x0, s20;
	[sflag:s22] =	ssyncset.done $0x0  }
0xa0: {  	[sflag:s22] =	ssyncadd.s32 s4;
	_ =	sdelay $0x1  }
0xa1: {  	s23 =	simm.s32 $0x1B8B  }
0xa2: {  	_ =	swait.ge [sflag:s23], $0x1  }
0xa3: {  	[sflag:s23] =	ssyncset.done $0x0  }
0xa4: {  	s25 =	simm.s32 $0x1B8E;
	s24 =	sld [smem:$0x3FFE];
	[sflag:s23] =	ssyncadd.s32 $0xFFFFFFFF  }
0xa5: {  	s26 =	simm.s32 $execute0_lowered;
	[smem:$0x3FD2] =	sst s25  }
0xa6: {  	s5 =	sshll.u32 s26, $0x1;
	_ =	strace $0x80000049;
	[dreg:$0x1] =	wrdreg $0xFFFFFFFF  }
0xa7: {  	s28 =	simm.s32 $_size_execute0_lowered;
	s3 =	sadd.s32 s3, s5;
	[dreg:$0x0] =	wrdreg $0x0  }
0xa8: {  	s5 =	sshll.u32 s28, $0x1;
	[dreg:$0x2] =	wrdreg s3  }
0xa9: {  	[dreg:$0x3] =	wrdreg s5  }
0xaa: {  	[dreg:$0x4] =	wrdreg $0xC0  }
0xab: {  	_ =	task [dreg:s7], $0x5FFFF  }
0xac: {  	[dreg:$0x1] =	wrdreg $0xFFFFFFFF  }
0xad: {  	[dreg:$0x0] =	wrdreg $0x60  }
0xae: {  	[dreg:$0x2] =	wrdreg s2  }
0xaf: {  	[dreg:$0x3] =	wrdreg s24  }
0xb0: {  	[dreg:$0x4] =	wrdreg $0x9  }
0xb1: {  	_ =	task.clear_ibuf [dreg:s7], $0x5FFFF;
	_ =	strace $0x90000049  }
0xb2: {  	s29 =	simm.s32 $0x9;
	_ =	strace $0x8000004B  }
0xb3: {  	_ =	swait.ge [sflag:s29], $0x1  }
0xb4: {  	[sflag:s29] =	ssyncadd.s32 $0xFFFFFFFF  }
0xb5: {  	_ =	strace $0x9000004B  }
0xb6: {  	_ =	sfence  }
0xb7: {  	s30 =	sld [smem:$0x0];
	_ =	sdelay $0x2  }
0xb8: {  	s31 =	sshll.u32 s1, $0xD;
	s1 =	sshrl.u32 s1, $0x2  }
0xb9: {  	s3 =	sand.u32 $0x4000, s31;
	s1 =	sadd.s32 s1, s30  }
0xba: {  	s0 =	sor.u32 s3, s0;
	s1 =	sshll.u32 s1, $0x11  }
0xbb: {  	s0 =	sor.u32 s1, s0  }
0xbc: {  	s0 =	sadd.s32 $0x8F2B, s0  }
0xbd: {  	[sflag:s0] =	ssyncadd.remote.s32 $0x1  }
0xbe: {  	_ =	sfence.sel $0xFFFF  }
0xbf: {  	[dreg:$0x0] =	wrdreg $0xFFFFFFFF;
	(pc) =	sbr.abs _section_cstart, $3  }
0xc0: {  	[dreg:$0x1] =	wrdreg $0xFFFFFFFF  }
0xc1: {  	_ =	task.clear_ibuf [dreg:s7], $0x2FFFF;
	_ =	strace $0x9FFFFFFF  }
0xc2: {  	(tm) =	ssettm $0x7FFFFFFF  }
0xc3: {  	_ =	shalt  }
tec
execute0_lowered:
.L_overlay_start_1:
0x0: {  	(tag) =	ssettag $0x1  }
0x1: {  	s2 =	rddreg [dreg:$0x0];
	s1 =	srdreg.scid  }
0x2: {  	s0 =	stileid.u32;
	s4 =	rddreg [dreg:$0x1]  }
0x3: {  	s3 =	simm.s32 $0x0;
	s9 =	simm.s32 $0x4;
	s10 =	simm.s32 $0x120  }
0x4: {  	s11 =	simm.s32 $0xCA90;
	s12 =	simm.s32 $0x11290;
	s13 =	simm.s32 $0x1  }
0x5: {  	s14 =	simm.s32 $0x15A90;
	s15 =	simm.s32 $0x2;
	s16 =	simm.s32 $0x3  }
0x6: {  	s17 =	simm.s32 $0x17290;
	s5 =	sand.u32 $0x1, s1;
	s6 =	sshll.u32 s0, $0x1  }
0x7: {  	s18 =	simm.s32 $0x0;
	s6 =	sor.u32 s5, s6;
	s5 =	ssub.s32 $0x2, s5  }
0x8: {  	[smem:$0x7FF] =	sst s3;
	s7 =	smul.u32 $0xCA8, s6;
	s8 =	sshrl.u32 s5, $0x1  }
0x9: {  	s1 =	rddreg [dreg:$0x2];
	_ =	strace $0x8000004A;
	s8 =	ssub.s32 s5, s8  }
0xa: {  	s5 =	smul.u32 $0x21C0, s6;
	s7 =	sadd.s32 s7, s4;
	s4 =	sadd.s32 $0x4A200, s4  }
0xb: {  	v0 =	vimm.s32 $0x0;
	v1 =	vimm.s32 $0x1;
	v2 =	vimm.s32 $0x2;
	s8 =	smax.u32 s8, $0x1;
	s6 =	sadd.s32 $0x23400, s7;
	s7 =	sadd.s32 $0x9E00, s7  }
.LBB2_1:
0xc: {  	[tilespmem:s3], [sflag:$0x4] =	stream.linear.gather [hbm4b:s6+s3], $0x6540, $0x38;
	[tilespmem:$0x18A90] =	vst v63  }
0xd: {  	_ =	swait.ge [sflag:s9], $0x6540  }
0xe: {  	[sflag:s9] =	ssyncset.done $0x0  }
0xf: {  	s19 =	simm.s32 $0x6540;
	[sflag:s9] =	ssyncadd.s32 $0xFFFF9AC0  }
0x10: {  	[tilespmem:s19], [sflag:$0x4] =	stream.linear.gather [hbm4b:s7+s3], $0x6540, $0x38;
	[tilespmem:$0x18A90] =	vst v63  }
0x11: {  	_ =	swait.ge [sflag:s9], $0x6540  }
0x12: {  	[sflag:s9] =	ssyncset.done $0x0  }
0x13: {  	s20 =	simm.s32 $0x6660;
	s21 =	simm.s32 $0x0;
	[sflag:s9] =	ssyncadd.s32 $0xFFFF9AC0  }
0x14: {  	[tilespmem:s11], [sflag:$0x1] =	stream.indirect.gather [hbm4b:s2+s10], $0x40, s3, s10, $0xb8;
	[tilespmem:$0x18A90] =	vst v63  }
.LBB2_2:
0x15: {  	s22 =	sshllo.u32 s21, $0x1  }
0x16: {  	s23 =	smul.u32 $0x480, s22;
	_ =	sdelay $0x1  }
0x17: {  	v3 =	vmov s19;
	s23 =	sshra.s32 s23, $0x2  }
0x18: {  	[tilespmem:s12], [sflag:$0x2] =	stream.indirect.gather [hbm4b:s2+s10], $0x40, s23, s10, $0xb8;
	[tilespmem:$0x18A90] =	vst v63  }
0x19: {  	_ =	swait.ge [sflag:s13], $0x4800  }
0x1a: {  	[sflag:s13] =	ssyncset.done $0x0  }
0x1b: {  	s24 =	simm.s32 $0x0;
	[sflag:s13] =	ssyncadd.s32 $0xFFFFB800  }
0x1c: {  	s23 =	simm.s32 $0xCAF0;
	v4 =	vld.idx.msk [tilespmem:v3+s24+$0x0 ss:$0x1], $0xffff  }
0x1d: {  	v7 =	vld [tilespmem:s23+$0xFFFFFFE0]  }
0x1e: {  	v8 =	vld [tilespmem:s23+$0xFFFFFFA0]  }
0x1f: {  	v9 =	vld [tilespmem:s23+$0x20];
	_ =	sdelay $0x1  }
0x20: {  	v6 =	vperm.xlane v4, v0  }
0x21: {  	v5 =	vperm.xlane v4, v1;
	v10 =	vunpack.i.u.bf16.f32 v7;
	v4 =	vperm.xlane v4, v2  }
0x22: {  	v11 =	vunpack.i.l.bf16.f32 v8;
	v7 =	vunpack.i.l.bf16.f32 v7;
	v8 =	vunpack.i.u.bf16.f32 v8  }
0x23: {  	v12 =	vunpack.i.u.bf16.f32 v9;
	v11 =	vmul.f32 v11, v6;
	v7 =	vmul.f32 v7, v5  }
0x24: {  	v9 =	vunpack.i.l.bf16.f32 v9;
	v8 =	vmul.f32 v8, v6;
	v10 =	vmul.f32 v10, v5  }
0x25: {  	v9 =	vmul.f32 v9, v4  }
0x26: {  	v7 =	vadd.f32 v7, v11;
	v8 =	vadd.f32 v10, v8;
	v10 =	vmul.f32 v12, v4;
	_ =	sdelay $0x1  }
0x27: {  	v7 =	vadd.f32 v9, v7;
	v8 =	vadd.f32 v10, v8;
	_ =	sdelay $0x1  }
0x28: {  	s24 =	simm.s32 $0x15AB0;
	v7 =	vpack.i.f32.bf16 v8, v7  }
0x29: {  	[tilespmem:s24+$0xFFFFFFE0] =	vst v7  }
0x2a: {  	v7 =	vld [tilespmem:s23+$0xFFFFFFB0]  }
0x2b: {  	v8 =	vld [tilespmem:s23+$0xFFFFFFF0]  }
0x2c: {  	v9 =	vld [tilespmem:s23+$0x30];
	_ =	sdelay $0x2  }
0x2d: {  	v10 =	vunpack.i.u.bf16.f32 v7  }
0x2e: {  	v7 =	vunpack.i.l.bf16.f32 v7;
	v11 =	vunpack.i.l.bf16.f32 v8;
	v8 =	vunpack.i.u.bf16.f32 v8  }
0x2f: {  	v62 =	vunpack.i.u.bf16.f32 v9;
	v7 =	vmul.f32 v7, v6;
	v11 =	vmul.f32 v11, v5  }
0x30: {  	v9 =	vunpack.i.l.bf16.f32 v9;
	v10 =	vmul.f32 v10, v6;
	v8 =	vmul.f32 v8, v5  }
0x31: {  	v9 =	vmul.f32 v9, v4  }
0x32: {  	v7 =	vadd.f32 v11, v7;
	v8 =	vadd.f32 v8, v10;
	v10 =	vmul.f32 v62, v4;
	_ =	sdelay $0x1  }
0x33: {  	v7 =	vadd.f32 v9, v7;
	v8 =	vadd.f32 v10, v8;
	_ =	sdelay $0x1  }
0x34: {  	v7 =	vpack.i.f32.bf16 v8, v7  }
0x35: {  	[tilespmem:s24+$0xFFFFFFF0] =	vst v7  }
0x36: {  	v7 =	vld [tilespmem:s23+$0xFFFFFFC0]  }
0x37: {  	v8 =	vld [tilespmem:s23+$0x0]  }
0x38: {  	v9 =	vld [tilespmem:s23+$0x40];
	_ =	sdelay $0x2  }
0x39: {  	v10 =	vunpack.i.u.bf16.f32 v7  }
0x3a: {  	v7 =	vunpack.i.l.bf16.f32 v7;
	v11 =	vunpack.i.l.bf16.f32 v8;
	v8 =	vunpack.i.u.bf16.f32 v8  }
0x3b: {  	v63 =	vunpack.i.l.bf16.f32 v9;
	v7 =	vmul.f32 v7, v6;
	v11 =	vmul.f32 v11, v5  }
0x3c: {  	v9 =	vunpack.i.u.bf16.f32 v9;
	v10 =	vmul.f32 v10, v6;
	v8 =	vmul.f32 v8, v5  }
0x3d: {  	v9 =	vmul.f32 v9, v4  }
0x3e: {  	v7 =	vadd.f32 v11, v7;
	v11 =	vmul.f32 v63, v4;
	v8 =	vadd.f32 v8, v10;
	_ =	sdelay $0x1  }
0x3f: {  	v7 =	vadd.f32 v11, v7;
	v8 =	vadd.f32 v9, v8;
	_ =	sdelay $0x1  }
0x40: {  	v7 =	vpack.i.f32.bf16 v8, v7  }
0x41: {  	[tilespmem:s24+$0x0] =	vst v7  }
0x42: {  	v9 =	vld [tilespmem:s23+$0xFFFFFFD0]  }
0x43: {  	v8 =	vld [tilespmem:s23+$0x10]  }
0x44: {  	s25 =	smul.u32 $0x900, s21;
	s28 =	simm.s32 $0xC;
	s26 =	simm.s32 $0x15AB0;
	v7 =	vld [tilespmem:s23+$0x50]  }
.LBB2_3:
0x45: {  	_ = 	snop  }
0x46: {  	p0 =	sne.s32 s28, $0x474;
	s24 =	sadd.s32 $0x40, s24;
	s23 =	sadd.s32 $0xC0, s23  }
0x47: {  	s29 =	smov.u32 s28;
	s28 =	sadd.s32 $0xC, s28;
	v10 =	vunpack.i.u.bf16.f32 v9;
	v9 =	vunpack.i.l.bf16.f32 v9  }
0x48: {  	v11 =	vunpack.i.u.bf16.f32 v8;
	v8 =	vunpack.i.l.bf16.f32 v8;
	v9 =	vmul.f32 v9, v6  }
0x49: {  	v6 =	vmul.f32 v10, v6;
	v12 =	vunpack.i.u.bf16.f32 v7;
	v8 =	vmul.f32 v8, v5  }
0x4a: {  	v7 =	vunpack.i.l.bf16.f32 v7;
	v5 =	vmul.f32 v11, v5;
	v10 =	vmul.f32 v12, v4  }
0x4b: {  	v4 =	vmul.f32 v7, v4;
	v8 =	vadd.f32 v8, v9  }
0x4c: {  	v5 =	vadd.f32 v5, v6  }
0x4d: {  	s29 =	sshra.s32 s29, $0x2;
	v4 =	vadd.f32 v4, v8  }
0x4e: {  	v5 =	vadd.f32 v10, v5;
	_ =	sdelay $0x1  }
0x4f: {  	v4 =	vpack.i.f32.bf16 v5, v4  }
0x50: {  	[tilespmem:s26+$0x10] =	vst v4;
	s26 =	smov.u32 s24  }
0x51: {  	v4 =	vld.idx.msk [tilespmem:v3+s29+$0x0 ss:$0x1], $0xffff  }
0x52: {  	v7 =	vld [tilespmem:s23+$0xFFFFFFE0]  }
0x53: {  	v8 =	vld [tilespmem:s23+$0xFFFFFFA0];
	_ =	sdelay $0x2  }
0x54: {  	v9 =	vld [tilespmem:s23+$0x20]  }
0x55: {  	v6 =	vperm.xlane v4, v0;
	v5 =	vperm.xlane v4, v1;
	v10 =	vunpack.i.u.bf16.f32 v7  }
0x56: {  	v4 =	vperm.xlane v4, v2;
	v7 =	vunpack.i.l.bf16.f32 v7;
	v11 =	vunpack.i.l.bf16.f32 v8  }
0x57: {  	v8 =	vunpack.i.u.bf16.f32 v8;
	v7 =	vmul.f32 v7, v5;
	v11 =	vmul.f32 v11, v6  }
0x58: {  	v10 =	vmul.f32 v10, v5;
	v8 =	vmul.f32 v8, v6  }
0x59: {  	v12 =	vunpack.i.u.bf16.f32 v9;
	v9 =	vunpack.i.l.bf16.f32 v9;
	v7 =	vadd.f32 v7, v11  }
0x5a: {  	v8 =	vadd.f32 v10, v8;
	v9 =	vmul.f32 v9, v4;
	v10 =	vmul.f32 v12, v4;
	_ =	sdelay $0x1  }
0x5b: {  	v7 =	vadd.f32 v9, v7;
	v8 =	vadd.f32 v10, v8;
	_ =	sdelay $0x1  }
0x5c: {  	v7 =	vpack.i.f32.bf16 v8, v7  }
0x5d: {  	[tilespmem:s24+$0xFFFFFFE0] =	vst v7  }
0x5e: {  	v7 =	vld [tilespmem:s23+$0xFFFFFFB0]  }
0x5f: {  	v8 =	vld [tilespmem:s23+$0xFFFFFFF0];
	_ =	sdelay $0x1  }
0x60: {  	v9 =	vld [tilespmem:s23+$0x30];
	_ =	sdelay $0x1  }
0x61: {  	v10 =	vunpack.i.u.bf16.f32 v7;
	v7 =	vunpack.i.l.bf16.f32 v7  }
0x62: {  	v11 =	vunpack.i.l.bf16.f32 v8;
	v7 =	vmul.f32 v7, v6;
	v10 =	vmul.f32 v10, v6  }
0x63: {  	v8 =	vunpack.i.u.bf16.f32 v8;
	v11 =	vmul.f32 v11, v5  }
0x64: {  	v8 =	vmul.f32 v8, v5;
	v12 =	vunpack.i.u.bf16.f32 v9;
	v9 =	vunpack.i.l.bf16.f32 v9  }
0x65: {  	v7 =	vadd.f32 v11, v7;
	v9 =	vmul.f32 v9, v4  }
0x66: {  	v8 =	vadd.f32 v8, v10;
	v10 =	vmul.f32 v12, v4  }
0x67: {  	v7 =	vadd.f32 v9, v7  }
0x68: {  	v8 =	vadd.f32 v10, v8;
	_ =	sdelay $0x1  }
0x69: {  	v7 =	vpack.i.f32.bf16 v8, v7  }
0x6a: {  	[tilespmem:s24+$0xFFFFFFF0] =	vst v7  }
0x6b: {  	v7 =	vld [tilespmem:s23+$0xFFFFFFC0]  }
0x6c: {  	v8 =	vld [tilespmem:s23+$0x0];
	_ =	sdelay $0x1  }
0x6d: {  	v9 =	vld [tilespmem:s23+$0x40];
	_ =	sdelay $0x1  }
0x6e: {  	v10 =	vunpack.i.u.bf16.f32 v7;
	v7 =	vunpack.i.l.bf16.f32 v7  }
0x6f: {  	v11 =	vunpack.i.u.bf16.f32 v8;
	v8 =	vunpack.i.l.bf16.f32 v8;
	v7 =	vmul.f32 v7, v6  }
0x70: {  	v10 =	vmul.f32 v10, v6;
	v8 =	vmul.f32 v8, v5  }
0x71: {  	v11 =	vmul.f32 v11, v5;
	v12 =	vunpack.i.l.bf16.f32 v9  }
0x72: {  	v9 =	vunpack.i.u.bf16.f32 v9;
	v7 =	vadd.f32 v8, v7;
	v8 =	vmul.f32 v12, v4  }
0x73: {  	v10 =	vadd.f32 v11, v10;
	v9 =	vmul.f32 v9, v4  }
0x74: {  	v7 =	vadd.f32 v8, v7  }
0x75: {  	v8 =	vadd.f32 v9, v10;
	_ =	sdelay $0x1  }
.Ltmp0:
0x76: {  	v7 =	vpack.i.f32.bf16 v8, v7;
	(pc) =	sbr.rel @p0 .LBB2_3-.Ltmp0, $4  }
0x77: {  	[tilespmem:s24+$0x0] =	vst v7  }
0x78: {  	v9 =	vld [tilespmem:s23+$0xFFFFFFD0]  }
0x79: {  	v8 =	vld [tilespmem:s23+$0x10]  }
0x7a: {  	v7 =	vld [tilespmem:s23+$0x50]  }
0x7b: {  	_ =	sdelay $0x2  }
0x7c: {  	v3 =	vunpack.i.u.bf16.f32 v9;
	v9 =	vunpack.i.l.bf16.f32 v9;
	v10 =	vunpack.i.l.bf16.f32 v8  }
0x7d: {  	v8 =	vunpack.i.u.bf16.f32 v8;
	v9 =	vmul.f32 v9, v6;
	v3 =	vmul.f32 v3, v6  }
0x7e: {  	v10 =	vmul.f32 v10, v5;
	v11 =	vunpack.i.u.bf16.f32 v7;
	v5 =	vmul.f32 v8, v5  }
0x7f: {  	v6 =	vunpack.i.l.bf16.f32 v7;
	v7 =	vmul.f32 v11, v4  }
0x80: {  	v4 =	vmul.f32 v6, v4;
	v8 =	vadd.f32 v10, v9;
	v3 =	vadd.f32 v5, v3;
	_ =	sdelay $0x1  }
0x81: {  	v4 =	vadd.f32 v4, v8;
	v3 =	vadd.f32 v7, v3;
	_ =	sdelay $0x1  }
0x82: {  	p0 =	seq.s32 s21, $0x0;
	s23 =	smul.u32 $0xC0, s21;
	v3 =	vpack.i.f32.bf16 v3, v4  }
0x83: {  	s24 =	simm.s32 @!p0 $0x3;
	[tilespmem:s26+$0x10] =	vst v3  }
0x84: {  	s23 =	sadd.s32 s5, s23;
	_ =	swait.ge @!p0 [sflag:s24], $0x1800  }
0x85: {  	s23 =	sshll.u32 s23, $0x3;
	[sflag:s24] =	ssyncset.done @!p0 $0x0  }
0x86: {  	s23 =	sadd.s32 s4, s23;
	[sflag:s24] =	ssyncadd.s32 @!p0 $0xFFFFE800;
	p0 =	seq.s32 s21, $0x2C  }
0x87: {  	[hbm4b:s23+s3] =	stream.linear.scatter [tilespmem:s14], [sflag:$0x3], $0x1800, $0x38;
	[tilespmem:$0x18A90] =	vst v63  }
0x88: {  	s23 =	sshra.s32 @!p0 s25, $0x2  }
0x89: {  	v3 =	vmov s20;
	s24 =	simm.s32 @!p0 $0x120;
	s25 =	simm.s32 @!p0 $0xCA90;
	s23 =	sadd.s32 @!p0 $0x240, s23  }
0x8a: {  	[tilespmem:s25], [sflag:$0x1] =	stream.indirect.gather @!p0 [hbm4b:s2+s24], $0x40, s23, s24, $0xb8;
	[tilespmem:$0x18A90] =	vst v63  }
0x8b: {  	_ =	swait.ge [sflag:s15], $0x4800  }
0x8c: {  	[sflag:s15] =	ssyncset.done $0x0  }
0x8d: {  	s31 =	simm.s32 $0x0;
	[sflag:s15] =	ssyncadd.s32 $0xFFFFB800  }
0x8e: {  	s23 =	simm.s32 $0x112F0;
	v4 =	vld.idx.msk [tilespmem:v3+s31+$0x0 ss:$0x1], $0xffff  }
0x8f: {  	v7 =	vld [tilespmem:s23+$0xFFFFFFE0]  }
0x90: {  	v8 =	vld [tilespmem:s23+$0xFFFFFFA0]  }
0x91: {  	v9 =	vld [tilespmem:s23+$0x20];
	_ =	sdelay $0x1  }
0x92: {  	v6 =	vperm.xlane v4, v0  }
0x93: {  	v5 =	vperm.xlane v4, v1;
	v10 =	vunpack.i.u.bf16.f32 v7;
	v4 =	vperm.xlane v4, v2  }
0x94: {  	v11 =	vunpack.i.l.bf16.f32 v8;
	v7 =	vunpack.i.l.bf16.f32 v7;
	v8 =	vunpack.i.u.bf16.f32 v8  }
0x95: {  	v12 =	vunpack.i.u.bf16.f32 v9;
	v11 =	vmul.f32 v11, v6;
	v7 =	vmul.f32 v7, v5  }
0x96: {  	v9 =	vunpack.i.l.bf16.f32 v9;
	v8 =	vmul.f32 v8, v6;
	v10 =	vmul.f32 v10, v5  }
0x97: {  	v9 =	vmul.f32 v9, v4  }
0x98: {  	v7 =	vadd.f32 v7, v11;
	v8 =	vadd.f32 v10, v8;
	v10 =	vmul.f32 v12, v4;
	_ =	sdelay $0x1  }
0x99: {  	v7 =	vadd.f32 v9, v7;
	v8 =	vadd.f32 v10, v8;
	_ =	sdelay $0x1  }
0x9a: {  	s24 =	simm.s32 $0x172B0;
	v7 =	vpack.i.f32.bf16 v8, v7  }
0x9b: {  	[tilespmem:s24+$0xFFFFFFE0] =	vst v7  }
0x9c: {  	v7 =	vld [tilespmem:s23+$0xFFFFFFB0]  }
0x9d: {  	v8 =	vld [tilespmem:s23+$0xFFFFFFF0]  }
0x9e: {  	v9 =	vld [tilespmem:s23+$0x30];
	_ =	sdelay $0x2  }
0x9f: {  	v10 =	vunpack.i.u.bf16.f32 v7  }
0xa0: {  	v7 =	vunpack.i.l.bf16.f32 v7;
	v11 =	vunpack.i.l.bf16.f32 v8;
	v8 =	vunpack.i.u.bf16.f32 v8  }
0xa1: {  	v62 =	vunpack.i.u.bf16.f32 v9;
	v7 =	vmul.f32 v7, v6;
	v11 =	vmul.f32 v11, v5  }
0xa2: {  	v9 =	vunpack.i.l.bf16.f32 v9;
	v10 =	vmul.f32 v10, v6;
	v8 =	vmul.f32 v8, v5  }
0xa3: {  	v9 =	vmul.f32 v9, v4  }
0xa4: {  	v7 =	vadd.f32 v11, v7;
	v8 =	vadd.f32 v8, v10;
	v10 =	vmul.f32 v62, v4;
	_ =	sdelay $0x1  }
0xa5: {  	v7 =	vadd.f32 v9, v7;
	v8 =	vadd.f32 v10, v8;
	_ =	sdelay $0x1  }
0xa6: {  	v7 =	vpack.i.f32.bf16 v8, v7  }
0xa7: {  	[tilespmem:s24+$0xFFFFFFF0] =	vst v7  }
0xa8: {  	v7 =	vld [tilespmem:s23+$0xFFFFFFC0]  }
0xa9: {  	v8 =	vld [tilespmem:s23+$0x0]  }
0xaa: {  	v9 =	vld [tilespmem:s23+$0x40];
	_ =	sdelay $0x2  }
0xab: {  	v10 =	vunpack.i.u.bf16.f32 v7  }
0xac: {  	v7 =	vunpack.i.l.bf16.f32 v7;
	v11 =	vunpack.i.l.bf16.f32 v8;
	v8 =	vunpack.i.u.bf16.f32 v8  }
0xad: {  	v63 =	vunpack.i.l.bf16.f32 v9;
	v7 =	vmul.f32 v7, v6;
	v11 =	vmul.f32 v11, v5  }
0xae: {  	v9 =	vunpack.i.u.bf16.f32 v9;
	v10 =	vmul.f32 v10, v6;
	v8 =	vmul.f32 v8, v5  }
0xaf: {  	v9 =	vmul.f32 v9, v4  }
0xb0: {  	v7 =	vadd.f32 v11, v7;
	v11 =	vmul.f32 v63, v4;
	v8 =	vadd.f32 v8, v10;
	_ =	sdelay $0x1  }
0xb1: {  	v7 =	vadd.f32 v11, v7;
	v8 =	vadd.f32 v9, v8;
	_ =	sdelay $0x1  }
0xb2: {  	v7 =	vpack.i.f32.bf16 v8, v7  }
0xb3: {  	[tilespmem:s24+$0x0] =	vst v7  }
0xb4: {  	v9 =	vld [tilespmem:s23+$0xFFFFFFD0]  }
0xb5: {  	v8 =	vld [tilespmem:s23+$0x10]  }
0xb6: {  	s26 =	simm.s32 $0xC;
	s25 =	simm.s32 $0x172B0;
	v7 =	vld [tilespmem:s23+$0x50]  }
.LBB2_5:
0xb7: {  	_ = 	snop  }
0xb8: {  	p0 =	sne.s32 s26, $0x474;
	s24 =	sadd.s32 $0x40, s24;
	s23 =	sadd.s32 $0xC0, s23  }
0xb9: {  	s28 =	smov.u32 s26;
	s26 =	sadd.s32 $0xC, s26;
	v10 =	vunpack.i.u.bf16.f32 v9;
	v9 =	vunpack.i.l.bf16.f32 v9  }
0xba: {  	v11 =	vunpack.i.u.bf16.f32 v8;
	v8 =	vunpack.i.l.bf16.f32 v8;
	v9 =	vmul.f32 v9, v6  }
0xbb: {  	v6 =	vmul.f32 v10, v6;
	v12 =	vunpack.i.u.bf16.f32 v7;
	v8 =	vmul.f32 v8, v5  }
0xbc: {  	v7 =	vunpack.i.l.bf16.f32 v7;
	v5 =	vmul.f32 v11, v5;
	v10 =	vmul.f32 v12, v4  }
0xbd: {  	v4 =	vmul.f32 v7, v4;
	v8 =	vadd.f32 v8, v9  }
0xbe: {  	v5 =	vadd.f32 v5, v6  }
0xbf: {  	s28 =	sshra.s32 s28, $0x2;
	v4 =	vadd.f32 v4, v8  }
0xc0: {  	v5 =	vadd.f32 v10, v5;
	_ =	sdelay $0x1  }
0xc1: {  	v4 =	vpack.i.f32.bf16 v5, v4  }
0xc2: {  	[tilespmem:s25+$0x10] =	vst v4;
	s25 =	smov.u32 s24  }
0xc3: {  	v4 =	vld.idx.msk [tilespmem:v3+s28+$0x0 ss:$0x1], $0xffff  }
0xc4: {  	v7 =	vld [tilespmem:s23+$0xFFFFFFE0]  }
0xc5: {  	v8 =	vld [tilespmem:s23+$0xFFFFFFA0];
	_ =	sdelay $0x2  }
0xc6: {  	v9 =	vld [tilespmem:s23+$0x20]  }
0xc7: {  	v6 =	vperm.xlane v4, v0;
	v5 =	vperm.xlane v4, v1;
	v10 =	vunpack.i.u.bf16.f32 v7  }
0xc8: {  	v4 =	vperm.xlane v4, v2;
	v7 =	vunpack.i.l.bf16.f32 v7;
	v11 =	vunpack.i.l.bf16.f32 v8  }
0xc9: {  	v8 =	vunpack.i.u.bf16.f32 v8;
	v7 =	vmul.f32 v7, v5;
	v11 =	vmul.f32 v11, v6  }
0xca: {  	v10 =	vmul.f32 v10, v5;
	v8 =	vmul.f32 v8, v6  }
0xcb: {  	v12 =	vunpack.i.u.bf16.f32 v9;
	v9 =	vunpack.i.l.bf16.f32 v9;
	v7 =	vadd.f32 v7, v11  }
0xcc: {  	v8 =	vadd.f32 v10, v8;
	v9 =	vmul.f32 v9, v4;
	v10 =	vmul.f32 v12, v4;
	_ =	sdelay $0x1  }
0xcd: {  	v7 =	vadd.f32 v9, v7;
	v8 =	vadd.f32 v10, v8;
	_ =	sdelay $0x1  }
0xce: {  	v7 =	vpack.i.f32.bf16 v8, v7  }
0xcf: {  	[tilespmem:s24+$0xFFFFFFE0] =	vst v7  }
0xd0: {  	v7 =	vld [tilespmem:s23+$0xFFFFFFB0]  }
0xd1: {  	v8 =	vld [tilespmem:s23+$0xFFFFFFF0];
	_ =	sdelay $0x1  }
0xd2: {  	v9 =	vld [tilespmem:s23+$0x30];
	_ =	sdelay $0x1  }
0xd3: {  	v10 =	vunpack.i.u.bf16.f32 v7;
	v7 =	vunpack.i.l.bf16.f32 v7  }
0xd4: {  	v11 =	vunpack.i.l.bf16.f32 v8;
	v7 =	vmul.f32 v7, v6;
	v10 =	vmul.f32 v10, v6  }
0xd5: {  	v8 =	vunpack.i.u.bf16.f32 v8;
	v11 =	vmul.f32 v11, v5  }
0xd6: {  	v8 =	vmul.f32 v8, v5;
	v12 =	vunpack.i.u.bf16.f32 v9;
	v9 =	vunpack.i.l.bf16.f32 v9  }
0xd7: {  	v7 =	vadd.f32 v11, v7;
	v9 =	vmul.f32 v9, v4  }
0xd8: {  	v8 =	vadd.f32 v8, v10;
	v10 =	vmul.f32 v12, v4  }
0xd9: {  	v7 =	vadd.f32 v9, v7  }
0xda: {  	v8 =	vadd.f32 v10, v8;
	_ =	sdelay $0x1  }
0xdb: {  	v7 =	vpack.i.f32.bf16 v8, v7  }
0xdc: {  	[tilespmem:s24+$0xFFFFFFF0] =	vst v7  }
0xdd: {  	v7 =	vld [tilespmem:s23+$0xFFFFFFC0]  }
0xde: {  	v8 =	vld [tilespmem:s23+$0x0];
	_ =	sdelay $0x1  }
0xdf: {  	v9 =	vld [tilespmem:s23+$0x40];
	_ =	sdelay $0x1  }
0xe0: {  	v10 =	vunpack.i.u.bf16.f32 v7;
	v7 =	vunpack.i.l.bf16.f32 v7  }
0xe1: {  	v11 =	vunpack.i.u.bf16.f32 v8;
	v8 =	vunpack.i.l.bf16.f32 v8;
	v7 =	vmul.f32 v7, v6  }
0xe2: {  	v10 =	vmul.f32 v10, v6;
	v8 =	vmul.f32 v8, v5  }
0xe3: {  	v11 =	vmul.f32 v11, v5;
	v12 =	vunpack.i.l.bf16.f32 v9  }
0xe4: {  	v9 =	vunpack.i.u.bf16.f32 v9;
	v7 =	vadd.f32 v8, v7;
	v8 =	vmul.f32 v12, v4  }
0xe5: {  	v10 =	vadd.f32 v11, v10;
	v9 =	vmul.f32 v9, v4  }
0xe6: {  	v7 =	vadd.f32 v8, v7  }
0xe7: {  	v8 =	vadd.f32 v9, v10;
	_ =	sdelay $0x1  }
.Ltmp1:
0xe8: {  	v7 =	vpack.i.f32.bf16 v8, v7;
	(pc) =	sbr.rel @p0 .LBB2_5-.Ltmp1, $4  }
0xe9: {  	[tilespmem:s24+$0x0] =	vst v7  }
0xea: {  	v9 =	vld [tilespmem:s23+$0xFFFFFFD0]  }
0xeb: {  	v8 =	vld [tilespmem:s23+$0x10]  }
0xec: {  	v7 =	vld [tilespmem:s23+$0x50]  }
0xed: {  	_ =	sdelay $0x2  }
0xee: {  	v3 =	vunpack.i.u.bf16.f32 v9;
	v57 =	vunpack.i.l.bf16.f32 v9;
	v10 =	vunpack.i.l.bf16.f32 v8  }
0xef: {  	v58 =	vunpack.i.u.bf16.f32 v8;
	v9 =	vmul.f32 v57, v6;
	v3 =	vmul.f32 v3, v6  }
0xf0: {  	v10 =	vmul.f32 v10, v5;
	v11 =	vunpack.i.u.bf16.f32 v7;
	v59 =	vmul.f32 v58, v5  }
0xf1: {  	v60 =	vunpack.i.l.bf16.f32 v7;
	v61 =	vmul.f32 v11, v4  }
0xf2: {  	v63 =	vmul.f32 v60, v4;
	v62 =	vadd.f32 v10, v9;
	v3 =	vadd.f32 v59, v3;
	_ =	sdelay $0x1  }
0xf3: {  	v4 =	vadd.f32 v63, v62;
	v3 =	vadd.f32 v61, v3  }
0xf4: {  	s22 =	smul.u32 $0x60, s22;
	s21 =	sadd.s32 $0x1, s21  }
0xf5: {  	p0 =	sne.s32 s21, $0x2D;
	v3 =	vpack.i.f32.bf16 v3, v4  }
.Ltmp2:
0xf6: {  	s22 =	sadd.s32 s5, s22;
	[tilespmem:s25+$0x10] =	vst v3;
	(pc) =	sbr.rel @p0 .LBB2_2-.Ltmp2, $4  }
0xf7: {  	s22 =	sshll.u32 s22, $0x3;
	_ =	swait.ge [sflag:s16], $0x1800  }
0xf8: {  	s19 =	sadd.s32 $0x240, s19;
	s22 =	sand.u32 $0xFFFFF00, s22;
	[sflag:s16] =	ssyncset.done $0x0  }
0xf9: {  	s20 =	sadd.s32 $0x240, s20;
	s22 =	sadd.s32 s4, s22;
	[sflag:s16] =	ssyncadd.s32 $0xFFFFE800  }
0xfa: {  	[hbm4b:s22+s3] =	stream.linear.scatter [tilespmem:s17], [sflag:$0x3], $0x1800, $0x38;
	[tilespmem:$0x18A90] =	vst v63  }
0xfb: {  	s18 =	sadd.s32 $0x1, s18  }
0xfc: {  	p0 =	sne.s32 s18, s8  }
.Ltmp3:
0xfd: {  	_ = 	snop;
	(pc) =	sbr.rel @p0 .LBB2_1-.Ltmp3, $4  }
0xfe: {  	_ = 	snop  }
0xff: {  	_ =	swait.ge [sflag:s16], $0x1800  }
0x100: {  	[sflag:s16] =	ssyncset.done $0x0  }
0x101: {  	[sflag:s16] =	ssyncadd.s32 $0xFFFFE800  }
0x102: {  	_ =	sfence.sel $0x180000  }
0x103: {  	[bflag:$0x0] =	sbarrier.arrive $0xFFFF  }
0x104: {  	p0 =	sne.s32 s0, $0x0;
	_ =	strace $0x9000004A  }
0x105: {  	s0 =	sadd.s32 @!p0 $0x100000, s1;
	[bflag:$0x2] =	sbarrier.arrive $0xFFFF  }
0x106: {  	[sflag:s0] =	ssyncadd.tile.s32 @!p0 $0x1;
	_ =	shalt  }
.Lfunc_end2:
_tile_overlayer_lowered:
.L_overlay_start_2:
0x107: {  	(tag) =	ssettag $0x2  }
0x108: {  	s0 =	rddreg [dreg:$0x0];
	s2 =	stileid.u32  }
0x109: {  	s1 =	rddreg [dreg:$0x1];
	p0 =	sne.s32 s2, $0x0  }
0x10a: {  	s3 =	rddreg [dreg:$0x2];
	[bflag:$0x3] =	sbarrier.arrive $0xFFFF;
	s2 =	simm.s32 @!p0 $0x1C04  }
0x10b: {  	[timem:s3], [sflag:s2] =	dma.local @!p0 [hbm:s0], s1  }
0x10c: {  	s0 =	simm.s32 @!p0 $0x4  }
0x10d: {  	_ =	swait.ge @!p0 [sflag:s0], s1  }
0x10e: {  	s1 =	ssub.s32 @!p0 $0x0, s1;
	[sflag:s0] =	ssyncset.done @!p0 $0x0  }
0x10f: {  	[sflag:s0] =	ssyncadd.s32 @!p0 s1  }
0x110: {  	[bflag:$0x3] =	sbarrier.arrive $0xFFFF  }
0x111: {  	_ =	shalt  }

// kernel: kernel.19.cloned.1.call-start
scs
__scs_entry_jumppad:
0x0: {  	(pc) =	sbr.rel $0x88, $3  }
0x1: {  	(tag) =	ssettag $0x0;
	lr =	simm.s32 $0x1  }
0x2: {  	[smem:$0x3F87] =	sst lr;
	_ =	strace $0xD0000000  }
0x3: {  	_ = 	snop  }
0x4: {  	_ = 	snop  }
0x5: {  	_ = 	snop  }
0x6: {  	_ = 	snop  }
0x7: {  	_ = 	snop  }
__scs_overlays_trampoline_lowered:
0x8: {  	[smem:$0x3F96] =	sst s0  }
0x9: {  	[smem:$0x3F97] =	sst s1  }
0xa: {  	[smem:$0x3F98] =	sst s2  }
0xb: {  	[smem:$0x3F99] =	sst s3  }
0xc: {  	[smem:$0x3F9A] =	sst s4  }
0xd: {  	[smem:$0x3F9B] =	sst s5  }
0xe: {  	[smem:$0x3F9C] =	sst s6  }
0xf: {  	[smem:$0x3F9D] =	sst s7  }
0x10: {  	[smem:$0x3F9E] =	sst s8  }
0x11: {  	[smem:$0x3F9F] =	sst s9;
	s0 =	simm.s32 @!p0 $0x0  }
0x12: {  	s1 =	sld [smem:$0x3F85];
	s0 =	simm.s32 @p0 $0x1  }
0x13: {  	[smem:$0x3FA0] =	sst s0;
	s0 =	simm.s32 @!p1 $0x0  }
0x14: {  	s2 =	sld [smem:$0x3F84];
	s0 =	simm.s32 @p1 $0x1  }
0x15: {  	[smem:$0x3FA1] =	sst s0;
	s0 =	simm.s32 @!p2 $0x0  }
0x16: {  	s3 =	sld [smem:$0x3FDB];
	s0 =	simm.s32 @p2 $0x1  }
0x17: {  	s4 =	simm.s32 $0x1BF5;
	[smem:$0x3FA3] =	sst s0  }
0x18: {  	s0 =	sld [smem:$0x3F86];
	_ =	swait.ge [sflag:s4], $0x0  }
0x19: {  	s7 =	sld [smem:$0x3F87]  }
0x1a: {  	s8 =	sadd.s32 $0xFFFFE003, lr  }
0x1b: {  	s9 =	sadd.s32 $0xFFFFFEF7, lr;
	s5 =	simm.s32 $0xFFFFFFFF;
	p2 =	slt.u32 s8, $0xFFFFF086  }
0x1c: {  	p1 =	slt.u32 s9, $0xF7A;
	s5 =	simm.s32 @!p2 $0x0  }
0x1d: {  	s5 =	simm.s32 @p1 $0x1;
	p0 =	seq.s32 s7, s2  }
0x1e: {  	s7 =	smul.u32 @!p0 $0xF7A, s2;
	p2 =	seq.s32 @!p0 s5, $0x0  }
0x1f: {  	s9 =	smul.u32 $0xF7A, s1;
	s8 =	simm.s32 @!p0 $0x1BF5;
	p2 =	por !p2, p0  }
0x20: {  	[sflag:s8] =	ssyncset.s32 @!p0 $0xFFFFF086;
	s6 =	sadd.s32 @!p0 s3, s7;
	s7 =	simm.s32 @!p0 $0x108  }
0x21: {  	s3 =	sadd.s32 s3, s9;
	s6 =	sadd.s32 @!p0 $0x88, s6;
	s7 =	simm.s32 @p2 $0x1082  }
0x22: {  	[simem:s7], [sflag:s8] =	dma.local @!p0 [hbm:s6], $0xF7A  }
0x23: {  	s9 =	sor.u32 $0xD0000000, s2;
	s6 =	simm.s32 $0x108;
	_ =	swait.ge @!p0 [sflag:s8], $0x0  }
0x24: {  	s3 =	sadd.s32 $0x88, s3;
	s6 =	simm.s32 @!p1 $0x1082;
	[sflag:s4] =	ssyncset.s32 $0xFFFFF086  }
0x25: {  	[simem:s6], [sflag:s4] =	dma.local [hbm:s3], $0xF7A  }
0x26: {  	[smem:$0x3F87] =	sst s1;
	(tag) =	ssettag s2;
	_ =	strace s9  }
0x27: {  	s1 =	sld [smem:$0x3F97]  }
0x28: {  	s2 =	sld [smem:$0x3F98]  }
0x29: {  	s4 =	sld [smem:$0x3F9A]  }
0x2a: {  	p0 =	seq.s32 s5, $0x0;
	s5 =	sld [smem:$0x3F9B]  }
0x2b: {  	s6 =	sld [smem:$0x3F9C]  }
0x2c: {  	s7 =	sld [smem:$0x3F9D]  }
0x2d: {  	s3 =	simm.s32 $0x108;
	s8 =	sld [smem:$0x3F9E]  }
0x2e: {  	s3 =	simm.s32 @!p0 $0x1082;
	s9 =	sld [smem:$0x3F9F]  }
0x2f: {  	lr =	sadd.s32 s0, s3;
	s0 =	sld [smem:$0x3F96]  }
0x30: {  	s3 =	sld [smem:$0x3F99]  }
0x31: {  	[smem:$0x3FA2] =	sst s10  }
0x32: {  	s10 =	sld [smem:$0x3FA0];
	_ =	sdelay $0x3  }
0x33: {  	p0 =	seq.s32 s10, $0x1;
	s10 =	sld [smem:$0x3FA2];
	_ =	sdelay $0x3  }
0x34: {  	[smem:$0x3FA2] =	sst s10  }
0x35: {  	s10 =	sld [smem:$0x3FA1];
	_ =	sdelay $0x3  }
0x36: {  	p1 =	seq.s32 s10, $0x1;
	s10 =	sld [smem:$0x3FA2];
	_ =	sdelay $0x3  }
0x37: {  	[smem:$0x3FA2] =	sst s10  }
0x38: {  	s10 =	sld [smem:$0x3FA3]  }
0x39: {  	_ = 	snop;
	(pc) =	sbr.ind lr, $3  }
0x3a: {  	_ = 	snop  }
0x3b: {  	_ = 	snop  }
0x3c: {  	p2 =	seq.s32 s10, $0x1;
	s10 =	sld [smem:$0x3FA2]  }
0x3d: {  	_ =	shalt  }
0x3e: {  	_ =	shalt  }
0x3f: {  	_ =	shalt  }
0x40: {  	_ =	shalt  }
0x41: {  	_ =	shalt  }
0x42: {  	_ =	shalt  }
0x43: {  	_ =	shalt  }
0x44: {  	_ =	shalt  }
0x45: {  	_ =	shalt  }
0x46: {  	_ =	shalt  }
0x47: {  	_ =	shalt  }
0x48: {  	_ =	shalt  }
0x49: {  	_ =	shalt  }
0x4a: {  	_ =	shalt  }
0x4b: {  	_ =	shalt  }
0x4c: {  	_ =	shalt  }
0x4d: {  	_ =	shalt  }
0x4e: {  	_ =	shalt  }
0x4f: {  	_ =	shalt  }
0x50: {  	_ =	shalt  }
0x51: {  	_ =	shalt  }
0x52: {  	_ =	shalt  }
0x53: {  	_ =	shalt  }
0x54: {  	_ =	shalt  }
0x55: {  	_ =	shalt  }
0x56: {  	_ =	shalt  }
0x57: {  	_ =	shalt  }
0x58: {  	_ =	shalt  }
0x59: {  	_ =	shalt  }
0x5a: {  	_ =	shalt  }
0x5b: {  	_ =	shalt  }
0x5c: {  	_ =	shalt  }
0x5d: {  	_ =	shalt  }
0x5e: {  	_ =	shalt  }
0x5f: {  	_ =	shalt  }
0x60: {  	_ =	shalt  }
0x61: {  	_ =	shalt  }
0x62: {  	_ =	shalt  }
0x63: {  	_ =	shalt  }
0x64: {  	_ =	shalt  }
0x65: {  	_ =	shalt  }
0x66: {  	_ =	shalt  }
0x67: {  	_ =	shalt  }
0x68: {  	_ =	shalt  }
0x69: {  	_ =	shalt  }
0x6a: {  	_ =	shalt  }
0x6b: {  	_ =	shalt  }
0x6c: {  	_ =	shalt  }
0x6d: {  	_ =	shalt  }
0x6e: {  	_ =	shalt  }
0x6f: {  	_ =	shalt  }
0x70: {  	_ =	shalt  }
0x71: {  	_ =	shalt  }
0x72: {  	_ =	shalt  }
0x73: {  	_ =	shalt  }
0x74: {  	_ =	shalt  }
0x75: {  	_ =	shalt  }
0x76: {  	_ =	shalt  }
0x77: {  	_ =	shalt  }
0x78: {  	_ =	shalt  }
0x79: {  	_ =	shalt  }
0x7a: {  	_ =	shalt  }
0x7b: {  	_ =	shalt  }
0x7c: {  	_ =	shalt  }
0x7d: {  	_ =	shalt  }
0x7e: {  	_ =	shalt  }
0x7f: {  	_ =	shalt  }
0x80: {  	_ =	shalt  }
0x81: {  	_ =	shalt  }
0x82: {  	_ =	shalt  }
0x83: {  	_ =	shalt  }
0x84: {  	_ =	shalt  }
0x85: {  	_ =	shalt  }
0x86: {  	_ =	shalt  }
0x87: {  	_ =	shalt  }
.Lfunc_end0:
.L_simem_size_0:
called_computation.2_lowered:
.L_overlay_start_0:
0x88: {  	s2 =	sld [smem:$0x3FD9]  }
0x89: {  	s3 =	sld [smem:$0x3FFE];
	_ =	sdelay $0x1  }
0x8a: {  	s1 =	srdreg.scid  }
0x8b: {  	s0 =	sand.u32 $0x1, s1  }
0x8c: {  	s17 =	sshll.u32 s0, $0xA;
	s2 =	sadd.s32 s3, s2  }
0x8d: {  	s2 =	sadd.s32 s2, s17  }
0x8e: {  	[smem:$0x3FAE] =	sst s2  }
0x8f: {  	_ = 	snop  }
0x90: {  	s2 =	sld [smem:$0x3FD0];
	(tm) =	ssettm $0x1  }
0x91: {  	s18 =	sld [smem:$0x3FFB];
	_ =	sdelay $0x3  }
0x92: {  	_ =	strace s18  }
0x93: {  	s3 =	sld [smem:$0x3FFC];
	_ =	sdelay $0x3  }
0x94: {  	_ =	strace s3  }
0x95: {  	s3 =	sld [smem:$0x3FFD];
	_ =	sdelay $0x3  }
0x96: {  	_ =	strace s3  }
0x97: {  	_ =	strace $0x8FFFFFFF  }
0x98: {  	s19 =	sld [smem:$0x3FDB];
	_ =	sdelay $0x1  }
0x99: {  	s4 =	simm.s32 $_scs_section_size  }
0x9a: {  	s5 =	simm.s32 $_size__tile_overlayer_lowered;
	s6 =	simm.s32 $_tile_overlayer_lowered  }
0x9b: {  	s22 =	simm.s32 $0x1BFF;
	s21 =	sshll.u32 s6, $0x1;
	s3 =	sadd.s32 s4, s19  }
0x9c: {  	s7 =	simm.s32 $0x0;
	s20 =	sshll.u32 s5, $0x1;
	s5 =	sadd.s32 s21, s3  }
0x9d: {  	[timem:s7], [sflag:s22] =	dma.local [hbm:s5], s20  }
0x9e: {  	_ =	swait.ge [sflag:s22], s20  }
0x9f: {  	s4 =	ssub.s32 $0x0, s20;
	[sflag:s22] =	ssyncset.done $0x0  }
0xa0: {  	[sflag:s22] =	ssyncadd.s32 s4;
	_ =	sdelay $0x1  }
0xa1: {  	s23 =	simm.s32 $0x1B8B  }
0xa2: {  	_ =	swait.ge [sflag:s23], $0x1  }
0xa3: {  	[sflag:s23] =	ssyncset.done $0x0  }
0xa4: {  	s25 =	simm.s32 $0x1B8E;
	s24 =	sld [smem:$0x3FFE];
	[sflag:s23] =	ssyncadd.s32 $0xFFFFFFFF  }
0xa5: {  	s26 =	simm.s32 $execute0_lowered;
	[smem:$0x3FD2] =	sst s25  }
0xa6: {  	s5 =	sshll.u32 s26, $0x1;
	_ =	strace $0x8000004C;
	[dreg:$0x1] =	wrdreg $0xFFFFFFFF  }
0xa7: {  	s28 =	simm.s32 $_size_execute0_lowered;
	s3 =	sadd.s32 s3, s5;
	[dreg:$0x0] =	wrdreg $0x0  }
0xa8: {  	s5 =	sshll.u32 s28, $0x1;
	[dreg:$0x2] =	wrdreg s3  }
0xa9: {  	[dreg:$0x3] =	wrdreg s5  }
0xaa: {  	[dreg:$0x4] =	wrdreg $0xC0  }
0xab: {  	_ =	task [dreg:s7], $0x5FFFF  }
0xac: {  	[dreg:$0x1] =	wrdreg $0xFFFFFFFF  }
0xad: {  	[dreg:$0x0] =	wrdreg $0x60  }
0xae: {  	[dreg:$0x2] =	wrdreg s2  }
0xaf: {  	[dreg:$0x3] =	wrdreg s24  }
0xb0: {  	[dreg:$0x4] =	wrdreg $0x9  }
0xb1: {  	_ =	task.clear_ibuf [dreg:s7], $0x5FFFF;
	_ =	strace $0x9000004C  }
0xb2: {  	s29 =	simm.s32 $0x9;
	_ =	strace $0x8000004E  }
0xb3: {  	_ =	swait.ge [sflag:s29], $0x1  }
0xb4: {  	[sflag:s29] =	ssyncadd.s32 $0xFFFFFFFF  }
0xb5: {  	_ =	strace $0x9000004E  }
0xb6: {  	_ =	sfence  }
0xb7: {  	s30 =	sld [smem:$0x0];
	_ =	sdelay $0x2  }
0xb8: {  	s31 =	sshll.u32 s1, $0xD;
	s1 =	sshrl.u32 s1, $0x2  }
0xb9: {  	s3 =	sand.u32 $0x4000, s31;
	s1 =	sadd.s32 s1, s30  }
0xba: {  	s0 =	sor.u32 s3, s0;
	s1 =	sshll.u32 s1, $0x11  }
0xbb: {  	s0 =	sor.u32 s1, s0  }
0xbc: {  	s0 =	sadd.s32 $0x8F2B, s0  }
0xbd: {  	[sflag:s0] =	ssyncadd.remote.s32 $0x1  }
0xbe: {  	_ =	sfence.sel $0xFFFF  }
0xbf: {  	[dreg:$0x0] =	wrdreg $0xFFFFFFFF;
	(pc) =	sbr.abs _section_cstart, $3  }
0xc0: {  	[dreg:$0x1] =	wrdreg $0xFFFFFFFF  }
0xc1: {  	_ =	task.clear_ibuf [dreg:s7], $0x2FFFF;
	_ =	strace $0x9FFFFFFF  }
0xc2: {  	(tm) =	ssettm $0x7FFFFFFF  }
0xc3: {  	_ =	shalt  }
tec
execute0_lowered:
.L_overlay_start_1:
0x0: {  	(tag) =	ssettag $0x1  }
0x1: {  	s2 =	rddreg [dreg:$0x0];
	s1 =	srdreg.scid  }
0x2: {  	s0 =	stileid.u32;
	s4 =	rddreg [dreg:$0x1]  }
0x3: {  	s3 =	simm.s32 $0x0;
	s9 =	simm.s32 $0x4;
	s10 =	simm.s32 $0x120  }
0x4: {  	s11 =	simm.s32 $0xCA90;
	s12 =	simm.s32 $0xEE90;
	s13 =	simm.s32 $0x1  }
0x5: {  	s14 =	simm.s32 $0x11290;
	s15 =	simm.s32 $0x2;
	s16 =	simm.s32 $0x3  }
0x6: {  	s17 =	simm.s32 $0x11E90;
	s5 =	sand.u32 $0x1, s1;
	s6 =	sshll.u32 s0, $0x1  }
0x7: {  	s18 =	simm.s32 $0x0;
	s6 =	sor.u32 s5, s6;
	s5 =	ssub.s32 $0x2, s5  }
0x8: {  	[smem:$0x7FF] =	sst s3;
	s7 =	smul.u32 $0xCA8, s6;
	s8 =	sshrl.u32 s5, $0x1  }
0x9: {  	s1 =	rddreg [dreg:$0x2];
	_ =	strace $0x8000004D;
	s8 =	ssub.s32 s5, s8  }
0xa: {  	s5 =	smul.u32 $0x21C0, s6;
	s7 =	sadd.s32 s7, s4;
	s4 =	sadd.s32 $0x57A00, s4  }
0xb: {  	v0 =	vimm.s32 $0x0;
	v1 =	vimm.s32 $0x1;
	v2 =	vimm.s32 $0x2;
	s8 =	smax.u32 s8, $0x1;
	s6 =	sadd.s32 $0x23400, s7;
	s7 =	sadd.s32 $0x9E00, s7  }
.LBB2_1:
0xc: {  	[tilespmem:s3], [sflag:$0x4] =	stream.linear.gather [hbm4b:s6+s3], $0x6540, $0x38;
	[tilespmem:$0x12A90] =	vst v63  }
0xd: {  	_ =	swait.ge [sflag:s9], $0x6540  }
0xe: {  	[sflag:s9] =	ssyncset.done $0x0  }
0xf: {  	s19 =	simm.s32 $0x6540;
	[sflag:s9] =	ssyncadd.s32 $0xFFFF9AC0  }
0x10: {  	[tilespmem:s19], [sflag:$0x4] =	stream.linear.gather [hbm4b:s7+s3], $0x6540, $0x38;
	[tilespmem:$0x12A90] =	vst v63  }
0x11: {  	_ =	swait.ge [sflag:s9], $0x6540  }
0x12: {  	[sflag:s9] =	ssyncset.done $0x0  }
0x13: {  	s20 =	simm.s32 $0x6660;
	s21 =	simm.s32 $0x0;
	[sflag:s9] =	ssyncadd.s32 $0xFFFF9AC0  }
0x14: {  	[tilespmem:s11], [sflag:$0x1] =	stream.indirect.gather [hbm4b:s2+s10], $0x20, s3, s10, $0xb8;
	[tilespmem:$0x12A90] =	vst v63  }
.LBB2_2:
0x15: {  	s22 =	sshllo.u32 s21, $0x1  }
0x16: {  	s23 =	smul.u32 $0x480, s22;
	_ =	sdelay $0x1  }
0x17: {  	v3 =	vmov s19;
	s23 =	sshra.s32 s23, $0x2  }
0x18: {  	[tilespmem:s12], [sflag:$0x2] =	stream.indirect.gather [hbm4b:s2+s10], $0x20, s23, s10, $0xb8;
	[tilespmem:$0x12A90] =	vst v63  }
0x19: {  	_ =	swait.ge [sflag:s13], $0x2400  }
0x1a: {  	[sflag:s13] =	ssyncset.done $0x0  }
0x1b: {  	s24 =	simm.s32 $0x0;
	[sflag:s13] =	ssyncadd.s32 $0xFFFFDC00  }
0x1c: {  	s23 =	simm.s32 $0xCAC0;
	v4 =	vld.idx.msk [tilespmem:v3+s24+$0x0 ss:$0x1], $0xffff  }
0x1d: {  	v5 =	vld [tilespmem:s23+$0xFFFFFFF0]  }
0x1e: {  	v6 =	vld [tilespmem:s23+$0xFFFFFFD0];
	_ =	sdelay $0x1  }
0x1f: {  	v7 =	vld [tilespmem:s23+$0x10];
	_ =	sdelay $0x1  }
0x20: {  	v8 =	vperm.xlane v4, v0;
	v9 =	vperm.xlane v4, v1;
	v10 =	vunpack.i.u.bf16.f32 v5  }
0x21: {  	v11 =	vperm.xlane v4, v2;
	v4 =	vunpack.i.u.bf16.f32 v6;
	v6 =	vunpack.i.l.bf16.f32 v6  }
0x22: {  	v5 =	vunpack.i.l.bf16.f32 v5;
	v6 =	vmul.f32 v6, v8;
	v10 =	vmul.f32 v10, v9  }
0x23: {  	v12 =	vunpack.i.u.bf16.f32 v7;
	v5 =	vmul.f32 v5, v9;
	v4 =	vmul.f32 v4, v8  }
0x24: {  	v7 =	vunpack.i.l.bf16.f32 v7;
	v12 =	vmul.f32 v12, v11  }
0x25: {  	v5 =	vadd.f32 v5, v6;
	v6 =	vmul.f32 v7, v11;
	v4 =	vadd.f32 v10, v4;
	_ =	sdelay $0x1  }
0x26: {  	v5 =	vadd.f32 v6, v5;
	v4 =	vadd.f32 v12, v4;
	_ =	sdelay $0x1  }
0x27: {  	s24 =	simm.s32 $0x112A0;
	v4 =	vpack.i.f32.bf16 v4, v5  }
0x28: {  	[tilespmem:s24+$0xFFFFFFF0] =	vst v4  }
0x29: {  	v4 =	vld [tilespmem:s23+$0xFFFFFFE0];
	_ =	sdelay $0x1  }
0x2a: {  	v5 =	vld [tilespmem:s23+$0x0]  }
0x2b: {  	v6 =	vld [tilespmem:s23+$0x20];
	_ =	sdelay $0x1  }
0x2c: {  	v7 =	vunpack.i.l.bf16.f32 v4  }
0x2d: {  	v4 =	vunpack.i.u.bf16.f32 v4;
	v7 =	vmul.f32 v7, v8  }
0x2e: {  	v8 =	vmul.f32 v4, v8;
	v4 =	vunpack.i.u.bf16.f32 v5;
	v5 =	vunpack.i.l.bf16.f32 v5  }
0x2f: {  	v62 =	vunpack.i.l.bf16.f32 v6;
	v63 =	vmul.f32 v5, v9;
	v9 =	vmul.f32 v4, v9  }
0x30: {  	v5 =	vunpack.i.u.bf16.f32 v6;
	v4 =	vmul.f32 v62, v11  }
0x31: {  	s25 =	smul.u32 $0x900, s21;
	s28 =	simm.s32 $0xC;
	s26 =	simm.s32 $0x112A0;
	v5 =	vmul.f32 v5, v11;
	v6 =	vadd.f32 v63, v7;
	v7 =	vadd.f32 v9, v8  }
.LBB2_3:
0x32: {  	_ = 	snop  }
0x33: {  	p0 =	sne.s32 s28, $0x474;
	s24 =	sadd.s32 $0x20, s24;
	s23 =	sadd.s32 $0x60, s23;
	v4 =	vadd.f32 v4, v6;
	v5 =	vadd.f32 v5, v7  }
0x34: {  	s29 =	smov.u32 s28;
	s28 =	sadd.s32 $0xC, s28  }
0x35: {  	v4 =	vpack.i.f32.bf16 v5, v4  }
0x36: {  	s29 =	sshra.s32 s29, $0x2;
	[tilespmem:s26+$0x0] =	vst v4;
	s26 =	smov.u32 s24  }
0x37: {  	v4 =	vld.idx.msk [tilespmem:v3+s29+$0x0 ss:$0x1], $0xffff  }
0x38: {  	v5 =	vld [tilespmem:s23+$0xFFFFFFF0]  }
0x39: {  	v6 =	vld [tilespmem:s23+$0xFFFFFFD0];
	_ =	sdelay $0x1  }
0x3a: {  	v7 =	vld [tilespmem:s23+$0x10];
	_ =	sdelay $0x1  }
0x3b: {  	v8 =	vperm.xlane v4, v0;
	v9 =	vperm.xlane v4, v1;
	v10 =	vunpack.i.u.bf16.f32 v5  }
0x3c: {  	v11 =	vperm.xlane v4, v2;
	v4 =	vunpack.i.u.bf16.f32 v6;
	v6 =	vunpack.i.l.bf16.f32 v6  }
0x3d: {  	v5 =	vunpack.i.l.bf16.f32 v5;
	v10 =	vmul.f32 v10, v9;
	v6 =	vmul.f32 v6, v8  }
0x3e: {  	v5 =	vmul.f32 v5, v9;
	v4 =	vmul.f32 v4, v8;
	v12 =	vunpack.i.u.bf16.f32 v7  }
0x3f: {  	v7 =	vunpack.i.l.bf16.f32 v7;
	v12 =	vmul.f32 v12, v11  }
0x40: {  	v5 =	vadd.f32 v5, v6;
	v6 =	vmul.f32 v7, v11;
	v4 =	vadd.f32 v10, v4;
	_ =	sdelay $0x1  }
0x41: {  	v5 =	vadd.f32 v6, v5;
	v4 =	vadd.f32 v12, v4;
	_ =	sdelay $0x1  }
0x42: {  	v4 =	vpack.i.f32.bf16 v4, v5  }
0x43: {  	[tilespmem:s24+$0xFFFFFFF0] =	vst v4  }
0x44: {  	v4 =	vld [tilespmem:s23+$0xFFFFFFE0]  }
0x45: {  	v5 =	vld [tilespmem:s23+$0x20]  }
0x46: {  	v6 =	vld [tilespmem:s23+$0x0];
	_ =	sdelay $0x2  }
0x47: {  	v7 =	vunpack.i.u.bf16.f32 v4;
	v4 =	vunpack.i.l.bf16.f32 v4  }
.Ltmp0:
0x48: {  	v10 =	vunpack.i.u.bf16.f32 v5;
	v12 =	vmul.f32 v4, v8;
	v7 =	vmul.f32 v7, v8;
	(pc) =	sbr.rel @p0 .LBB2_3-.Ltmp0, $4  }
0x49: {  	v5 =	vunpack.i.l.bf16.f32 v5;
	v4 =	vunpack.i.u.bf16.f32 v6;
	v6 =	vunpack.i.l.bf16.f32 v6  }
0x4a: {  	v6 =	vmul.f32 v6, v9;
	v8 =	vmul.f32 v4, v9  }
0x4b: {  	v4 =	vmul.f32 v5, v11;
	v5 =	vmul.f32 v10, v11  }
0x4c: {  	v6 =	vadd.f32 v6, v12;
	v7 =	vadd.f32 v8, v7  }
0x4d: {  	_ = 	snop  }
0x4e: {  	v3 =	vadd.f32 v4, v6;
	v4 =	vadd.f32 v5, v7;
	_ =	sdelay $0x1  }
0x4f: {  	p0 =	seq.s32 s21, $0x0;
	s23 =	smul.u32 $0xC0, s21;
	v3 =	vpack.i.f32.bf16 v4, v3  }
0x50: {  	s24 =	simm.s32 @!p0 $0x3;
	[tilespmem:s26+$0x0] =	vst v3  }
0x51: {  	s23 =	sadd.s32 s5, s23;
	_ =	swait.ge @!p0 [sflag:s24], $0xC00  }
0x52: {  	s23 =	sshll.u32 s23, $0x2;
	[sflag:s24] =	ssyncset.done @!p0 $0x0  }
0x53: {  	s23 =	sadd.s32 s4, s23;
	[sflag:s24] =	ssyncadd.s32 @!p0 $0xFFFFF400;
	p0 =	seq.s32 s21, $0x2C  }
0x54: {  	[hbm4b:s23+s3] =	stream.linear.scatter [tilespmem:s14], [sflag:$0x3], $0xC00, $0x38;
	[tilespmem:$0x12A90] =	vst v63  }
0x55: {  	s23 =	sshra.s32 @!p0 s25, $0x2  }
0x56: {  	v3 =	vmov s20;
	s24 =	simm.s32 @!p0 $0x120;
	s25 =	simm.s32 @!p0 $0xCA90;
	s23 =	sadd.s32 @!p0 $0x240, s23  }
0x57: {  	[tilespmem:s25], [sflag:$0x1] =	stream.indirect.gather @!p0 [hbm4b:s2+s24], $0x20, s23, s24, $0xb8;
	[tilespmem:$0x12A90] =	vst v63  }
0x58: {  	_ =	swait.ge [sflag:s15], $0x2400  }
0x59: {  	[sflag:s15] =	ssyncset.done $0x0  }
0x5a: {  	s31 =	simm.s32 $0x0;
	[sflag:s15] =	ssyncadd.s32 $0xFFFFDC00  }
0x5b: {  	s23 =	simm.s32 $0xEEC0;
	v4 =	vld.idx.msk [tilespmem:v3+s31+$0x0 ss:$0x1], $0xffff  }
0x5c: {  	v5 =	vld [tilespmem:s23+$0xFFFFFFF0]  }
0x5d: {  	v6 =	vld [tilespmem:s23+$0xFFFFFFD0];
	_ =	sdelay $0x1  }
0x5e: {  	v7 =	vld [tilespmem:s23+$0x10];
	_ =	sdelay $0x1  }
0x5f: {  	v8 =	vperm.xlane v4, v0;
	v9 =	vperm.xlane v4, v1;
	v10 =	vunpack.i.u.bf16.f32 v5  }
0x60: {  	v11 =	vperm.xlane v4, v2;
	v4 =	vunpack.i.u.bf16.f32 v6;
	v6 =	vunpack.i.l.bf16.f32 v6  }
0x61: {  	v5 =	vunpack.i.l.bf16.f32 v5;
	v6 =	vmul.f32 v6, v8;
	v10 =	vmul.f32 v10, v9  }
0x62: {  	v12 =	vunpack.i.u.bf16.f32 v7;
	v5 =	vmul.f32 v5, v9;
	v4 =	vmul.f32 v4, v8  }
0x63: {  	v7 =	vunpack.i.l.bf16.f32 v7;
	v12 =	vmul.f32 v12, v11  }
0x64: {  	v5 =	vadd.f32 v5, v6;
	v6 =	vmul.f32 v7, v11;
	v4 =	vadd.f32 v10, v4;
	_ =	sdelay $0x1  }
0x65: {  	v5 =	vadd.f32 v6, v5;
	v4 =	vadd.f32 v12, v4;
	_ =	sdelay $0x1  }
0x66: {  	s24 =	simm.s32 $0x11EA0;
	v4 =	vpack.i.f32.bf16 v4, v5  }
0x67: {  	[tilespmem:s24+$0xFFFFFFF0] =	vst v4  }
0x68: {  	v4 =	vld [tilespmem:s23+$0xFFFFFFE0];
	_ =	sdelay $0x1  }
0x69: {  	v5 =	vld [tilespmem:s23+$0x0]  }
0x6a: {  	v6 =	vld [tilespmem:s23+$0x20];
	_ =	sdelay $0x1  }
0x6b: {  	v7 =	vunpack.i.l.bf16.f32 v4  }
0x6c: {  	v4 =	vunpack.i.u.bf16.f32 v4;
	v7 =	vmul.f32 v7, v8  }
0x6d: {  	v8 =	vmul.f32 v4, v8;
	v4 =	vunpack.i.u.bf16.f32 v5;
	v5 =	vunpack.i.l.bf16.f32 v5  }
0x6e: {  	v62 =	vunpack.i.l.bf16.f32 v6;
	v63 =	vmul.f32 v5, v9;
	v9 =	vmul.f32 v4, v9  }
0x6f: {  	v5 =	vunpack.i.u.bf16.f32 v6;
	v4 =	vmul.f32 v62, v11  }
0x70: {  	s26 =	simm.s32 $0xC;
	s25 =	simm.s32 $0x11EA0;
	v5 =	vmul.f32 v5, v11;
	v6 =	vadd.f32 v63, v7;
	v7 =	vadd.f32 v9, v8  }
.LBB2_5:
0x71: {  	_ = 	snop  }
0x72: {  	p0 =	sne.s32 s26, $0x474;
	s24 =	sadd.s32 $0x20, s24;
	s23 =	sadd.s32 $0x60, s23;
	v4 =	vadd.f32 v4, v6;
	v5 =	vadd.f32 v5, v7  }
0x73: {  	s28 =	smov.u32 s26;
	s26 =	sadd.s32 $0xC, s26  }
0x74: {  	v4 =	vpack.i.f32.bf16 v5, v4  }
0x75: {  	s28 =	sshra.s32 s28, $0x2;
	[tilespmem:s25+$0x0] =	vst v4;
	s25 =	smov.u32 s24  }
0x76: {  	v4 =	vld.idx.msk [tilespmem:v3+s28+$0x0 ss:$0x1], $0xffff  }
0x77: {  	v5 =	vld [tilespmem:s23+$0xFFFFFFF0]  }
0x78: {  	v6 =	vld [tilespmem:s23+$0xFFFFFFD0];
	_ =	sdelay $0x1  }
0x79: {  	v7 =	vld [tilespmem:s23+$0x10];
	_ =	sdelay $0x1  }
0x7a: {  	v8 =	vperm.xlane v4, v0;
	v9 =	vperm.xlane v4, v1;
	v10 =	vunpack.i.u.bf16.f32 v5  }
0x7b: {  	v11 =	vperm.xlane v4, v2;
	v4 =	vunpack.i.u.bf16.f32 v6;
	v6 =	vunpack.i.l.bf16.f32 v6  }
0x7c: {  	v5 =	vunpack.i.l.bf16.f32 v5;
	v10 =	vmul.f32 v10, v9;
	v6 =	vmul.f32 v6, v8  }
0x7d: {  	v5 =	vmul.f32 v5, v9;
	v4 =	vmul.f32 v4, v8;
	v12 =	vunpack.i.u.bf16.f32 v7  }
0x7e: {  	v7 =	vunpack.i.l.bf16.f32 v7;
	v12 =	vmul.f32 v12, v11  }
0x7f: {  	v5 =	vadd.f32 v5, v6;
	v6 =	vmul.f32 v7, v11;
	v4 =	vadd.f32 v10, v4;
	_ =	sdelay $0x1  }
0x80: {  	v5 =	vadd.f32 v6, v5;
	v4 =	vadd.f32 v12, v4;
	_ =	sdelay $0x1  }
0x81: {  	v4 =	vpack.i.f32.bf16 v4, v5  }
0x82: {  	[tilespmem:s24+$0xFFFFFFF0] =	vst v4  }
0x83: {  	v4 =	vld [tilespmem:s23+$0xFFFFFFE0]  }
0x84: {  	v5 =	vld [tilespmem:s23+$0x20]  }
0x85: {  	v6 =	vld [tilespmem:s23+$0x0];
	_ =	sdelay $0x2  }
0x86: {  	v7 =	vunpack.i.u.bf16.f32 v4;
	v4 =	vunpack.i.l.bf16.f32 v4  }
.Ltmp1:
0x87: {  	v10 =	vunpack.i.u.bf16.f32 v5;
	v12 =	vmul.f32 v4, v8;
	v7 =	vmul.f32 v7, v8;
	(pc) =	sbr.rel @p0 .LBB2_5-.Ltmp1, $4  }
0x88: {  	v5 =	vunpack.i.l.bf16.f32 v5;
	v4 =	vunpack.i.u.bf16.f32 v6;
	v6 =	vunpack.i.l.bf16.f32 v6  }
0x89: {  	v6 =	vmul.f32 v6, v9;
	v8 =	vmul.f32 v4, v9  }
0x8a: {  	v4 =	vmul.f32 v5, v11;
	v5 =	vmul.f32 v10, v11  }
0x8b: {  	v6 =	vadd.f32 v6, v12;
	v7 =	vadd.f32 v8, v7  }
0x8c: {  	_ = 	snop  }
0x8d: {  	v3 =	vadd.f32 v4, v6;
	v63 =	vadd.f32 v5, v7  }
0x8e: {  	s22 =	smul.u32 $0x60, s22;
	s21 =	sadd.s32 $0x1, s21  }
0x8f: {  	p0 =	sne.s32 s21, $0x2D;
	v3 =	vpack.i.f32.bf16 v63, v3  }
.Ltmp2:
0x90: {  	s22 =	sadd.s32 s5, s22;
	[tilespmem:s25+$0x0] =	vst v3;
	(pc) =	sbr.rel @p0 .LBB2_2-.Ltmp2, $4  }
0x91: {  	s22 =	sshll.u32 s22, $0x2;
	_ =	swait.ge [sflag:s16], $0xC00  }
0x92: {  	s19 =	sadd.s32 $0x240, s19;
	s22 =	sand.u32 $0xFFFFF80, s22;
	[sflag:s16] =	ssyncset.done $0x0  }
0x93: {  	s20 =	sadd.s32 $0x240, s20;
	s22 =	sadd.s32 s4, s22;
	[sflag:s16] =	ssyncadd.s32 $0xFFFFF400  }
0x94: {  	[hbm4b:s22+s3] =	stream.linear.scatter [tilespmem:s17], [sflag:$0x3], $0xC00, $0x38;
	[tilespmem:$0x12A90] =	vst v63  }
0x95: {  	s18 =	sadd.s32 $0x1, s18  }
0x96: {  	p0 =	sne.s32 s18, s8  }
.Ltmp3:
0x97: {  	_ = 	snop;
	(pc) =	sbr.rel @p0 .LBB2_1-.Ltmp3, $4  }
0x98: {  	_ = 	snop  }
0x99: {  	_ =	swait.ge [sflag:s16], $0xC00  }
0x9a: {  	[sflag:s16] =	ssyncset.done $0x0  }
0x9b: {  	[sflag:s16] =	ssyncadd.s32 $0xFFFFF400  }
0x9c: {  	_ =	sfence.sel $0x180000  }
0x9d: {  	[bflag:$0x0] =	sbarrier.arrive $0xFFFF  }
0x9e: {  	p0 =	sne.s32 s0, $0x0;
	_ =	strace $0x9000004D  }
0x9f: {  	s0 =	sadd.s32 @!p0 $0x100000, s1;
	[bflag:$0x2] =	sbarrier.arrive $0xFFFF  }
0xa0: {  	[sflag:s0] =	ssyncadd.tile.s32 @!p0 $0x1;
	_ =	shalt  }
.Lfunc_end2:
_tile_overlayer_lowered:
.L_overlay_start_2:
0xa1: {  	(tag) =	ssettag $0x2  }
0xa2: {  	s0 =	rddreg [dreg:$0x0];
	s2 =	stileid.u32  }
0xa3: {  	s1 =	rddreg [dreg:$0x1];
	p0 =	sne.s32 s2, $0x0  }
0xa4: {  	s3 =	rddreg [dreg:$0x2];
	[bflag:$0x3] =	sbarrier.arrive $0xFFFF;
	s2 =	simm.s32 @!p0 $0x1C04  }
0xa5: {  	[timem:s3], [sflag:s2] =	dma.local @!p0 [hbm:s0], s1  }
0xa6: {  	s0 =	simm.s32 @!p0 $0x4  }
0xa7: {  	_ =	swait.ge @!p0 [sflag:s0], s1  }
0xa8: {  	s1 =	ssub.s32 @!p0 $0x0, s1;
	[sflag:s0] =	ssyncset.done @!p0 $0x0  }
0xa9: {  	[sflag:s0] =	ssyncadd.s32 @!p0 s1  }
0xaa: {  	[bflag:$0x3] =	sbarrier.arrive $0xFFFF  }
0xab: {  	_ =	shalt  }

// kernel: kernel.22.cloned.1.call-start
scs
__scs_entry_jumppad:
0x0: {  	(pc) =	sbr.rel $0x88, $3  }
0x1: {  	(tag) =	ssettag $0x0;
	lr =	simm.s32 $0x1  }
0x2: {  	[smem:$0x3F87] =	sst lr;
	_ =	strace $0xD0000000  }
0x3: {  	_ = 	snop  }
0x4: {  	_ = 	snop  }
0x5: {  	_ = 	snop  }
0x6: {  	_ = 	snop  }
0x7: {  	_ = 	snop  }
__scs_overlays_trampoline_lowered:
0x8: {  	[smem:$0x3F96] =	sst s0  }
0x9: {  	[smem:$0x3F97] =	sst s1  }
0xa: {  	[smem:$0x3F98] =	sst s2  }
0xb: {  	[smem:$0x3F99] =	sst s3  }
0xc: {  	[smem:$0x3F9A] =	sst s4  }
0xd: {  	[smem:$0x3F9B] =	sst s5  }
0xe: {  	[smem:$0x3F9C] =	sst s6  }
0xf: {  	[smem:$0x3F9D] =	sst s7  }
0x10: {  	[smem:$0x3F9E] =	sst s8  }
0x11: {  	[smem:$0x3F9F] =	sst s9;
	s0 =	simm.s32 @!p0 $0x0  }
0x12: {  	s1 =	sld [smem:$0x3F85];
	s0 =	simm.s32 @p0 $0x1  }
0x13: {  	[smem:$0x3FA0] =	sst s0;
	s0 =	simm.s32 @!p1 $0x0  }
0x14: {  	s2 =	sld [smem:$0x3F84];
	s0 =	simm.s32 @p1 $0x1  }
0x15: {  	[smem:$0x3FA1] =	sst s0;
	s0 =	simm.s32 @!p2 $0x0  }
0x16: {  	s3 =	sld [smem:$0x3FDB];
	s0 =	simm.s32 @p2 $0x1  }
0x17: {  	s4 =	simm.s32 $0x1BF5;
	[smem:$0x3FA3] =	sst s0  }
0x18: {  	s0 =	sld [smem:$0x3F86];
	_ =	swait.ge [sflag:s4], $0x0  }
0x19: {  	s7 =	sld [smem:$0x3F87]  }
0x1a: {  	s8 =	sadd.s32 $0xFFFFE003, lr  }
0x1b: {  	s9 =	sadd.s32 $0xFFFFFEF7, lr;
	s5 =	simm.s32 $0xFFFFFFFF;
	p2 =	slt.u32 s8, $0xFFFFF086  }
0x1c: {  	p1 =	slt.u32 s9, $0xF7A;
	s5 =	simm.s32 @!p2 $0x0  }
0x1d: {  	s5 =	simm.s32 @p1 $0x1;
	p0 =	seq.s32 s7, s2  }
0x1e: {  	s7 =	smul.u32 @!p0 $0xF7A, s2;
	p2 =	seq.s32 @!p0 s5, $0x0  }
0x1f: {  	s9 =	smul.u32 $0xF7A, s1;
	s8 =	simm.s32 @!p0 $0x1BF5;
	p2 =	por !p2, p0  }
0x20: {  	[sflag:s8] =	ssyncset.s32 @!p0 $0xFFFFF086;
	s6 =	sadd.s32 @!p0 s3, s7;
	s7 =	simm.s32 @!p0 $0x108  }
0x21: {  	s3 =	sadd.s32 s3, s9;
	s6 =	sadd.s32 @!p0 $0x88, s6;
	s7 =	simm.s32 @p2 $0x1082  }
0x22: {  	[simem:s7], [sflag:s8] =	dma.local @!p0 [hbm:s6], $0xF7A  }
0x23: {  	s9 =	sor.u32 $0xD0000000, s2;
	s6 =	simm.s32 $0x108;
	_ =	swait.ge @!p0 [sflag:s8], $0x0  }
0x24: {  	s3 =	sadd.s32 $0x88, s3;
	s6 =	simm.s32 @!p1 $0x1082;
	[sflag:s4] =	ssyncset.s32 $0xFFFFF086  }
0x25: {  	[simem:s6], [sflag:s4] =	dma.local [hbm:s3], $0xF7A  }
0x26: {  	[smem:$0x3F87] =	sst s1;
	(tag) =	ssettag s2;
	_ =	strace s9  }
0x27: {  	s1 =	sld [smem:$0x3F97]  }
0x28: {  	s2 =	sld [smem:$0x3F98]  }
0x29: {  	s4 =	sld [smem:$0x3F9A]  }
0x2a: {  	p0 =	seq.s32 s5, $0x0;
	s5 =	sld [smem:$0x3F9B]  }
0x2b: {  	s6 =	sld [smem:$0x3F9C]  }
0x2c: {  	s7 =	sld [smem:$0x3F9D]  }
0x2d: {  	s3 =	simm.s32 $0x108;
	s8 =	sld [smem:$0x3F9E]  }
0x2e: {  	s3 =	simm.s32 @!p0 $0x1082;
	s9 =	sld [smem:$0x3F9F]  }
0x2f: {  	lr =	sadd.s32 s0, s3;
	s0 =	sld [smem:$0x3F96]  }
0x30: {  	s3 =	sld [smem:$0x3F99]  }
0x31: {  	[smem:$0x3FA2] =	sst s10  }
0x32: {  	s10 =	sld [smem:$0x3FA0];
	_ =	sdelay $0x3  }
0x33: {  	p0 =	seq.s32 s10, $0x1;
	s10 =	sld [smem:$0x3FA2];
	_ =	sdelay $0x3  }
0x34: {  	[smem:$0x3FA2] =	sst s10  }
0x35: {  	s10 =	sld [smem:$0x3FA1];
	_ =	sdelay $0x3  }
0x36: {  	p1 =	seq.s32 s10, $0x1;
	s10 =	sld [smem:$0x3FA2];
	_ =	sdelay $0x3  }
0x37: {  	[smem:$0x3FA2] =	sst s10  }
0x38: {  	s10 =	sld [smem:$0x3FA3]  }
0x39: {  	_ = 	snop;
	(pc) =	sbr.ind lr, $3  }
0x3a: {  	_ = 	snop  }
0x3b: {  	_ = 	snop  }
0x3c: {  	p2 =	seq.s32 s10, $0x1;
	s10 =	sld [smem:$0x3FA2]  }
0x3d: {  	_ =	shalt  }
0x3e: {  	_ =	shalt  }
0x3f: {  	_ =	shalt  }
0x40: {  	_ =	shalt  }
0x41: {  	_ =	shalt  }
0x42: {  	_ =	shalt  }
0x43: {  	_ =	shalt  }
0x44: {  	_ =	shalt  }
0x45: {  	_ =	shalt  }
0x46: {  	_ =	shalt  }
0x47: {  	_ =	shalt  }
0x48: {  	_ =	shalt  }
0x49: {  	_ =	shalt  }
0x4a: {  	_ =	shalt  }
0x4b: {  	_ =	shalt  }
0x4c: {  	_ =	shalt  }
0x4d: {  	_ =	shalt  }
0x4e: {  	_ =	shalt  }
0x4f: {  	_ =	shalt  }
0x50: {  	_ =	shalt  }
0x51: {  	_ =	shalt  }
0x52: {  	_ =	shalt  }
0x53: {  	_ =	shalt  }
0x54: {  	_ =	shalt  }
0x55: {  	_ =	shalt  }
0x56: {  	_ =	shalt  }
0x57: {  	_ =	shalt  }
0x58: {  	_ =	shalt  }
0x59: {  	_ =	shalt  }
0x5a: {  	_ =	shalt  }
0x5b: {  	_ =	shalt  }
0x5c: {  	_ =	shalt  }
0x5d: {  	_ =	shalt  }
0x5e: {  	_ =	shalt  }
0x5f: {  	_ =	shalt  }
0x60: {  	_ =	shalt  }
0x61: {  	_ =	shalt  }
0x62: {  	_ =	shalt  }
0x63: {  	_ =	shalt  }
0x64: {  	_ =	shalt  }
0x65: {  	_ =	shalt  }
0x66: {  	_ =	shalt  }
0x67: {  	_ =	shalt  }
0x68: {  	_ =	shalt  }
0x69: {  	_ =	shalt  }
0x6a: {  	_ =	shalt  }
0x6b: {  	_ =	shalt  }
0x6c: {  	_ =	shalt  }
0x6d: {  	_ =	shalt  }
0x6e: {  	_ =	shalt  }
0x6f: {  	_ =	shalt  }
0x70: {  	_ =	shalt  }
0x71: {  	_ =	shalt  }
0x72: {  	_ =	shalt  }
0x73: {  	_ =	shalt  }
0x74: {  	_ =	shalt  }
0x75: {  	_ =	shalt  }
0x76: {  	_ =	shalt  }
0x77: {  	_ =	shalt  }
0x78: {  	_ =	shalt  }
0x79: {  	_ =	shalt  }
0x7a: {  	_ =	shalt  }
0x7b: {  	_ =	shalt  }
0x7c: {  	_ =	shalt  }
0x7d: {  	_ =	shalt  }
0x7e: {  	_ =	shalt  }
0x7f: {  	_ =	shalt  }
0x80: {  	_ =	shalt  }
0x81: {  	_ =	shalt  }
0x82: {  	_ =	shalt  }
0x83: {  	_ =	shalt  }
0x84: {  	_ =	shalt  }
0x85: {  	_ =	shalt  }
0x86: {  	_ =	shalt  }
0x87: {  	_ =	shalt  }
.Lfunc_end0:
.L_simem_size_0:
called_computation.3_lowered:
.L_overlay_start_0:
0x88: {  	s2 =	sld [smem:$0x3FD9]  }
0x89: {  	s3 =	sld [smem:$0x3FFE];
	_ =	sdelay $0x1  }
0x8a: {  	s1 =	srdreg.scid  }
0x8b: {  	s0 =	sand.u32 $0x1, s1  }
0x8c: {  	s17 =	sshll.u32 s0, $0xA;
	s2 =	sadd.s32 s3, s2  }
0x8d: {  	s2 =	sadd.s32 s2, s17  }
0x8e: {  	[smem:$0x3FAE] =	sst s2  }
0x8f: {  	_ = 	snop  }
0x90: {  	s2 =	sld [smem:$0x3FD0];
	(tm) =	ssettm $0x1  }
0x91: {  	s18 =	sld [smem:$0x3FFB];
	_ =	sdelay $0x3  }
0x92: {  	_ =	strace s18  }
0x93: {  	s3 =	sld [smem:$0x3FFC];
	_ =	sdelay $0x3  }
0x94: {  	_ =	strace s3  }
0x95: {  	s3 =	sld [smem:$0x3FFD];
	_ =	sdelay $0x3  }
0x96: {  	_ =	strace s3  }
0x97: {  	_ =	strace $0x8FFFFFFF  }
0x98: {  	s19 =	sld [smem:$0x3FDB];
	_ =	sdelay $0x1  }
0x99: {  	s4 =	simm.s32 $_scs_section_size  }
0x9a: {  	s5 =	simm.s32 $_size__tile_overlayer_lowered;
	s6 =	simm.s32 $_tile_overlayer_lowered  }
0x9b: {  	s22 =	simm.s32 $0x1BFF;
	s21 =	sshll.u32 s6, $0x1;
	s3 =	sadd.s32 s4, s19  }
0x9c: {  	s7 =	simm.s32 $0x0;
	s20 =	sshll.u32 s5, $0x1;
	s5 =	sadd.s32 s21, s3  }
0x9d: {  	[timem:s7], [sflag:s22] =	dma.local [hbm:s5], s20  }
0x9e: {  	_ =	swait.ge [sflag:s22], s20  }
0x9f: {  	s4 =	ssub.s32 $0x0, s20;
	[sflag:s22] =	ssyncset.done $0x0  }
0xa0: {  	[sflag:s22] =	ssyncadd.s32 s4;
	_ =	sdelay $0x1  }
0xa1: {  	s23 =	simm.s32 $0x1B8B  }
0xa2: {  	_ =	swait.ge [sflag:s23], $0x1  }
0xa3: {  	[sflag:s23] =	ssyncset.done $0x0  }
0xa4: {  	s25 =	simm.s32 $0x1B8E;
	s24 =	sld [smem:$0x3FFE];
	[sflag:s23] =	ssyncadd.s32 $0xFFFFFFFF  }
0xa5: {  	s26 =	simm.s32 $execute0_lowered;
	[smem:$0x3FD2] =	sst s25  }
0xa6: {  	s5 =	sshll.u32 s26, $0x1;
	_ =	strace $0x8000004F;
	[dreg:$0x1] =	wrdreg $0xFFFFFFFF  }
0xa7: {  	s28 =	simm.s32 $_size_execute0_lowered;
	s3 =	sadd.s32 s3, s5;
	[dreg:$0x0] =	wrdreg $0x0  }
0xa8: {  	s5 =	sshll.u32 s28, $0x1;
	[dreg:$0x2] =	wrdreg s3  }
0xa9: {  	[dreg:$0x3] =	wrdreg s5  }
0xaa: {  	[dreg:$0x4] =	wrdreg $0xC0  }
0xab: {  	_ =	task [dreg:s7], $0x5FFFF  }
0xac: {  	[dreg:$0x1] =	wrdreg $0xFFFFFFFF  }
0xad: {  	[dreg:$0x0] =	wrdreg $0x60  }
0xae: {  	[dreg:$0x2] =	wrdreg s24  }
0xaf: {  	[dreg:$0x3] =	wrdreg s2  }
0xb0: {  	[dreg:$0x4] =	wrdreg $0x9  }
0xb1: {  	_ =	task.clear_ibuf [dreg:s7], $0x5FFFF;
	_ =	strace $0x9000004F  }
0xb2: {  	s29 =	simm.s32 $0x9;
	_ =	strace $0x80000051  }
0xb3: {  	_ =	swait.ge [sflag:s29], $0x1  }
0xb4: {  	[sflag:s29] =	ssyncadd.s32 $0xFFFFFFFF  }
0xb5: {  	_ =	strace $0x90000051  }
0xb6: {  	_ =	sfence  }
0xb7: {  	s30 =	sld [smem:$0x0];
	_ =	sdelay $0x2  }
0xb8: {  	s31 =	sshll.u32 s1, $0xD;
	s1 =	sshrl.u32 s1, $0x2  }
0xb9: {  	s3 =	sand.u32 $0x4000, s31;
	s1 =	sadd.s32 s1, s30  }
0xba: {  	s0 =	sor.u32 s3, s0;
	s1 =	sshll.u32 s1, $0x11  }
0xbb: {  	s0 =	sor.u32 s1, s0  }
0xbc: {  	s0 =	sadd.s32 $0x8F2B, s0  }
0xbd: {  	[sflag:s0] =	ssyncadd.remote.s32 $0x1  }
0xbe: {  	_ =	sfence.sel $0xFFFF  }
0xbf: {  	[dreg:$0x0] =	wrdreg $0xFFFFFFFF;
	(pc) =	sbr.abs _section_cstart, $3  }
0xc0: {  	[dreg:$0x1] =	wrdreg $0xFFFFFFFF  }
0xc1: {  	_ =	task.clear_ibuf [dreg:s7], $0x2FFFF;
	_ =	strace $0x9FFFFFFF  }
0xc2: {  	(tm) =	ssettm $0x7FFFFFFF  }
0xc3: {  	_ =	shalt  }
tec
execute0_lowered:
.L_overlay_start_1:
0x0: {  	(tag) =	ssettag $0x1  }
0x1: {  	s5 =	rddreg [dreg:$0x0];
	s1 =	srdreg.scid  }
0x2: {  	s0 =	stileid.u32;
	s2 =	rddreg [dreg:$0x1]  }
0x3: {  	s3 =	simm.s32 $0x0;
	s9 =	simm.s32 $0x4;
	s10 =	simm.s32 $0x120  }
0x4: {  	s11 =	simm.s32 $0xCA90;
	s12 =	simm.s32 $0xDC90;
	s13 =	simm.s32 $0x1  }
0x5: {  	s14 =	simm.s32 $0xEE90;
	s15 =	simm.s32 $0x2;
	s16 =	simm.s32 $0x3  }
0x6: {  	s17 =	simm.s32 $0xF490;
	s4 =	sand.u32 $0x1, s1;
	s6 =	sshll.u32 s0, $0x1  }
0x7: {  	s18 =	simm.s32 $0x0;
	s1 =	rddreg [dreg:$0x2];
	s6 =	sor.u32 s4, s6  }
0x8: {  	[smem:$0x7FF] =	sst s3;
	s8 =	ssub.s32 $0x2, s4;
	s7 =	smul.u32 $0xCA8, s6  }
0x9: {  	_ =	strace $0x80000050;
	s4 =	sadd.s32 $0x6800, s5;
	s31 =	sshrl.u32 s8, $0x1  }
0xa: {  	s8 =	ssub.s32 s8, s31;
	s7 =	sadd.s32 s7, s5;
	s5 =	smul.u32 $0x21C0, s6  }
0xb: {  	v0 =	vimm.s32 $0x0;
	v1 =	vimm.s32 $0x1;
	v2 =	vimm.s32 $0x2;
	s8 =	smax.u32 s8, $0x1;
	s6 =	sadd.s32 $0x23400, s7;
	s7 =	sadd.s32 $0x9E00, s7  }
.LBB2_1:
0xc: {  	[tilespmem:s3], [sflag:$0x4] =	stream.linear.gather [hbm4b:s6+s3], $0x6540, $0x38;
	[tilespmem:$0xFA90] =	vst v63  }
0xd: {  	_ =	swait.ge [sflag:s9], $0x6540  }
0xe: {  	[sflag:s9] =	ssyncset.done $0x0  }
0xf: {  	s19 =	simm.s32 $0x6540;
	[sflag:s9] =	ssyncadd.s32 $0xFFFF9AC0  }
0x10: {  	[tilespmem:s19], [sflag:$0x4] =	stream.linear.gather [hbm4b:s7+s3], $0x6540, $0x38;
	[tilespmem:$0xFA90] =	vst v63  }
0x11: {  	_ =	swait.ge [sflag:s9], $0x6540  }
0x12: {  	[sflag:s9] =	ssyncset.done $0x0  }
0x13: {  	s20 =	simm.s32 $0x6660;
	s21 =	simm.s32 $0x0;
	[sflag:s9] =	ssyncadd.s32 $0xFFFF9AC0  }
0x14: {  	[tilespmem:s11], [sflag:$0x1] =	stream.indirect.gather [hbm4b:s4+s10], $0x10, s3, s10, $0xb8;
	[tilespmem:$0xFA90] =	vst v63  }
.LBB2_2:
0x15: {  	s22 =	sshllo.u32 s21, $0x1  }
0x16: {  	s23 =	smul.u32 $0x480, s22;
	_ =	sdelay $0x1  }
0x17: {  	v3 =	vmov s19;
	s23 =	sshra.s32 s23, $0x2  }
0x18: {  	[tilespmem:s12], [sflag:$0x2] =	stream.indirect.gather [hbm4b:s4+s10], $0x10, s23, s10, $0xb8;
	[tilespmem:$0xFA90] =	vst v63  }
0x19: {  	_ =	swait.ge [sflag:s13], $0x1200  }
0x1a: {  	[sflag:s13] =	ssyncset.done $0x0  }
0x1b: {  	s31 =	simm.s32 $0x0;
	[sflag:s13] =	ssyncadd.s32 $0xFFFFEE00  }
0x1c: {  	s24 =	simm.s32 $0xCAB0;
	v4 =	vld.idx.msk [tilespmem:v3+s31+$0x0 ss:$0x1], $0xffff  }
0x1d: {  	v5 =	vld [tilespmem:s24+$0xFFFFFFE0]  }
0x1e: {  	v6 =	vld [tilespmem:s24+$0xFFFFFFF0];
	_ =	sdelay $0x1  }
0x1f: {  	v7 =	vld [tilespmem:s24+$0x0];
	_ =	sdelay $0x1  }
0x20: {  	v8 =	vperm.xlane v4, v0;
	v9 =	vperm.xlane v4, v1;
	v10 =	vunpack.i.u.bf16.f32 v5  }
0x21: {  	v4 =	vperm.xlane v4, v2;
	v5 =	vunpack.i.l.bf16.f32 v5;
	v11 =	vunpack.i.l.bf16.f32 v6  }
0x22: {  	v6 =	vunpack.i.u.bf16.f32 v6;
	v5 =	vmul.f32 v5, v8;
	v11 =	vmul.f32 v11, v9  }
0x23: {  	v12 =	vunpack.i.l.bf16.f32 v7;
	v8 =	vmul.f32 v10, v8;
	v6 =	vmul.f32 v6, v9  }
0x24: {  	v7 =	vunpack.i.u.bf16.f32 v7;
	v63 =	vmul.f32 v12, v4  }
0x25: {  	v4 =	vmul.f32 v7, v4;
	v5 =	vadd.f32 v11, v5;
	v6 =	vadd.f32 v6, v8;
	_ =	sdelay $0x1  }
0x26: {  	v5 =	vadd.f32 v63, v5;
	v4 =	vadd.f32 v4, v6;
	_ =	sdelay $0x1  }
0x27: {  	s24 =	simm.s32 $0xEE90;
	v4 =	vpack.i.f32.bf16 v4, v5  }
0x28: {  	s25 =	simm.s32 $0x3;
	[tilespmem:s24+$0x0] =	vst v4  }
0x29: {  	s26 =	simm.s32 $0x18;
	s23 =	smul.u32 $0x900, s21;
	v4 =	vld.idx.msk [tilespmem:v3+s25+$0x0 ss:$0x1], $0xffff;
	s25 =	simm.s32 $0xCAE0  }
.LBB2_3:
0x2a: {  	p0 =	sne.s32 s26, $0x474;
	v5 =	vld [tilespmem:s25+$0xFFFFFFE0]  }
0x2b: {  	v6 =	vld [tilespmem:s25+$0xFFFFFFF0];
	_ =	sdelay $0x1  }
0x2c: {  	v7 =	vld [tilespmem:s25+$0x0];
	_ =	sdelay $0x1  }
0x2d: {  	v8 =	vperm.xlane v4, v0;
	v9 =	vperm.xlane v4, v1;
	v10 =	vunpack.i.u.bf16.f32 v5  }
0x2e: {  	v4 =	vperm.xlane v4, v2;
	v5 =	vunpack.i.l.bf16.f32 v5;
	v11 =	vunpack.i.l.bf16.f32 v6  }
0x2f: {  	v6 =	vunpack.i.u.bf16.f32 v6;
	v5 =	vmul.f32 v5, v8;
	v11 =	vmul.f32 v11, v9  }
0x30: {  	v8 =	vmul.f32 v10, v8;
	v6 =	vmul.f32 v6, v9;
	v12 =	vunpack.i.l.bf16.f32 v7  }
0x31: {  	v7 =	vunpack.i.u.bf16.f32 v7;
	v9 =	vmul.f32 v12, v4  }
0x32: {  	v5 =	vadd.f32 v11, v5;
	v6 =	vadd.f32 v6, v8;
	v4 =	vmul.f32 v7, v4;
	_ =	sdelay $0x1  }
.Ltmp0:
0x33: {  	v5 =	vadd.f32 v9, v5;
	v4 =	vadd.f32 v4, v6;
	(pc) =	sbr.rel @p0 .LBB2_3-.Ltmp0, $4  }
0x34: {  	_ = 	snop  }
0x35: {  	s24 =	sadd.s32 $0x10, s24;
	v4 =	vpack.i.f32.bf16 v4, v5  }
0x36: {  	s28 =	sshra.s32 s26, $0x2;
	[tilespmem:s24+$0x0] =	vst v4  }
0x37: {  	s26 =	sadd.s32 $0xC, s26;
	s25 =	sadd.s32 $0x30, s25;
	v4 =	vld.idx.msk [tilespmem:v3+s28+$0x0 ss:$0x1], $0xffff  }
0x38: {  	v3 =	vld [tilespmem:s25+$0xFFFFFFE0]  }
0x39: {  	v5 =	vld [tilespmem:s25+$0xFFFFFFF0];
	_ =	sdelay $0x1  }
0x3a: {  	v6 =	vld [tilespmem:s25+$0x0]  }
0x3b: {  	v7 =	vperm.xlane v4, v0  }
0x3c: {  	v8 =	vperm.xlane v4, v1;
	v4 =	vperm.xlane v4, v2  }
0x3d: {  	v9 =	vunpack.i.u.bf16.f32 v3;
	v3 =	vunpack.i.l.bf16.f32 v3;
	v10 =	vunpack.i.l.bf16.f32 v5  }
0x3e: {  	v5 =	vunpack.i.u.bf16.f32 v5;
	v3 =	vmul.f32 v3, v7;
	v10 =	vmul.f32 v10, v8  }
0x3f: {  	v11 =	vunpack.i.l.bf16.f32 v6;
	v7 =	vmul.f32 v9, v7;
	v5 =	vmul.f32 v5, v8  }
0x40: {  	v6 =	vunpack.i.u.bf16.f32 v6;
	v58 =	vmul.f32 v11, v4  }
0x41: {  	v4 =	vmul.f32 v6, v4;
	v3 =	vadd.f32 v10, v3;
	v5 =	vadd.f32 v5, v7;
	_ =	sdelay $0x1  }
0x42: {  	v3 =	vadd.f32 v58, v3;
	v4 =	vadd.f32 v4, v5;
	_ =	sdelay $0x1  }
0x43: {  	s24 =	sadd.s32 $0x10, s24;
	p0 =	seq.s32 s21, $0x0;
	s26 =	smul.u32 $0xC0, s21;
	v3 =	vpack.i.f32.bf16 v4, v3  }
0x44: {  	[tilespmem:s24+$0x0] =	vst v3;
	s24 =	simm.s32 @!p0 $0x3  }
0x45: {  	s25 =	sadd.s32 s5, s26;
	_ =	swait.ge @!p0 [sflag:s24], $0x600  }
0x46: {  	s25 =	sshll.u32 s25, $0x1;
	[sflag:s24] =	ssyncset.done @!p0 $0x0  }
0x47: {  	s28 =	sadd.s32 s2, s25;
	[sflag:s24] =	ssyncadd.s32 @!p0 $0xFFFFFA00;
	p0 =	seq.s32 s21, $0x2C  }
0x48: {  	[hbm4b:s28+s3] =	stream.linear.scatter [tilespmem:s14], [sflag:$0x3], $0x600, $0x38;
	[tilespmem:$0xFA90] =	vst v63  }
0x49: {  	s23 =	sshra.s32 @!p0 s23, $0x2  }
0x4a: {  	v3 =	vmov s20;
	s24 =	simm.s32 @!p0 $0x120;
	s25 =	simm.s32 @!p0 $0xCA90;
	s23 =	sadd.s32 @!p0 $0x240, s23  }
0x4b: {  	[tilespmem:s25], [sflag:$0x1] =	stream.indirect.gather @!p0 [hbm4b:s4+s24], $0x10, s23, s24, $0xb8;
	[tilespmem:$0xFA90] =	vst v63  }
0x4c: {  	_ =	swait.ge [sflag:s15], $0x1200  }
0x4d: {  	[sflag:s15] =	ssyncset.done $0x0  }
0x4e: {  	s29 =	simm.s32 $0x0;
	[sflag:s15] =	ssyncadd.s32 $0xFFFFEE00  }
0x4f: {  	s30 =	simm.s32 $0xDCB0;
	v4 =	vld.idx.msk [tilespmem:v3+s29+$0x0 ss:$0x1], $0xffff  }
0x50: {  	v5 =	vld [tilespmem:s30+$0xFFFFFFE0]  }
0x51: {  	v6 =	vld [tilespmem:s30+$0xFFFFFFF0];
	_ =	sdelay $0x1  }
0x52: {  	v7 =	vld [tilespmem:s30+$0x0];
	_ =	sdelay $0x1  }
0x53: {  	v59 =	vperm.xlane v4, v0;
	v60 =	vperm.xlane v4, v1;
	v61 =	vunpack.i.u.bf16.f32 v5  }
0x54: {  	v4 =	vperm.xlane v4, v2;
	v5 =	vunpack.i.l.bf16.f32 v5;
	v62 =	vunpack.i.l.bf16.f32 v6  }
0x55: {  	v6 =	vunpack.i.u.bf16.f32 v6;
	v5 =	vmul.f32 v5, v59;
	v11 =	vmul.f32 v62, v60  }
0x56: {  	v12 =	vunpack.i.l.bf16.f32 v7;
	v8 =	vmul.f32 v61, v59;
	v6 =	vmul.f32 v6, v60  }
0x57: {  	v7 =	vunpack.i.u.bf16.f32 v7;
	v63 =	vmul.f32 v12, v4  }
0x58: {  	v4 =	vmul.f32 v7, v4;
	v5 =	vadd.f32 v11, v5;
	v6 =	vadd.f32 v6, v8;
	_ =	sdelay $0x1  }
0x59: {  	v5 =	vadd.f32 v63, v5;
	v4 =	vadd.f32 v4, v6;
	_ =	sdelay $0x1  }
0x5a: {  	s23 =	simm.s32 $0xF490;
	v4 =	vpack.i.f32.bf16 v4, v5  }
0x5b: {  	s31 =	simm.s32 $0x3;
	[tilespmem:s23+$0x0] =	vst v4  }
0x5c: {  	s25 =	simm.s32 $0x18;
	s24 =	simm.s32 $0xDCE0;
	v4 =	vld.idx.msk [tilespmem:v3+s31+$0x0 ss:$0x1], $0xffff  }
.LBB2_5:
0x5d: {  	p0 =	sne.s32 s25, $0x474;
	v5 =	vld [tilespmem:s24+$0xFFFFFFE0]  }
0x5e: {  	v6 =	vld [tilespmem:s24+$0xFFFFFFF0];
	_ =	sdelay $0x1  }
0x5f: {  	v7 =	vld [tilespmem:s24+$0x0];
	_ =	sdelay $0x1  }
0x60: {  	v8 =	vperm.xlane v4, v0;
	v9 =	vperm.xlane v4, v1;
	v10 =	vunpack.i.u.bf16.f32 v5  }
0x61: {  	v4 =	vperm.xlane v4, v2;
	v5 =	vunpack.i.l.bf16.f32 v5;
	v11 =	vunpack.i.l.bf16.f32 v6  }
0x62: {  	v6 =	vunpack.i.u.bf16.f32 v6;
	v5 =	vmul.f32 v5, v8;
	v11 =	vmul.f32 v11, v9  }
0x63: {  	v8 =	vmul.f32 v10, v8;
	v6 =	vmul.f32 v6, v9;
	v12 =	vunpack.i.l.bf16.f32 v7  }
0x64: {  	v7 =	vunpack.i.u.bf16.f32 v7;
	v9 =	vmul.f32 v12, v4  }
0x65: {  	v5 =	vadd.f32 v11, v5;
	v6 =	vadd.f32 v6, v8;
	v4 =	vmul.f32 v7, v4;
	_ =	sdelay $0x1  }
.Ltmp1:
0x66: {  	v5 =	vadd.f32 v9, v5;
	v4 =	vadd.f32 v4, v6;
	(pc) =	sbr.rel @p0 .LBB2_5-.Ltmp1, $4  }
0x67: {  	_ = 	snop  }
0x68: {  	s23 =	sadd.s32 $0x10, s23;
	v4 =	vpack.i.f32.bf16 v4, v5  }
0x69: {  	s26 =	sshra.s32 s25, $0x2;
	[tilespmem:s23+$0x0] =	vst v4  }
0x6a: {  	s25 =	sadd.s32 $0xC, s25;
	s24 =	sadd.s32 $0x30, s24;
	v4 =	vld.idx.msk [tilespmem:v3+s26+$0x0 ss:$0x1], $0xffff  }
0x6b: {  	v3 =	vld [tilespmem:s24+$0xFFFFFFE0]  }
0x6c: {  	v5 =	vld [tilespmem:s24+$0xFFFFFFF0];
	_ =	sdelay $0x1  }
0x6d: {  	v6 =	vld [tilespmem:s24+$0x0]  }
0x6e: {  	v7 =	vperm.xlane v4, v0  }
0x6f: {  	v8 =	vperm.xlane v4, v1;
	v62 =	vperm.xlane v4, v2  }
0x70: {  	v9 =	vunpack.i.u.bf16.f32 v3;
	v3 =	vunpack.i.l.bf16.f32 v3;
	v10 =	vunpack.i.l.bf16.f32 v5  }
0x71: {  	v5 =	vunpack.i.u.bf16.f32 v5;
	v3 =	vmul.f32 v3, v7;
	v10 =	vmul.f32 v10, v8  }
0x72: {  	v11 =	vunpack.i.l.bf16.f32 v6;
	v7 =	vmul.f32 v9, v7;
	v5 =	vmul.f32 v5, v8  }
0x73: {  	v6 =	vunpack.i.u.bf16.f32 v6;
	v63 =	vmul.f32 v11, v62  }
0x74: {  	v4 =	vmul.f32 v6, v62;
	v3 =	vadd.f32 v10, v3;
	v5 =	vadd.f32 v5, v7;
	_ =	sdelay $0x1  }
0x75: {  	v3 =	vadd.f32 v63, v3;
	v4 =	vadd.f32 v4, v5  }
0x76: {  	s22 =	smul.u32 $0x60, s22;
	s21 =	sadd.s32 $0x1, s21  }
0x77: {  	s23 =	sadd.s32 $0x10, s23;
	p0 =	sne.s32 s21, $0x2D;
	v3 =	vpack.i.f32.bf16 v4, v3  }
.Ltmp2:
0x78: {  	s22 =	sadd.s32 s5, s22;
	[tilespmem:s23+$0x0] =	vst v3;
	(pc) =	sbr.rel @p0 .LBB2_2-.Ltmp2, $4  }
0x79: {  	s22 =	sshll.u32 s22, $0x1;
	_ =	swait.ge [sflag:s16], $0x600  }
0x7a: {  	s19 =	sadd.s32 $0x240, s19;
	s22 =	sand.u32 $0xFFFFFC0, s22;
	[sflag:s16] =	ssyncset.done $0x0  }
0x7b: {  	s20 =	sadd.s32 $0x240, s20;
	s22 =	sadd.s32 s2, s22;
	[sflag:s16] =	ssyncadd.s32 $0xFFFFFA00  }
0x7c: {  	[hbm4b:s22+s3] =	stream.linear.scatter [tilespmem:s17], [sflag:$0x3], $0x600, $0x38;
	[tilespmem:$0xFA90] =	vst v63  }
0x7d: {  	s18 =	sadd.s32 $0x1, s18  }
0x7e: {  	p0 =	sne.s32 s18, s8  }
.Ltmp3:
0x7f: {  	_ = 	snop;
	(pc) =	sbr.rel @p0 .LBB2_1-.Ltmp3, $4  }
0x80: {  	_ = 	snop  }
0x81: {  	_ =	swait.ge [sflag:s16], $0x600  }
0x82: {  	[sflag:s16] =	ssyncset.done $0x0  }
0x83: {  	[sflag:s16] =	ssyncadd.s32 $0xFFFFFA00  }
0x84: {  	_ =	sfence.sel $0x180000  }
0x85: {  	[bflag:$0x0] =	sbarrier.arrive $0xFFFF  }
0x86: {  	p0 =	sne.s32 s0, $0x0;
	_ =	strace $0x90000050  }
0x87: {  	s0 =	sadd.s32 @!p0 $0x100000, s1;
	[bflag:$0x2] =	sbarrier.arrive $0xFFFF  }
0x88: {  	[sflag:s0] =	ssyncadd.tile.s32 @!p0 $0x1;
	_ =	shalt  }
.Lfunc_end2:
_tile_overlayer_lowered:
.L_overlay_start_2:
0x89: {  	(tag) =	ssettag $0x2  }
0x8a: {  	s0 =	rddreg [dreg:$0x0];
	s2 =	stileid.u32  }
0x8b: {  	s1 =	rddreg [dreg:$0x1];
	p0 =	sne.s32 s2, $0x0  }
0x8c: {  	s3 =	rddreg [dreg:$0x2];
	[bflag:$0x3] =	sbarrier.arrive $0xFFFF;
	s2 =	simm.s32 @!p0 $0x1C04  }
0x8d: {  	[timem:s3], [sflag:s2] =	dma.local @!p0 [hbm:s0], s1  }
0x8e: {  	s0 =	simm.s32 @!p0 $0x4  }
0x8f: {  	_ =	swait.ge @!p0 [sflag:s0], s1  }
0x90: {  	s1 =	ssub.s32 @!p0 $0x0, s1;
	[sflag:s0] =	ssyncset.done @!p0 $0x0  }
0x91: {  	[sflag:s0] =	ssyncadd.s32 @!p0 s1  }
0x92: {  	[bflag:$0x3] =	sbarrier.arrive $0xFFFF  }
0x93: {  	_ =	shalt  }

// kernel: kernel.25.cloned.1.call-start
scs
__scs_entry_jumppad:
0x0: {  	(pc) =	sbr.rel $0x88, $3  }
0x1: {  	(tag) =	ssettag $0x0;
	lr =	simm.s32 $0x1  }
0x2: {  	[smem:$0x3F87] =	sst lr;
	_ =	strace $0xD0000000  }
0x3: {  	_ = 	snop  }
0x4: {  	_ = 	snop  }
0x5: {  	_ = 	snop  }
0x6: {  	_ = 	snop  }
0x7: {  	_ = 	snop  }
__scs_overlays_trampoline_lowered:
0x8: {  	[smem:$0x3F96] =	sst s0  }
0x9: {  	[smem:$0x3F97] =	sst s1  }
0xa: {  	[smem:$0x3F98] =	sst s2  }
0xb: {  	[smem:$0x3F99] =	sst s3  }
0xc: {  	[smem:$0x3F9A] =	sst s4  }
0xd: {  	[smem:$0x3F9B] =	sst s5  }
0xe: {  	[smem:$0x3F9C] =	sst s6  }
0xf: {  	[smem:$0x3F9D] =	sst s7  }
0x10: {  	[smem:$0x3F9E] =	sst s8  }
0x11: {  	[smem:$0x3F9F] =	sst s9;
	s0 =	simm.s32 @!p0 $0x0  }
0x12: {  	s1 =	sld [smem:$0x3F85];
	s0 =	simm.s32 @p0 $0x1  }
0x13: {  	[smem:$0x3FA0] =	sst s0;
	s0 =	simm.s32 @!p1 $0x0  }
0x14: {  	s2 =	sld [smem:$0x3F84];
	s0 =	simm.s32 @p1 $0x1  }
0x15: {  	[smem:$0x3FA1] =	sst s0;
	s0 =	simm.s32 @!p2 $0x0  }
0x16: {  	s3 =	sld [smem:$0x3FDB];
	s0 =	simm.s32 @p2 $0x1  }
0x17: {  	s4 =	simm.s32 $0x1BF5;
	[smem:$0x3FA3] =	sst s0  }
0x18: {  	s0 =	sld [smem:$0x3F86];
	_ =	swait.ge [sflag:s4], $0x0  }
0x19: {  	s7 =	sld [smem:$0x3F87]  }
0x1a: {  	s8 =	sadd.s32 $0xFFFFE003, lr  }
0x1b: {  	s9 =	sadd.s32 $0xFFFFFEF7, lr;
	s5 =	simm.s32 $0xFFFFFFFF;
	p2 =	slt.u32 s8, $0xFFFFF086  }
0x1c: {  	p1 =	slt.u32 s9, $0xF7A;
	s5 =	simm.s32 @!p2 $0x0  }
0x1d: {  	s5 =	simm.s32 @p1 $0x1;
	p0 =	seq.s32 s7, s2  }
0x1e: {  	s7 =	smul.u32 @!p0 $0xF7A, s2;
	p2 =	seq.s32 @!p0 s5, $0x0  }
0x1f: {  	s9 =	smul.u32 $0xF7A, s1;
	s8 =	simm.s32 @!p0 $0x1BF5;
	p2 =	por !p2, p0  }
0x20: {  	[sflag:s8] =	ssyncset.s32 @!p0 $0xFFFFF086;
	s6 =	sadd.s32 @!p0 s3, s7;
	s7 =	simm.s32 @!p0 $0x108  }
0x21: {  	s3 =	sadd.s32 s3, s9;
	s6 =	sadd.s32 @!p0 $0x88, s6;
	s7 =	simm.s32 @p2 $0x1082  }
0x22: {  	[simem:s7], [sflag:s8] =	dma.local @!p0 [hbm:s6], $0xF7A  }
0x23: {  	s9 =	sor.u32 $0xD0000000, s2;
	s6 =	simm.s32 $0x108;
	_ =	swait.ge @!p0 [sflag:s8], $0x0  }
0x24: {  	s3 =	sadd.s32 $0x88, s3;
	s6 =	simm.s32 @!p1 $0x1082;
	[sflag:s4] =	ssyncset.s32 $0xFFFFF086  }
0x25: {  	[simem:s6], [sflag:s4] =	dma.local [hbm:s3], $0xF7A  }
0x26: {  	[smem:$0x3F87] =	sst s1;
	(tag) =	ssettag s2;
	_ =	strace s9  }
0x27: {  	s1 =	sld [smem:$0x3F97]  }
0x28: {  	s2 =	sld [smem:$0x3F98]  }
0x29: {  	s4 =	sld [smem:$0x3F9A]  }
0x2a: {  	p0 =	seq.s32 s5, $0x0;
	s5 =	sld [smem:$0x3F9B]  }
0x2b: {  	s6 =	sld [smem:$0x3F9C]  }
0x2c: {  	s7 =	sld [smem:$0x3F9D]  }
0x2d: {  	s3 =	simm.s32 $0x108;
	s8 =	sld [smem:$0x3F9E]  }
0x2e: {  	s3 =	simm.s32 @!p0 $0x1082;
	s9 =	sld [smem:$0x3F9F]  }
0x2f: {  	lr =	sadd.s32 s0, s3;
	s0 =	sld [smem:$0x3F96]  }
0x30: {  	s3 =	sld [smem:$0x3F99]  }
0x31: {  	[smem:$0x3FA2] =	sst s10  }
0x32: {  	s10 =	sld [smem:$0x3FA0];
	_ =	sdelay $0x3  }
0x33: {  	p0 =	seq.s32 s10, $0x1;
	s10 =	sld [smem:$0x3FA2];
	_ =	sdelay $0x3  }
0x34: {  	[smem:$0x3FA2] =	sst s10  }
0x35: {  	s10 =	sld [smem:$0x3FA1];
	_ =	sdelay $0x3  }
0x36: {  	p1 =	seq.s32 s10, $0x1;
	s10 =	sld [smem:$0x3FA2];
	_ =	sdelay $0x3  }
0x37: {  	[smem:$0x3FA2] =	sst s10  }
0x38: {  	s10 =	sld [smem:$0x3FA3]  }
0x39: {  	_ = 	snop;
	(pc) =	sbr.ind lr, $3  }
0x3a: {  	_ = 	snop  }
0x3b: {  	_ = 	snop  }
0x3c: {  	p2 =	seq.s32 s10, $0x1;
	s10 =	sld [smem:$0x3FA2]  }
0x3d: {  	_ =	shalt  }
0x3e: {  	_ =	shalt  }
0x3f: {  	_ =	shalt  }
0x40: {  	_ =	shalt  }
0x41: {  	_ =	shalt  }
0x42: {  	_ =	shalt  }
0x43: {  	_ =	shalt  }
0x44: {  	_ =	shalt  }
0x45: {  	_ =	shalt  }
0x46: {  	_ =	shalt  }
0x47: {  	_ =	shalt  }
0x48: {  	_ =	shalt  }
0x49: {  	_ =	shalt  }
0x4a: {  	_ =	shalt  }
0x4b: {  	_ =	shalt  }
0x4c: {  	_ =	shalt  }
0x4d: {  	_ =	shalt  }
0x4e: {  	_ =	shalt  }
0x4f: {  	_ =	shalt  }
0x50: {  	_ =	shalt  }
0x51: {  	_ =	shalt  }
0x52: {  	_ =	shalt  }
0x53: {  	_ =	shalt  }
0x54: {  	_ =	shalt  }
0x55: {  	_ =	shalt  }
0x56: {  	_ =	shalt  }
0x57: {  	_ =	shalt  }
0x58: {  	_ =	shalt  }
0x59: {  	_ =	shalt  }
0x5a: {  	_ =	shalt  }
0x5b: {  	_ =	shalt  }
0x5c: {  	_ =	shalt  }
0x5d: {  	_ =	shalt  }
0x5e: {  	_ =	shalt  }
0x5f: {  	_ =	shalt  }
0x60: {  	_ =	shalt  }
0x61: {  	_ =	shalt  }
0x62: {  	_ =	shalt  }
0x63: {  	_ =	shalt  }
0x64: {  	_ =	shalt  }
0x65: {  	_ =	shalt  }
0x66: {  	_ =	shalt  }
0x67: {  	_ =	shalt  }
0x68: {  	_ =	shalt  }
0x69: {  	_ =	shalt  }
0x6a: {  	_ =	shalt  }
0x6b: {  	_ =	shalt  }
0x6c: {  	_ =	shalt  }
0x6d: {  	_ =	shalt  }
0x6e: {  	_ =	shalt  }
0x6f: {  	_ =	shalt  }
0x70: {  	_ =	shalt  }
0x71: {  	_ =	shalt  }
0x72: {  	_ =	shalt  }
0x73: {  	_ =	shalt  }
0x74: {  	_ =	shalt  }
0x75: {  	_ =	shalt  }
0x76: {  	_ =	shalt  }
0x77: {  	_ =	shalt  }
0x78: {  	_ =	shalt  }
0x79: {  	_ =	shalt  }
0x7a: {  	_ =	shalt  }
0x7b: {  	_ =	shalt  }
0x7c: {  	_ =	shalt  }
0x7d: {  	_ =	shalt  }
0x7e: {  	_ =	shalt  }
0x7f: {  	_ =	shalt  }
0x80: {  	_ =	shalt  }
0x81: {  	_ =	shalt  }
0x82: {  	_ =	shalt  }
0x83: {  	_ =	shalt  }
0x84: {  	_ =	shalt  }
0x85: {  	_ =	shalt  }
0x86: {  	_ =	shalt  }
0x87: {  	_ =	shalt  }
.Lfunc_end0:
.L_simem_size_0:
called_computation.4_lowered:
.L_overlay_start_0:
0x88: {  	s2 =	sld [smem:$0x3FD9]  }
0x89: {  	s3 =	sld [smem:$0x3FFE];
	_ =	sdelay $0x1  }
0x8a: {  	s1 =	srdreg.scid  }
0x8b: {  	s0 =	sand.u32 $0x1, s1  }
0x8c: {  	s17 =	sshll.u32 s0, $0xA;
	s2 =	sadd.s32 s3, s2  }
0x8d: {  	s2 =	sadd.s32 s2, s17  }
0x8e: {  	[smem:$0x3FAE] =	sst s2  }
0x8f: {  	_ = 	snop  }
0x90: {  	s2 =	sld [smem:$0x3FD0];
	(tm) =	ssettm $0x1  }
0x91: {  	s18 =	sld [smem:$0x3FFB];
	_ =	sdelay $0x3  }
0x92: {  	_ =	strace s18  }
0x93: {  	s3 =	sld [smem:$0x3FFC];
	_ =	sdelay $0x3  }
0x94: {  	_ =	strace s3  }
0x95: {  	s3 =	sld [smem:$0x3FFD];
	_ =	sdelay $0x3  }
0x96: {  	_ =	strace s3  }
0x97: {  	_ =	strace $0x8FFFFFFF  }
0x98: {  	s19 =	sld [smem:$0x3FDB];
	_ =	sdelay $0x1  }
0x99: {  	s4 =	simm.s32 $_scs_section_size  }
0x9a: {  	s5 =	simm.s32 $_size__tile_overlayer_lowered;
	s6 =	simm.s32 $_tile_overlayer_lowered  }
0x9b: {  	s22 =	simm.s32 $0x1BFF;
	s21 =	sshll.u32 s6, $0x1;
	s3 =	sadd.s32 s4, s19  }
0x9c: {  	s7 =	simm.s32 $0x0;
	s20 =	sshll.u32 s5, $0x1;
	s5 =	sadd.s32 s21, s3  }
0x9d: {  	[timem:s7], [sflag:s22] =	dma.local [hbm:s5], s20  }
0x9e: {  	_ =	swait.ge [sflag:s22], s20  }
0x9f: {  	s4 =	ssub.s32 $0x0, s20;
	[sflag:s22] =	ssyncset.done $0x0  }
0xa0: {  	[sflag:s22] =	ssyncadd.s32 s4;
	_ =	sdelay $0x1  }
0xa1: {  	s23 =	simm.s32 $0x1B8B  }
0xa2: {  	_ =	swait.ge [sflag:s23], $0x1  }
0xa3: {  	[sflag:s23] =	ssyncset.done $0x0  }
0xa4: {  	s25 =	simm.s32 $0x1B8E;
	s24 =	sld [smem:$0x3FFE];
	[sflag:s23] =	ssyncadd.s32 $0xFFFFFFFF  }
0xa5: {  	s26 =	simm.s32 $execute0_lowered;
	[smem:$0x3FD2] =	sst s25  }
0xa6: {  	s5 =	sshll.u32 s26, $0x1;
	_ =	strace $0x80000052;
	[dreg:$0x1] =	wrdreg $0xFFFFFFFF  }
0xa7: {  	s28 =	simm.s32 $_size_execute0_lowered;
	s3 =	sadd.s32 s3, s5;
	[dreg:$0x0] =	wrdreg $0x0  }
0xa8: {  	s5 =	sshll.u32 s28, $0x1;
	[dreg:$0x2] =	wrdreg s3  }
0xa9: {  	[dreg:$0x3] =	wrdreg s5  }
0xaa: {  	[dreg:$0x4] =	wrdreg $0xC0  }
0xab: {  	_ =	task [dreg:s7], $0x5FFFF  }
0xac: {  	[dreg:$0x1] =	wrdreg $0xFFFFFFFF  }
0xad: {  	[dreg:$0x0] =	wrdreg $0x60  }
0xae: {  	[dreg:$0x2] =	wrdreg s2  }
0xaf: {  	[dreg:$0x3] =	wrdreg s24  }
0xb0: {  	[dreg:$0x4] =	wrdreg $0x9  }
0xb1: {  	_ =	task.clear_ibuf [dreg:s7], $0x5FFFF;
	_ =	strace $0x90000052  }
0xb2: {  	s29 =	simm.s32 $0x9;
	_ =	strace $0x80000054  }
0xb3: {  	_ =	swait.ge [sflag:s29], $0x1  }
0xb4: {  	[sflag:s29] =	ssyncadd.s32 $0xFFFFFFFF  }
0xb5: {  	_ =	strace $0x90000054  }
0xb6: {  	_ =	sfence  }
0xb7: {  	s30 =	sld [smem:$0x0];
	_ =	sdelay $0x2  }
0xb8: {  	s31 =	sshll.u32 s1, $0xD;
	s1 =	sshrl.u32 s1, $0x2  }
0xb9: {  	s3 =	sand.u32 $0x4000, s31;
	s1 =	sadd.s32 s1, s30  }
0xba: {  	s0 =	sor.u32 s3, s0;
	s1 =	sshll.u32 s1, $0x11  }
0xbb: {  	s0 =	sor.u32 s1, s0  }
0xbc: {  	s0 =	sadd.s32 $0x8F2B, s0  }
0xbd: {  	[sflag:s0] =	ssyncadd.remote.s32 $0x1  }
0xbe: {  	_ =	sfence.sel $0xFFFF  }
0xbf: {  	[dreg:$0x0] =	wrdreg $0xFFFFFFFF;
	(pc) =	sbr.abs _section_cstart, $3  }
0xc0: {  	[dreg:$0x1] =	wrdreg $0xFFFFFFFF  }
0xc1: {  	_ =	task.clear_ibuf [dreg:s7], $0x2FFFF;
	_ =	strace $0x9FFFFFFF  }
0xc2: {  	(tm) =	ssettm $0x7FFFFFFF  }
0xc3: {  	_ =	shalt  }
tec
execute0_lowered:
.L_overlay_start_1:
0x0: {  	(tag) =	ssettag $0x1  }
0x1: {  	s2 =	rddreg [dreg:$0x0];
	s1 =	srdreg.scid  }
0x2: {  	s0 =	stileid.u32;
	s4 =	rddreg [dreg:$0x1]  }
0x3: {  	s3 =	simm.s32 $0x0;
	s9 =	simm.s32 $0x4;
	s10 =	simm.s32 $0x120  }
0x4: {  	s11 =	simm.s32 $0xCA90;
	s12 =	simm.s32 $0x11290;
	s13 =	simm.s32 $0x1  }
0x5: {  	s14 =	simm.s32 $0x15A90;
	s15 =	simm.s32 $0x2;
	s16 =	simm.s32 $0x3  }
0x6: {  	s17 =	simm.s32 $0x17290;
	s5 =	sand.u32 $0x1, s1;
	s6 =	sshll.u32 s0, $0x1  }
0x7: {  	s18 =	simm.s32 $0x0;
	s6 =	sor.u32 s5, s6;
	s5 =	ssub.s32 $0x2, s5  }
0x8: {  	[smem:$0x7FF] =	sst s3;
	s7 =	smul.u32 $0xCA8, s6;
	s8 =	sshrl.u32 s5, $0x1  }
0x9: {  	s1 =	rddreg [dreg:$0x2];
	_ =	strace $0x80000053;
	s8 =	ssub.s32 s5, s8  }
0xa: {  	s5 =	smul.u32 $0x21C0, s6;
	s7 =	sadd.s32 s7, s4;
	s4 =	sadd.s32 $0x4A200, s4  }
0xb: {  	v0 =	vimm.s32 $0x0;
	v1 =	vimm.s32 $0x1;
	v2 =	vimm.s32 $0x2;
	s8 =	smax.u32 s8, $0x1;
	s6 =	sadd.s32 $0x23400, s7;
	s7 =	sadd.s32 $0x9E00, s7  }
.LBB2_1:
0xc: {  	[tilespmem:s3], [sflag:$0x4] =	stream.linear.gather [hbm4b:s6+s3], $0x6540, $0x38;
	[tilespmem:$0x18A90] =	vst v63  }
0xd: {  	_ =	swait.ge [sflag:s9], $0x6540  }
0xe: {  	[sflag:s9] =	ssyncset.done $0x0  }
0xf: {  	s19 =	simm.s32 $0x6540;
	[sflag:s9] =	ssyncadd.s32 $0xFFFF9AC0  }
0x10: {  	[tilespmem:s19], [sflag:$0x4] =	stream.linear.gather [hbm4b:s7+s3], $0x6540, $0x38;
	[tilespmem:$0x18A90] =	vst v63  }
0x11: {  	_ =	swait.ge [sflag:s9], $0x6540  }
0x12: {  	[sflag:s9] =	ssyncset.done $0x0  }
0x13: {  	s20 =	simm.s32 $0x6660;
	s21 =	simm.s32 $0x0;
	[sflag:s9] =	ssyncadd.s32 $0xFFFF9AC0  }
0x14: {  	[tilespmem:s11], [sflag:$0x1] =	stream.indirect.gather [hbm4b:s2+s10], $0x40, s3, s10, $0xb8;
	[tilespmem:$0x18A90] =	vst v63  }
.LBB2_2:
0x15: {  	s22 =	sshllo.u32 s21, $0x1  }
0x16: {  	s23 =	smul.u32 $0x480, s22;
	_ =	sdelay $0x1  }
0x17: {  	v3 =	vmov s19;
	s23 =	sshra.s32 s23, $0x2  }
0x18: {  	[tilespmem:s12], [sflag:$0x2] =	stream.indirect.gather [hbm4b:s2+s10], $0x40, s23, s10, $0xb8;
	[tilespmem:$0x18A90] =	vst v63  }
0x19: {  	_ =	swait.ge [sflag:s13], $0x4800  }
0x1a: {  	[sflag:s13] =	ssyncset.done $0x0  }
0x1b: {  	s24 =	simm.s32 $0x0;
	[sflag:s13] =	ssyncadd.s32 $0xFFFFB800  }
0x1c: {  	s23 =	simm.s32 $0xCAF0;
	v4 =	vld.idx.msk [tilespmem:v3+s24+$0x0 ss:$0x1], $0xffff  }
0x1d: {  	v7 =	vld [tilespmem:s23+$0xFFFFFFE0]  }
0x1e: {  	v8 =	vld [tilespmem:s23+$0xFFFFFFA0]  }
0x1f: {  	v9 =	vld [tilespmem:s23+$0x20];
	_ =	sdelay $0x1  }
0x20: {  	v6 =	vperm.xlane v4, v0  }
0x21: {  	v5 =	vperm.xlane v4, v1;
	v10 =	vunpack.i.u.bf16.f32 v7;
	v4 =	vperm.xlane v4, v2  }
0x22: {  	v11 =	vunpack.i.l.bf16.f32 v8;
	v7 =	vunpack.i.l.bf16.f32 v7;
	v8 =	vunpack.i.u.bf16.f32 v8  }
0x23: {  	v12 =	vunpack.i.u.bf16.f32 v9;
	v11 =	vmul.f32 v11, v6;
	v7 =	vmul.f32 v7, v5  }
0x24: {  	v9 =	vunpack.i.l.bf16.f32 v9;
	v8 =	vmul.f32 v8, v6;
	v10 =	vmul.f32 v10, v5  }
0x25: {  	v9 =	vmul.f32 v9, v4  }
0x26: {  	v7 =	vadd.f32 v7, v11;
	v8 =	vadd.f32 v10, v8;
	v10 =	vmul.f32 v12, v4;
	_ =	sdelay $0x1  }
0x27: {  	v7 =	vadd.f32 v9, v7;
	v8 =	vadd.f32 v10, v8;
	_ =	sdelay $0x1  }
0x28: {  	s24 =	simm.s32 $0x15AB0;
	v7 =	vpack.i.f32.bf16 v8, v7  }
0x29: {  	[tilespmem:s24+$0xFFFFFFE0] =	vst v7  }
0x2a: {  	v7 =	vld [tilespmem:s23+$0xFFFFFFB0]  }
0x2b: {  	v8 =	vld [tilespmem:s23+$0xFFFFFFF0]  }
0x2c: {  	v9 =	vld [tilespmem:s23+$0x30];
	_ =	sdelay $0x2  }
0x2d: {  	v10 =	vunpack.i.u.bf16.f32 v7  }
0x2e: {  	v7 =	vunpack.i.l.bf16.f32 v7;
	v11 =	vunpack.i.l.bf16.f32 v8;
	v8 =	vunpack.i.u.bf16.f32 v8  }
0x2f: {  	v62 =	vunpack.i.u.bf16.f32 v9;
	v7 =	vmul.f32 v7, v6;
	v11 =	vmul.f32 v11, v5  }
0x30: {  	v9 =	vunpack.i.l.bf16.f32 v9;
	v10 =	vmul.f32 v10, v6;
	v8 =	vmul.f32 v8, v5  }
0x31: {  	v9 =	vmul.f32 v9, v4  }
0x32: {  	v7 =	vadd.f32 v11, v7;
	v8 =	vadd.f32 v8, v10;
	v10 =	vmul.f32 v62, v4;
	_ =	sdelay $0x1  }
0x33: {  	v7 =	vadd.f32 v9, v7;
	v8 =	vadd.f32 v10, v8;
	_ =	sdelay $0x1  }
0x34: {  	v7 =	vpack.i.f32.bf16 v8, v7  }
0x35: {  	[tilespmem:s24+$0xFFFFFFF0] =	vst v7  }
0x36: {  	v7 =	vld [tilespmem:s23+$0xFFFFFFC0]  }
0x37: {  	v8 =	vld [tilespmem:s23+$0x0]  }
0x38: {  	v9 =	vld [tilespmem:s23+$0x40];
	_ =	sdelay $0x2  }
0x39: {  	v10 =	vunpack.i.u.bf16.f32 v7  }
0x3a: {  	v7 =	vunpack.i.l.bf16.f32 v7;
	v11 =	vunpack.i.l.bf16.f32 v8;
	v8 =	vunpack.i.u.bf16.f32 v8  }
0x3b: {  	v63 =	vunpack.i.l.bf16.f32 v9;
	v7 =	vmul.f32 v7, v6;
	v11 =	vmul.f32 v11, v5  }
0x3c: {  	v9 =	vunpack.i.u.bf16.f32 v9;
	v10 =	vmul.f32 v10, v6;
	v8 =	vmul.f32 v8, v5  }
0x3d: {  	v9 =	vmul.f32 v9, v4  }
0x3e: {  	v7 =	vadd.f32 v11, v7;
	v11 =	vmul.f32 v63, v4;
	v8 =	vadd.f32 v8, v10;
	_ =	sdelay $0x1  }
0x3f: {  	v7 =	vadd.f32 v11, v7;
	v8 =	vadd.f32 v9, v8;
	_ =	sdelay $0x1  }
0x40: {  	v7 =	vpack.i.f32.bf16 v8, v7  }
0x41: {  	[tilespmem:s24+$0x0] =	vst v7  }
0x42: {  	v9 =	vld [tilespmem:s23+$0xFFFFFFD0]  }
0x43: {  	v8 =	vld [tilespmem:s23+$0x10]  }
0x44: {  	s25 =	smul.u32 $0x900, s21;
	s28 =	simm.s32 $0xC;
	s26 =	simm.s32 $0x15AB0;
	v7 =	vld [tilespmem:s23+$0x50]  }
.LBB2_3:
0x45: {  	_ = 	snop  }
0x46: {  	p0 =	sne.s32 s28, $0x474;
	s24 =	sadd.s32 $0x40, s24;
	s23 =	sadd.s32 $0xC0, s23  }
0x47: {  	s29 =	smov.u32 s28;
	s28 =	sadd.s32 $0xC, s28;
	v10 =	vunpack.i.u.bf16.f32 v9;
	v9 =	vunpack.i.l.bf16.f32 v9  }
0x48: {  	v11 =	vunpack.i.u.bf16.f32 v8;
	v8 =	vunpack.i.l.bf16.f32 v8;
	v9 =	vmul.f32 v9, v6  }
0x49: {  	v6 =	vmul.f32 v10, v6;
	v12 =	vunpack.i.u.bf16.f32 v7;
	v8 =	vmul.f32 v8, v5  }
0x4a: {  	v7 =	vunpack.i.l.bf16.f32 v7;
	v5 =	vmul.f32 v11, v5;
	v10 =	vmul.f32 v12, v4  }
0x4b: {  	v4 =	vmul.f32 v7, v4;
	v8 =	vadd.f32 v8, v9  }
0x4c: {  	v5 =	vadd.f32 v5, v6  }
0x4d: {  	s29 =	sshra.s32 s29, $0x2;
	v4 =	vadd.f32 v4, v8  }
0x4e: {  	v5 =	vadd.f32 v10, v5;
	_ =	sdelay $0x1  }
0x4f: {  	v4 =	vpack.i.f32.bf16 v5, v4  }
0x50: {  	[tilespmem:s26+$0x10] =	vst v4;
	s26 =	smov.u32 s24  }
0x51: {  	v4 =	vld.idx.msk [tilespmem:v3+s29+$0x0 ss:$0x1], $0xffff  }
0x52: {  	v7 =	vld [tilespmem:s23+$0xFFFFFFE0]  }
0x53: {  	v8 =	vld [tilespmem:s23+$0xFFFFFFA0];
	_ =	sdelay $0x2  }
0x54: {  	v9 =	vld [tilespmem:s23+$0x20]  }
0x55: {  	v6 =	vperm.xlane v4, v0;
	v5 =	vperm.xlane v4, v1;
	v10 =	vunpack.i.u.bf16.f32 v7  }
0x56: {  	v4 =	vperm.xlane v4, v2;
	v7 =	vunpack.i.l.bf16.f32 v7;
	v11 =	vunpack.i.l.bf16.f32 v8  }
0x57: {  	v8 =	vunpack.i.u.bf16.f32 v8;
	v7 =	vmul.f32 v7, v5;
	v11 =	vmul.f32 v11, v6  }
0x58: {  	v10 =	vmul.f32 v10, v5;
	v8 =	vmul.f32 v8, v6  }
0x59: {  	v12 =	vunpack.i.u.bf16.f32 v9;
	v9 =	vunpack.i.l.bf16.f32 v9;
	v7 =	vadd.f32 v7, v11  }
0x5a: {  	v8 =	vadd.f32 v10, v8;
	v9 =	vmul.f32 v9, v4;
	v10 =	vmul.f32 v12, v4;
	_ =	sdelay $0x1  }
0x5b: {  	v7 =	vadd.f32 v9, v7;
	v8 =	vadd.f32 v10, v8;
	_ =	sdelay $0x1  }
0x5c: {  	v7 =	vpack.i.f32.bf16 v8, v7  }
0x5d: {  	[tilespmem:s24+$0xFFFFFFE0] =	vst v7  }
0x5e: {  	v7 =	vld [tilespmem:s23+$0xFFFFFFB0]  }
0x5f: {  	v8 =	vld [tilespmem:s23+$0xFFFFFFF0];
	_ =	sdelay $0x1  }
0x60: {  	v9 =	vld [tilespmem:s23+$0x30];
	_ =	sdelay $0x1  }
0x61: {  	v10 =	vunpack.i.u.bf16.f32 v7;
	v7 =	vunpack.i.l.bf16.f32 v7  }
0x62: {  	v11 =	vunpack.i.l.bf16.f32 v8;
	v7 =	vmul.f32 v7, v6;
	v10 =	vmul.f32 v10, v6  }
0x63: {  	v8 =	vunpack.i.u.bf16.f32 v8;
	v11 =	vmul.f32 v11, v5  }
0x64: {  	v8 =	vmul.f32 v8, v5;
	v12 =	vunpack.i.u.bf16.f32 v9;
	v9 =	vunpack.i.l.bf16.f32 v9  }
0x65: {  	v7 =	vadd.f32 v11, v7;
	v9 =	vmul.f32 v9, v4  }
0x66: {  	v8 =	vadd.f32 v8, v10;
	v10 =	vmul.f32 v12, v4  }
0x67: {  	v7 =	vadd.f32 v9, v7  }
0x68: {  	v8 =	vadd.f32 v10, v8;
	_ =	sdelay $0x1  }
0x69: {  	v7 =	vpack.i.f32.bf16 v8, v7  }
0x6a: {  	[tilespmem:s24+$0xFFFFFFF0] =	vst v7  }
0x6b: {  	v7 =	vld [tilespmem:s23+$0xFFFFFFC0]  }
0x6c: {  	v8 =	vld [tilespmem:s23+$0x0];
	_ =	sdelay $0x1  }
0x6d: {  	v9 =	vld [tilespmem:s23+$0x40];
	_ =	sdelay $0x1  }
0x6e: {  	v10 =	vunpack.i.u.bf16.f32 v7;
	v7 =	vunpack.i.l.bf16.f32 v7  }
0x6f: {  	v11 =	vunpack.i.u.bf16.f32 v8;
	v8 =	vunpack.i.l.bf16.f32 v8;
	v7 =	vmul.f32 v7, v6  }
0x70: {  	v10 =	vmul.f32 v10, v6;
	v8 =	vmul.f32 v8, v5  }
0x71: {  	v11 =	vmul.f32 v11, v5;
	v12 =	vunpack.i.l.bf16.f32 v9  }
0x72: {  	v9 =	vunpack.i.u.bf16.f32 v9;
	v7 =	vadd.f32 v8, v7;
	v8 =	vmul.f32 v12, v4  }
0x73: {  	v10 =	vadd.f32 v11, v10;
	v9 =	vmul.f32 v9, v4  }
0x74: {  	v7 =	vadd.f32 v8, v7  }
0x75: {  	v8 =	vadd.f32 v9, v10;
	_ =	sdelay $0x1  }
.Ltmp0:
0x76: {  	v7 =	vpack.i.f32.bf16 v8, v7;
	(pc) =	sbr.rel @p0 .LBB2_3-.Ltmp0, $4  }
0x77: {  	[tilespmem:s24+$0x0] =	vst v7  }
0x78: {  	v9 =	vld [tilespmem:s23+$0xFFFFFFD0]  }
0x79: {  	v8 =	vld [tilespmem:s23+$0x10]  }
0x7a: {  	v7 =	vld [tilespmem:s23+$0x50]  }
0x7b: {  	_ =	sdelay $0x2  }
0x7c: {  	v3 =	vunpack.i.u.bf16.f32 v9;
	v9 =	vunpack.i.l.bf16.f32 v9;
	v10 =	vunpack.i.l.bf16.f32 v8  }
0x7d: {  	v8 =	vunpack.i.u.bf16.f32 v8;
	v9 =	vmul.f32 v9, v6;
	v3 =	vmul.f32 v3, v6  }
0x7e: {  	v10 =	vmul.f32 v10, v5;
	v11 =	vunpack.i.u.bf16.f32 v7;
	v5 =	vmul.f32 v8, v5  }
0x7f: {  	v6 =	vunpack.i.l.bf16.f32 v7;
	v7 =	vmul.f32 v11, v4  }
0x80: {  	v4 =	vmul.f32 v6, v4;
	v8 =	vadd.f32 v10, v9;
	v3 =	vadd.f32 v5, v3;
	_ =	sdelay $0x1  }
0x81: {  	v4 =	vadd.f32 v4, v8;
	v3 =	vadd.f32 v7, v3;
	_ =	sdelay $0x1  }
0x82: {  	p0 =	seq.s32 s21, $0x0;
	s23 =	smul.u32 $0xC0, s21;
	v3 =	vpack.i.f32.bf16 v3, v4  }
0x83: {  	s24 =	simm.s32 @!p0 $0x3;
	[tilespmem:s26+$0x10] =	vst v3  }
0x84: {  	s23 =	sadd.s32 s5, s23;
	_ =	swait.ge @!p0 [sflag:s24], $0x1800  }
0x85: {  	s23 =	sshll.u32 s23, $0x3;
	[sflag:s24] =	ssyncset.done @!p0 $0x0  }
0x86: {  	s23 =	sadd.s32 s4, s23;
	[sflag:s24] =	ssyncadd.s32 @!p0 $0xFFFFE800;
	p0 =	seq.s32 s21, $0x2C  }
0x87: {  	[hbm4b:s23+s3] =	stream.linear.scatter [tilespmem:s14], [sflag:$0x3], $0x1800, $0x38;
	[tilespmem:$0x18A90] =	vst v63  }
0x88: {  	s23 =	sshra.s32 @!p0 s25, $0x2  }
0x89: {  	v3 =	vmov s20;
	s24 =	simm.s32 @!p0 $0x120;
	s25 =	simm.s32 @!p0 $0xCA90;
	s23 =	sadd.s32 @!p0 $0x240, s23  }
0x8a: {  	[tilespmem:s25], [sflag:$0x1] =	stream.indirect.gather @!p0 [hbm4b:s2+s24], $0x40, s23, s24, $0xb8;
	[tilespmem:$0x18A90] =	vst v63  }
0x8b: {  	_ =	swait.ge [sflag:s15], $0x4800  }
0x8c: {  	[sflag:s15] =	ssyncset.done $0x0  }
0x8d: {  	s31 =	simm.s32 $0x0;
	[sflag:s15] =	ssyncadd.s32 $0xFFFFB800  }
0x8e: {  	s23 =	simm.s32 $0x112F0;
	v4 =	vld.idx.msk [tilespmem:v3+s31+$0x0 ss:$0x1], $0xffff  }
0x8f: {  	v7 =	vld [tilespmem:s23+$0xFFFFFFE0]  }
0x90: {  	v8 =	vld [tilespmem:s23+$0xFFFFFFA0]  }
0x91: {  	v9 =	vld [tilespmem:s23+$0x20];
	_ =	sdelay $0x1  }
0x92: {  	v6 =	vperm.xlane v4, v0  }
0x93: {  	v5 =	vperm.xlane v4, v1;
	v10 =	vunpack.i.u.bf16.f32 v7;
	v4 =	vperm.xlane v4, v2  }
0x94: {  	v11 =	vunpack.i.l.bf16.f32 v8;
	v7 =	vunpack.i.l.bf16.f32 v7;
	v8 =	vunpack.i.u.bf16.f32 v8  }
0x95: {  	v12 =	vunpack.i.u.bf16.f32 v9;
	v11 =	vmul.f32 v11, v6;
	v7 =	vmul.f32 v7, v5  }
0x96: {  	v9 =	vunpack.i.l.bf16.f32 v9;
	v8 =	vmul.f32 v8, v6;
	v10 =	vmul.f32 v10, v5  }
0x97: {  	v9 =	vmul.f32 v9, v4  }
0x98: {  	v7 =	vadd.f32 v7, v11;
	v8 =	vadd.f32 v10, v8;
	v10 =	vmul.f32 v12, v4;
	_ =	sdelay $0x1  }
0x99: {  	v7 =	vadd.f32 v9, v7;
	v8 =	vadd.f32 v10, v8;
	_ =	sdelay $0x1  }
0x9a: {  	s24 =	simm.s32 $0x172B0;
	v7 =	vpack.i.f32.bf16 v8, v7  }
0x9b: {  	[tilespmem:s24+$0xFFFFFFE0] =	vst v7  }
0x9c: {  	v7 =	vld [tilespmem:s23+$0xFFFFFFB0]  }
0x9d: {  	v8 =	vld [tilespmem:s23+$0xFFFFFFF0]  }
0x9e: {  	v9 =	vld [tilespmem:s23+$0x30];
	_ =	sdelay $0x2  }
0x9f: {  	v10 =	vunpack.i.u.bf16.f32 v7  }
0xa0: {  	v7 =	vunpack.i.l.bf16.f32 v7;
	v11 =	vunpack.i.l.bf16.f32 v8;
	v8 =	vunpack.i.u.bf16.f32 v8  }
0xa1: {  	v62 =	vunpack.i.u.bf16.f32 v9;
	v7 =	vmul.f32 v7, v6;
	v11 =	vmul.f32 v11, v5  }
0xa2: {  	v9 =	vunpack.i.l.bf16.f32 v9;
	v10 =	vmul.f32 v10, v6;
	v8 =	vmul.f32 v8, v5  }
0xa3: {  	v9 =	vmul.f32 v9, v4  }
0xa4: {  	v7 =	vadd.f32 v11, v7;
	v8 =	vadd.f32 v8, v10;
	v10 =	vmul.f32 v62, v4;
	_ =	sdelay $0x1  }
0xa5: {  	v7 =	vadd.f32 v9, v7;
	v8 =	vadd.f32 v10, v8;
	_ =	sdelay $0x1  }
0xa6: {  	v7 =	vpack.i.f32.bf16 v8, v7  }
0xa7: {  	[tilespmem:s24+$0xFFFFFFF0] =	vst v7  }
0xa8: {  	v7 =	vld [tilespmem:s23+$0xFFFFFFC0]  }
0xa9: {  	v8 =	vld [tilespmem:s23+$0x0]  }
0xaa: {  	v9 =	vld [tilespmem:s23+$0x40];
	_ =	sdelay $0x2  }
0xab: {  	v10 =	vunpack.i.u.bf16.f32 v7  }
0xac: {  	v7 =	vunpack.i.l.bf16.f32 v7;
	v11 =	vunpack.i.l.bf16.f32 v8;
	v8 =	vunpack.i.u.bf16.f32 v8  }
0xad: {  	v63 =	vunpack.i.l.bf16.f32 v9;
	v7 =	vmul.f32 v7, v6;
	v11 =	vmul.f32 v11, v5  }
0xae: {  	v9 =	vunpack.i.u.bf16.f32 v9;
	v10 =	vmul.f32 v10, v6;
	v8 =	vmul.f32 v8, v5  }
0xaf: {  	v9 =	vmul.f32 v9, v4  }
0xb0: {  	v7 =	vadd.f32 v11, v7;
	v11 =	vmul.f32 v63, v4;
	v8 =	vadd.f32 v8, v10;
	_ =	sdelay $0x1  }
0xb1: {  	v7 =	vadd.f32 v11, v7;
	v8 =	vadd.f32 v9, v8;
	_ =	sdelay $0x1  }
0xb2: {  	v7 =	vpack.i.f32.bf16 v8, v7  }
0xb3: {  	[tilespmem:s24+$0x0] =	vst v7  }
0xb4: {  	v9 =	vld [tilespmem:s23+$0xFFFFFFD0]  }
0xb5: {  	v8 =	vld [tilespmem:s23+$0x10]  }
0xb6: {  	s26 =	simm.s32 $0xC;
	s25 =	simm.s32 $0x172B0;
	v7 =	vld [tilespmem:s23+$0x50]  }
.LBB2_5:
0xb7: {  	_ = 	snop  }
0xb8: {  	p0 =	sne.s32 s26, $0x474;
	s24 =	sadd.s32 $0x40, s24;
	s23 =	sadd.s32 $0xC0, s23  }
0xb9: {  	s28 =	smov.u32 s26;
	s26 =	sadd.s32 $0xC, s26;
	v10 =	vunpack.i.u.bf16.f32 v9;
	v9 =	vunpack.i.l.bf16.f32 v9  }
0xba: {  	v11 =	vunpack.i.u.bf16.f32 v8;
	v8 =	vunpack.i.l.bf16.f32 v8;
	v9 =	vmul.f32 v9, v6  }
0xbb: {  	v6 =	vmul.f32 v10, v6;
	v12 =	vunpack.i.u.bf16.f32 v7;
	v8 =	vmul.f32 v8, v5  }
0xbc: {  	v7 =	vunpack.i.l.bf16.f32 v7;
	v5 =	vmul.f32 v11, v5;
	v10 =	vmul.f32 v12, v4  }
0xbd: {  	v4 =	vmul.f32 v7, v4;
	v8 =	vadd.f32 v8, v9  }
0xbe: {  	v5 =	vadd.f32 v5, v6  }
0xbf: {  	s28 =	sshra.s32 s28, $0x2;
	v4 =	vadd.f32 v4, v8  }
0xc0: {  	v5 =	vadd.f32 v10, v5;
	_ =	sdelay $0x1  }
0xc1: {  	v4 =	vpack.i.f32.bf16 v5, v4  }
0xc2: {  	[tilespmem:s25+$0x10] =	vst v4;
	s25 =	smov.u32 s24  }
0xc3: {  	v4 =	vld.idx.msk [tilespmem:v3+s28+$0x0 ss:$0x1], $0xffff  }
0xc4: {  	v7 =	vld [tilespmem:s23+$0xFFFFFFE0]  }
0xc5: {  	v8 =	vld [tilespmem:s23+$0xFFFFFFA0];
	_ =	sdelay $0x2  }
0xc6: {  	v9 =	vld [tilespmem:s23+$0x20]  }
0xc7: {  	v6 =	vperm.xlane v4, v0;
	v5 =	vperm.xlane v4, v1;
	v10 =	vunpack.i.u.bf16.f32 v7  }
0xc8: {  	v4 =	vperm.xlane v4, v2;
	v7 =	vunpack.i.l.bf16.f32 v7;
	v11 =	vunpack.i.l.bf16.f32 v8  }
0xc9: {  	v8 =	vunpack.i.u.bf16.f32 v8;
	v7 =	vmul.f32 v7, v5;
	v11 =	vmul.f32 v11, v6  }
0xca: {  	v10 =	vmul.f32 v10, v5;
	v8 =	vmul.f32 v8, v6  }
0xcb: {  	v12 =	vunpack.i.u.bf16.f32 v9;
	v9 =	vunpack.i.l.bf16.f32 v9;
	v7 =	vadd.f32 v7, v11  }
0xcc: {  	v8 =	vadd.f32 v10, v8;
	v9 =	vmul.f32 v9, v4;
	v10 =	vmul.f32 v12, v4;
	_ =	sdelay $0x1  }
0xcd: {  	v7 =	vadd.f32 v9, v7;
	v8 =	vadd.f32 v10, v8;
	_ =	sdelay $0x1  }
0xce: {  	v7 =	vpack.i.f32.bf16 v8, v7  }
0xcf: {  	[tilespmem:s24+$0xFFFFFFE0] =	vst v7  }
0xd0: {  	v7 =	vld [tilespmem:s23+$0xFFFFFFB0]  }
0xd1: {  	v8 =	vld [tilespmem:s23+$0xFFFFFFF0];
	_ =	sdelay $0x1  }
0xd2: {  	v9 =	vld [tilespmem:s23+$0x30];
	_ =	sdelay $0x1  }
0xd3: {  	v10 =	vunpack.i.u.bf16.f32 v7;
	v7 =	vunpack.i.l.bf16.f32 v7  }
0xd4: {  	v11 =	vunpack.i.l.bf16.f32 v8;
	v7 =	vmul.f32 v7, v6;
	v10 =	vmul.f32 v10, v6  }
0xd5: {  	v8 =	vunpack.i.u.bf16.f32 v8;
	v11 =	vmul.f32 v11, v5  }
0xd6: {  	v8 =	vmul.f32 v8, v5;
	v12 =	vunpack.i.u.bf16.f32 v9;
	v9 =	vunpack.i.l.bf16.f32 v9  }
0xd7: {  	v7 =	vadd.f32 v11, v7;
	v9 =	vmul.f32 v9, v4  }
0xd8: {  	v8 =	vadd.f32 v8, v10;
	v10 =	vmul.f32 v12, v4  }
0xd9: {  	v7 =	vadd.f32 v9, v7  }
0xda: {  	v8 =	vadd.f32 v10, v8;
	_ =	sdelay $0x1  }
0xdb: {  	v7 =	vpack.i.f32.bf16 v8, v7  }
0xdc: {  	[tilespmem:s24+$0xFFFFFFF0] =	vst v7  }
0xdd: {  	v7 =	vld [tilespmem:s23+$0xFFFFFFC0]  }
0xde: {  	v8 =	vld [tilespmem:s23+$0x0];
	_ =	sdelay $0x1  }
0xdf: {  	v9 =	vld [tilespmem:s23+$0x40];
	_ =	sdelay $0x1  }
0xe0: {  	v10 =	vunpack.i.u.bf16.f32 v7;
	v7 =	vunpack.i.l.bf16.f32 v7  }
0xe1: {  	v11 =	vunpack.i.u.bf16.f32 v8;
	v8 =	vunpack.i.l.bf16.f32 v8;
	v7 =	vmul.f32 v7, v6  }
0xe2: {  	v10 =	vmul.f32 v10, v6;
	v8 =	vmul.f32 v8, v5  }
0xe3: {  	v11 =	vmul.f32 v11, v5;
	v12 =	vunpack.i.l.bf16.f32 v9  }
0xe4: {  	v9 =	vunpack.i.u.bf16.f32 v9;
	v7 =	vadd.f32 v8, v7;
	v8 =	vmul.f32 v12, v4  }
0xe5: {  	v10 =	vadd.f32 v11, v10;
	v9 =	vmul.f32 v9, v4  }
0xe6: {  	v7 =	vadd.f32 v8, v7  }
0xe7: {  	v8 =	vadd.f32 v9, v10;
	_ =	sdelay $0x1  }
.Ltmp1:
0xe8: {  	v7 =	vpack.i.f32.bf16 v8, v7;
	(pc) =	sbr.rel @p0 .LBB2_5-.Ltmp1, $4  }
0xe9: {  	[tilespmem:s24+$0x0] =	vst v7  }
0xea: {  	v9 =	vld [tilespmem:s23+$0xFFFFFFD0]  }
0xeb: {  	v8 =	vld [tilespmem:s23+$0x10]  }
0xec: {  	v7 =	vld [tilespmem:s23+$0x50]  }
0xed: {  	_ =	sdelay $0x2  }
0xee: {  	v3 =	vunpack.i.u.bf16.f32 v9;
	v57 =	vunpack.i.l.bf16.f32 v9;
	v10 =	vunpack.i.l.bf16.f32 v8  }
0xef: {  	v58 =	vunpack.i.u.bf16.f32 v8;
	v9 =	vmul.f32 v57, v6;
	v3 =	vmul.f32 v3, v6  }
0xf0: {  	v10 =	vmul.f32 v10, v5;
	v11 =	vunpack.i.u.bf16.f32 v7;
	v59 =	vmul.f32 v58, v5  }
0xf1: {  	v60 =	vunpack.i.l.bf16.f32 v7;
	v61 =	vmul.f32 v11, v4  }
0xf2: {  	v63 =	vmul.f32 v60, v4;
	v62 =	vadd.f32 v10, v9;
	v3 =	vadd.f32 v59, v3;
	_ =	sdelay $0x1  }
0xf3: {  	v4 =	vadd.f32 v63, v62;
	v3 =	vadd.f32 v61, v3  }
0xf4: {  	s22 =	smul.u32 $0x60, s22;
	s21 =	sadd.s32 $0x1, s21  }
0xf5: {  	p0 =	sne.s32 s21, $0x2D;
	v3 =	vpack.i.f32.bf16 v3, v4  }
.Ltmp2:
0xf6: {  	s22 =	sadd.s32 s5, s22;
	[tilespmem:s25+$0x10] =	vst v3;
	(pc) =	sbr.rel @p0 .LBB2_2-.Ltmp2, $4  }
0xf7: {  	s22 =	sshll.u32 s22, $0x3;
	_ =	swait.ge [sflag:s16], $0x1800  }
0xf8: {  	s19 =	sadd.s32 $0x240, s19;
	s22 =	sand.u32 $0xFFFFF00, s22;
	[sflag:s16] =	ssyncset.done $0x0  }
0xf9: {  	s20 =	sadd.s32 $0x240, s20;
	s22 =	sadd.s32 s4, s22;
	[sflag:s16] =	ssyncadd.s32 $0xFFFFE800  }
0xfa: {  	[hbm4b:s22+s3] =	stream.linear.scatter [tilespmem:s17], [sflag:$0x3], $0x1800, $0x38;
	[tilespmem:$0x18A90] =	vst v63  }
0xfb: {  	s18 =	sadd.s32 $0x1, s18  }
0xfc: {  	p0 =	sne.s32 s18, s8  }
.Ltmp3:
0xfd: {  	_ = 	snop;
	(pc) =	sbr.rel @p0 .LBB2_1-.Ltmp3, $4  }
0xfe: {  	_ = 	snop  }
0xff: {  	_ =	swait.ge [sflag:s16], $0x1800  }
0x100: {  	[sflag:s16] =	ssyncset.done $0x0  }
0x101: {  	[sflag:s16] =	ssyncadd.s32 $0xFFFFE800  }
0x102: {  	_ =	sfence.sel $0x180000  }
0x103: {  	[bflag:$0x0] =	sbarrier.arrive $0xFFFF  }
0x104: {  	p0 =	sne.s32 s0, $0x0;
	_ =	strace $0x90000053  }
0x105: {  	s0 =	sadd.s32 @!p0 $0x100000, s1;
	[bflag:$0x2] =	sbarrier.arrive $0xFFFF  }
0x106: {  	[sflag:s0] =	ssyncadd.tile.s32 @!p0 $0x1;
	_ =	shalt  }
.Lfunc_end2:
_tile_overlayer_lowered:
.L_overlay_start_2:
0x107: {  	(tag) =	ssettag $0x2  }
0x108: {  	s0 =	rddreg [dreg:$0x0];
	s2 =	stileid.u32  }
0x109: {  	s1 =	rddreg [dreg:$0x1];
	p0 =	sne.s32 s2, $0x0  }
0x10a: {  	s3 =	rddreg [dreg:$0x2];
	[bflag:$0x3] =	sbarrier.arrive $0xFFFF;
	s2 =	simm.s32 @!p0 $0x1C04  }
0x10b: {  	[timem:s3], [sflag:s2] =	dma.local @!p0 [hbm:s0], s1  }
0x10c: {  	s0 =	simm.s32 @!p0 $0x4  }
0x10d: {  	_ =	swait.ge @!p0 [sflag:s0], s1  }
0x10e: {  	s1 =	ssub.s32 @!p0 $0x0, s1;
	[sflag:s0] =	ssyncset.done @!p0 $0x0  }
0x10f: {  	[sflag:s0] =	ssyncadd.s32 @!p0 s1  }
0x110: {  	[bflag:$0x3] =	sbarrier.arrive $0xFFFF  }
0x111: {  	_ =	shalt  }

</sc_bundles>
